<compile_context>
chip_gen: v7x
topology: tpu7x:2x2x1
jax: 0.10.2.dev20260603
libtpu: 0.0.44.dev20260713+nightly
codegen_flags: <defaults>
</compile_context>

<pallas_src>
import functools

import jax
import jax.numpy as jnp
from jax import lax
from jax.experimental import pallas as pl
from jax.experimental.pallas import tpu as pltpu
from jax.experimental.pallas import tpu_sc as plsc

N = 10000
E = 320000
D = 128
NCLS = 16
NET = 8
NPAD = 10240
NCORES = 2
NSUB = 16
CHUNK = 128
EP = 327680
NCHP = EP // CHUNK
CPCC = NCHP // NCORES
CONV_CPT = CPCC // NSUB
PREP_CPT = NCHP // NSUB
ROWS_PER_TILE = NPAD // NSUB
ACC = NPAD + 64
ZROWS = 64
IRING = 8
LAG = 3

RB = 512
GRID = NPAD // RB


def _mesh():
    return plsc.VectorSubcoreMesh(core_axis_name="c", subcore_axis_name="s")


def _sc_prep(src2, dst2, ef2, ones_in, zeros_in):

    @functools.partial(
        pl.kernel,
        out_type=(
            jax.ShapeDtypeStruct((NCORES, NPAD, D), jnp.float32),
            jax.ShapeDtypeStruct((EP,), jnp.int32),
        ),
        mesh=_mesh(),
        scratch_types=[
            pltpu.VMEM((IRING, CHUNK), jnp.int32),
            pltpu.VMEM((IRING, CHUNK), jnp.int32),
            pltpu.VMEM((2, CHUNK), jnp.int32),
            pltpu.VMEM((CHUNK, D), jnp.float32),
            pltpu.VMEM((ZROWS, D), jnp.float32),
            pltpu.VMEM_SHARED((ACC, D), jnp.float32),
            pltpu.SemaphoreType.DMA,
            pltpu.SemaphoreType.DMA,
            pltpu.SemaphoreType.DMA,
            pltpu.SemaphoreType.DMA,
        ],
    )
    def prep(src_h, dst_h, ef_h, ones_h, zeros_h, deg_h, gidx_h,
             idx_v, ef_v, gx_v, ones_v, zz_v, deg_sh, sems, semi, seme, semw):
        c = lax.axis_index("c")
        s = lax.axis_index("s")
        cbase = s * PREP_CPT

        pltpu.sync_copy(ones_h, ones_v)
        pltpu.sync_copy(zeros_h, zz_v)

        def zslice(k, _):
            pltpu.sync_copy(zz_v, deg_sh.at[pl.ds(s * ROWS_PER_TILE + k * ZROWS, ZROWS)])
            return 0
        lax.fori_loop(0, ROWS_PER_TILE // ZROWS, zslice, 0)

        @pl.when(s == 0)
        def _():
            pltpu.sync_copy(zz_v, deg_sh.at[pl.ds(NPAD, ZROWS)])
        plsc.subcore_barrier()

        def fire_idx(j):
            ebase = (cbase + j) * CHUNK
            slot = lax.rem(j, IRING)

            @pl.when(c == 0)
            def _():
                pltpu.async_copy(src_h.at[pl.ds(ebase, CHUNK)], idx_v.at[slot], semi)
                pltpu.async_copy(ef_h.at[pl.ds(ebase, CHUNK)], ef_v.at[slot], seme)

            @pl.when(c == 1)
            def _():
                pltpu.async_copy(dst_h.at[pl.ds(ebase, CHUNK)], idx_v.at[slot], semi)

        def drain_idx():
            pltpu.make_async_copy(src_h.at[pl.ds(0, CHUNK)], idx_v.at[0], semi).wait()

            @pl.when(c == 0)
            def _():
                pltpu.make_async_copy(ef_h.at[pl.ds(0, CHUNK)], ef_v.at[0], seme).wait()

        def drain_scatter():
            pltpu.make_async_copy(ones_h, ones_v, sems).wait()

        def drain_gidx():
            pltpu.make_async_copy(gx_v.at[0], gidx_h.at[pl.ds(0, CHUNK)], semw).wait()

        for j in range(LAG):
            fire_idx(j)

        def body(it, _):
            slot = lax.rem(it, IRING)

            @pl.when(it >= LAG)
            def _():
                drain_scatter()
            drain_idx()
            pltpu.async_copy(ones_v, deg_sh.at[idx_v.at[slot]], sems, add=True)

            @pl.when(it + LAG < PREP_CPT)
            def _():
                fire_idx(it + LAG)

            @pl.when(c == 0)
            def _():
                gs = lax.rem(it, 2)

                @pl.when(it >= 2)
                def _():
                    drain_gidx()

                def g(j, _):
                    sl = pl.ds(j * 16, 16)
                    gx_v[gs, sl] = ef_v[slot, sl] * NPAD + idx_v[slot, sl]
                    return 0
                lax.fori_loop(0, CHUNK // 16, g, 0)
                pltpu.async_copy(gx_v.at[gs], gidx_h.at[pl.ds((cbase + it) * CHUNK, CHUNK)],
                                 semw)
            return 0
        lax.fori_loop(0, PREP_CPT, body, 0)
        for _ in range(LAG):
            drain_scatter()

        @pl.when(c == 0)
        def _():
            drain_gidx()
            drain_gidx()

        plsc.subcore_barrier()
        rbase = s * ROWS_PER_TILE
        pltpu.sync_copy(deg_sh.at[pl.ds(rbase, ROWS_PER_TILE)],
                        deg_h.at[c].at[pl.ds(rbase, ROWS_PER_TILE)])

    return prep(src2, dst2, ef2, ones_in, zeros_in)


def _sc_conv(tbl, gidx2, dst2):

    @functools.partial(
        pl.kernel,
        out_type=jax.ShapeDtypeStruct((NCORES, NPAD, D), jnp.float32),
        mesh=_mesh(),
        scratch_types=[
            pltpu.VMEM((4, CHUNK), jnp.int32),
            pltpu.VMEM((4, CHUNK), jnp.int32),
            pltpu.VMEM((2, CHUNK, D), jnp.float32),
            pltpu.VMEM((ZROWS, D), jnp.float32),
            pltpu.VMEM_SHARED((ACC, D), jnp.float32),
            pltpu.SemaphoreType.DMA,
            pltpu.SemaphoreType.DMA,
            pltpu.SemaphoreType.DMA,
        ],
    )
    def conv(tbl_h, gidx_h, dst_h, out_h, gx_v, dst_v, rows_v, zz_v, agg_sh,
             semg, sems, semi):
        c = lax.axis_index("c")
        s = lax.axis_index("s")
        cbase = c * CPCC + s * CONV_CPT

        zero16 = jnp.zeros((16,), jnp.float32)

        def fill_zeros(k, _):
            zz_v[k // (D // 16), pl.ds((k % (D // 16)) * 16, 16)] = zero16
            return 0
        lax.fori_loop(0, ZROWS * (D // 16), fill_zeros, 0)

        def zslice(k, _):
            pltpu.sync_copy(zz_v, agg_sh.at[pl.ds(s * ROWS_PER_TILE + k * ZROWS, ZROWS)])
            return 0
        lax.fori_loop(0, ROWS_PER_TILE // ZROWS, zslice, 0)

        @pl.when(s == 0)
        def _():
            pltpu.sync_copy(zz_v, agg_sh.at[pl.ds(NPAD, ZROWS)])
        plsc.subcore_barrier()

        def fire_idx(j):
            ebase = (cbase + j) * CHUNK
            slot = lax.rem(j, 4)
            pltpu.async_copy(gidx_h.at[pl.ds(ebase, CHUNK)], gx_v.at[slot], semi)
            pltpu.async_copy(dst_h.at[pl.ds(ebase, CHUNK)], dst_v.at[slot], semi)

        def drain_idx():
            pltpu.make_async_copy(gidx_h.at[pl.ds(0, CHUNK)], gx_v.at[0], semi).wait()
            pltpu.make_async_copy(dst_h.at[pl.ds(0, CHUNK)], dst_v.at[0], semi).wait()

        def drain_gather():
            pltpu.make_async_copy(tbl_h.at[gx_v.at[0]], rows_v.at[0], semg).wait()

        def drain_scatter():
            pltpu.make_async_copy(rows_v.at[0], agg_sh.at[pl.ds(0, CHUNK)], sems).wait()

        for j in range(3):
            fire_idx(j)
        drain_idx()
        pltpu.async_copy(tbl_h.at[gx_v.at[0]], rows_v.at[0], semg)

        def body(it, _):
            b = lax.rem(it, 2)
            nb = lax.rem(it + 1, 2)

            @pl.when(it >= 1)
            def _():
                drain_scatter()

            @pl.when(it + 1 < CONV_CPT)
            def _():
                drain_idx()
                pltpu.async_copy(tbl_h.at[gx_v.at[lax.rem(it + 1, 4)]],
                                 rows_v.at[nb], semg)

            @pl.when(it + 3 < CONV_CPT)
            def _():
                fire_idx(it + 3)

            drain_gather()
            pltpu.async_copy(rows_v.at[b], agg_sh.at[dst_v.at[lax.rem(it, 4)]],
                             sems, add=True)
            return 0
        lax.fori_loop(0, CONV_CPT, body, 0)
        drain_scatter()

        plsc.subcore_barrier()
        rbase = s * ROWS_PER_TILE
        pltpu.sync_copy(agg_sh.at[pl.ds(rbase, ROWS_PER_TILE)],
                        out_h.at[c].at[pl.ds(rbase, ROWS_PER_TILE)])

    return conv(tbl, gidx2, dst2)


def _tc_h0(x0p, wT, b):

    def body(x_ref, w_ref, b_ref, out_ref):
        out_ref[...] = jnp.dot(x_ref[...], w_ref[...],
                               preferred_element_type=jnp.float32) + b_ref[...]

    return pl.pallas_call(
        body,
        grid=(GRID,),
        in_specs=[pl.BlockSpec((RB, D), lambda i: (i, 0)),
                  pl.BlockSpec((D, D), lambda i: (0, 0)),
                  pl.BlockSpec((1, D), lambda i: (0, 0))],
        out_specs=pl.BlockSpec((RB, D), lambda i: (i, 0)),
        out_shape=jax.ShapeDtypeStruct((NPAD, D), jnp.float32),
    )(x0p, wT, b.reshape(1, D))


def _tc_t0(h0, deg, et):

    def body(h_ref, dg_ref, et_ref, out_ref, ns_ref, nd_ref):
        ns = lax.rsqrt(jnp.where(dg_ref[0] > 0, dg_ref[0], 1.0))
        nd = lax.rsqrt(jnp.where(dg_ref[1] > 0, dg_ref[1], 1.0))
        ns_ref[...] = ns
        nd_ref[...] = nd
        hs = h_ref[...] * ns
        for t in range(NET):
            out_ref[t] = hs * et_ref[t]

    return pl.pallas_call(
        body,
        grid=(GRID,),
        in_specs=[pl.BlockSpec((RB, D), lambda i: (i, 0)),
                  pl.BlockSpec((NCORES, RB, D), lambda i: (0, i, 0)),
                  pl.BlockSpec(memory_space=pltpu.SMEM)],
        out_specs=[pl.BlockSpec((NET, RB, D), lambda i: (0, i, 0)),
                   pl.BlockSpec((RB, D), lambda i: (i, 0)),
                   pl.BlockSpec((RB, D), lambda i: (i, 0))],
        out_shape=[jax.ShapeDtypeStruct((NET, NPAD, D), jnp.float32),
                   jax.ShapeDtypeStruct((NPAD, D), jnp.float32),
                   jax.ShapeDtypeStruct((NPAD, D), jnp.float32)],
    )(h0, deg, et)


def _tc_table_l1(agg, nd, ns, et):

    def body(a_ref, nd_ref, ns_ref, et_ref, out_ref):
        hs = (a_ref[0] + a_ref[1]) * nd_ref[...] * ns_ref[...]
        for t in range(NET):
            out_ref[t] = hs * et_ref[t]

    return pl.pallas_call(
        body,
        grid=(GRID,),
        in_specs=[pl.BlockSpec((NCORES, RB, D), lambda i: (0, i, 0)),
                  pl.BlockSpec((RB, D), lambda i: (i, 0)),
                  pl.BlockSpec((RB, D), lambda i: (i, 0)),
                  pl.BlockSpec(memory_space=pltpu.SMEM)],
        out_specs=pl.BlockSpec((NET, RB, D), lambda i: (0, i, 0)),
        out_shape=jax.ShapeDtypeStruct((NET, NPAD, D), jnp.float32),
    )(agg, nd, ns, et)


def _tc_table_l2(agg, nd, w1, b1, ns, et):

    def body(a_ref, nd_ref, w_ref, b_ref, ns_ref, et_ref, out_ref):
        hin = (a_ref[0] + a_ref[1]) * nd_ref[...]
        h = jnp.dot(hin, w_ref[...], preferred_element_type=jnp.float32) + b_ref[...]
        hs = jnp.maximum(h, 0.0) * ns_ref[...]
        for t in range(NET):
            out_ref[t] = hs * et_ref[t]

    return pl.pallas_call(
        body,
        grid=(GRID,),
        in_specs=[pl.BlockSpec((NCORES, RB, D), lambda i: (0, i, 0)),
                  pl.BlockSpec((RB, D), lambda i: (i, 0)),
                  pl.BlockSpec((D, D), lambda i: (0, 0)),
                  pl.BlockSpec((1, D), lambda i: (0, 0)),
                  pl.BlockSpec((RB, D), lambda i: (i, 0)),
                  pl.BlockSpec(memory_space=pltpu.SMEM)],
        out_specs=pl.BlockSpec((NET, RB, D), lambda i: (0, i, 0)),
        out_shape=jax.ShapeDtypeStruct((NET, NPAD, D), jnp.float32),
    )(agg, nd, w1, b1.reshape(1, D), ns, et)


def _tc_final(agg, nd, w2p, b2p):

    def body(a_ref, nd_ref, w_ref, b_ref, out_ref):
        hin = (a_ref[0] + a_ref[1]) * nd_ref[...]
        out_ref[...] = jnp.dot(hin, w_ref[...],
                               preferred_element_type=jnp.float32) + b_ref[...]

    return pl.pallas_call(
        body,
        grid=(GRID,),
        in_specs=[pl.BlockSpec((NCORES, RB, D), lambda i: (0, i, 0)),
                  pl.BlockSpec((RB, D), lambda i: (i, 0)),
                  pl.BlockSpec((D, D), lambda i: (0, 0)),
                  pl.BlockSpec((1, D), lambda i: (0, 0))],
        out_specs=pl.BlockSpec((RB, D), lambda i: (i, 0)),
        out_shape=jax.ShapeDtypeStruct((NPAD, D), jnp.float32),
    )(agg, nd, w2p, b2p.reshape(1, D))


def kernel(x0, edge_index, e_feat, W_fc0, b_fc0, et0, et1, et2, W1, b1, W2, b2):
    src = edge_index[0]
    dst = edge_index[1]
    pad = EP - E
    padidx = NPAD + (jnp.arange(pad, dtype=jnp.int32) % 64)
    src2 = jnp.concatenate([src, padidx])
    dst2 = jnp.concatenate([dst, padidx])
    ef2 = jnp.concatenate([e_feat, jnp.zeros((pad,), jnp.int32)])
    x0p = jnp.pad(x0, ((0, NPAD - N), (0, 0)))
    w2p = jnp.pad(W2, ((0, 0), (0, D - NCLS)))
    b2p = jnp.pad(b2, ((0, D - NCLS),))
    ones_in = jnp.ones((CHUNK, D), jnp.float32)
    zeros_in = jnp.zeros((ZROWS, D), jnp.float32)

    deg, gidx2 = _sc_prep(src2, dst2, ef2, ones_in, zeros_in)
    h0 = _tc_h0(x0p, W_fc0.T, b_fc0)
    tbl0, ns, nd = _tc_t0(h0, deg, et0)

    agg0 = _sc_conv(tbl0.reshape(NET * NPAD, D), gidx2, dst2)
    tbl1 = _tc_table_l1(agg0, nd, ns, et1).reshape(NET * NPAD, D)
    agg1 = _sc_conv(tbl1, gidx2, dst2)
    tbl2 = _tc_table_l2(agg1, nd, W1, b1, ns, et2).reshape(NET * NPAD, D)
    agg2 = _sc_conv(tbl2, gidx2, dst2)
    out = _tc_final(agg2, nd, w2p, b2p)
    return out[:N, :NCLS]

# --- scband reference (transcript-rebuilt; emitter-appended) ---
"""Pipeline reference for scband-regcn-7189775254066 (READ-ONLY COPY).

The authoritative reference and input builder live on the scoring server;
editing this copy changes nothing except your own understanding.
"""

import jax, jax.numpy as jnp
import numpy as np

N = 10000
E = 320000
D = 128
NC = 16
NET = 8


def setup_inputs(seed: int = 0) -> dict:
    key = jax.random.key(seed)
    ks = jax.random.split(key, 12)
    x0 = jax.random.normal(ks[0], (N, D), dtype=jnp.float32)
    edge_index = jax.random.randint(ks[1], (2, E), 0, N, dtype=jnp.int32)
    e_feat = jax.random.randint(ks[2], (E,), 0, NET, dtype=jnp.int32)
    # learned parameters
    W_fc0 = jax.random.normal(ks[3], (D, D), dtype=jnp.float32) * (1.414 / np.sqrt(D))
    b_fc0 = jnp.zeros((D,), dtype=jnp.float32)
    et0 = jax.random.normal(ks[4], (NET,), dtype=jnp.float32) * 0.1 + 1.0
    et1 = jax.random.normal(ks[5], (NET,), dtype=jnp.float32) * 0.1 + 1.0
    et2 = jax.random.normal(ks[6], (NET,), dtype=jnp.float32) * 0.1 + 1.0
    W1 = jax.random.normal(ks[7], (D, D), dtype=jnp.float32) * (1.0 / np.sqrt(D))
    b1 = jnp.zeros((D,), dtype=jnp.float32)
    W2 = jax.random.normal(ks[8], (D, NC), dtype=jnp.float32) * (1.0 / np.sqrt(D))
    b2 = jnp.zeros((NC,), dtype=jnp.float32)
    return {"x0": x0, "edge_index": edge_index, "e_feat": e_feat,
            "W_fc0": W_fc0, "b_fc0": b_fc0, "et0": et0, "et1": et1, "et2": et2,
            "W1": W1, "b1": b1, "W2": W2, "b2": b2}


def _regraph_conv(h, edge_w, src, dst, n_nodes, W=None, b=None, act=False):
    # relation-embedding weighted GCN conv, symmetric degree normalization ('both')
    deg_out = jnp.zeros((n_nodes,), dtype=h.dtype).at[src].add(1.0)
    deg_in = jnp.zeros((n_nodes,), dtype=h.dtype).at[dst].add(1.0)
    norm_src = jnp.where(deg_out > 0, deg_out, 1.0) ** -0.5
    norm_dst = jnp.where(deg_in > 0, deg_in, 1.0) ** -0.5
    msg = h[src] * (edge_w * norm_src[src])[:, None]
    agg = jnp.zeros((n_nodes, h.shape[1]), dtype=h.dtype).at[dst].add(msg)
    agg = agg * norm_dst[:, None]
    if W is not None:
        agg = agg @ W
    if b is not None:
        agg = agg + b
    if act:
        agg = jax.nn.relu(agg)
    return agg


def reference(x0, edge_index, e_feat, W_fc0, b_fc0, et0, et1, et2, W1, b1, W2, b2):
    src = edge_index[0]
    dst = edge_index[1]
    # fc_list projection (single node type) then concat (trivial with one type)
    h = x0 @ W_fc0.T + b_fc0
    # layer 0: weight=False, bias=False, activation=None (dropout is eval-mode identity)
    h = _regraph_conv(h, et0[e_feat], src, dst, N, W=None, b=None, act=False)
    # layer 1: hidden->hidden, activation=relu
    h = _regraph_conv(h, et1[e_feat], src, dst, N, W=W1, b=b1, act=True)
    # layer 2 (final): hidden->n_classes, activation=None
    h = _regraph_conv(h, et2[e_feat], src, dst, N, W=W2, b=b2, act=False)
    return h

if __name__ == "__main__":
    import jax
    _d = setup_inputs()
    print(jax.jit(kernel)(*tuple(_d.values())))

</pallas_src>

<mosaic_0001>
#map = affine_map<(d0, d1) -> (0)>
#map1 = affine_map<(d0, d1) -> (0, 0)>
#map2 = affine_map<(d0, d1) -> (0, 0, 0)>
module attributes {stable_mosaic.version = 14 : i64} {
  func.func @prep(%arg0: i32, %arg1: i32, %arg2: memref<327680xi32, #tpu.memory_space<hbm>>, %arg3: memref<327680xi32, #tpu.memory_space<hbm>>, %arg4: memref<327680xi32, #tpu.memory_space<hbm>>, %arg5: memref<128x128xf32, #tpu.memory_space<hbm>>, %arg6: memref<64x128xf32, #tpu.memory_space<hbm>>, %arg7: memref<2x10240x128xf32, #tpu.memory_space<hbm>>, %arg8: memref<327680xi32, #tpu.memory_space<hbm>>, %arg9: memref<8x128xi32, #tpu.memory_space<vmem>>, %arg10: memref<8x128xi32, #tpu.memory_space<vmem>>, %arg11: memref<2x128xi32, #tpu.memory_space<vmem>>, %arg12: memref<128x128xf32, #tpu.memory_space<vmem>>, %arg13: memref<64x128xf32, #tpu.memory_space<vmem>>, %arg14: memref<10304x128xf32, #tpu.memory_space<vmem_shared>>, %arg15: memref<!tpu.dma_semaphore, #tpu.memory_space<semaphore_mem>>, %arg16: memref<!tpu.dma_semaphore, #tpu.memory_space<semaphore_mem>>, %arg17: memref<!tpu.dma_semaphore, #tpu.memory_space<semaphore_mem>>, %arg18: memref<!tpu.dma_semaphore, #tpu.memory_space<semaphore_mem>>) attributes {dimension_semantics = [#tpu.dimension_semantics<core_parallel>, #tpu.dimension_semantics<subcore_parallel>], iteration_bounds = array<i64: 2, 16>, scalar_prefetch = 0 : i64, scratch_operands = 10 : i64, tpu.core_type = #tpu.core_type<sc_vector_subcore>, window_params = [{transform_indices = #map}, {transform_indices = #map}, {transform_indices = #map}, {transform_indices = #map1}, {transform_indices = #map1}, {transform_indices = #map2}, {transform_indices = #map}]} {
    %mul3A = arith.constant 160 : i32
    %mul3A_0 = arith.muli %arg1, %mul3A : i32
    "tpu.region"() ({
      %run_scoped3A = tpu.sem_alloc : memref<!tpu.dma_semaphore, #tpu.memory_space<semaphore_mem>>
      tpu.enqueue_dma source(%arg5 : memref<128x128xf32, #tpu.memory_space<hbm>>) target(%arg12 : memref<128x128xf32, #tpu.memory_space<vmem>>) target_semaphore(%run_scoped3A : memref<!tpu.dma_semaphore, #tpu.memory_space<semaphore_mem>>)
      tpu.wait_dma2 semaphore(%run_scoped3A : memref<!tpu.dma_semaphore, #tpu.memory_space<semaphore_mem>>) src(%arg5 : memref<128x128xf32, #tpu.memory_space<hbm>>) dst(%arg12 : memref<128x128xf32, #tpu.memory_space<vmem>>)
      tpu.yield
    }) : () -> ()
    "tpu.region"() ({
      %run_scoped3A = tpu.sem_alloc : memref<!tpu.dma_semaphore, #tpu.memory_space<semaphore_mem>>
      tpu.enqueue_dma source(%arg6 : memref<64x128xf32, #tpu.memory_space<hbm>>) target(%arg13 : memref<64x128xf32, #tpu.memory_space<vmem>>) target_semaphore(%run_scoped3A : memref<!tpu.dma_semaphore, #tpu.memory_space<semaphore_mem>>)
      tpu.wait_dma2 semaphore(%run_scoped3A : memref<!tpu.dma_semaphore, #tpu.memory_space<semaphore_mem>>) src(%arg6 : memref<64x128xf32, #tpu.memory_space<hbm>>) dst(%arg13 : memref<64x128xf32, #tpu.memory_space<vmem>>)
      tpu.yield
    }) : () -> ()
    %scan3A = arith.constant 0 : i32
    %scan3A_1 = arith.constant 0 : i32
    %scan3A_2 = arith.constant 10 : i32
    %scan3A_3 = arith.addi %scan3A_1, %scan3A_2 : i32
    %scan3A_4 = arith.constant 1 : i32
    %scan3A_5 = scf.for %scan3A_73 = %scan3A_1 to %scan3A_3 step %scan3A_4 iter_args(%scan3A_74 = %scan3A) -> (i32)  : i32 {
      %mul3A_75 = arith.constant 640 : i32
      %mul3A_76 = arith.muli %arg1, %mul3A_75 : i32
      %mul3A_77 = arith.constant 64 : i32
      %mul3A_78 = arith.muli %scan3A_73, %mul3A_77 : i32
      %add3A_79 = arith.addi %mul3A_76, %mul3A_78 : i32
      "tpu.region"() ({
        %run_scoped3A = tpu.sem_alloc : memref<!tpu.dma_semaphore, #tpu.memory_space<semaphore_mem>>
        %dma_start3A = arith.constant 0 : i32
        %dma_start3A_81 = tpu.memref_slice %arg14[%add3A_79, %dma_start3A] : memref<10304x128xf32, #tpu.memory_space<vmem_shared>> -> memref<64x128xf32, #tpu.memory_space<vmem_shared>>
        %dma_start3A_82 = arith.constant 0 : i32
        %dma_start3A_83 = tpu.memref_slice %arg14[%add3A_79, %dma_start3A_82] : memref<10304x128xf32, #tpu.memory_space<vmem_shared>> -> memref<64x128xf32, #tpu.memory_space<vmem_shared>>
        tpu.enqueue_dma source(%arg13 : memref<64x128xf32, #tpu.memory_space<vmem>>) target(%dma_start3A_83 : memref<64x128xf32, #tpu.memory_space<vmem_shared>>) target_semaphore(%run_scoped3A : memref<!tpu.dma_semaphore, #tpu.memory_space<semaphore_mem>>)
        %dma_wait3A = arith.constant 0 : i32
        %dma_wait3A_84 = tpu.memref_slice %arg14[%add3A_79, %dma_wait3A] : memref<10304x128xf32, #tpu.memory_space<vmem_shared>> -> memref<64x128xf32, #tpu.memory_space<vmem_shared>>
        %dma_wait3A_85 = arith.constant 0 : i32
        %dma_wait3A_86 = tpu.memref_slice %arg14[%add3A_79, %dma_wait3A_85] : memref<10304x128xf32, #tpu.memory_space<vmem_shared>> -> memref<64x128xf32, #tpu.memory_space<vmem_shared>>
        tpu.wait_dma2 semaphore(%run_scoped3A : memref<!tpu.dma_semaphore, #tpu.memory_space<semaphore_mem>>) src(%arg13 : memref<64x128xf32, #tpu.memory_space<vmem>>) dst(%dma_wait3A_86 : memref<64x128xf32, #tpu.memory_space<vmem_shared>>)
        tpu.yield
      }) : () -> ()
      %scan3A_80 = arith.constant 0 : i32
      scf.yield %scan3A_80 : i32
    }
    %scan3A_6 = arith.constant 10 : i32
    %eq3A = arith.constant 0 : i32
    %eq3A_7 = arith.cmpi eq, %arg1, %eq3A : i32
    %convert_element_type3A = arith.extui %eq3A_7 : i1 to i32
    %cond3A = arith.constant 0 : i32
    %cond3A_8 = arith.cmpi ne, %convert_element_type3A, %cond3A : i32
    scf.if %cond3A_8 {
      "tpu.region"() ({
        %run_scoped3A = tpu.sem_alloc : memref<!tpu.dma_semaphore, #tpu.memory_space<semaphore_mem>>
        %dma_start3A = arith.constant 10240 : i32
        %dma_start3A_73 = arith.constant 0 : i32
        %dma_start3A_74 = tpu.memref_slice %arg14[%dma_start3A, %dma_start3A_73] : memref<10304x128xf32, #tpu.memory_space<vmem_shared>> -> memref<64x128xf32, #tpu.memory_space<vmem_shared>>
        %dma_start3A_75 = arith.constant 10240 : i32
        %dma_start3A_76 = arith.constant 0 : i32
        %dma_start3A_77 = tpu.memref_slice %arg14[%dma_start3A_75, %dma_start3A_76] : memref<10304x128xf32, #tpu.memory_space<vmem_shared>> -> memref<64x128xf32, #tpu.memory_space<vmem_shared>>
        tpu.enqueue_dma source(%arg13 : memref<64x128xf32, #tpu.memory_space<vmem>>) target(%dma_start3A_77 : memref<64x128xf32, #tpu.memory_space<vmem_shared>>) target_semaphore(%run_scoped3A : memref<!tpu.dma_semaphore, #tpu.memory_space<semaphore_mem>>)
        %dma_wait3A = arith.constant 10240 : i32
        %dma_wait3A_78 = arith.constant 0 : i32
        %dma_wait3A_79 = tpu.memref_slice %arg14[%dma_wait3A, %dma_wait3A_78] : memref<10304x128xf32, #tpu.memory_space<vmem_shared>> -> memref<64x128xf32, #tpu.memory_space<vmem_shared>>
        %dma_wait3A_80 = arith.constant 10240 : i32
        %dma_wait3A_81 = arith.constant 0 : i32
        %dma_wait3A_82 = tpu.memref_slice %arg14[%dma_wait3A_80, %dma_wait3A_81] : memref<10304x128xf32, #tpu.memory_space<vmem_shared>> -> memref<64x128xf32, #tpu.memory_space<vmem_shared>>
        tpu.wait_dma2 semaphore(%run_scoped3A : memref<!tpu.dma_semaphore, #tpu.memory_space<semaphore_mem>>) src(%arg13 : memref<64x128xf32, #tpu.memory_space<vmem>>) dst(%dma_wait3A_82 : memref<64x128xf32, #tpu.memory_space<vmem_shared>>)
        tpu.yield
      }) : () -> ()
    } else {
    }
    %barrier3A = arith.constant 0 : index
    tpu.barrier barrier_id(%barrier3A)
    %add3A = arith.constant 0 : i32
    %add3A_9 = arith.addi %mul3A_0, %add3A : i32
    %mul3A_10 = arith.constant 128 : i32
    %mul3A_11 = arith.muli %add3A_9, %mul3A_10 : i32
    %rem3A = arith.constant 0 : i32
    %rem3A_12 = arith.constant 8 : i32
    %rem3A_13 = arith.remsi %rem3A, %rem3A_12 : i32
    %eq3A_14 = arith.constant 0 : i32
    %eq3A_15 = arith.cmpi eq, %arg0, %eq3A_14 : i32
    %convert_element_type3A_16 = arith.extui %eq3A_15 : i1 to i32
    %cond3A_17 = arith.constant 0 : i32
    %cond3A_18 = arith.cmpi ne, %convert_element_type3A_16, %cond3A_17 : i32
    scf.if %cond3A_18 {
      %dma_start3A = arith.constant 0 : i32
      %dma_start3A_73 = tpu.memref_slice %arg9[%rem3A_13, %dma_start3A] : memref<8x128xi32, #tpu.memory_space<vmem>> -> memref<1x128xi32, #tpu.memory_space<vmem>>
      %dma_start3A_74 = tpu.memref_squeeze %dma_start3A_73 : memref<1x128xi32, #tpu.memory_space<vmem>> -> memref<128xi32, #tpu.memory_space<vmem>>
      %dma_start3A_75 = tpu.memref_slice %arg2[%mul3A_11] : memref<327680xi32, #tpu.memory_space<hbm>> -> memref<128xi32, #tpu.memory_space<hbm>>
      %dma_start3A_76 = arith.constant 0 : i32
      %dma_start3A_77 = tpu.memref_slice %arg9[%rem3A_13, %dma_start3A_76] : memref<8x128xi32, #tpu.memory_space<vmem>> -> memref<1x128xi32, #tpu.memory_space<vmem>>
      %dma_start3A_78 = tpu.memref_squeeze %dma_start3A_77 : memref<1x128xi32, #tpu.memory_space<vmem>> -> memref<128xi32, #tpu.memory_space<vmem>>
      %dma_start3A_79 = tpu.memref_slice %arg2[%mul3A_11] : memref<327680xi32, #tpu.memory_space<hbm>> -> memref<128xi32, #tpu.memory_space<hbm>>
      tpu.enqueue_dma source(%dma_start3A_79 : memref<128xi32, #tpu.memory_space<hbm>>) target(%dma_start3A_78 : memref<128xi32, #tpu.memory_space<vmem>>) target_semaphore(%arg16 : memref<!tpu.dma_semaphore, #tpu.memory_space<semaphore_mem>>)
      %dma_start3A_80 = arith.constant 0 : i32
      %dma_start3A_81 = tpu.memref_slice %arg10[%rem3A_13, %dma_start3A_80] : memref<8x128xi32, #tpu.memory_space<vmem>> -> memref<1x128xi32, #tpu.memory_space<vmem>>
      %dma_start3A_82 = tpu.memref_squeeze %dma_start3A_81 : memref<1x128xi32, #tpu.memory_space<vmem>> -> memref<128xi32, #tpu.memory_space<vmem>>
      %dma_start3A_83 = tpu.memref_slice %arg4[%mul3A_11] : memref<327680xi32, #tpu.memory_space<hbm>> -> memref<128xi32, #tpu.memory_space<hbm>>
      %dma_start3A_84 = arith.constant 0 : i32
      %dma_start3A_85 = tpu.memref_slice %arg10[%rem3A_13, %dma_start3A_84] : memref<8x128xi32, #tpu.memory_space<vmem>> -> memref<1x128xi32, #tpu.memory_space<vmem>>
      %dma_start3A_86 = tpu.memref_squeeze %dma_start3A_85 : memref<1x128xi32, #tpu.memory_space<vmem>> -> memref<128xi32, #tpu.memory_space<vmem>>
      %dma_start3A_87 = tpu.memref_slice %arg4[%mul3A_11] : memref<327680xi32, #tpu.memory_space<hbm>> -> memref<128xi32, #tpu.memory_space<hbm>>
      tpu.enqueue_dma source(%dma_start3A_87 : memref<128xi32, #tpu.memory_space<hbm>>) target(%dma_start3A_86 : memref<128xi32, #tpu.memory_space<vmem>>) target_semaphore(%arg17 : memref<!tpu.dma_semaphore, #tpu.memory_space<semaphore_mem>>)
    } else {
    }
    %eq3A_19 = arith.constant 1 : i32
    %eq3A_20 = arith.cmpi eq, %arg0, %eq3A_19 : i32
    %convert_element_type3A_21 = arith.extui %eq3A_20 : i1 to i32
    %cond3A_22 = arith.constant 0 : i32
    %cond3A_23 = arith.cmpi ne, %convert_element_type3A_21, %cond3A_22 : i32
    scf.if %cond3A_23 {
      %dma_start3A = arith.constant 0 : i32
      %dma_start3A_73 = tpu.memref_slice %arg9[%rem3A_13, %dma_start3A] : memref<8x128xi32, #tpu.memory_space<vmem>> -> memref<1x128xi32, #tpu.memory_space<vmem>>
      %dma_start3A_74 = tpu.memref_squeeze %dma_start3A_73 : memref<1x128xi32, #tpu.memory_space<vmem>> -> memref<128xi32, #tpu.memory_space<vmem>>
      %dma_start3A_75 = tpu.memref_slice %arg3[%mul3A_11] : memref<327680xi32, #tpu.memory_space<hbm>> -> memref<128xi32, #tpu.memory_space<hbm>>
      %dma_start3A_76 = arith.constant 0 : i32
      %dma_start3A_77 = tpu.memref_slice %arg9[%rem3A_13, %dma_start3A_76] : memref<8x128xi32, #tpu.memory_space<vmem>> -> memref<1x128xi32, #tpu.memory_space<vmem>>
      %dma_start3A_78 = tpu.memref_squeeze %dma_start3A_77 : memref<1x128xi32, #tpu.memory_space<vmem>> -> memref<128xi32, #tpu.memory_space<vmem>>
      %dma_start3A_79 = tpu.memref_slice %arg3[%mul3A_11] : memref<327680xi32, #tpu.memory_space<hbm>> -> memref<128xi32, #tpu.memory_space<hbm>>
      tpu.enqueue_dma source(%dma_start3A_79 : memref<128xi32, #tpu.memory_space<hbm>>) target(%dma_start3A_78 : memref<128xi32, #tpu.memory_space<vmem>>) target_semaphore(%arg16 : memref<!tpu.dma_semaphore, #tpu.memory_space<semaphore_mem>>)
    } else {
    }
    %add3A_24 = arith.constant 1 : i32
    %add3A_25 = arith.addi %mul3A_0, %add3A_24 : i32
    %mul3A_26 = arith.constant 128 : i32
    %mul3A_27 = arith.muli %add3A_25, %mul3A_26 : i32
    %rem3A_28 = arith.constant 1 : i32
    %rem3A_29 = arith.constant 8 : i32
    %rem3A_30 = arith.remsi %rem3A_28, %rem3A_29 : i32
    %eq3A_31 = arith.constant 0 : i32
    %eq3A_32 = arith.cmpi eq, %arg0, %eq3A_31 : i32
    %convert_element_type3A_33 = arith.extui %eq3A_32 : i1 to i32
    %cond3A_34 = arith.constant 0 : i32
    %cond3A_35 = arith.cmpi ne, %convert_element_type3A_33, %cond3A_34 : i32
    scf.if %cond3A_35 {
      %dma_start3A = arith.constant 0 : i32
      %dma_start3A_73 = tpu.memref_slice %arg9[%rem3A_30, %dma_start3A] : memref<8x128xi32, #tpu.memory_space<vmem>> -> memref<1x128xi32, #tpu.memory_space<vmem>>
      %dma_start3A_74 = tpu.memref_squeeze %dma_start3A_73 : memref<1x128xi32, #tpu.memory_space<vmem>> -> memref<128xi32, #tpu.memory_space<vmem>>
      %dma_start3A_75 = tpu.memref_slice %arg2[%mul3A_27] : memref<327680xi32, #tpu.memory_space<hbm>> -> memref<128xi32, #tpu.memory_space<hbm>>
      %dma_start3A_76 = arith.constant 0 : i32
      %dma_start3A_77 = tpu.memref_slice %arg9[%rem3A_30, %dma_start3A_76] : memref<8x128xi32, #tpu.memory_space<vmem>> -> memref<1x128xi32, #tpu.memory_space<vmem>>
      %dma_start3A_78 = tpu.memref_squeeze %dma_start3A_77 : memref<1x128xi32, #tpu.memory_space<vmem>> -> memref<128xi32, #tpu.memory_space<vmem>>
      %dma_start3A_79 = tpu.memref_slice %arg2[%mul3A_27] : memref<327680xi32, #tpu.memory_space<hbm>> -> memref<128xi32, #tpu.memory_space<hbm>>
      tpu.enqueue_dma source(%dma_start3A_79 : memref<128xi32, #tpu.memory_space<hbm>>) target(%dma_start3A_78 : memref<128xi32, #tpu.memory_space<vmem>>) target_semaphore(%arg16 : memref<!tpu.dma_semaphore, #tpu.memory_space<semaphore_mem>>)
      %dma_start3A_80 = arith.constant 0 : i32
      %dma_start3A_81 = tpu.memref_slice %arg10[%rem3A_30, %dma_start3A_80] : memref<8x128xi32, #tpu.memory_space<vmem>> -> memref<1x128xi32, #tpu.memory_space<vmem>>
      %dma_start3A_82 = tpu.memref_squeeze %dma_start3A_81 : memref<1x128xi32, #tpu.memory_space<vmem>> -> memref<128xi32, #tpu.memory_space<vmem>>
      %dma_start3A_83 = tpu.memref_slice %arg4[%mul3A_27] : memref<327680xi32, #tpu.memory_space<hbm>> -> memref<128xi32, #tpu.memory_space<hbm>>
      %dma_start3A_84 = arith.constant 0 : i32
      %dma_start3A_85 = tpu.memref_slice %arg10[%rem3A_30, %dma_start3A_84] : memref<8x128xi32, #tpu.memory_space<vmem>> -> memref<1x128xi32, #tpu.memory_space<vmem>>
      %dma_start3A_86 = tpu.memref_squeeze %dma_start3A_85 : memref<1x128xi32, #tpu.memory_space<vmem>> -> memref<128xi32, #tpu.memory_space<vmem>>
      %dma_start3A_87 = tpu.memref_slice %arg4[%mul3A_27] : memref<327680xi32, #tpu.memory_space<hbm>> -> memref<128xi32, #tpu.memory_space<hbm>>
      tpu.enqueue_dma source(%dma_start3A_87 : memref<128xi32, #tpu.memory_space<hbm>>) target(%dma_start3A_86 : memref<128xi32, #tpu.memory_space<vmem>>) target_semaphore(%arg17 : memref<!tpu.dma_semaphore, #tpu.memory_space<semaphore_mem>>)
    } else {
    }
    %eq3A_36 = arith.constant 1 : i32
    %eq3A_37 = arith.cmpi eq, %arg0, %eq3A_36 : i32
    %convert_element_type3A_38 = arith.extui %eq3A_37 : i1 to i32
    %cond3A_39 = arith.constant 0 : i32
    %cond3A_40 = arith.cmpi ne, %convert_element_type3A_38, %cond3A_39 : i32
    scf.if %cond3A_40 {
      %dma_start3A = arith.constant 0 : i32
      %dma_start3A_73 = tpu.memref_slice %arg9[%rem3A_30, %dma_start3A] : memref<8x128xi32, #tpu.memory_space<vmem>> -> memref<1x128xi32, #tpu.memory_space<vmem>>
      %dma_start3A_74 = tpu.memref_squeeze %dma_start3A_73 : memref<1x128xi32, #tpu.memory_space<vmem>> -> memref<128xi32, #tpu.memory_space<vmem>>
      %dma_start3A_75 = tpu.memref_slice %arg3[%mul3A_27] : memref<327680xi32, #tpu.memory_space<hbm>> -> memref<128xi32, #tpu.memory_space<hbm>>
      %dma_start3A_76 = arith.constant 0 : i32
      %dma_start3A_77 = tpu.memref_slice %arg9[%rem3A_30, %dma_start3A_76] : memref<8x128xi32, #tpu.memory_space<vmem>> -> memref<1x128xi32, #tpu.memory_space<vmem>>
      %dma_start3A_78 = tpu.memref_squeeze %dma_start3A_77 : memref<1x128xi32, #tpu.memory_space<vmem>> -> memref<128xi32, #tpu.memory_space<vmem>>
      %dma_start3A_79 = tpu.memref_slice %arg3[%mul3A_27] : memref<327680xi32, #tpu.memory_space<hbm>> -> memref<128xi32, #tpu.memory_space<hbm>>
      tpu.enqueue_dma source(%dma_start3A_79 : memref<128xi32, #tpu.memory_space<hbm>>) target(%dma_start3A_78 : memref<128xi32, #tpu.memory_space<vmem>>) target_semaphore(%arg16 : memref<!tpu.dma_semaphore, #tpu.memory_space<semaphore_mem>>)
    } else {
    }
    %add3A_41 = arith.constant 2 : i32
    %add3A_42 = arith.addi %mul3A_0, %add3A_41 : i32
    %mul3A_43 = arith.constant 128 : i32
    %mul3A_44 = arith.muli %add3A_42, %mul3A_43 : i32
    %rem3A_45 = arith.constant 2 : i32
    %rem3A_46 = arith.constant 8 : i32
    %rem3A_47 = arith.remsi %rem3A_45, %rem3A_46 : i32
    %eq3A_48 = arith.constant 0 : i32
    %eq3A_49 = arith.cmpi eq, %arg0, %eq3A_48 : i32
    %convert_element_type3A_50 = arith.extui %eq3A_49 : i1 to i32
    %cond3A_51 = arith.constant 0 : i32
    %cond3A_52 = arith.cmpi ne, %convert_element_type3A_50, %cond3A_51 : i32
    scf.if %cond3A_52 {
      %dma_start3A = arith.constant 0 : i32
      %dma_start3A_73 = tpu.memref_slice %arg9[%rem3A_47, %dma_start3A] : memref<8x128xi32, #tpu.memory_space<vmem>> -> memref<1x128xi32, #tpu.memory_space<vmem>>
      %dma_start3A_74 = tpu.memref_squeeze %dma_start3A_73 : memref<1x128xi32, #tpu.memory_space<vmem>> -> memref<128xi32, #tpu.memory_space<vmem>>
      %dma_start3A_75 = tpu.memref_slice %arg2[%mul3A_44] : memref<327680xi32, #tpu.memory_space<hbm>> -> memref<128xi32, #tpu.memory_space<hbm>>
      %dma_start3A_76 = arith.constant 0 : i32
      %dma_start3A_77 = tpu.memref_slice %arg9[%rem3A_47, %dma_start3A_76] : memref<8x128xi32, #tpu.memory_space<vmem>> -> memref<1x128xi32, #tpu.memory_space<vmem>>
      %dma_start3A_78 = tpu.memref_squeeze %dma_start3A_77 : memref<1x128xi32, #tpu.memory_space<vmem>> -> memref<128xi32, #tpu.memory_space<vmem>>
      %dma_start3A_79 = tpu.memref_slice %arg2[%mul3A_44] : memref<327680xi32, #tpu.memory_space<hbm>> -> memref<128xi32, #tpu.memory_space<hbm>>
      tpu.enqueue_dma source(%dma_start3A_79 : memref<128xi32, #tpu.memory_space<hbm>>) target(%dma_start3A_78 : memref<128xi32, #tpu.memory_space<vmem>>) target_semaphore(%arg16 : memref<!tpu.dma_semaphore, #tpu.memory_space<semaphore_mem>>)
      %dma_start3A_80 = arith.constant 0 : i32
      %dma_start3A_81 = tpu.memref_slice %arg10[%rem3A_47, %dma_start3A_80] : memref<8x128xi32, #tpu.memory_space<vmem>> -> memref<1x128xi32, #tpu.memory_space<vmem>>
      %dma_start3A_82 = tpu.memref_squeeze %dma_start3A_81 : memref<1x128xi32, #tpu.memory_space<vmem>> -> memref<128xi32, #tpu.memory_space<vmem>>
      %dma_start3A_83 = tpu.memref_slice %arg4[%mul3A_44] : memref<327680xi32, #tpu.memory_space<hbm>> -> memref<128xi32, #tpu.memory_space<hbm>>
      %dma_start3A_84 = arith.constant 0 : i32
      %dma_start3A_85 = tpu.memref_slice %arg10[%rem3A_47, %dma_start3A_84] : memref<8x128xi32, #tpu.memory_space<vmem>> -> memref<1x128xi32, #tpu.memory_space<vmem>>
      %dma_start3A_86 = tpu.memref_squeeze %dma_start3A_85 : memref<1x128xi32, #tpu.memory_space<vmem>> -> memref<128xi32, #tpu.memory_space<vmem>>
      %dma_start3A_87 = tpu.memref_slice %arg4[%mul3A_44] : memref<327680xi32, #tpu.memory_space<hbm>> -> memref<128xi32, #tpu.memory_space<hbm>>
      tpu.enqueue_dma source(%dma_start3A_87 : memref<128xi32, #tpu.memory_space<hbm>>) target(%dma_start3A_86 : memref<128xi32, #tpu.memory_space<vmem>>) target_semaphore(%arg17 : memref<!tpu.dma_semaphore, #tpu.memory_space<semaphore_mem>>)
    } else {
    }
    %eq3A_53 = arith.constant 1 : i32
    %eq3A_54 = arith.cmpi eq, %arg0, %eq3A_53 : i32
    %convert_element_type3A_55 = arith.extui %eq3A_54 : i1 to i32
    %cond3A_56 = arith.constant 0 : i32
    %cond3A_57 = arith.cmpi ne, %convert_element_type3A_55, %cond3A_56 : i32
    scf.if %cond3A_57 {
      %dma_start3A = arith.constant 0 : i32
      %dma_start3A_73 = tpu.memref_slice %arg9[%rem3A_47, %dma_start3A] : memref<8x128xi32, #tpu.memory_space<vmem>> -> memref<1x128xi32, #tpu.memory_space<vmem>>
      %dma_start3A_74 = tpu.memref_squeeze %dma_start3A_73 : memref<1x128xi32, #tpu.memory_space<vmem>> -> memref<128xi32, #tpu.memory_space<vmem>>
      %dma_start3A_75 = tpu.memref_slice %arg3[%mul3A_44] : memref<327680xi32, #tpu.memory_space<hbm>> -> memref<128xi32, #tpu.memory_space<hbm>>
      %dma_start3A_76 = arith.constant 0 : i32
      %dma_start3A_77 = tpu.memref_slice %arg9[%rem3A_47, %dma_start3A_76] : memref<8x128xi32, #tpu.memory_space<vmem>> -> memref<1x128xi32, #tpu.memory_space<vmem>>
      %dma_start3A_78 = tpu.memref_squeeze %dma_start3A_77 : memref<1x128xi32, #tpu.memory_space<vmem>> -> memref<128xi32, #tpu.memory_space<vmem>>
      %dma_start3A_79 = tpu.memref_slice %arg3[%mul3A_44] : memref<327680xi32, #tpu.memory_space<hbm>> -> memref<128xi32, #tpu.memory_space<hbm>>
      tpu.enqueue_dma source(%dma_start3A_79 : memref<128xi32, #tpu.memory_space<hbm>>) target(%dma_start3A_78 : memref<128xi32, #tpu.memory_space<vmem>>) target_semaphore(%arg16 : memref<!tpu.dma_semaphore, #tpu.memory_space<semaphore_mem>>)
    } else {
    }
    %scan3A_58 = arith.constant 0 : i32
    %scan3A_59 = arith.constant 0 : i32
    %scan3A_60 = arith.constant 160 : i32
    %scan3A_61 = arith.addi %scan3A_59, %scan3A_60 : i32
    %scan3A_62 = arith.constant 1 : i32
    %scan3A_63 = scf.for %scan3A_73 = %scan3A_59 to %scan3A_61 step %scan3A_62 iter_args(%scan3A_74 = %scan3A_58) -> (i32)  : i32 {
      %rem3A_75 = arith.constant 8 : i32
      %rem3A_76 = arith.remsi %scan3A_73, %rem3A_75 : i32
      %ge3A = arith.constant 3 : i32
      %ge3A_77 = arith.cmpi sge, %scan3A_73, %ge3A : i32
      %convert_element_type3A_78 = arith.extui %ge3A_77 : i1 to i32
      %cond3A_79 = arith.constant 0 : i32
      %cond3A_80 = arith.cmpi ne, %convert_element_type3A_78, %cond3A_79 : i32
      scf.if %cond3A_80 {
        tpu.wait_dma2 semaphore(%arg15 : memref<!tpu.dma_semaphore, #tpu.memory_space<semaphore_mem>>) src(%arg5 : memref<128x128xf32, #tpu.memory_space<hbm>>) dst(%arg12 : memref<128x128xf32, #tpu.memory_space<vmem>>)
      } else {
      }
      %dma_wait3A = arith.constant 0 : i32
      %dma_wait3A_81 = arith.constant 0 : i32
      %dma_wait3A_82 = tpu.memref_slice %arg9[%dma_wait3A, %dma_wait3A_81] : memref<8x128xi32, #tpu.memory_space<vmem>> -> memref<1x128xi32, #tpu.memory_space<vmem>>
      %dma_wait3A_83 = tpu.memref_squeeze %dma_wait3A_82 : memref<1x128xi32, #tpu.memory_space<vmem>> -> memref<128xi32, #tpu.memory_space<vmem>>
      %dma_wait3A_84 = arith.constant 0 : i32
      %dma_wait3A_85 = tpu.memref_slice %arg2[%dma_wait3A_84] : memref<327680xi32, #tpu.memory_space<hbm>> -> memref<128xi32, #tpu.memory_space<hbm>>
      %dma_wait3A_86 = arith.constant 0 : i32
      %dma_wait3A_87 = tpu.memref_slice %arg9[%dma_wait3A, %dma_wait3A_86] : memref<8x128xi32, #tpu.memory_space<vmem>> -> memref<1x128xi32, #tpu.memory_space<vmem>>
      %dma_wait3A_88 = tpu.memref_squeeze %dma_wait3A_87 : memref<1x128xi32, #tpu.memory_space<vmem>> -> memref<128xi32, #tpu.memory_space<vmem>>
      %dma_wait3A_89 = arith.constant 0 : i32
      %dma_wait3A_90 = tpu.memref_slice %arg2[%dma_wait3A_89] : memref<327680xi32, #tpu.memory_space<hbm>> -> memref<128xi32, #tpu.memory_space<hbm>>
      tpu.wait_dma2 semaphore(%arg16 : memref<!tpu.dma_semaphore, #tpu.memory_space<semaphore_mem>>) src(%dma_wait3A_90 : memref<128xi32, #tpu.memory_space<hbm>>) dst(%dma_wait3A_88 : memref<128xi32, #tpu.memory_space<vmem>>)
      %eq3A_91 = arith.constant 0 : i32
      %eq3A_92 = arith.cmpi eq, %arg0, %eq3A_91 : i32
      %convert_element_type3A_93 = arith.extui %eq3A_92 : i1 to i32
      %cond3A_94 = arith.constant 0 : i32
      %cond3A_95 = arith.cmpi ne, %convert_element_type3A_93, %cond3A_94 : i32
      scf.if %cond3A_95 {
        %dma_wait3A_113 = arith.constant 0 : i32
        %dma_wait3A_114 = arith.constant 0 : i32
        %dma_wait3A_115 = tpu.memref_slice %arg10[%dma_wait3A_113, %dma_wait3A_114] : memref<8x128xi32, #tpu.memory_space<vmem>> -> memref<1x128xi32, #tpu.memory_space<vmem>>
        %dma_wait3A_116 = tpu.memref_squeeze %dma_wait3A_115 : memref<1x128xi32, #tpu.memory_space<vmem>> -> memref<128xi32, #tpu.memory_space<vmem>>
        %dma_wait3A_117 = arith.constant 0 : i32
        %dma_wait3A_118 = tpu.memref_slice %arg4[%dma_wait3A_117] : memref<327680xi32, #tpu.memory_space<hbm>> -> memref<128xi32, #tpu.memory_space<hbm>>
        %dma_wait3A_119 = arith.constant 0 : i32
        %dma_wait3A_120 = tpu.memref_slice %arg10[%dma_wait3A_113, %dma_wait3A_119] : memref<8x128xi32, #tpu.memory_space<vmem>> -> memref<1x128xi32, #tpu.memory_space<vmem>>
        %dma_wait3A_121 = tpu.memref_squeeze %dma_wait3A_120 : memref<1x128xi32, #tpu.memory_space<vmem>> -> memref<128xi32, #tpu.memory_space<vmem>>
        %dma_wait3A_122 = arith.constant 0 : i32
        %dma_wait3A_123 = tpu.memref_slice %arg4[%dma_wait3A_122] : memref<327680xi32, #tpu.memory_space<hbm>> -> memref<128xi32, #tpu.memory_space<hbm>>
        tpu.wait_dma2 semaphore(%arg17 : memref<!tpu.dma_semaphore, #tpu.memory_space<semaphore_mem>>) src(%dma_wait3A_123 : memref<128xi32, #tpu.memory_space<hbm>>) dst(%dma_wait3A_121 : memref<128xi32, #tpu.memory_space<vmem>>)
      } else {
      }
      %dma_start3A = arith.constant 0 : i32
      %dma_start3A_96 = tpu.memref_slice %arg9[%rem3A_76, %dma_start3A] : memref<8x128xi32, #tpu.memory_space<vmem>> -> memref<1x128xi32, #tpu.memory_space<vmem>>
      %dma_start3A_97 = tpu.memref_squeeze %dma_start3A_96 : memref<1x128xi32, #tpu.memory_space<vmem>> -> memref<128xi32, #tpu.memory_space<vmem>>
      %dma_start3A_98 = arith.constant 0 : i32
      %dma_start3A_99 = arith.constant 0 : i32
      %dma_start3A_100 = tpu.memref_slice %arg14[%dma_start3A_98, %dma_start3A_99] : memref<10304x128xf32, #tpu.memory_space<vmem_shared>> -> memref<10304x128xf32, #tpu.memory_space<vmem_shared>>
      tpu.enqueue_indirect_dma source(%arg12 : memref<128x128xf32, #tpu.memory_space<vmem>>) target(%dma_start3A_100 : memref<10304x128xf32, #tpu.memory_space<vmem_shared>>) offsets(%dma_start3A_97 : memref<128xi32, #tpu.memory_space<vmem>>) semaphore(%arg15 : memref<!tpu.dma_semaphore, #tpu.memory_space<semaphore_mem>>) {add = true}
      %add3A_101 = arith.constant 3 : i32
      %add3A_102 = arith.addi %scan3A_73, %add3A_101 : i32
      %lt3A = arith.constant 160 : i32
      %lt3A_103 = arith.cmpi slt, %add3A_102, %lt3A : i32
      %convert_element_type3A_104 = arith.extui %lt3A_103 : i1 to i32
      %cond3A_105 = arith.constant 0 : i32
      %cond3A_106 = arith.cmpi ne, %convert_element_type3A_104, %cond3A_105 : i32
      scf.if %cond3A_106 {
        %add3A_113 = arith.constant 3 : i32
        %add3A_114 = arith.addi %scan3A_73, %add3A_113 : i32
        %add3A_115 = arith.addi %mul3A_0, %add3A_114 : i32
        %mul3A_116 = arith.constant 128 : i32
        %mul3A_117 = arith.muli %add3A_115, %mul3A_116 : i32
        %rem3A_118 = arith.constant 8 : i32
        %rem3A_119 = arith.remsi %add3A_114, %rem3A_118 : i32
        %eq3A_120 = arith.constant 0 : i32
        %eq3A_121 = arith.cmpi eq, %arg0, %eq3A_120 : i32
        %convert_element_type3A_122 = arith.extui %eq3A_121 : i1 to i32
        %cond3A_123 = arith.constant 0 : i32
        %cond3A_124 = arith.cmpi ne, %convert_element_type3A_122, %cond3A_123 : i32
        scf.if %cond3A_124 {
          %dma_start3A_130 = arith.constant 0 : i32
          %dma_start3A_131 = tpu.memref_slice %arg9[%rem3A_119, %dma_start3A_130] : memref<8x128xi32, #tpu.memory_space<vmem>> -> memref<1x128xi32, #tpu.memory_space<vmem>>
          %dma_start3A_132 = tpu.memref_squeeze %dma_start3A_131 : memref<1x128xi32, #tpu.memory_space<vmem>> -> memref<128xi32, #tpu.memory_space<vmem>>
          %dma_start3A_133 = tpu.memref_slice %arg2[%mul3A_117] : memref<327680xi32, #tpu.memory_space<hbm>> -> memref<128xi32, #tpu.memory_space<hbm>>
          %dma_start3A_134 = arith.constant 0 : i32
          %dma_start3A_135 = tpu.memref_slice %arg9[%rem3A_119, %dma_start3A_134] : memref<8x128xi32, #tpu.memory_space<vmem>> -> memref<1x128xi32, #tpu.memory_space<vmem>>
          %dma_start3A_136 = tpu.memref_squeeze %dma_start3A_135 : memref<1x128xi32, #tpu.memory_space<vmem>> -> memref<128xi32, #tpu.memory_space<vmem>>
          %dma_start3A_137 = tpu.memref_slice %arg2[%mul3A_117] : memref<327680xi32, #tpu.memory_space<hbm>> -> memref<128xi32, #tpu.memory_space<hbm>>
          tpu.enqueue_dma source(%dma_start3A_137 : memref<128xi32, #tpu.memory_space<hbm>>) target(%dma_start3A_136 : memref<128xi32, #tpu.memory_space<vmem>>) target_semaphore(%arg16 : memref<!tpu.dma_semaphore, #tpu.memory_space<semaphore_mem>>)
          %dma_start3A_138 = arith.constant 0 : i32
          %dma_start3A_139 = tpu.memref_slice %arg10[%rem3A_119, %dma_start3A_138] : memref<8x128xi32, #tpu.memory_space<vmem>> -> memref<1x128xi32, #tpu.memory_space<vmem>>
          %dma_start3A_140 = tpu.memref_squeeze %dma_start3A_139 : memref<1x128xi32, #tpu.memory_space<vmem>> -> memref<128xi32, #tpu.memory_space<vmem>>
          %dma_start3A_141 = tpu.memref_slice %arg4[%mul3A_117] : memref<327680xi32, #tpu.memory_space<hbm>> -> memref<128xi32, #tpu.memory_space<hbm>>
          %dma_start3A_142 = arith.constant 0 : i32
          %dma_start3A_143 = tpu.memref_slice %arg10[%rem3A_119, %dma_start3A_142] : memref<8x128xi32, #tpu.memory_space<vmem>> -> memref<1x128xi32, #tpu.memory_space<vmem>>
          %dma_start3A_144 = tpu.memref_squeeze %dma_start3A_143 : memref<1x128xi32, #tpu.memory_space<vmem>> -> memref<128xi32, #tpu.memory_space<vmem>>
          %dma_start3A_145 = tpu.memref_slice %arg4[%mul3A_117] : memref<327680xi32, #tpu.memory_space<hbm>> -> memref<128xi32, #tpu.memory_space<hbm>>
          tpu.enqueue_dma source(%dma_start3A_145 : memref<128xi32, #tpu.memory_space<hbm>>) target(%dma_start3A_144 : memref<128xi32, #tpu.memory_space<vmem>>) target_semaphore(%arg17 : memref<!tpu.dma_semaphore, #tpu.memory_space<semaphore_mem>>)
        } else {
        }
        %eq3A_125 = arith.constant 1 : i32
        %eq3A_126 = arith.cmpi eq, %arg0, %eq3A_125 : i32
        %convert_element_type3A_127 = arith.extui %eq3A_126 : i1 to i32
        %cond3A_128 = arith.constant 0 : i32
        %cond3A_129 = arith.cmpi ne, %convert_element_type3A_127, %cond3A_128 : i32
        scf.if %cond3A_129 {
          %dma_start3A_130 = arith.constant 0 : i32
          %dma_start3A_131 = tpu.memref_slice %arg9[%rem3A_119, %dma_start3A_130] : memref<8x128xi32, #tpu.memory_space<vmem>> -> memref<1x128xi32, #tpu.memory_space<vmem>>
          %dma_start3A_132 = tpu.memref_squeeze %dma_start3A_131 : memref<1x128xi32, #tpu.memory_space<vmem>> -> memref<128xi32, #tpu.memory_space<vmem>>
          %dma_start3A_133 = tpu.memref_slice %arg3[%mul3A_117] : memref<327680xi32, #tpu.memory_space<hbm>> -> memref<128xi32, #tpu.memory_space<hbm>>
          %dma_start3A_134 = arith.constant 0 : i32
          %dma_start3A_135 = tpu.memref_slice %arg9[%rem3A_119, %dma_start3A_134] : memref<8x128xi32, #tpu.memory_space<vmem>> -> memref<1x128xi32, #tpu.memory_space<vmem>>
          %dma_start3A_136 = tpu.memref_squeeze %dma_start3A_135 : memref<1x128xi32, #tpu.memory_space<vmem>> -> memref<128xi32, #tpu.memory_space<vmem>>
          %dma_start3A_137 = tpu.memref_slice %arg3[%mul3A_117] : memref<327680xi32, #tpu.memory_space<hbm>> -> memref<128xi32, #tpu.memory_space<hbm>>
          tpu.enqueue_dma source(%dma_start3A_137 : memref<128xi32, #tpu.memory_space<hbm>>) target(%dma_start3A_136 : memref<128xi32, #tpu.memory_space<vmem>>) target_semaphore(%arg16 : memref<!tpu.dma_semaphore, #tpu.memory_space<semaphore_mem>>)
        } else {
        }
      } else {
      }
      %eq3A_107 = arith.constant 0 : i32
      %eq3A_108 = arith.cmpi eq, %arg0, %eq3A_107 : i32
      %convert_element_type3A_109 = arith.extui %eq3A_108 : i1 to i32
      %cond3A_110 = arith.constant 0 : i32
      %cond3A_111 = arith.cmpi ne, %convert_element_type3A_109, %cond3A_110 : i32
      scf.if %cond3A_111 {
        %rem3A_113 = arith.constant 2 : i32
        %rem3A_114 = arith.remsi %scan3A_73, %rem3A_113 : i32
        %ge3A_115 = arith.constant 2 : i32
        %ge3A_116 = arith.cmpi sge, %scan3A_73, %ge3A_115 : i32
        %convert_element_type3A_117 = arith.extui %ge3A_116 : i1 to i32
        %cond3A_118 = arith.constant 0 : i32
        %cond3A_119 = arith.cmpi ne, %convert_element_type3A_117, %cond3A_118 : i32
        scf.if %cond3A_119 {
          %dma_wait3A_138 = arith.constant 0 : i32
          %dma_wait3A_139 = arith.constant 0 : i32
          %dma_wait3A_140 = tpu.memref_slice %arg11[%dma_wait3A_138, %dma_wait3A_139] : memref<2x128xi32, #tpu.memory_space<vmem>> -> memref<1x128xi32, #tpu.memory_space<vmem>>
          %dma_wait3A_141 = tpu.memref_squeeze %dma_wait3A_140 : memref<1x128xi32, #tpu.memory_space<vmem>> -> memref<128xi32, #tpu.memory_space<vmem>>
          %dma_wait3A_142 = arith.constant 0 : i32
          %dma_wait3A_143 = tpu.memref_slice %arg8[%dma_wait3A_142] : memref<327680xi32, #tpu.memory_space<hbm>> -> memref<128xi32, #tpu.memory_space<hbm>>
          %dma_wait3A_144 = arith.constant 0 : i32
          %dma_wait3A_145 = tpu.memref_slice %arg8[%dma_wait3A_144] : memref<327680xi32, #tpu.memory_space<hbm>> -> memref<128xi32, #tpu.memory_space<hbm>>
          %dma_wait3A_146 = arith.constant 0 : i32
          %dma_wait3A_147 = tpu.memref_slice %arg11[%dma_wait3A_138, %dma_wait3A_146] : memref<2x128xi32, #tpu.memory_space<vmem>> -> memref<1x128xi32, #tpu.memory_space<vmem>>
          %dma_wait3A_148 = tpu.memref_squeeze %dma_wait3A_147 : memref<1x128xi32, #tpu.memory_space<vmem>> -> memref<128xi32, #tpu.memory_space<vmem>>
          tpu.wait_dma2 semaphore(%arg18 : memref<!tpu.dma_semaphore, #tpu.memory_space<semaphore_mem>>) src(%dma_wait3A_148 : memref<128xi32, #tpu.memory_space<vmem>>) dst(%dma_wait3A_145 : memref<128xi32, #tpu.memory_space<hbm>>)
        } else {
        }
        %scan3A_120 = arith.constant 0 : i32
        %scan3A_121 = arith.constant 0 : i32
        %scan3A_122 = arith.constant 8 : i32
        %scan3A_123 = arith.addi %scan3A_121, %scan3A_122 : i32
        %scan3A_124 = arith.constant 1 : i32
        %scan3A_125 = scf.for %scan3A_138 = %scan3A_121 to %scan3A_123 step %scan3A_124 iter_args(%scan3A_139 = %scan3A_120) -> (i32)  : i32 {
          %mul3A_140 = arith.constant 16 : i32
          %mul3A_141 = arith.muli %scan3A_138, %mul3A_140 : i32
          %get3A = arith.index_cast %rem3A_76 : i32 to index
          %get3A_142 = arith.index_cast %mul3A_141 : i32 to index
          %get3A_143 = tpu.vector_load %arg10[%get3A, %get3A_142] {strides = array<i32>} : memref<8x128xi32, #tpu.memory_space<vmem>>, vector<1x16xi32>,
          %get3A_144 = vector.shape_cast %get3A_143 : vector<1x16xi32> to vector<16xi32>
          %mul3A_145 = arith.constant 10240 : i32
          %mul3A_146 = vector.broadcast %mul3A_145 : i32 to vector<16xi32>
          %mul3A_147 = arith.muli %get3A_144, %mul3A_146 : vector<16xi32>
          %get3A_148 = arith.index_cast %rem3A_76 : i32 to index
          %get3A_149 = arith.index_cast %mul3A_141 : i32 to index
          %get3A_150 = tpu.vector_load %arg9[%get3A_148, %get3A_149] {strides = array<i32>} : memref<8x128xi32, #tpu.memory_space<vmem>>, vector<1x16xi32>,
          %get3A_151 = vector.shape_cast %get3A_150 : vector<1x16xi32> to vector<16xi32>
          %add3A_152 = arith.addi %mul3A_147, %get3A_151 : vector<16xi32>
          %swap3A = arith.index_cast %rem3A_114 : i32 to index
          %swap3A_153 = arith.index_cast %mul3A_141 : i32 to index
          %swap3A_154 = tpu.vector_load %arg11[%swap3A, %swap3A_153] {strides = array<i32>} : memref<2x128xi32, #tpu.memory_space<vmem>>, vector<1x16xi32>,
          %swap3A_155 = vector.shape_cast %swap3A_154 : vector<1x16xi32> to vector<16xi32>
          %swap3A_156 = vector.shape_cast %add3A_152 : vector<16xi32> to vector<1x16xi32>
          tpu.vector_store %arg11[%swap3A, %swap3A_153], %swap3A_156 {strides = array<i32>} : memref<2x128xi32, #tpu.memory_space<vmem>>, vector<1x16xi32>,
          %scan3A_157 = arith.constant 0 : i32
          scf.yield %scan3A_157 : i32
        }
        %scan3A_126 = arith.constant 8 : i32
        %add3A_127 = arith.addi %mul3A_0, %scan3A_73 : i32
        %mul3A_128 = arith.constant 128 : i32
        %mul3A_129 = arith.muli %add3A_127, %mul3A_128 : i32
        %dma_start3A_130 = arith.constant 0 : i32
        %dma_start3A_131 = tpu.memref_slice %arg11[%rem3A_114, %dma_start3A_130] : memref<2x128xi32, #tpu.memory_space<vmem>> -> memref<1x128xi32, #tpu.memory_space<vmem>>
        %dma_start3A_132 = tpu.memref_squeeze %dma_start3A_131 : memref<1x128xi32, #tpu.memory_space<vmem>> -> memref<128xi32, #tpu.memory_space<vmem>>
        %dma_start3A_133 = tpu.memref_slice %arg8[%mul3A_129] : memref<327680xi32, #tpu.memory_space<hbm>> -> memref<128xi32, #tpu.memory_space<hbm>>
        %dma_start3A_134 = tpu.memref_slice %arg8[%mul3A_129] : memref<327680xi32, #tpu.memory_space<hbm>> -> memref<128xi32, #tpu.memory_space<hbm>>
        %dma_start3A_135 = arith.constant 0 : i32
        %dma_start3A_136 = tpu.memref_slice %arg11[%rem3A_114, %dma_start3A_135] : memref<2x128xi32, #tpu.memory_space<vmem>> -> memref<1x128xi32, #tpu.memory_space<vmem>>
        %dma_start3A_137 = tpu.memref_squeeze %dma_start3A_136 : memref<1x128xi32, #tpu.memory_space<vmem>> -> memref<128xi32, #tpu.memory_space<vmem>>
        tpu.enqueue_dma source(%dma_start3A_137 : memref<128xi32, #tpu.memory_space<vmem>>) target(%dma_start3A_134 : memref<128xi32, #tpu.memory_space<hbm>>) target_semaphore(%arg18 : memref<!tpu.dma_semaphore, #tpu.memory_space<semaphore_mem>>)
      } else {
      }
      %scan3A_112 = arith.constant 0 : i32
      scf.yield %scan3A_112 : i32
    }
    %scan3A_64 = arith.constant 160 : i32
    tpu.wait_dma2 semaphore(%arg15 : memref<!tpu.dma_semaphore, #tpu.memory_space<semaphore_mem>>) src(%arg5 : memref<128x128xf32, #tpu.memory_space<hbm>>) dst(%arg12 : memref<128x128xf32, #tpu.memory_space<vmem>>)
    tpu.wait_dma2 semaphore(%arg15 : memref<!tpu.dma_semaphore, #tpu.memory_space<semaphore_mem>>) src(%arg5 : memref<128x128xf32, #tpu.memory_space<hbm>>) dst(%arg12 : memref<128x128xf32, #tpu.memory_space<vmem>>)
    tpu.wait_dma2 semaphore(%arg15 : memref<!tpu.dma_semaphore, #tpu.memory_space<semaphore_mem>>) src(%arg5 : memref<128x128xf32, #tpu.memory_space<hbm>>) dst(%arg12 : memref<128x128xf32, #tpu.memory_space<vmem>>)
    %eq3A_65 = arith.constant 0 : i32
    %eq3A_66 = arith.cmpi eq, %arg0, %eq3A_65 : i32
    %convert_element_type3A_67 = arith.extui %eq3A_66 : i1 to i32
    %cond3A_68 = arith.constant 0 : i32
    %cond3A_69 = arith.cmpi ne, %convert_element_type3A_67, %cond3A_68 : i32
    scf.if %cond3A_69 {
      %dma_wait3A = arith.constant 0 : i32
      %dma_wait3A_73 = arith.constant 0 : i32
      %dma_wait3A_74 = tpu.memref_slice %arg11[%dma_wait3A, %dma_wait3A_73] : memref<2x128xi32, #tpu.memory_space<vmem>> -> memref<1x128xi32, #tpu.memory_space<vmem>>
      %dma_wait3A_75 = tpu.memref_squeeze %dma_wait3A_74 : memref<1x128xi32, #tpu.memory_space<vmem>> -> memref<128xi32, #tpu.memory_space<vmem>>
      %dma_wait3A_76 = arith.constant 0 : i32
      %dma_wait3A_77 = tpu.memref_slice %arg8[%dma_wait3A_76] : memref<327680xi32, #tpu.memory_space<hbm>> -> memref<128xi32, #tpu.memory_space<hbm>>
      %dma_wait3A_78 = arith.constant 0 : i32
      %dma_wait3A_79 = tpu.memref_slice %arg8[%dma_wait3A_78] : memref<327680xi32, #tpu.memory_space<hbm>> -> memref<128xi32, #tpu.memory_space<hbm>>
      %dma_wait3A_80 = arith.constant 0 : i32
      %dma_wait3A_81 = tpu.memref_slice %arg11[%dma_wait3A, %dma_wait3A_80] : memref<2x128xi32, #tpu.memory_space<vmem>> -> memref<1x128xi32, #tpu.memory_space<vmem>>
      %dma_wait3A_82 = tpu.memref_squeeze %dma_wait3A_81 : memref<1x128xi32, #tpu.memory_space<vmem>> -> memref<128xi32, #tpu.memory_space<vmem>>
      tpu.wait_dma2 semaphore(%arg18 : memref<!tpu.dma_semaphore, #tpu.memory_space<semaphore_mem>>) src(%dma_wait3A_82 : memref<128xi32, #tpu.memory_space<vmem>>) dst(%dma_wait3A_79 : memref<128xi32, #tpu.memory_space<hbm>>)
      %dma_wait3A_83 = arith.constant 0 : i32
      %dma_wait3A_84 = arith.constant 0 : i32
      %dma_wait3A_85 = tpu.memref_slice %arg11[%dma_wait3A_83, %dma_wait3A_84] : memref<2x128xi32, #tpu.memory_space<vmem>> -> memref<1x128xi32, #tpu.memory_space<vmem>>
      %dma_wait3A_86 = tpu.memref_squeeze %dma_wait3A_85 : memref<1x128xi32, #tpu.memory_space<vmem>> -> memref<128xi32, #tpu.memory_space<vmem>>
      %dma_wait3A_87 = arith.constant 0 : i32
      %dma_wait3A_88 = tpu.memref_slice %arg8[%dma_wait3A_87] : memref<327680xi32, #tpu.memory_space<hbm>> -> memref<128xi32, #tpu.memory_space<hbm>>
      %dma_wait3A_89 = arith.constant 0 : i32
      %dma_wait3A_90 = tpu.memref_slice %arg8[%dma_wait3A_89] : memref<327680xi32, #tpu.memory_space<hbm>> -> memref<128xi32, #tpu.memory_space<hbm>>
      %dma_wait3A_91 = arith.constant 0 : i32
      %dma_wait3A_92 = tpu.memref_slice %arg11[%dma_wait3A_83, %dma_wait3A_91] : memref<2x128xi32, #tpu.memory_space<vmem>> -> memref<1x128xi32, #tpu.memory_space<vmem>>
      %dma_wait3A_93 = tpu.memref_squeeze %dma_wait3A_92 : memref<1x128xi32, #tpu.memory_space<vmem>> -> memref<128xi32, #tpu.memory_space<vmem>>
      tpu.wait_dma2 semaphore(%arg18 : memref<!tpu.dma_semaphore, #tpu.memory_space<semaphore_mem>>) src(%dma_wait3A_93 : memref<128xi32, #tpu.memory_space<vmem>>) dst(%dma_wait3A_90 : memref<128xi32, #tpu.memory_space<hbm>>)
    } else {
    }
    %barrier3A_70 = arith.constant 0 : index
    tpu.barrier barrier_id(%barrier3A_70)
    %mul3A_71 = arith.constant 640 : i32
    %mul3A_72 = arith.muli %arg1, %mul3A_71 : i32
    "tpu.region"() ({
      %run_scoped3A = tpu.sem_alloc : memref<!tpu.dma_semaphore, #tpu.memory_space<semaphore_mem>>
      %dma_start3A = arith.constant 0 : i32
      %dma_start3A_73 = arith.constant 0 : i32
      %dma_start3A_74 = tpu.memref_slice %arg7[%arg0, %dma_start3A, %dma_start3A_73] : memref<2x10240x128xf32, #tpu.memory_space<hbm>> -> memref<1x10240x128xf32, #tpu.memory_space<hbm>>
      %dma_start3A_75 = tpu.memref_squeeze %dma_start3A_74 : memref<1x10240x128xf32, #tpu.memory_space<hbm>> -> memref<10240x128xf32, #tpu.memory_space<hbm>>
      %dma_start3A_76 = arith.constant 0 : i32
      %dma_start3A_77 = tpu.memref_slice %dma_start3A_75[%mul3A_72, %dma_start3A_76] : memref<10240x128xf32, #tpu.memory_space<hbm>> -> memref<640x128xf32, #tpu.memory_space<hbm>>
      %dma_start3A_78 = arith.constant 0 : i32
      %dma_start3A_79 = tpu.memref_slice %arg14[%mul3A_72, %dma_start3A_78] : memref<10304x128xf32, #tpu.memory_space<vmem_shared>> -> memref<640x128xf32, #tpu.memory_space<vmem_shared>>
      tpu.enqueue_dma source(%dma_start3A_79 : memref<640x128xf32, #tpu.memory_space<vmem_shared>>) target(%dma_start3A_77 : memref<640x128xf32, #tpu.memory_space<hbm>>) target_semaphore(%run_scoped3A : memref<!tpu.dma_semaphore, #tpu.memory_space<semaphore_mem>>)
      %dma_wait3A = arith.constant 0 : i32
      %dma_wait3A_80 = arith.constant 0 : i32
      %dma_wait3A_81 = tpu.memref_slice %arg7[%arg0, %dma_wait3A, %dma_wait3A_80] : memref<2x10240x128xf32, #tpu.memory_space<hbm>> -> memref<1x10240x128xf32, #tpu.memory_space<hbm>>
      %dma_wait3A_82 = tpu.memref_squeeze %dma_wait3A_81 : memref<1x10240x128xf32, #tpu.memory_space<hbm>> -> memref<10240x128xf32, #tpu.memory_space<hbm>>
      %dma_wait3A_83 = arith.constant 0 : i32
      %dma_wait3A_84 = tpu.memref_slice %dma_wait3A_82[%mul3A_72, %dma_wait3A_83] : memref<10240x128xf32, #tpu.memory_space<hbm>> -> memref<640x128xf32, #tpu.memory_space<hbm>>
      %dma_wait3A_85 = arith.constant 0 : i32
      %dma_wait3A_86 = tpu.memref_slice %arg14[%mul3A_72, %dma_wait3A_85] : memref<10304x128xf32, #tpu.memory_space<vmem_shared>> -> memref<640x128xf32, #tpu.memory_space<vmem_shared>>
      tpu.wait_dma2 semaphore(%run_scoped3A : memref<!tpu.dma_semaphore, #tpu.memory_space<semaphore_mem>>) src(%dma_wait3A_86 : memref<640x128xf32, #tpu.memory_space<vmem_shared>>) dst(%dma_wait3A_84 : memref<640x128xf32, #tpu.memory_space<hbm>>)
      tpu.yield
    }) : () -> ()
    return
  }
}

#map = affine_map<(d0, d1) -> (0, 0)>
#map1 = affine_map<(d0, d1) -> (0)>
#map2 = affine_map<(d0, d1) -> (0, 0, 0)>
module attributes {stable_mosaic.version = 14 : i64} {
  func.func @conv(%arg0: i32, %arg1: i32, %arg2: memref<81920x128xf32, #tpu.memory_space<hbm>>, %arg3: memref<327680xi32, #tpu.memory_space<hbm>>, %arg4: memref<327680xi32, #tpu.memory_space<hbm>>, %arg5: memref<2x10240x128xf32, #tpu.memory_space<hbm>>, %arg6: memref<4x128xi32, #tpu.memory_space<vmem>>, %arg7: memref<4x128xi32, #tpu.memory_space<vmem>>, %arg8: memref<2x128x128xf32, #tpu.memory_space<vmem>>, %arg9: memref<64x128xf32, #tpu.memory_space<vmem>>, %arg10: memref<10304x128xf32, #tpu.memory_space<vmem_shared>>, %arg11: memref<!tpu.dma_semaphore, #tpu.memory_space<semaphore_mem>>, %arg12: memref<!tpu.dma_semaphore, #tpu.memory_space<semaphore_mem>>, %arg13: memref<!tpu.dma_semaphore, #tpu.memory_space<semaphore_mem>>) attributes {dimension_semantics = [#tpu.dimension_semantics<core_parallel>, #tpu.dimension_semantics<subcore_parallel>], iteration_bounds = array<i64: 2, 16>, scalar_prefetch = 0 : i64, scratch_operands = 8 : i64, tpu.core_type = #tpu.core_type<sc_vector_subcore>, window_params = [{transform_indices = #map}, {transform_indices = #map1}, {transform_indices = #map1}, {transform_indices = #map2}]} {
    %mul3A = arith.constant 1280 : i32
    %mul3A_0 = arith.muli %arg0, %mul3A : i32
    %mul3A_1 = arith.constant 80 : i32
    %mul3A_2 = arith.muli %arg1, %mul3A_1 : i32
    %add3A = arith.addi %mul3A_0, %mul3A_2 : i32
    %broadcast_in_dim3A = arith.constant 0.000000e+00 : f32
    %broadcast_in_dim3A_3 = vector.broadcast %broadcast_in_dim3A : f32 to vector<16xf32>
    %scan3A = arith.constant 0 : i32
    %scan3A_4 = arith.constant 0 : i32
    %scan3A_5 = arith.constant 512 : i32
    %scan3A_6 = arith.addi %scan3A_4, %scan3A_5 : i32
    %scan3A_7 = arith.constant 1 : i32
    %scan3A_8 = scf.for %scan3A_144 = %scan3A_4 to %scan3A_6 step %scan3A_7 iter_args(%scan3A_145 = %scan3A) -> (i32)  : i32 {
      %jit3A = arith.constant 8 : i32
      %div3A = arith.divsi %scan3A_144, %jit3A : i32
      %sign3A = arith.constant 0 : i32
      %sign3A_146 = arith.cmpi sgt, %scan3A_144, %sign3A : i32
      %sign3A_147 = arith.extui %sign3A_146 : i1 to i32
      %sign3A_148 = arith.constant 0 : i32
      %sign3A_149 = arith.cmpi slt, %scan3A_144, %sign3A_148 : i32
      %sign3A_150 = arith.extui %sign3A_149 : i1 to i32
      %sign3A_151 = arith.subi %sign3A_147, %sign3A_150 : i32
      %sign3A_152 = arith.constant 0 : i32
      %sign3A_153 = arith.cmpi sgt, %jit3A, %sign3A_152 : i32
      %sign3A_154 = arith.extui %sign3A_153 : i1 to i32
      %sign3A_155 = arith.constant 0 : i32
      %sign3A_156 = arith.cmpi slt, %jit3A, %sign3A_155 : i32
      %sign3A_157 = arith.extui %sign3A_156 : i1 to i32
      %sign3A_158 = arith.subi %sign3A_154, %sign3A_157 : i32
      %ne3A = arith.cmpi ne, %sign3A_151, %sign3A_158 : i32
      %rem3A_159 = arith.remsi %scan3A_144, %jit3A : i32
      %ne3A_160 = arith.constant 0 : i32
      %ne3A_161 = arith.cmpi ne, %rem3A_159, %ne3A_160 : i32
      %and3A = arith.andi %ne3A, %ne3A_161 : i1
      %sub3A = arith.constant 1 : i32
      %sub3A_162 = arith.subi %div3A, %sub3A : i32
      %select_n3A = arith.select %and3A, %sub3A_162, %div3A : i32
      %jit3A_163 = arith.constant 8 : i32
      %eq3A_164 = arith.constant 0 : i32
      %eq3A_165 = arith.cmpi eq, %jit3A_163, %eq3A_164 : i32
      %jit3A_166 = arith.constant 1 : i32
      %select_n3A_167 = arith.select %eq3A_165, %jit3A_166, %jit3A_163 : i32
      %rem3A_168 = arith.remsi %scan3A_144, %select_n3A_167 : i32
      %ne3A_169 = arith.constant 0 : i32
      %ne3A_170 = arith.cmpi ne, %rem3A_168, %ne3A_169 : i32
      %lt3A = arith.constant 0 : i32
      %lt3A_171 = arith.cmpi slt, %rem3A_168, %lt3A : i32
      %lt3A_172 = arith.constant 0 : i32
      %lt3A_173 = arith.cmpi slt, %select_n3A_167, %lt3A_172 : i32
      %ne3A_174 = arith.xori %lt3A_171, %lt3A_173 : i1
      %and3A_175 = arith.andi %ne3A_174, %ne3A_170 : i1
      %add3A_176 = arith.addi %rem3A_168, %select_n3A_167 : i32
      %select_n3A_177 = arith.select %and3A_175, %add3A_176, %rem3A_168 : i32
      %mul3A_178 = arith.constant 16 : i32
      %mul3A_179 = arith.muli %select_n3A_177, %mul3A_178 : i32
      %swap3A = arith.index_cast %select_n3A : i32 to index
      %swap3A_180 = arith.index_cast %mul3A_179 : i32 to index
      %swap3A_181 = tpu.vector_load %arg9[%swap3A, %swap3A_180] {strides = array<i32>} : memref<64x128xf32, #tpu.memory_space<vmem>>, vector<1x16xf32>,
      %swap3A_182 = vector.shape_cast %swap3A_181 : vector<1x16xf32> to vector<16xf32>
      %swap3A_183 = vector.shape_cast %broadcast_in_dim3A_3 : vector<16xf32> to vector<1x16xf32>
      tpu.vector_store %arg9[%swap3A, %swap3A_180], %swap3A_183 {strides = array<i32>} : memref<64x128xf32, #tpu.memory_space<vmem>>, vector<1x16xf32>,
      %scan3A_184 = arith.constant 0 : i32
      scf.yield %scan3A_184 : i32
    }
    %scan3A_9 = arith.constant 512 : i32
    %scan3A_10 = arith.constant 0 : i32
    %scan3A_11 = arith.constant 0 : i32
    %scan3A_12 = arith.constant 10 : i32
    %scan3A_13 = arith.addi %scan3A_11, %scan3A_12 : i32
    %scan3A_14 = arith.constant 1 : i32
    %scan3A_15 = scf.for %scan3A_144 = %scan3A_11 to %scan3A_13 step %scan3A_14 iter_args(%scan3A_145 = %scan3A_10) -> (i32)  : i32 {
      %mul3A_146 = arith.constant 640 : i32
      %mul3A_147 = arith.muli %arg1, %mul3A_146 : i32
      %mul3A_148 = arith.constant 64 : i32
      %mul3A_149 = arith.muli %scan3A_144, %mul3A_148 : i32
      %add3A_150 = arith.addi %mul3A_147, %mul3A_149 : i32
      "tpu.region"() ({
        %run_scoped3A = tpu.sem_alloc : memref<!tpu.dma_semaphore, #tpu.memory_space<semaphore_mem>>
        %dma_start3A_152 = arith.constant 0 : i32
        %dma_start3A_153 = tpu.memref_slice %arg10[%add3A_150, %dma_start3A_152] : memref<10304x128xf32, #tpu.memory_space<vmem_shared>> -> memref<64x128xf32, #tpu.memory_space<vmem_shared>>
        %dma_start3A_154 = arith.constant 0 : i32
        %dma_start3A_155 = tpu.memref_slice %arg10[%add3A_150, %dma_start3A_154] : memref<10304x128xf32, #tpu.memory_space<vmem_shared>> -> memref<64x128xf32, #tpu.memory_space<vmem_shared>>
        tpu.enqueue_dma source(%arg9 : memref<64x128xf32, #tpu.memory_space<vmem>>) target(%dma_start3A_155 : memref<64x128xf32, #tpu.memory_space<vmem_shared>>) target_semaphore(%run_scoped3A : memref<!tpu.dma_semaphore, #tpu.memory_space<semaphore_mem>>)
        %dma_wait3A_156 = arith.constant 0 : i32
        %dma_wait3A_157 = tpu.memref_slice %arg10[%add3A_150, %dma_wait3A_156] : memref<10304x128xf32, #tpu.memory_space<vmem_shared>> -> memref<64x128xf32, #tpu.memory_space<vmem_shared>>
        %dma_wait3A_158 = arith.constant 0 : i32
        %dma_wait3A_159 = tpu.memref_slice %arg10[%add3A_150, %dma_wait3A_158] : memref<10304x128xf32, #tpu.memory_space<vmem_shared>> -> memref<64x128xf32, #tpu.memory_space<vmem_shared>>
        tpu.wait_dma2 semaphore(%run_scoped3A : memref<!tpu.dma_semaphore, #tpu.memory_space<semaphore_mem>>) src(%arg9 : memref<64x128xf32, #tpu.memory_space<vmem>>) dst(%dma_wait3A_159 : memref<64x128xf32, #tpu.memory_space<vmem_shared>>)
        tpu.yield
      }) : () -> ()
      %scan3A_151 = arith.constant 0 : i32
      scf.yield %scan3A_151 : i32
    }
    %scan3A_16 = arith.constant 10 : i32
    %eq3A = arith.constant 0 : i32
    %eq3A_17 = arith.cmpi eq, %arg1, %eq3A : i32
    %convert_element_type3A = arith.extui %eq3A_17 : i1 to i32
    %cond3A = arith.constant 0 : i32
    %cond3A_18 = arith.cmpi ne, %convert_element_type3A, %cond3A : i32
    scf.if %cond3A_18 {
      "tpu.region"() ({
        %run_scoped3A = tpu.sem_alloc : memref<!tpu.dma_semaphore, #tpu.memory_space<semaphore_mem>>
        %dma_start3A_144 = arith.constant 10240 : i32
        %dma_start3A_145 = arith.constant 0 : i32
        %dma_start3A_146 = tpu.memref_slice %arg10[%dma_start3A_144, %dma_start3A_145] : memref<10304x128xf32, #tpu.memory_space<vmem_shared>> -> memref<64x128xf32, #tpu.memory_space<vmem_shared>>
        %dma_start3A_147 = arith.constant 10240 : i32
        %dma_start3A_148 = arith.constant 0 : i32
        %dma_start3A_149 = tpu.memref_slice %arg10[%dma_start3A_147, %dma_start3A_148] : memref<10304x128xf32, #tpu.memory_space<vmem_shared>> -> memref<64x128xf32, #tpu.memory_space<vmem_shared>>
        tpu.enqueue_dma source(%arg9 : memref<64x128xf32, #tpu.memory_space<vmem>>) target(%dma_start3A_149 : memref<64x128xf32, #tpu.memory_space<vmem_shared>>) target_semaphore(%run_scoped3A : memref<!tpu.dma_semaphore, #tpu.memory_space<semaphore_mem>>)
        %dma_wait3A_150 = arith.constant 10240 : i32
        %dma_wait3A_151 = arith.constant 0 : i32
        %dma_wait3A_152 = tpu.memref_slice %arg10[%dma_wait3A_150, %dma_wait3A_151] : memref<10304x128xf32, #tpu.memory_space<vmem_shared>> -> memref<64x128xf32, #tpu.memory_space<vmem_shared>>
        %dma_wait3A_153 = arith.constant 10240 : i32
        %dma_wait3A_154 = arith.constant 0 : i32
        %dma_wait3A_155 = tpu.memref_slice %arg10[%dma_wait3A_153, %dma_wait3A_154] : memref<10304x128xf32, #tpu.memory_space<vmem_shared>> -> memref<64x128xf32, #tpu.memory_space<vmem_shared>>
        tpu.wait_dma2 semaphore(%run_scoped3A : memref<!tpu.dma_semaphore, #tpu.memory_space<semaphore_mem>>) src(%arg9 : memref<64x128xf32, #tpu.memory_space<vmem>>) dst(%dma_wait3A_155 : memref<64x128xf32, #tpu.memory_space<vmem_shared>>)
        tpu.yield
      }) : () -> ()
    } else {
    }
    %barrier3A = arith.constant 0 : index
    tpu.barrier barrier_id(%barrier3A)
    %add3A_19 = arith.constant 0 : i32
    %add3A_20 = arith.addi %add3A, %add3A_19 : i32
    %mul3A_21 = arith.constant 128 : i32
    %mul3A_22 = arith.muli %add3A_20, %mul3A_21 : i32
    %rem3A = arith.constant 0 : i32
    %rem3A_23 = arith.constant 4 : i32
    %rem3A_24 = arith.remsi %rem3A, %rem3A_23 : i32
    %dma_start3A = arith.constant 0 : i32
    %dma_start3A_25 = tpu.memref_slice %arg6[%rem3A_24, %dma_start3A] : memref<4x128xi32, #tpu.memory_space<vmem>> -> memref<1x128xi32, #tpu.memory_space<vmem>>
    %dma_start3A_26 = tpu.memref_squeeze %dma_start3A_25 : memref<1x128xi32, #tpu.memory_space<vmem>> -> memref<128xi32, #tpu.memory_space<vmem>>
    %dma_start3A_27 = tpu.memref_slice %arg3[%mul3A_22] : memref<327680xi32, #tpu.memory_space<hbm>> -> memref<128xi32, #tpu.memory_space<hbm>>
    %dma_start3A_28 = arith.constant 0 : i32
    %dma_start3A_29 = tpu.memref_slice %arg6[%rem3A_24, %dma_start3A_28] : memref<4x128xi32, #tpu.memory_space<vmem>> -> memref<1x128xi32, #tpu.memory_space<vmem>>
    %dma_start3A_30 = tpu.memref_squeeze %dma_start3A_29 : memref<1x128xi32, #tpu.memory_space<vmem>> -> memref<128xi32, #tpu.memory_space<vmem>>
    %dma_start3A_31 = tpu.memref_slice %arg3[%mul3A_22] : memref<327680xi32, #tpu.memory_space<hbm>> -> memref<128xi32, #tpu.memory_space<hbm>>
    tpu.enqueue_dma source(%dma_start3A_31 : memref<128xi32, #tpu.memory_space<hbm>>) target(%dma_start3A_30 : memref<128xi32, #tpu.memory_space<vmem>>) target_semaphore(%arg13 : memref<!tpu.dma_semaphore, #tpu.memory_space<semaphore_mem>>)
    %dma_start3A_32 = arith.constant 0 : i32
    %dma_start3A_33 = tpu.memref_slice %arg7[%rem3A_24, %dma_start3A_32] : memref<4x128xi32, #tpu.memory_space<vmem>> -> memref<1x128xi32, #tpu.memory_space<vmem>>
    %dma_start3A_34 = tpu.memref_squeeze %dma_start3A_33 : memref<1x128xi32, #tpu.memory_space<vmem>> -> memref<128xi32, #tpu.memory_space<vmem>>
    %dma_start3A_35 = tpu.memref_slice %arg4[%mul3A_22] : memref<327680xi32, #tpu.memory_space<hbm>> -> memref<128xi32, #tpu.memory_space<hbm>>
    %dma_start3A_36 = arith.constant 0 : i32
    %dma_start3A_37 = tpu.memref_slice %arg7[%rem3A_24, %dma_start3A_36] : memref<4x128xi32, #tpu.memory_space<vmem>> -> memref<1x128xi32, #tpu.memory_space<vmem>>
    %dma_start3A_38 = tpu.memref_squeeze %dma_start3A_37 : memref<1x128xi32, #tpu.memory_space<vmem>> -> memref<128xi32, #tpu.memory_space<vmem>>
    %dma_start3A_39 = tpu.memref_slice %arg4[%mul3A_22] : memref<327680xi32, #tpu.memory_space<hbm>> -> memref<128xi32, #tpu.memory_space<hbm>>
    tpu.enqueue_dma source(%dma_start3A_39 : memref<128xi32, #tpu.memory_space<hbm>>) target(%dma_start3A_38 : memref<128xi32, #tpu.memory_space<vmem>>) target_semaphore(%arg13 : memref<!tpu.dma_semaphore, #tpu.memory_space<semaphore_mem>>)
    %add3A_40 = arith.constant 1 : i32
    %add3A_41 = arith.addi %add3A, %add3A_40 : i32
    %mul3A_42 = arith.constant 128 : i32
    %mul3A_43 = arith.muli %add3A_41, %mul3A_42 : i32
    %rem3A_44 = arith.constant 1 : i32
    %rem3A_45 = arith.constant 4 : i32
    %rem3A_46 = arith.remsi %rem3A_44, %rem3A_45 : i32
    %dma_start3A_47 = arith.constant 0 : i32
    %dma_start3A_48 = tpu.memref_slice %arg6[%rem3A_46, %dma_start3A_47] : memref<4x128xi32, #tpu.memory_space<vmem>> -> memref<1x128xi32, #tpu.memory_space<vmem>>
    %dma_start3A_49 = tpu.memref_squeeze %dma_start3A_48 : memref<1x128xi32, #tpu.memory_space<vmem>> -> memref<128xi32, #tpu.memory_space<vmem>>
    %dma_start3A_50 = tpu.memref_slice %arg3[%mul3A_43] : memref<327680xi32, #tpu.memory_space<hbm>> -> memref<128xi32, #tpu.memory_space<hbm>>
    %dma_start3A_51 = arith.constant 0 : i32
    %dma_start3A_52 = tpu.memref_slice %arg6[%rem3A_46, %dma_start3A_51] : memref<4x128xi32, #tpu.memory_space<vmem>> -> memref<1x128xi32, #tpu.memory_space<vmem>>
    %dma_start3A_53 = tpu.memref_squeeze %dma_start3A_52 : memref<1x128xi32, #tpu.memory_space<vmem>> -> memref<128xi32, #tpu.memory_space<vmem>>
    %dma_start3A_54 = tpu.memref_slice %arg3[%mul3A_43] : memref<327680xi32, #tpu.memory_space<hbm>> -> memref<128xi32, #tpu.memory_space<hbm>>
    tpu.enqueue_dma source(%dma_start3A_54 : memref<128xi32, #tpu.memory_space<hbm>>) target(%dma_start3A_53 : memref<128xi32, #tpu.memory_space<vmem>>) target_semaphore(%arg13 : memref<!tpu.dma_semaphore, #tpu.memory_space<semaphore_mem>>)
    %dma_start3A_55 = arith.constant 0 : i32
    %dma_start3A_56 = tpu.memref_slice %arg7[%rem3A_46, %dma_start3A_55] : memref<4x128xi32, #tpu.memory_space<vmem>> -> memref<1x128xi32, #tpu.memory_space<vmem>>
    %dma_start3A_57 = tpu.memref_squeeze %dma_start3A_56 : memref<1x128xi32, #tpu.memory_space<vmem>> -> memref<128xi32, #tpu.memory_space<vmem>>
    %dma_start3A_58 = tpu.memref_slice %arg4[%mul3A_43] : memref<327680xi32, #tpu.memory_space<hbm>> -> memref<128xi32, #tpu.memory_space<hbm>>
    %dma_start3A_59 = arith.constant 0 : i32
    %dma_start3A_60 = tpu.memref_slice %arg7[%rem3A_46, %dma_start3A_59] : memref<4x128xi32, #tpu.memory_space<vmem>> -> memref<1x128xi32, #tpu.memory_space<vmem>>
    %dma_start3A_61 = tpu.memref_squeeze %dma_start3A_60 : memref<1x128xi32, #tpu.memory_space<vmem>> -> memref<128xi32, #tpu.memory_space<vmem>>
    %dma_start3A_62 = tpu.memref_slice %arg4[%mul3A_43] : memref<327680xi32, #tpu.memory_space<hbm>> -> memref<128xi32, #tpu.memory_space<hbm>>
    tpu.enqueue_dma source(%dma_start3A_62 : memref<128xi32, #tpu.memory_space<hbm>>) target(%dma_start3A_61 : memref<128xi32, #tpu.memory_space<vmem>>) target_semaphore(%arg13 : memref<!tpu.dma_semaphore, #tpu.memory_space<semaphore_mem>>)
    %add3A_63 = arith.constant 2 : i32
    %add3A_64 = arith.addi %add3A, %add3A_63 : i32
    %mul3A_65 = arith.constant 128 : i32
    %mul3A_66 = arith.muli %add3A_64, %mul3A_65 : i32
    %rem3A_67 = arith.constant 2 : i32
    %rem3A_68 = arith.constant 4 : i32
    %rem3A_69 = arith.remsi %rem3A_67, %rem3A_68 : i32
    %dma_start3A_70 = arith.constant 0 : i32
    %dma_start3A_71 = tpu.memref_slice %arg6[%rem3A_69, %dma_start3A_70] : memref<4x128xi32, #tpu.memory_space<vmem>> -> memref<1x128xi32, #tpu.memory_space<vmem>>
    %dma_start3A_72 = tpu.memref_squeeze %dma_start3A_71 : memref<1x128xi32, #tpu.memory_space<vmem>> -> memref<128xi32, #tpu.memory_space<vmem>>
    %dma_start3A_73 = tpu.memref_slice %arg3[%mul3A_66] : memref<327680xi32, #tpu.memory_space<hbm>> -> memref<128xi32, #tpu.memory_space<hbm>>
    %dma_start3A_74 = arith.constant 0 : i32
    %dma_start3A_75 = tpu.memref_slice %arg6[%rem3A_69, %dma_start3A_74] : memref<4x128xi32, #tpu.memory_space<vmem>> -> memref<1x128xi32, #tpu.memory_space<vmem>>
    %dma_start3A_76 = tpu.memref_squeeze %dma_start3A_75 : memref<1x128xi32, #tpu.memory_space<vmem>> -> memref<128xi32, #tpu.memory_space<vmem>>
    %dma_start3A_77 = tpu.memref_slice %arg3[%mul3A_66] : memref<327680xi32, #tpu.memory_space<hbm>> -> memref<128xi32, #tpu.memory_space<hbm>>
    tpu.enqueue_dma source(%dma_start3A_77 : memref<128xi32, #tpu.memory_space<hbm>>) target(%dma_start3A_76 : memref<128xi32, #tpu.memory_space<vmem>>) target_semaphore(%arg13 : memref<!tpu.dma_semaphore, #tpu.memory_space<semaphore_mem>>)
    %dma_start3A_78 = arith.constant 0 : i32
    %dma_start3A_79 = tpu.memref_slice %arg7[%rem3A_69, %dma_start3A_78] : memref<4x128xi32, #tpu.memory_space<vmem>> -> memref<1x128xi32, #tpu.memory_space<vmem>>
    %dma_start3A_80 = tpu.memref_squeeze %dma_start3A_79 : memref<1x128xi32, #tpu.memory_space<vmem>> -> memref<128xi32, #tpu.memory_space<vmem>>
    %dma_start3A_81 = tpu.memref_slice %arg4[%mul3A_66] : memref<327680xi32, #tpu.memory_space<hbm>> -> memref<128xi32, #tpu.memory_space<hbm>>
    %dma_start3A_82 = arith.constant 0 : i32
    %dma_start3A_83 = tpu.memref_slice %arg7[%rem3A_69, %dma_start3A_82] : memref<4x128xi32, #tpu.memory_space<vmem>> -> memref<1x128xi32, #tpu.memory_space<vmem>>
    %dma_start3A_84 = tpu.memref_squeeze %dma_start3A_83 : memref<1x128xi32, #tpu.memory_space<vmem>> -> memref<128xi32, #tpu.memory_space<vmem>>
    %dma_start3A_85 = tpu.memref_slice %arg4[%mul3A_66] : memref<327680xi32, #tpu.memory_space<hbm>> -> memref<128xi32, #tpu.memory_space<hbm>>
    tpu.enqueue_dma source(%dma_start3A_85 : memref<128xi32, #tpu.memory_space<hbm>>) target(%dma_start3A_84 : memref<128xi32, #tpu.memory_space<vmem>>) target_semaphore(%arg13 : memref<!tpu.dma_semaphore, #tpu.memory_space<semaphore_mem>>)
    %dma_wait3A = arith.constant 0 : i32
    %dma_wait3A_86 = arith.constant 0 : i32
    %dma_wait3A_87 = tpu.memref_slice %arg6[%dma_wait3A, %dma_wait3A_86] : memref<4x128xi32, #tpu.memory_space<vmem>> -> memref<1x128xi32, #tpu.memory_space<vmem>>
    %dma_wait3A_88 = tpu.memref_squeeze %dma_wait3A_87 : memref<1x128xi32, #tpu.memory_space<vmem>> -> memref<128xi32, #tpu.memory_space<vmem>>
    %dma_wait3A_89 = arith.constant 0 : i32
    %dma_wait3A_90 = tpu.memref_slice %arg3[%dma_wait3A_89] : memref<327680xi32, #tpu.memory_space<hbm>> -> memref<128xi32, #tpu.memory_space<hbm>>
    %dma_wait3A_91 = arith.constant 0 : i32
    %dma_wait3A_92 = tpu.memref_slice %arg6[%dma_wait3A, %dma_wait3A_91] : memref<4x128xi32, #tpu.memory_space<vmem>> -> memref<1x128xi32, #tpu.memory_space<vmem>>
    %dma_wait3A_93 = tpu.memref_squeeze %dma_wait3A_92 : memref<1x128xi32, #tpu.memory_space<vmem>> -> memref<128xi32, #tpu.memory_space<vmem>>
    %dma_wait3A_94 = arith.constant 0 : i32
    %dma_wait3A_95 = tpu.memref_slice %arg3[%dma_wait3A_94] : memref<327680xi32, #tpu.memory_space<hbm>> -> memref<128xi32, #tpu.memory_space<hbm>>
    tpu.wait_dma2 semaphore(%arg13 : memref<!tpu.dma_semaphore, #tpu.memory_space<semaphore_mem>>) src(%dma_wait3A_95 : memref<128xi32, #tpu.memory_space<hbm>>) dst(%dma_wait3A_93 : memref<128xi32, #tpu.memory_space<vmem>>)
    %dma_wait3A_96 = arith.constant 0 : i32
    %dma_wait3A_97 = arith.constant 0 : i32
    %dma_wait3A_98 = tpu.memref_slice %arg7[%dma_wait3A_96, %dma_wait3A_97] : memref<4x128xi32, #tpu.memory_space<vmem>> -> memref<1x128xi32, #tpu.memory_space<vmem>>
    %dma_wait3A_99 = tpu.memref_squeeze %dma_wait3A_98 : memref<1x128xi32, #tpu.memory_space<vmem>> -> memref<128xi32, #tpu.memory_space<vmem>>
    %dma_wait3A_100 = arith.constant 0 : i32
    %dma_wait3A_101 = tpu.memref_slice %arg4[%dma_wait3A_100] : memref<327680xi32, #tpu.memory_space<hbm>> -> memref<128xi32, #tpu.memory_space<hbm>>
    %dma_wait3A_102 = arith.constant 0 : i32
    %dma_wait3A_103 = tpu.memref_slice %arg7[%dma_wait3A_96, %dma_wait3A_102] : memref<4x128xi32, #tpu.memory_space<vmem>> -> memref<1x128xi32, #tpu.memory_space<vmem>>
    %dma_wait3A_104 = tpu.memref_squeeze %dma_wait3A_103 : memref<1x128xi32, #tpu.memory_space<vmem>> -> memref<128xi32, #tpu.memory_space<vmem>>
    %dma_wait3A_105 = arith.constant 0 : i32
    %dma_wait3A_106 = tpu.memref_slice %arg4[%dma_wait3A_105] : memref<327680xi32, #tpu.memory_space<hbm>> -> memref<128xi32, #tpu.memory_space<hbm>>
    tpu.wait_dma2 semaphore(%arg13 : memref<!tpu.dma_semaphore, #tpu.memory_space<semaphore_mem>>) src(%dma_wait3A_106 : memref<128xi32, #tpu.memory_space<hbm>>) dst(%dma_wait3A_104 : memref<128xi32, #tpu.memory_space<vmem>>)
    %dma_start3A_107 = arith.constant 0 : i32
    %dma_start3A_108 = arith.constant 0 : i32
    %dma_start3A_109 = arith.constant 0 : i32
    %dma_start3A_110 = arith.constant 0 : i32
    %dma_start3A_111 = tpu.memref_slice %arg8[%dma_start3A_108, %dma_start3A_109, %dma_start3A_110] : memref<2x128x128xf32, #tpu.memory_space<vmem>> -> memref<1x128x128xf32, #tpu.memory_space<vmem>>
    %dma_start3A_112 = tpu.memref_squeeze %dma_start3A_111 : memref<1x128x128xf32, #tpu.memory_space<vmem>> -> memref<128x128xf32, #tpu.memory_space<vmem>>
    %dma_start3A_113 = arith.constant 0 : i32
    %dma_start3A_114 = tpu.memref_slice %arg6[%dma_start3A_107, %dma_start3A_113] : memref<4x128xi32, #tpu.memory_space<vmem>> -> memref<1x128xi32, #tpu.memory_space<vmem>>
    %dma_start3A_115 = tpu.memref_squeeze %dma_start3A_114 : memref<1x128xi32, #tpu.memory_space<vmem>> -> memref<128xi32, #tpu.memory_space<vmem>>
    %dma_start3A_116 = arith.constant 0 : i32
    %dma_start3A_117 = arith.constant 0 : i32
    %dma_start3A_118 = tpu.memref_slice %arg2[%dma_start3A_116, %dma_start3A_117] : memref<81920x128xf32, #tpu.memory_space<hbm>> -> memref<81920x128xf32, #tpu.memory_space<hbm>>
    tpu.enqueue_indirect_dma source(%dma_start3A_118 : memref<81920x128xf32, #tpu.memory_space<hbm>>) target(%dma_start3A_112 : memref<128x128xf32, #tpu.memory_space<vmem>>) offsets(%dma_start3A_115 : memref<128xi32, #tpu.memory_space<vmem>>) semaphore(%arg11 : memref<!tpu.dma_semaphore, #tpu.memory_space<semaphore_mem>>)
    %scan3A_119 = arith.constant 0 : i32
    %scan3A_120 = arith.constant 0 : i32
    %scan3A_121 = arith.constant 80 : i32
    %scan3A_122 = arith.addi %scan3A_120, %scan3A_121 : i32
    %scan3A_123 = arith.constant 1 : i32
    %scan3A_124 = scf.for %scan3A_144 = %scan3A_120 to %scan3A_122 step %scan3A_123 iter_args(%scan3A_145 = %scan3A_119) -> (i32)  : i32 {
      %rem3A_146 = arith.constant 2 : i32
      %rem3A_147 = arith.remsi %scan3A_144, %rem3A_146 : i32
      %add3A_148 = arith.constant 1 : i32
      %add3A_149 = arith.addi %scan3A_144, %add3A_148 : i32
      %rem3A_150 = arith.constant 2 : i32
      %rem3A_151 = arith.remsi %add3A_149, %rem3A_150 : i32
      %ge3A = arith.constant 1 : i32
      %ge3A_152 = arith.cmpi sge, %scan3A_144, %ge3A : i32
      %convert_element_type3A_153 = arith.extui %ge3A_152 : i1 to i32
      %cond3A_154 = arith.constant 0 : i32
      %cond3A_155 = arith.cmpi ne, %convert_element_type3A_153, %cond3A_154 : i32
      scf.if %cond3A_155 {
        %dma_wait3A_194 = arith.constant 0 : i32
        %dma_wait3A_195 = arith.constant 0 : i32
        %dma_wait3A_196 = arith.constant 0 : i32
        %dma_wait3A_197 = tpu.memref_slice %arg8[%dma_wait3A_194, %dma_wait3A_195, %dma_wait3A_196] : memref<2x128x128xf32, #tpu.memory_space<vmem>> -> memref<1x128x128xf32, #tpu.memory_space<vmem>>
        %dma_wait3A_198 = tpu.memref_squeeze %dma_wait3A_197 : memref<1x128x128xf32, #tpu.memory_space<vmem>> -> memref<128x128xf32, #tpu.memory_space<vmem>>
        %dma_wait3A_199 = arith.constant 0 : i32
        %dma_wait3A_200 = arith.constant 0 : i32
        %dma_wait3A_201 = tpu.memref_slice %arg10[%dma_wait3A_199, %dma_wait3A_200] : memref<10304x128xf32, #tpu.memory_space<vmem_shared>> -> memref<128x128xf32, #tpu.memory_space<vmem_shared>>
        %dma_wait3A_202 = arith.constant 0 : i32
        %dma_wait3A_203 = arith.constant 0 : i32
        %dma_wait3A_204 = tpu.memref_slice %arg10[%dma_wait3A_202, %dma_wait3A_203] : memref<10304x128xf32, #tpu.memory_space<vmem_shared>> -> memref<128x128xf32, #tpu.memory_space<vmem_shared>>
        %dma_wait3A_205 = arith.constant 0 : i32
        %dma_wait3A_206 = arith.constant 0 : i32
        %dma_wait3A_207 = tpu.memref_slice %arg8[%dma_wait3A_194, %dma_wait3A_205, %dma_wait3A_206] : memref<2x128x128xf32, #tpu.memory_space<vmem>> -> memref<1x128x128xf32, #tpu.memory_space<vmem>>
        %dma_wait3A_208 = tpu.memref_squeeze %dma_wait3A_207 : memref<1x128x128xf32, #tpu.memory_space<vmem>> -> memref<128x128xf32, #tpu.memory_space<vmem>>
        tpu.wait_dma2 semaphore(%arg12 : memref<!tpu.dma_semaphore, #tpu.memory_space<semaphore_mem>>) src(%dma_wait3A_208 : memref<128x128xf32, #tpu.memory_space<vmem>>) dst(%dma_wait3A_204 : memref<128x128xf32, #tpu.memory_space<vmem_shared>>)
      } else {
      }
      %add3A_156 = arith.constant 1 : i32
      %add3A_157 = arith.addi %scan3A_144, %add3A_156 : i32
      %lt3A = arith.constant 80 : i32
      %lt3A_158 = arith.cmpi slt, %add3A_157, %lt3A : i32
      %convert_element_type3A_159 = arith.extui %lt3A_158 : i1 to i32
      %cond3A_160 = arith.constant 0 : i32
      %cond3A_161 = arith.cmpi ne, %convert_element_type3A_159, %cond3A_160 : i32
      scf.if %cond3A_161 {
        %dma_wait3A_194 = arith.constant 0 : i32
        %dma_wait3A_195 = arith.constant 0 : i32
        %dma_wait3A_196 = tpu.memref_slice %arg6[%dma_wait3A_194, %dma_wait3A_195] : memref<4x128xi32, #tpu.memory_space<vmem>> -> memref<1x128xi32, #tpu.memory_space<vmem>>
        %dma_wait3A_197 = tpu.memref_squeeze %dma_wait3A_196 : memref<1x128xi32, #tpu.memory_space<vmem>> -> memref<128xi32, #tpu.memory_space<vmem>>
        %dma_wait3A_198 = arith.constant 0 : i32
        %dma_wait3A_199 = tpu.memref_slice %arg3[%dma_wait3A_198] : memref<327680xi32, #tpu.memory_space<hbm>> -> memref<128xi32, #tpu.memory_space<hbm>>
        %dma_wait3A_200 = arith.constant 0 : i32
        %dma_wait3A_201 = tpu.memref_slice %arg6[%dma_wait3A_194, %dma_wait3A_200] : memref<4x128xi32, #tpu.memory_space<vmem>> -> memref<1x128xi32, #tpu.memory_space<vmem>>
        %dma_wait3A_202 = tpu.memref_squeeze %dma_wait3A_201 : memref<1x128xi32, #tpu.memory_space<vmem>> -> memref<128xi32, #tpu.memory_space<vmem>>
        %dma_wait3A_203 = arith.constant 0 : i32
        %dma_wait3A_204 = tpu.memref_slice %arg3[%dma_wait3A_203] : memref<327680xi32, #tpu.memory_space<hbm>> -> memref<128xi32, #tpu.memory_space<hbm>>
        tpu.wait_dma2 semaphore(%arg13 : memref<!tpu.dma_semaphore, #tpu.memory_space<semaphore_mem>>) src(%dma_wait3A_204 : memref<128xi32, #tpu.memory_space<hbm>>) dst(%dma_wait3A_202 : memref<128xi32, #tpu.memory_space<vmem>>)
        %dma_wait3A_205 = arith.constant 0 : i32
        %dma_wait3A_206 = arith.constant 0 : i32
        %dma_wait3A_207 = tpu.memref_slice %arg7[%dma_wait3A_205, %dma_wait3A_206] : memref<4x128xi32, #tpu.memory_space<vmem>> -> memref<1x128xi32, #tpu.memory_space<vmem>>
        %dma_wait3A_208 = tpu.memref_squeeze %dma_wait3A_207 : memref<1x128xi32, #tpu.memory_space<vmem>> -> memref<128xi32, #tpu.memory_space<vmem>>
        %dma_wait3A_209 = arith.constant 0 : i32
        %dma_wait3A_210 = tpu.memref_slice %arg4[%dma_wait3A_209] : memref<327680xi32, #tpu.memory_space<hbm>> -> memref<128xi32, #tpu.memory_space<hbm>>
        %dma_wait3A_211 = arith.constant 0 : i32
        %dma_wait3A_212 = tpu.memref_slice %arg7[%dma_wait3A_205, %dma_wait3A_211] : memref<4x128xi32, #tpu.memory_space<vmem>> -> memref<1x128xi32, #tpu.memory_space<vmem>>
        %dma_wait3A_213 = tpu.memref_squeeze %dma_wait3A_212 : memref<1x128xi32, #tpu.memory_space<vmem>> -> memref<128xi32, #tpu.memory_space<vmem>>
        %dma_wait3A_214 = arith.constant 0 : i32
        %dma_wait3A_215 = tpu.memref_slice %arg4[%dma_wait3A_214] : memref<327680xi32, #tpu.memory_space<hbm>> -> memref<128xi32, #tpu.memory_space<hbm>>
        tpu.wait_dma2 semaphore(%arg13 : memref<!tpu.dma_semaphore, #tpu.memory_space<semaphore_mem>>) src(%dma_wait3A_215 : memref<128xi32, #tpu.memory_space<hbm>>) dst(%dma_wait3A_213 : memref<128xi32, #tpu.memory_space<vmem>>)
        %add3A_216 = arith.constant 1 : i32
        %add3A_217 = arith.addi %scan3A_144, %add3A_216 : i32
        %rem3A_218 = arith.constant 4 : i32
        %rem3A_219 = arith.remsi %add3A_217, %rem3A_218 : i32
        %dma_start3A_220 = arith.constant 0 : i32
        %dma_start3A_221 = arith.constant 0 : i32
        %dma_start3A_222 = tpu.memref_slice %arg8[%rem3A_151, %dma_start3A_220, %dma_start3A_221] : memref<2x128x128xf32, #tpu.memory_space<vmem>> -> memref<1x128x128xf32, #tpu.memory_space<vmem>>
        %dma_start3A_223 = tpu.memref_squeeze %dma_start3A_222 : memref<1x128x128xf32, #tpu.memory_space<vmem>> -> memref<128x128xf32, #tpu.memory_space<vmem>>
        %dma_start3A_224 = arith.constant 0 : i32
        %dma_start3A_225 = tpu.memref_slice %arg6[%rem3A_219, %dma_start3A_224] : memref<4x128xi32, #tpu.memory_space<vmem>> -> memref<1x128xi32, #tpu.memory_space<vmem>>
        %dma_start3A_226 = tpu.memref_squeeze %dma_start3A_225 : memref<1x128xi32, #tpu.memory_space<vmem>> -> memref<128xi32, #tpu.memory_space<vmem>>
        %dma_start3A_227 = arith.constant 0 : i32
        %dma_start3A_228 = arith.constant 0 : i32
        %dma_start3A_229 = tpu.memref_slice %arg2[%dma_start3A_227, %dma_start3A_228] : memref<81920x128xf32, #tpu.memory_space<hbm>> -> memref<81920x128xf32, #tpu.memory_space<hbm>>
        tpu.enqueue_indirect_dma source(%dma_start3A_229 : memref<81920x128xf32, #tpu.memory_space<hbm>>) target(%dma_start3A_223 : memref<128x128xf32, #tpu.memory_space<vmem>>) offsets(%dma_start3A_226 : memref<128xi32, #tpu.memory_space<vmem>>) semaphore(%arg11 : memref<!tpu.dma_semaphore, #tpu.memory_space<semaphore_mem>>)
      } else {
      }
      %add3A_162 = arith.constant 3 : i32
      %add3A_163 = arith.addi %scan3A_144, %add3A_162 : i32
      %lt3A_164 = arith.constant 80 : i32
      %lt3A_165 = arith.cmpi slt, %add3A_163, %lt3A_164 : i32
      %convert_element_type3A_166 = arith.extui %lt3A_165 : i1 to i32
      %cond3A_167 = arith.constant 0 : i32
      %cond3A_168 = arith.cmpi ne, %convert_element_type3A_166, %cond3A_167 : i32
      scf.if %cond3A_168 {
        %add3A_194 = arith.constant 3 : i32
        %add3A_195 = arith.addi %scan3A_144, %add3A_194 : i32
        %add3A_196 = arith.addi %add3A, %add3A_195 : i32
        %mul3A_197 = arith.constant 128 : i32
        %mul3A_198 = arith.muli %add3A_196, %mul3A_197 : i32
        %rem3A_199 = arith.constant 4 : i32
        %rem3A_200 = arith.remsi %add3A_195, %rem3A_199 : i32
        %dma_start3A_201 = arith.constant 0 : i32
        %dma_start3A_202 = tpu.memref_slice %arg6[%rem3A_200, %dma_start3A_201] : memref<4x128xi32, #tpu.memory_space<vmem>> -> memref<1x128xi32, #tpu.memory_space<vmem>>
        %dma_start3A_203 = tpu.memref_squeeze %dma_start3A_202 : memref<1x128xi32, #tpu.memory_space<vmem>> -> memref<128xi32, #tpu.memory_space<vmem>>
        %dma_start3A_204 = tpu.memref_slice %arg3[%mul3A_198] : memref<327680xi32, #tpu.memory_space<hbm>> -> memref<128xi32, #tpu.memory_space<hbm>>
        %dma_start3A_205 = arith.constant 0 : i32
        %dma_start3A_206 = tpu.memref_slice %arg6[%rem3A_200, %dma_start3A_205] : memref<4x128xi32, #tpu.memory_space<vmem>> -> memref<1x128xi32, #tpu.memory_space<vmem>>
        %dma_start3A_207 = tpu.memref_squeeze %dma_start3A_206 : memref<1x128xi32, #tpu.memory_space<vmem>> -> memref<128xi32, #tpu.memory_space<vmem>>
        %dma_start3A_208 = tpu.memref_slice %arg3[%mul3A_198] : memref<327680xi32, #tpu.memory_space<hbm>> -> memref<128xi32, #tpu.memory_space<hbm>>
        tpu.enqueue_dma source(%dma_start3A_208 : memref<128xi32, #tpu.memory_space<hbm>>) target(%dma_start3A_207 : memref<128xi32, #tpu.memory_space<vmem>>) target_semaphore(%arg13 : memref<!tpu.dma_semaphore, #tpu.memory_space<semaphore_mem>>)
        %dma_start3A_209 = arith.constant 0 : i32
        %dma_start3A_210 = tpu.memref_slice %arg7[%rem3A_200, %dma_start3A_209] : memref<4x128xi32, #tpu.memory_space<vmem>> -> memref<1x128xi32, #tpu.memory_space<vmem>>
        %dma_start3A_211 = tpu.memref_squeeze %dma_start3A_210 : memref<1x128xi32, #tpu.memory_space<vmem>> -> memref<128xi32, #tpu.memory_space<vmem>>
        %dma_start3A_212 = tpu.memref_slice %arg4[%mul3A_198] : memref<327680xi32, #tpu.memory_space<hbm>> -> memref<128xi32, #tpu.memory_space<hbm>>
        %dma_start3A_213 = arith.constant 0 : i32
        %dma_start3A_214 = tpu.memref_slice %arg7[%rem3A_200, %dma_start3A_213] : memref<4x128xi32, #tpu.memory_space<vmem>> -> memref<1x128xi32, #tpu.memory_space<vmem>>
        %dma_start3A_215 = tpu.memref_squeeze %dma_start3A_214 : memref<1x128xi32, #tpu.memory_space<vmem>> -> memref<128xi32, #tpu.memory_space<vmem>>
        %dma_start3A_216 = tpu.memref_slice %arg4[%mul3A_198] : memref<327680xi32, #tpu.memory_space<hbm>> -> memref<128xi32, #tpu.memory_space<hbm>>
        tpu.enqueue_dma source(%dma_start3A_216 : memref<128xi32, #tpu.memory_space<hbm>>) target(%dma_start3A_215 : memref<128xi32, #tpu.memory_space<vmem>>) target_semaphore(%arg13 : memref<!tpu.dma_semaphore, #tpu.memory_space<semaphore_mem>>)
      } else {
      }
      %dma_wait3A_169 = arith.constant 0 : i32
      %dma_wait3A_170 = arith.constant 0 : i32
      %dma_wait3A_171 = arith.constant 0 : i32
      %dma_wait3A_172 = arith.constant 0 : i32
      %dma_wait3A_173 = tpu.memref_slice %arg8[%dma_wait3A_170, %dma_wait3A_171, %dma_wait3A_172] : memref<2x128x128xf32, #tpu.memory_space<vmem>> -> memref<1x128x128xf32, #tpu.memory_space<vmem>>
      %dma_wait3A_174 = tpu.memref_squeeze %dma_wait3A_173 : memref<1x128x128xf32, #tpu.memory_space<vmem>> -> memref<128x128xf32, #tpu.memory_space<vmem>>
      %dma_wait3A_175 = arith.constant 0 : i32
      %dma_wait3A_176 = tpu.memref_slice %arg6[%dma_wait3A_169, %dma_wait3A_175] : memref<4x128xi32, #tpu.memory_space<vmem>> -> memref<1x128xi32, #tpu.memory_space<vmem>>
      %dma_wait3A_177 = tpu.memref_squeeze %dma_wait3A_176 : memref<1x128xi32, #tpu.memory_space<vmem>> -> memref<128xi32, #tpu.memory_space<vmem>>
      %dma_wait3A_178 = arith.constant 0 : i32
      %dma_wait3A_179 = arith.constant 0 : i32
      %dma_wait3A_180 = tpu.memref_slice %arg2[%dma_wait3A_178, %dma_wait3A_179] : memref<81920x128xf32, #tpu.memory_space<hbm>> -> memref<81920x128xf32, #tpu.memory_space<hbm>>
      tpu.wait_indirect_dma semaphore(%arg11 : memref<!tpu.dma_semaphore, #tpu.memory_space<semaphore_mem>>) src(%dma_wait3A_180 : memref<81920x128xf32, #tpu.memory_space<hbm>>) dst(%dma_wait3A_174 : memref<128x128xf32, #tpu.memory_space<vmem>>)
      %rem3A_181 = arith.constant 4 : i32
      %rem3A_182 = arith.remsi %scan3A_144, %rem3A_181 : i32
      %dma_start3A_183 = arith.constant 0 : i32
      %dma_start3A_184 = arith.constant 0 : i32
      %dma_start3A_185 = tpu.memref_slice %arg8[%rem3A_147, %dma_start3A_183, %dma_start3A_184] : memref<2x128x128xf32, #tpu.memory_space<vmem>> -> memref<1x128x128xf32, #tpu.memory_space<vmem>>
      %dma_start3A_186 = tpu.memref_squeeze %dma_start3A_185 : memref<1x128x128xf32, #tpu.memory_space<vmem>> -> memref<128x128xf32, #tpu.memory_space<vmem>>
      %dma_start3A_187 = arith.constant 0 : i32
      %dma_start3A_188 = tpu.memref_slice %arg7[%rem3A_182, %dma_start3A_187] : memref<4x128xi32, #tpu.memory_space<vmem>> -> memref<1x128xi32, #tpu.memory_space<vmem>>
      %dma_start3A_189 = tpu.memref_squeeze %dma_start3A_188 : memref<1x128xi32, #tpu.memory_space<vmem>> -> memref<128xi32, #tpu.memory_space<vmem>>
      %dma_start3A_190 = arith.constant 0 : i32
      %dma_start3A_191 = arith.constant 0 : i32
      %dma_start3A_192 = tpu.memref_slice %arg10[%dma_start3A_190, %dma_start3A_191] : memref<10304x128xf32, #tpu.memory_space<vmem_shared>> -> memref<10304x128xf32, #tpu.memory_space<vmem_shared>>
      tpu.enqueue_indirect_dma source(%dma_start3A_186 : memref<128x128xf32, #tpu.memory_space<vmem>>) target(%dma_start3A_192 : memref<10304x128xf32, #tpu.memory_space<vmem_shared>>) offsets(%dma_start3A_189 : memref<128xi32, #tpu.memory_space<vmem>>) semaphore(%arg12 : memref<!tpu.dma_semaphore, #tpu.memory_space<semaphore_mem>>) {add = true}
      %scan3A_193 = arith.constant 0 : i32
      scf.yield %scan3A_193 : i32
    }
    %scan3A_125 = arith.constant 80 : i32
    %dma_wait3A_126 = arith.constant 0 : i32
    %dma_wait3A_127 = arith.constant 0 : i32
    %dma_wait3A_128 = arith.constant 0 : i32
    %dma_wait3A_129 = tpu.memref_slice %arg8[%dma_wait3A_126, %dma_wait3A_127, %dma_wait3A_128] : memref<2x128x128xf32, #tpu.memory_space<vmem>> -> memref<1x128x128xf32, #tpu.memory_space<vmem>>
    %dma_wait3A_130 = tpu.memref_squeeze %dma_wait3A_129 : memref<1x128x128xf32, #tpu.memory_space<vmem>> -> memref<128x128xf32, #tpu.memory_space<vmem>>
    %dma_wait3A_131 = arith.constant 0 : i32
    %dma_wait3A_132 = arith.constant 0 : i32
    %dma_wait3A_133 = tpu.memref_slice %arg10[%dma_wait3A_131, %dma_wait3A_132] : memref<10304x128xf32, #tpu.memory_space<vmem_shared>> -> memref<128x128xf32, #tpu.memory_space<vmem_shared>>
    %dma_wait3A_134 = arith.constant 0 : i32
    %dma_wait3A_135 = arith.constant 0 : i32
    %dma_wait3A_136 = tpu.memref_slice %arg10[%dma_wait3A_134, %dma_wait3A_135] : memref<10304x128xf32, #tpu.memory_space<vmem_shared>> -> memref<128x128xf32, #tpu.memory_space<vmem_shared>>
    %dma_wait3A_137 = arith.constant 0 : i32
    %dma_wait3A_138 = arith.constant 0 : i32
    %dma_wait3A_139 = tpu.memref_slice %arg8[%dma_wait3A_126, %dma_wait3A_137, %dma_wait3A_138] : memref<2x128x128xf32, #tpu.memory_space<vmem>> -> memref<1x128x128xf32, #tpu.memory_space<vmem>>
    %dma_wait3A_140 = tpu.memref_squeeze %dma_wait3A_139 : memref<1x128x128xf32, #tpu.memory_space<vmem>> -> memref<128x128xf32, #tpu.memory_space<vmem>>
    tpu.wait_dma2 semaphore(%arg12 : memref<!tpu.dma_semaphore, #tpu.memory_space<semaphore_mem>>) src(%dma_wait3A_140 : memref<128x128xf32, #tpu.memory_space<vmem>>) dst(%dma_wait3A_136 : memref<128x128xf32, #tpu.memory_space<vmem_shared>>)
    %barrier3A_141 = arith.constant 0 : index
    tpu.barrier barrier_id(%barrier3A_141)
    %mul3A_142 = arith.constant 640 : i32
    %mul3A_143 = arith.muli %arg1, %mul3A_142 : i32
    "tpu.region"() ({
      %run_scoped3A = tpu.sem_alloc : memref<!tpu.dma_semaphore, #tpu.memory_space<semaphore_mem>>
      %dma_start3A_144 = arith.constant 0 : i32
      %dma_start3A_145 = arith.constant 0 : i32
      %dma_start3A_146 = tpu.memref_slice %arg5[%arg0, %dma_start3A_144, %dma_start3A_145] : memref<2x10240x128xf32, #tpu.memory_space<hbm>> -> memref<1x10240x128xf32, #tpu.memory_space<hbm>>
      %dma_start3A_147 = tpu.memref_squeeze %dma_start3A_146 : memref<1x10240x128xf32, #tpu.memory_space<hbm>> -> memref<10240x128xf32, #tpu.memory_space<hbm>>
      %dma_start3A_148 = arith.constant 0 : i32
      %dma_start3A_149 = tpu.memref_slice %dma_start3A_147[%mul3A_143, %dma_start3A_148] : memref<10240x128xf32, #tpu.memory_space<hbm>> -> memref<640x128xf32, #tpu.memory_space<hbm>>
      %dma_start3A_150 = arith.constant 0 : i32
      %dma_start3A_151 = tpu.memref_slice %arg10[%mul3A_143, %dma_start3A_150] : memref<10304x128xf32, #tpu.memory_space<vmem_shared>> -> memref<640x128xf32, #tpu.memory_space<vmem_shared>>
      tpu.enqueue_dma source(%dma_start3A_151 : memref<640x128xf32, #tpu.memory_space<vmem_shared>>) target(%dma_start3A_149 : memref<640x128xf32, #tpu.memory_space<hbm>>) target_semaphore(%run_scoped3A : memref<!tpu.dma_semaphore, #tpu.memory_space<semaphore_mem>>)
      %dma_wait3A_152 = arith.constant 0 : i32
      %dma_wait3A_153 = arith.constant 0 : i32
      %dma_wait3A_154 = tpu.memref_slice %arg5[%arg0, %dma_wait3A_152, %dma_wait3A_153] : memref<2x10240x128xf32, #tpu.memory_space<hbm>> -> memref<1x10240x128xf32, #tpu.memory_space<hbm>>
      %dma_wait3A_155 = tpu.memref_squeeze %dma_wait3A_154 : memref<1x10240x128xf32, #tpu.memory_space<hbm>> -> memref<10240x128xf32, #tpu.memory_space<hbm>>
      %dma_wait3A_156 = arith.constant 0 : i32
      %dma_wait3A_157 = tpu.memref_slice %dma_wait3A_155[%mul3A_143, %dma_wait3A_156] : memref<10240x128xf32, #tpu.memory_space<hbm>> -> memref<640x128xf32, #tpu.memory_space<hbm>>
      %dma_wait3A_158 = arith.constant 0 : i32
      %dma_wait3A_159 = tpu.memref_slice %arg10[%mul3A_143, %dma_wait3A_158] : memref<10304x128xf32, #tpu.memory_space<vmem_shared>> -> memref<640x128xf32, #tpu.memory_space<vmem_shared>>
      tpu.wait_dma2 semaphore(%run_scoped3A : memref<!tpu.dma_semaphore, #tpu.memory_space<semaphore_mem>>) src(%dma_wait3A_159 : memref<640x128xf32, #tpu.memory_space<vmem_shared>>) dst(%dma_wait3A_157 : memref<640x128xf32, #tpu.memory_space<hbm>>)
      tpu.yield
    }) : () -> ()
    return
  }
}

#map = affine_map<(d0, d1) -> (0, 0)>
#map1 = affine_map<(d0, d1) -> (0)>
#map2 = affine_map<(d0, d1) -> (0, 0, 0)>
module attributes {stable_mosaic.version = 14 : i64} {
  func.func @conv(%arg0: i32, %arg1: i32, %arg2: memref<81920x128xf32, #tpu.memory_space<hbm>>, %arg3: memref<327680xi32, #tpu.memory_space<hbm>>, %arg4: memref<327680xi32, #tpu.memory_space<hbm>>, %arg5: memref<2x10240x128xf32, #tpu.memory_space<hbm>>, %arg6: memref<4x128xi32, #tpu.memory_space<vmem>>, %arg7: memref<4x128xi32, #tpu.memory_space<vmem>>, %arg8: memref<2x128x128xf32, #tpu.memory_space<vmem>>, %arg9: memref<64x128xf32, #tpu.memory_space<vmem>>, %arg10: memref<10304x128xf32, #tpu.memory_space<vmem_shared>>, %arg11: memref<!tpu.dma_semaphore, #tpu.memory_space<semaphore_mem>>, %arg12: memref<!tpu.dma_semaphore, #tpu.memory_space<semaphore_mem>>, %arg13: memref<!tpu.dma_semaphore, #tpu.memory_space<semaphore_mem>>) attributes {dimension_semantics = [#tpu.dimension_semantics<core_parallel>, #tpu.dimension_semantics<subcore_parallel>], iteration_bounds = array<i64: 2, 16>, scalar_prefetch = 0 : i64, scratch_operands = 8 : i64, tpu.core_type = #tpu.core_type<sc_vector_subcore>, window_params = [{transform_indices = #map}, {transform_indices = #map1}, {transform_indices = #map1}, {transform_indices = #map2}]} {
    %mul3A = arith.constant 1280 : i32
    %mul3A_0 = arith.muli %arg0, %mul3A : i32
    %mul3A_1 = arith.constant 80 : i32
    %mul3A_2 = arith.muli %arg1, %mul3A_1 : i32
    %add3A = arith.addi %mul3A_0, %mul3A_2 : i32
    %broadcast_in_dim3A = arith.constant 0.000000e+00 : f32
    %broadcast_in_dim3A_3 = vector.broadcast %broadcast_in_dim3A : f32 to vector<16xf32>
    %scan3A = arith.constant 0 : i32
    %scan3A_4 = arith.constant 0 : i32
    %scan3A_5 = arith.constant 512 : i32
    %scan3A_6 = arith.addi %scan3A_4, %scan3A_5 : i32
    %scan3A_7 = arith.constant 1 : i32
    %scan3A_8 = scf.for %scan3A_144 = %scan3A_4 to %scan3A_6 step %scan3A_7 iter_args(%scan3A_145 = %scan3A) -> (i32)  : i32 {
      %jit3A = arith.constant 8 : i32
      %div3A = arith.divsi %scan3A_144, %jit3A : i32
      %sign3A = arith.constant 0 : i32
      %sign3A_146 = arith.cmpi sgt, %scan3A_144, %sign3A : i32
      %sign3A_147 = arith.extui %sign3A_146 : i1 to i32
      %sign3A_148 = arith.constant 0 : i32
      %sign3A_149 = arith.cmpi slt, %scan3A_144, %sign3A_148 : i32
      %sign3A_150 = arith.extui %sign3A_149 : i1 to i32
      %sign3A_151 = arith.subi %sign3A_147, %sign3A_150 : i32
      %sign3A_152 = arith.constant 0 : i32
      %sign3A_153 = arith.cmpi sgt, %jit3A, %sign3A_152 : i32
      %sign3A_154 = arith.extui %sign3A_153 : i1 to i32
      %sign3A_155 = arith.constant 0 : i32
      %sign3A_156 = arith.cmpi slt, %jit3A, %sign3A_155 : i32
      %sign3A_157 = arith.extui %sign3A_156 : i1 to i32
      %sign3A_158 = arith.subi %sign3A_154, %sign3A_157 : i32
      %ne3A = arith.cmpi ne, %sign3A_151, %sign3A_158 : i32
      %rem3A_159 = arith.remsi %scan3A_144, %jit3A : i32
      %ne3A_160 = arith.constant 0 : i32
      %ne3A_161 = arith.cmpi ne, %rem3A_159, %ne3A_160 : i32
      %and3A = arith.andi %ne3A, %ne3A_161 : i1
      %sub3A = arith.constant 1 : i32
      %sub3A_162 = arith.subi %div3A, %sub3A : i32
      %select_n3A = arith.select %and3A, %sub3A_162, %div3A : i32
      %jit3A_163 = arith.constant 8 : i32
      %eq3A_164 = arith.constant 0 : i32
      %eq3A_165 = arith.cmpi eq, %jit3A_163, %eq3A_164 : i32
      %jit3A_166 = arith.constant 1 : i32
      %select_n3A_167 = arith.select %eq3A_165, %jit3A_166, %jit3A_163 : i32
      %rem3A_168 = arith.remsi %scan3A_144, %select_n3A_167 : i32
      %ne3A_169 = arith.constant 0 : i32
      %ne3A_170 = arith.cmpi ne, %rem3A_168, %ne3A_169 : i32
      %lt3A = arith.constant 0 : i32
      %lt3A_171 = arith.cmpi slt, %rem3A_168, %lt3A : i32
      %lt3A_172 = arith.constant 0 : i32
      %lt3A_173 = arith.cmpi slt, %select_n3A_167, %lt3A_172 : i32
      %ne3A_174 = arith.xori %lt3A_171, %lt3A_173 : i1
      %and3A_175 = arith.andi %ne3A_174, %ne3A_170 : i1
      %add3A_176 = arith.addi %rem3A_168, %select_n3A_167 : i32
      %select_n3A_177 = arith.select %and3A_175, %add3A_176, %rem3A_168 : i32
      %mul3A_178 = arith.constant 16 : i32
      %mul3A_179 = arith.muli %select_n3A_177, %mul3A_178 : i32
      %swap3A = arith.index_cast %select_n3A : i32 to index
      %swap3A_180 = arith.index_cast %mul3A_179 : i32 to index
      %swap3A_181 = tpu.vector_load %arg9[%swap3A, %swap3A_180] {strides = array<i32>} : memref<64x128xf32, #tpu.memory_space<vmem>>, vector<1x16xf32>,
      %swap3A_182 = vector.shape_cast %swap3A_181 : vector<1x16xf32> to vector<16xf32>
      %swap3A_183 = vector.shape_cast %broadcast_in_dim3A_3 : vector<16xf32> to vector<1x16xf32>
      tpu.vector_store %arg9[%swap3A, %swap3A_180], %swap3A_183 {strides = array<i32>} : memref<64x128xf32, #tpu.memory_space<vmem>>, vector<1x16xf32>,
      %scan3A_184 = arith.constant 0 : i32
      scf.yield %scan3A_184 : i32
    }
    %scan3A_9 = arith.constant 512 : i32
    %scan3A_10 = arith.constant 0 : i32
    %scan3A_11 = arith.constant 0 : i32
    %scan3A_12 = arith.constant 10 : i32
    %scan3A_13 = arith.addi %scan3A_11, %scan3A_12 : i32
    %scan3A_14 = arith.constant 1 : i32
    %scan3A_15 = scf.for %scan3A_144 = %scan3A_11 to %scan3A_13 step %scan3A_14 iter_args(%scan3A_145 = %scan3A_10) -> (i32)  : i32 {
      %mul3A_146 = arith.constant 640 : i32
      %mul3A_147 = arith.muli %arg1, %mul3A_146 : i32
      %mul3A_148 = arith.constant 64 : i32
      %mul3A_149 = arith.muli %scan3A_144, %mul3A_148 : i32
      %add3A_150 = arith.addi %mul3A_147, %mul3A_149 : i32
      "tpu.region"() ({
        %run_scoped3A = tpu.sem_alloc : memref<!tpu.dma_semaphore, #tpu.memory_space<semaphore_mem>>
        %dma_start3A_152 = arith.constant 0 : i32
        %dma_start3A_153 = tpu.memref_slice %arg10[%add3A_150, %dma_start3A_152] : memref<10304x128xf32, #tpu.memory_space<vmem_shared>> -> memref<64x128xf32, #tpu.memory_space<vmem_shared>>
        %dma_start3A_154 = arith.constant 0 : i32
        %dma_start3A_155 = tpu.memref_slice %arg10[%add3A_150, %dma_start3A_154] : memref<10304x128xf32, #tpu.memory_space<vmem_shared>> -> memref<64x128xf32, #tpu.memory_space<vmem_shared>>
        tpu.enqueue_dma source(%arg9 : memref<64x128xf32, #tpu.memory_space<vmem>>) target(%dma_start3A_155 : memref<64x128xf32, #tpu.memory_space<vmem_shared>>) target_semaphore(%run_scoped3A : memref<!tpu.dma_semaphore, #tpu.memory_space<semaphore_mem>>)
        %dma_wait3A_156 = arith.constant 0 : i32
        %dma_wait3A_157 = tpu.memref_slice %arg10[%add3A_150, %dma_wait3A_156] : memref<10304x128xf32, #tpu.memory_space<vmem_shared>> -> memref<64x128xf32, #tpu.memory_space<vmem_shared>>
        %dma_wait3A_158 = arith.constant 0 : i32
        %dma_wait3A_159 = tpu.memref_slice %arg10[%add3A_150, %dma_wait3A_158] : memref<10304x128xf32, #tpu.memory_space<vmem_shared>> -> memref<64x128xf32, #tpu.memory_space<vmem_shared>>
        tpu.wait_dma2 semaphore(%run_scoped3A : memref<!tpu.dma_semaphore, #tpu.memory_space<semaphore_mem>>) src(%arg9 : memref<64x128xf32, #tpu.memory_space<vmem>>) dst(%dma_wait3A_159 : memref<64x128xf32, #tpu.memory_space<vmem_shared>>)
        tpu.yield
      }) : () -> ()
      %scan3A_151 = arith.constant 0 : i32
      scf.yield %scan3A_151 : i32
    }
    %scan3A_16 = arith.constant 10 : i32
    %eq3A = arith.constant 0 : i32
    %eq3A_17 = arith.cmpi eq, %arg1, %eq3A : i32
    %convert_element_type3A = arith.extui %eq3A_17 : i1 to i32
    %cond3A = arith.constant 0 : i32
    %cond3A_18 = arith.cmpi ne, %convert_element_type3A, %cond3A : i32
    scf.if %cond3A_18 {
      "tpu.region"() ({
        %run_scoped3A = tpu.sem_alloc : memref<!tpu.dma_semaphore, #tpu.memory_space<semaphore_mem>>
        %dma_start3A_144 = arith.constant 10240 : i32
        %dma_start3A_145 = arith.constant 0 : i32
        %dma_start3A_146 = tpu.memref_slice %arg10[%dma_start3A_144, %dma_start3A_145] : memref<10304x128xf32, #tpu.memory_space<vmem_shared>> -> memref<64x128xf32, #tpu.memory_space<vmem_shared>>
        %dma_start3A_147 = arith.constant 10240 : i32
        %dma_start3A_148 = arith.constant 0 : i32
        %dma_start3A_149 = tpu.memref_slice %arg10[%dma_start3A_147, %dma_start3A_148] : memref<10304x128xf32, #tpu.memory_space<vmem_shared>> -> memref<64x128xf32, #tpu.memory_space<vmem_shared>>
        tpu.enqueue_dma source(%arg9 : memref<64x128xf32, #tpu.memory_space<vmem>>) target(%dma_start3A_149 : memref<64x128xf32, #tpu.memory_space<vmem_shared>>) target_semaphore(%run_scoped3A : memref<!tpu.dma_semaphore, #tpu.memory_space<semaphore_mem>>)
        %dma_wait3A_150 = arith.constant 10240 : i32
        %dma_wait3A_151 = arith.constant 0 : i32
        %dma_wait3A_152 = tpu.memref_slice %arg10[%dma_wait3A_150, %dma_wait3A_151] : memref<10304x128xf32, #tpu.memory_space<vmem_shared>> -> memref<64x128xf32, #tpu.memory_space<vmem_shared>>
        %dma_wait3A_153 = arith.constant 10240 : i32
        %dma_wait3A_154 = arith.constant 0 : i32
        %dma_wait3A_155 = tpu.memref_slice %arg10[%dma_wait3A_153, %dma_wait3A_154] : memref<10304x128xf32, #tpu.memory_space<vmem_shared>> -> memref<64x128xf32, #tpu.memory_space<vmem_shared>>
        tpu.wait_dma2 semaphore(%run_scoped3A : memref<!tpu.dma_semaphore, #tpu.memory_space<semaphore_mem>>) src(%arg9 : memref<64x128xf32, #tpu.memory_space<vmem>>) dst(%dma_wait3A_155 : memref<64x128xf32, #tpu.memory_space<vmem_shared>>)
        tpu.yield
      }) : () -> ()
    } else {
    }
    %barrier3A = arith.constant 0 : index
    tpu.barrier barrier_id(%barrier3A)
    %add3A_19 = arith.constant 0 : i32
    %add3A_20 = arith.addi %add3A, %add3A_19 : i32
    %mul3A_21 = arith.constant 128 : i32
    %mul3A_22 = arith.muli %add3A_20, %mul3A_21 : i32
    %rem3A = arith.constant 0 : i32
    %rem3A_23 = arith.constant 4 : i32
    %rem3A_24 = arith.remsi %rem3A, %rem3A_23 : i32
    %dma_start3A = arith.constant 0 : i32
    %dma_start3A_25 = tpu.memref_slice %arg6[%rem3A_24, %dma_start3A] : memref<4x128xi32, #tpu.memory_space<vmem>> -> memref<1x128xi32, #tpu.memory_space<vmem>>
    %dma_start3A_26 = tpu.memref_squeeze %dma_start3A_25 : memref<1x128xi32, #tpu.memory_space<vmem>> -> memref<128xi32, #tpu.memory_space<vmem>>
    %dma_start3A_27 = tpu.memref_slice %arg3[%mul3A_22] : memref<327680xi32, #tpu.memory_space<hbm>> -> memref<128xi32, #tpu.memory_space<hbm>>
    %dma_start3A_28 = arith.constant 0 : i32
    %dma_start3A_29 = tpu.memref_slice %arg6[%rem3A_24, %dma_start3A_28] : memref<4x128xi32, #tpu.memory_space<vmem>> -> memref<1x128xi32, #tpu.memory_space<vmem>>
    %dma_start3A_30 = tpu.memref_squeeze %dma_start3A_29 : memref<1x128xi32, #tpu.memory_space<vmem>> -> memref<128xi32, #tpu.memory_space<vmem>>
    %dma_start3A_31 = tpu.memref_slice %arg3[%mul3A_22] : memref<327680xi32, #tpu.memory_space<hbm>> -> memref<128xi32, #tpu.memory_space<hbm>>
    tpu.enqueue_dma source(%dma_start3A_31 : memref<128xi32, #tpu.memory_space<hbm>>) target(%dma_start3A_30 : memref<128xi32, #tpu.memory_space<vmem>>) target_semaphore(%arg13 : memref<!tpu.dma_semaphore, #tpu.memory_space<semaphore_mem>>)
    %dma_start3A_32 = arith.constant 0 : i32
    %dma_start3A_33 = tpu.memref_slice %arg7[%rem3A_24, %dma_start3A_32] : memref<4x128xi32, #tpu.memory_space<vmem>> -> memref<1x128xi32, #tpu.memory_space<vmem>>
    %dma_start3A_34 = tpu.memref_squeeze %dma_start3A_33 : memref<1x128xi32, #tpu.memory_space<vmem>> -> memref<128xi32, #tpu.memory_space<vmem>>
    %dma_start3A_35 = tpu.memref_slice %arg4[%mul3A_22] : memref<327680xi32, #tpu.memory_space<hbm>> -> memref<128xi32, #tpu.memory_space<hbm>>
    %dma_start3A_36 = arith.constant 0 : i32
    %dma_start3A_37 = tpu.memref_slice %arg7[%rem3A_24, %dma_start3A_36] : memref<4x128xi32, #tpu.memory_space<vmem>> -> memref<1x128xi32, #tpu.memory_space<vmem>>
    %dma_start3A_38 = tpu.memref_squeeze %dma_start3A_37 : memref<1x128xi32, #tpu.memory_space<vmem>> -> memref<128xi32, #tpu.memory_space<vmem>>
    %dma_start3A_39 = tpu.memref_slice %arg4[%mul3A_22] : memref<327680xi32, #tpu.memory_space<hbm>> -> memref<128xi32, #tpu.memory_space<hbm>>
    tpu.enqueue_dma source(%dma_start3A_39 : memref<128xi32, #tpu.memory_space<hbm>>) target(%dma_start3A_38 : memref<128xi32, #tpu.memory_space<vmem>>) target_semaphore(%arg13 : memref<!tpu.dma_semaphore, #tpu.memory_space<semaphore_mem>>)
    %add3A_40 = arith.constant 1 : i32
    %add3A_41 = arith.addi %add3A, %add3A_40 : i32
    %mul3A_42 = arith.constant 128 : i32
    %mul3A_43 = arith.muli %add3A_41, %mul3A_42 : i32
    %rem3A_44 = arith.constant 1 : i32
    %rem3A_45 = arith.constant 4 : i32
    %rem3A_46 = arith.remsi %rem3A_44, %rem3A_45 : i32
    %dma_start3A_47 = arith.constant 0 : i32
    %dma_start3A_48 = tpu.memref_slice %arg6[%rem3A_46, %dma_start3A_47] : memref<4x128xi32, #tpu.memory_space<vmem>> -> memref<1x128xi32, #tpu.memory_space<vmem>>
    %dma_start3A_49 = tpu.memref_squeeze %dma_start3A_48 : memref<1x128xi32, #tpu.memory_space<vmem>> -> memref<128xi32, #tpu.memory_space<vmem>>
    %dma_start3A_50 = tpu.memref_slice %arg3[%mul3A_43] : memref<327680xi32, #tpu.memory_space<hbm>> -> memref<128xi32, #tpu.memory_space<hbm>>
    %dma_start3A_51 = arith.constant 0 : i32
    %dma_start3A_52 = tpu.memref_slice %arg6[%rem3A_46, %dma_start3A_51] : memref<4x128xi32, #tpu.memory_space<vmem>> -> memref<1x128xi32, #tpu.memory_space<vmem>>
    %dma_start3A_53 = tpu.memref_squeeze %dma_start3A_52 : memref<1x128xi32, #tpu.memory_space<vmem>> -> memref<128xi32, #tpu.memory_space<vmem>>
    %dma_start3A_54 = tpu.memref_slice %arg3[%mul3A_43] : memref<327680xi32, #tpu.memory_space<hbm>> -> memref<128xi32, #tpu.memory_space<hbm>>
    tpu.enqueue_dma source(%dma_start3A_54 : memref<128xi32, #tpu.memory_space<hbm>>) target(%dma_start3A_53 : memref<128xi32, #tpu.memory_space<vmem>>) target_semaphore(%arg13 : memref<!tpu.dma_semaphore, #tpu.memory_space<semaphore_mem>>)
    %dma_start3A_55 = arith.constant 0 : i32
    %dma_start3A_56 = tpu.memref_slice %arg7[%rem3A_46, %dma_start3A_55] : memref<4x128xi32, #tpu.memory_space<vmem>> -> memref<1x128xi32, #tpu.memory_space<vmem>>
    %dma_start3A_57 = tpu.memref_squeeze %dma_start3A_56 : memref<1x128xi32, #tpu.memory_space<vmem>> -> memref<128xi32, #tpu.memory_space<vmem>>
    %dma_start3A_58 = tpu.memref_slice %arg4[%mul3A_43] : memref<327680xi32, #tpu.memory_space<hbm>> -> memref<128xi32, #tpu.memory_space<hbm>>
    %dma_start3A_59 = arith.constant 0 : i32
    %dma_start3A_60 = tpu.memref_slice %arg7[%rem3A_46, %dma_start3A_59] : memref<4x128xi32, #tpu.memory_space<vmem>> -> memref<1x128xi32, #tpu.memory_space<vmem>>
    %dma_start3A_61 = tpu.memref_squeeze %dma_start3A_60 : memref<1x128xi32, #tpu.memory_space<vmem>> -> memref<128xi32, #tpu.memory_space<vmem>>
    %dma_start3A_62 = tpu.memref_slice %arg4[%mul3A_43] : memref<327680xi32, #tpu.memory_space<hbm>> -> memref<128xi32, #tpu.memory_space<hbm>>
    tpu.enqueue_dma source(%dma_start3A_62 : memref<128xi32, #tpu.memory_space<hbm>>) target(%dma_start3A_61 : memref<128xi32, #tpu.memory_space<vmem>>) target_semaphore(%arg13 : memref<!tpu.dma_semaphore, #tpu.memory_space<semaphore_mem>>)
    %add3A_63 = arith.constant 2 : i32
    %add3A_64 = arith.addi %add3A, %add3A_63 : i32
    %mul3A_65 = arith.constant 128 : i32
    %mul3A_66 = arith.muli %add3A_64, %mul3A_65 : i32
    %rem3A_67 = arith.constant 2 : i32
    %rem3A_68 = arith.constant 4 : i32
    %rem3A_69 = arith.remsi %rem3A_67, %rem3A_68 : i32
    %dma_start3A_70 = arith.constant 0 : i32
    %dma_start3A_71 = tpu.memref_slice %arg6[%rem3A_69, %dma_start3A_70] : memref<4x128xi32, #tpu.memory_space<vmem>> -> memref<1x128xi32, #tpu.memory_space<vmem>>
    %dma_start3A_72 = tpu.memref_squeeze %dma_start3A_71 : memref<1x128xi32, #tpu.memory_space<vmem>> -> memref<128xi32, #tpu.memory_space<vmem>>
    %dma_start3A_73 = tpu.memref_slice %arg3[%mul3A_66] : memref<327680xi32, #tpu.memory_space<hbm>> -> memref<128xi32, #tpu.memory_space<hbm>>
    %dma_start3A_74 = arith.constant 0 : i32
    %dma_start3A_75 = tpu.memref_slice %arg6[%rem3A_69, %dma_start3A_74] : memref<4x128xi32, #tpu.memory_space<vmem>> -> memref<1x128xi32, #tpu.memory_space<vmem>>
    %dma_start3A_76 = tpu.memref_squeeze %dma_start3A_75 : memref<1x128xi32, #tpu.memory_space<vmem>> -> memref<128xi32, #tpu.memory_space<vmem>>
    %dma_start3A_77 = tpu.memref_slice %arg3[%mul3A_66] : memref<327680xi32, #tpu.memory_space<hbm>> -> memref<128xi32, #tpu.memory_space<hbm>>
    tpu.enqueue_dma source(%dma_start3A_77 : memref<128xi32, #tpu.memory_space<hbm>>) target(%dma_start3A_76 : memref<128xi32, #tpu.memory_space<vmem>>) target_semaphore(%arg13 : memref<!tpu.dma_semaphore, #tpu.memory_space<semaphore_mem>>)
    %dma_start3A_78 = arith.constant 0 : i32
    %dma_start3A_79 = tpu.memref_slice %arg7[%rem3A_69, %dma_start3A_78] : memref<4x128xi32, #tpu.memory_space<vmem>> -> memref<1x128xi32, #tpu.memory_space<vmem>>
    %dma_start3A_80 = tpu.memref_squeeze %dma_start3A_79 : memref<1x128xi32, #tpu.memory_space<vmem>> -> memref<128xi32, #tpu.memory_space<vmem>>
    %dma_start3A_81 = tpu.memref_slice %arg4[%mul3A_66] : memref<327680xi32, #tpu.memory_space<hbm>> -> memref<128xi32, #tpu.memory_space<hbm>>
    %dma_start3A_82 = arith.constant 0 : i32
    %dma_start3A_83 = tpu.memref_slice %arg7[%rem3A_69, %dma_start3A_82] : memref<4x128xi32, #tpu.memory_space<vmem>> -> memref<1x128xi32, #tpu.memory_space<vmem>>
    %dma_start3A_84 = tpu.memref_squeeze %dma_start3A_83 : memref<1x128xi32, #tpu.memory_space<vmem>> -> memref<128xi32, #tpu.memory_space<vmem>>
    %dma_start3A_85 = tpu.memref_slice %arg4[%mul3A_66] : memref<327680xi32, #tpu.memory_space<hbm>> -> memref<128xi32, #tpu.memory_space<hbm>>
    tpu.enqueue_dma source(%dma_start3A_85 : memref<128xi32, #tpu.memory_space<hbm>>) target(%dma_start3A_84 : memref<128xi32, #tpu.memory_space<vmem>>) target_semaphore(%arg13 : memref<!tpu.dma_semaphore, #tpu.memory_space<semaphore_mem>>)
    %dma_wait3A = arith.constant 0 : i32
    %dma_wait3A_86 = arith.constant 0 : i32
    %dma_wait3A_87 = tpu.memref_slice %arg6[%dma_wait3A, %dma_wait3A_86] : memref<4x128xi32, #tpu.memory_space<vmem>> -> memref<1x128xi32, #tpu.memory_space<vmem>>
    %dma_wait3A_88 = tpu.memref_squeeze %dma_wait3A_87 : memref<1x128xi32, #tpu.memory_space<vmem>> -> memref<128xi32, #tpu.memory_space<vmem>>
    %dma_wait3A_89 = arith.constant 0 : i32
    %dma_wait3A_90 = tpu.memref_slice %arg3[%dma_wait3A_89] : memref<327680xi32, #tpu.memory_space<hbm>> -> memref<128xi32, #tpu.memory_space<hbm>>
    %dma_wait3A_91 = arith.constant 0 : i32
    %dma_wait3A_92 = tpu.memref_slice %arg6[%dma_wait3A, %dma_wait3A_91] : memref<4x128xi32, #tpu.memory_space<vmem>> -> memref<1x128xi32, #tpu.memory_space<vmem>>
    %dma_wait3A_93 = tpu.memref_squeeze %dma_wait3A_92 : memref<1x128xi32, #tpu.memory_space<vmem>> -> memref<128xi32, #tpu.memory_space<vmem>>
    %dma_wait3A_94 = arith.constant 0 : i32
    %dma_wait3A_95 = tpu.memref_slice %arg3[%dma_wait3A_94] : memref<327680xi32, #tpu.memory_space<hbm>> -> memref<128xi32, #tpu.memory_space<hbm>>
    tpu.wait_dma2 semaphore(%arg13 : memref<!tpu.dma_semaphore, #tpu.memory_space<semaphore_mem>>) src(%dma_wait3A_95 : memref<128xi32, #tpu.memory_space<hbm>>) dst(%dma_wait3A_93 : memref<128xi32, #tpu.memory_space<vmem>>)
    %dma_wait3A_96 = arith.constant 0 : i32
    %dma_wait3A_97 = arith.constant 0 : i32
    %dma_wait3A_98 = tpu.memref_slice %arg7[%dma_wait3A_96, %dma_wait3A_97] : memref<4x128xi32, #tpu.memory_space<vmem>> -> memref<1x128xi32, #tpu.memory_space<vmem>>
    %dma_wait3A_99 = tpu.memref_squeeze %dma_wait3A_98 : memref<1x128xi32, #tpu.memory_space<vmem>> -> memref<128xi32, #tpu.memory_space<vmem>>
    %dma_wait3A_100 = arith.constant 0 : i32
    %dma_wait3A_101 = tpu.memref_slice %arg4[%dma_wait3A_100] : memref<327680xi32, #tpu.memory_space<hbm>> -> memref<128xi32, #tpu.memory_space<hbm>>
    %dma_wait3A_102 = arith.constant 0 : i32
    %dma_wait3A_103 = tpu.memref_slice %arg7[%dma_wait3A_96, %dma_wait3A_102] : memref<4x128xi32, #tpu.memory_space<vmem>> -> memref<1x128xi32, #tpu.memory_space<vmem>>
    %dma_wait3A_104 = tpu.memref_squeeze %dma_wait3A_103 : memref<1x128xi32, #tpu.memory_space<vmem>> -> memref<128xi32, #tpu.memory_space<vmem>>
    %dma_wait3A_105 = arith.constant 0 : i32
    %dma_wait3A_106 = tpu.memref_slice %arg4[%dma_wait3A_105] : memref<327680xi32, #tpu.memory_space<hbm>> -> memref<128xi32, #tpu.memory_space<hbm>>
    tpu.wait_dma2 semaphore(%arg13 : memref<!tpu.dma_semaphore, #tpu.memory_space<semaphore_mem>>) src(%dma_wait3A_106 : memref<128xi32, #tpu.memory_space<hbm>>) dst(%dma_wait3A_104 : memref<128xi32, #tpu.memory_space<vmem>>)
    %dma_start3A_107 = arith.constant 0 : i32
    %dma_start3A_108 = arith.constant 0 : i32
    %dma_start3A_109 = arith.constant 0 : i32
    %dma_start3A_110 = arith.constant 0 : i32
    %dma_start3A_111 = tpu.memref_slice %arg8[%dma_start3A_108, %dma_start3A_109, %dma_start3A_110] : memref<2x128x128xf32, #tpu.memory_space<vmem>> -> memref<1x128x128xf32, #tpu.memory_space<vmem>>
    %dma_start3A_112 = tpu.memref_squeeze %dma_start3A_111 : memref<1x128x128xf32, #tpu.memory_space<vmem>> -> memref<128x128xf32, #tpu.memory_space<vmem>>
    %dma_start3A_113 = arith.constant 0 : i32
    %dma_start3A_114 = tpu.memref_slice %arg6[%dma_start3A_107, %dma_start3A_113] : memref<4x128xi32, #tpu.memory_space<vmem>> -> memref<1x128xi32, #tpu.memory_space<vmem>>
    %dma_start3A_115 = tpu.memref_squeeze %dma_start3A_114 : memref<1x128xi32, #tpu.memory_space<vmem>> -> memref<128xi32, #tpu.memory_space<vmem>>
    %dma_start3A_116 = arith.constant 0 : i32
    %dma_start3A_117 = arith.constant 0 : i32
    %dma_start3A_118 = tpu.memref_slice %arg2[%dma_start3A_116, %dma_start3A_117] : memref<81920x128xf32, #tpu.memory_space<hbm>> -> memref<81920x128xf32, #tpu.memory_space<hbm>>
    tpu.enqueue_indirect_dma source(%dma_start3A_118 : memref<81920x128xf32, #tpu.memory_space<hbm>>) target(%dma_start3A_112 : memref<128x128xf32, #tpu.memory_space<vmem>>) offsets(%dma_start3A_115 : memref<128xi32, #tpu.memory_space<vmem>>) semaphore(%arg11 : memref<!tpu.dma_semaphore, #tpu.memory_space<semaphore_mem>>)
    %scan3A_119 = arith.constant 0 : i32
    %scan3A_120 = arith.constant 0 : i32
    %scan3A_121 = arith.constant 80 : i32
    %scan3A_122 = arith.addi %scan3A_120, %scan3A_121 : i32
    %scan3A_123 = arith.constant 1 : i32
    %scan3A_124 = scf.for %scan3A_144 = %scan3A_120 to %scan3A_122 step %scan3A_123 iter_args(%scan3A_145 = %scan3A_119) -> (i32)  : i32 {
      %rem3A_146 = arith.constant 2 : i32
      %rem3A_147 = arith.remsi %scan3A_144, %rem3A_146 : i32
      %add3A_148 = arith.constant 1 : i32
      %add3A_149 = arith.addi %scan3A_144, %add3A_148 : i32
      %rem3A_150 = arith.constant 2 : i32
      %rem3A_151 = arith.remsi %add3A_149, %rem3A_150 : i32
      %ge3A = arith.constant 1 : i32
      %ge3A_152 = arith.cmpi sge, %scan3A_144, %ge3A : i32
      %convert_element_type3A_153 = arith.extui %ge3A_152 : i1 to i32
      %cond3A_154 = arith.constant 0 : i32
      %cond3A_155 = arith.cmpi ne, %convert_element_type3A_153, %cond3A_154 : i32
      scf.if %cond3A_155 {
        %dma_wait3A_194 = arith.constant 0 : i32
        %dma_wait3A_195 = arith.constant 0 : i32
        %dma_wait3A_196 = arith.constant 0 : i32
        %dma_wait3A_197 = tpu.memref_slice %arg8[%dma_wait3A_194, %dma_wait3A_195, %dma_wait3A_196] : memref<2x128x128xf32, #tpu.memory_space<vmem>> -> memref<1x128x128xf32, #tpu.memory_space<vmem>>
        %dma_wait3A_198 = tpu.memref_squeeze %dma_wait3A_197 : memref<1x128x128xf32, #tpu.memory_space<vmem>> -> memref<128x128xf32, #tpu.memory_space<vmem>>
        %dma_wait3A_199 = arith.constant 0 : i32
        %dma_wait3A_200 = arith.constant 0 : i32
        %dma_wait3A_201 = tpu.memref_slice %arg10[%dma_wait3A_199, %dma_wait3A_200] : memref<10304x128xf32, #tpu.memory_space<vmem_shared>> -> memref<128x128xf32, #tpu.memory_space<vmem_shared>>
        %dma_wait3A_202 = arith.constant 0 : i32
        %dma_wait3A_203 = arith.constant 0 : i32
        %dma_wait3A_204 = tpu.memref_slice %arg10[%dma_wait3A_202, %dma_wait3A_203] : memref<10304x128xf32, #tpu.memory_space<vmem_shared>> -> memref<128x128xf32, #tpu.memory_space<vmem_shared>>
        %dma_wait3A_205 = arith.constant 0 : i32
        %dma_wait3A_206 = arith.constant 0 : i32
        %dma_wait3A_207 = tpu.memref_slice %arg8[%dma_wait3A_194, %dma_wait3A_205, %dma_wait3A_206] : memref<2x128x128xf32, #tpu.memory_space<vmem>> -> memref<1x128x128xf32, #tpu.memory_space<vmem>>
        %dma_wait3A_208 = tpu.memref_squeeze %dma_wait3A_207 : memref<1x128x128xf32, #tpu.memory_space<vmem>> -> memref<128x128xf32, #tpu.memory_space<vmem>>
        tpu.wait_dma2 semaphore(%arg12 : memref<!tpu.dma_semaphore, #tpu.memory_space<semaphore_mem>>) src(%dma_wait3A_208 : memref<128x128xf32, #tpu.memory_space<vmem>>) dst(%dma_wait3A_204 : memref<128x128xf32, #tpu.memory_space<vmem_shared>>)
      } else {
      }
      %add3A_156 = arith.constant 1 : i32
      %add3A_157 = arith.addi %scan3A_144, %add3A_156 : i32
      %lt3A = arith.constant 80 : i32
      %lt3A_158 = arith.cmpi slt, %add3A_157, %lt3A : i32
      %convert_element_type3A_159 = arith.extui %lt3A_158 : i1 to i32
      %cond3A_160 = arith.constant 0 : i32
      %cond3A_161 = arith.cmpi ne, %convert_element_type3A_159, %cond3A_160 : i32
      scf.if %cond3A_161 {
        %dma_wait3A_194 = arith.constant 0 : i32
        %dma_wait3A_195 = arith.constant 0 : i32
        %dma_wait3A_196 = tpu.memref_slice %arg6[%dma_wait3A_194, %dma_wait3A_195] : memref<4x128xi32, #tpu.memory_space<vmem>> -> memref<1x128xi32, #tpu.memory_space<vmem>>
        %dma_wait3A_197 = tpu.memref_squeeze %dma_wait3A_196 : memref<1x128xi32, #tpu.memory_space<vmem>> -> memref<128xi32, #tpu.memory_space<vmem>>
        %dma_wait3A_198 = arith.constant 0 : i32
        %dma_wait3A_199 = tpu.memref_slice %arg3[%dma_wait3A_198] : memref<327680xi32, #tpu.memory_space<hbm>> -> memref<128xi32, #tpu.memory_space<hbm>>
        %dma_wait3A_200 = arith.constant 0 : i32
        %dma_wait3A_201 = tpu.memref_slice %arg6[%dma_wait3A_194, %dma_wait3A_200] : memref<4x128xi32, #tpu.memory_space<vmem>> -> memref<1x128xi32, #tpu.memory_space<vmem>>
        %dma_wait3A_202 = tpu.memref_squeeze %dma_wait3A_201 : memref<1x128xi32, #tpu.memory_space<vmem>> -> memref<128xi32, #tpu.memory_space<vmem>>
        %dma_wait3A_203 = arith.constant 0 : i32
        %dma_wait3A_204 = tpu.memref_slice %arg3[%dma_wait3A_203] : memref<327680xi32, #tpu.memory_space<hbm>> -> memref<128xi32, #tpu.memory_space<hbm>>
        tpu.wait_dma2 semaphore(%arg13 : memref<!tpu.dma_semaphore, #tpu.memory_space<semaphore_mem>>) src(%dma_wait3A_204 : memref<128xi32, #tpu.memory_space<hbm>>) dst(%dma_wait3A_202 : memref<128xi32, #tpu.memory_space<vmem>>)
        %dma_wait3A_205 = arith.constant 0 : i32
        %dma_wait3A_206 = arith.constant 0 : i32
        %dma_wait3A_207 = tpu.memref_slice %arg7[%dma_wait3A_205, %dma_wait3A_206] : memref<4x128xi32, #tpu.memory_space<vmem>> -> memref<1x128xi32, #tpu.memory_space<vmem>>
        %dma_wait3A_208 = tpu.memref_squeeze %dma_wait3A_207 : memref<1x128xi32, #tpu.memory_space<vmem>> -> memref<128xi32, #tpu.memory_space<vmem>>
        %dma_wait3A_209 = arith.constant 0 : i32
        %dma_wait3A_210 = tpu.memref_slice %arg4[%dma_wait3A_209] : memref<327680xi32, #tpu.memory_space<hbm>> -> memref<128xi32, #tpu.memory_space<hbm>>
        %dma_wait3A_211 = arith.constant 0 : i32
        %dma_wait3A_212 = tpu.memref_slice %arg7[%dma_wait3A_205, %dma_wait3A_211] : memref<4x128xi32, #tpu.memory_space<vmem>> -> memref<1x128xi32, #tpu.memory_space<vmem>>
        %dma_wait3A_213 = tpu.memref_squeeze %dma_wait3A_212 : memref<1x128xi32, #tpu.memory_space<vmem>> -> memref<128xi32, #tpu.memory_space<vmem>>
        %dma_wait3A_214 = arith.constant 0 : i32
        %dma_wait3A_215 = tpu.memref_slice %arg4[%dma_wait3A_214] : memref<327680xi32, #tpu.memory_space<hbm>> -> memref<128xi32, #tpu.memory_space<hbm>>
        tpu.wait_dma2 semaphore(%arg13 : memref<!tpu.dma_semaphore, #tpu.memory_space<semaphore_mem>>) src(%dma_wait3A_215 : memref<128xi32, #tpu.memory_space<hbm>>) dst(%dma_wait3A_213 : memref<128xi32, #tpu.memory_space<vmem>>)
        %add3A_216 = arith.constant 1 : i32
        %add3A_217 = arith.addi %scan3A_144, %add3A_216 : i32
        %rem3A_218 = arith.constant 4 : i32
        %rem3A_219 = arith.remsi %add3A_217, %rem3A_218 : i32
        %dma_start3A_220 = arith.constant 0 : i32
        %dma_start3A_221 = arith.constant 0 : i32
        %dma_start3A_222 = tpu.memref_slice %arg8[%rem3A_151, %dma_start3A_220, %dma_start3A_221] : memref<2x128x128xf32, #tpu.memory_space<vmem>> -> memref<1x128x128xf32, #tpu.memory_space<vmem>>
        %dma_start3A_223 = tpu.memref_squeeze %dma_start3A_222 : memref<1x128x128xf32, #tpu.memory_space<vmem>> -> memref<128x128xf32, #tpu.memory_space<vmem>>
        %dma_start3A_224 = arith.constant 0 : i32
        %dma_start3A_225 = tpu.memref_slice %arg6[%rem3A_219, %dma_start3A_224] : memref<4x128xi32, #tpu.memory_space<vmem>> -> memref<1x128xi32, #tpu.memory_space<vmem>>
        %dma_start3A_226 = tpu.memref_squeeze %dma_start3A_225 : memref<1x128xi32, #tpu.memory_space<vmem>> -> memref<128xi32, #tpu.memory_space<vmem>>
        %dma_start3A_227 = arith.constant 0 : i32
        %dma_start3A_228 = arith.constant 0 : i32
        %dma_start3A_229 = tpu.memref_slice %arg2[%dma_start3A_227, %dma_start3A_228] : memref<81920x128xf32, #tpu.memory_space<hbm>> -> memref<81920x128xf32, #tpu.memory_space<hbm>>
        tpu.enqueue_indirect_dma source(%dma_start3A_229 : memref<81920x128xf32, #tpu.memory_space<hbm>>) target(%dma_start3A_223 : memref<128x128xf32, #tpu.memory_space<vmem>>) offsets(%dma_start3A_226 : memref<128xi32, #tpu.memory_space<vmem>>) semaphore(%arg11 : memref<!tpu.dma_semaphore, #tpu.memory_space<semaphore_mem>>)
      } else {
      }
      %add3A_162 = arith.constant 3 : i32
      %add3A_163 = arith.addi %scan3A_144, %add3A_162 : i32
      %lt3A_164 = arith.constant 80 : i32
      %lt3A_165 = arith.cmpi slt, %add3A_163, %lt3A_164 : i32
      %convert_element_type3A_166 = arith.extui %lt3A_165 : i1 to i32
      %cond3A_167 = arith.constant 0 : i32
      %cond3A_168 = arith.cmpi ne, %convert_element_type3A_166, %cond3A_167 : i32
      scf.if %cond3A_168 {
        %add3A_194 = arith.constant 3 : i32
        %add3A_195 = arith.addi %scan3A_144, %add3A_194 : i32
        %add3A_196 = arith.addi %add3A, %add3A_195 : i32
        %mul3A_197 = arith.constant 128 : i32
        %mul3A_198 = arith.muli %add3A_196, %mul3A_197 : i32
        %rem3A_199 = arith.constant 4 : i32
        %rem3A_200 = arith.remsi %add3A_195, %rem3A_199 : i32
        %dma_start3A_201 = arith.constant 0 : i32
        %dma_start3A_202 = tpu.memref_slice %arg6[%rem3A_200, %dma_start3A_201] : memref<4x128xi32, #tpu.memory_space<vmem>> -> memref<1x128xi32, #tpu.memory_space<vmem>>
        %dma_start3A_203 = tpu.memref_squeeze %dma_start3A_202 : memref<1x128xi32, #tpu.memory_space<vmem>> -> memref<128xi32, #tpu.memory_space<vmem>>
        %dma_start3A_204 = tpu.memref_slice %arg3[%mul3A_198] : memref<327680xi32, #tpu.memory_space<hbm>> -> memref<128xi32, #tpu.memory_space<hbm>>
        %dma_start3A_205 = arith.constant 0 : i32
        %dma_start3A_206 = tpu.memref_slice %arg6[%rem3A_200, %dma_start3A_205] : memref<4x128xi32, #tpu.memory_space<vmem>> -> memref<1x128xi32, #tpu.memory_space<vmem>>
        %dma_start3A_207 = tpu.memref_squeeze %dma_start3A_206 : memref<1x128xi32, #tpu.memory_space<vmem>> -> memref<128xi32, #tpu.memory_space<vmem>>
        %dma_start3A_208 = tpu.memref_slice %arg3[%mul3A_198] : memref<327680xi32, #tpu.memory_space<hbm>> -> memref<128xi32, #tpu.memory_space<hbm>>
        tpu.enqueue_dma source(%dma_start3A_208 : memref<128xi32, #tpu.memory_space<hbm>>) target(%dma_start3A_207 : memref<128xi32, #tpu.memory_space<vmem>>) target_semaphore(%arg13 : memref<!tpu.dma_semaphore, #tpu.memory_space<semaphore_mem>>)
        %dma_start3A_209 = arith.constant 0 : i32
        %dma_start3A_210 = tpu.memref_slice %arg7[%rem3A_200, %dma_start3A_209] : memref<4x128xi32, #tpu.memory_space<vmem>> -> memref<1x128xi32, #tpu.memory_space<vmem>>
        %dma_start3A_211 = tpu.memref_squeeze %dma_start3A_210 : memref<1x128xi32, #tpu.memory_space<vmem>> -> memref<128xi32, #tpu.memory_space<vmem>>
        %dma_start3A_212 = tpu.memref_slice %arg4[%mul3A_198] : memref<327680xi32, #tpu.memory_space<hbm>> -> memref<128xi32, #tpu.memory_space<hbm>>
        %dma_start3A_213 = arith.constant 0 : i32
        %dma_start3A_214 = tpu.memref_slice %arg7[%rem3A_200, %dma_start3A_213] : memref<4x128xi32, #tpu.memory_space<vmem>> -> memref<1x128xi32, #tpu.memory_space<vmem>>
        %dma_start3A_215 = tpu.memref_squeeze %dma_start3A_214 : memref<1x128xi32, #tpu.memory_space<vmem>> -> memref<128xi32, #tpu.memory_space<vmem>>
        %dma_start3A_216 = tpu.memref_slice %arg4[%mul3A_198] : memref<327680xi32, #tpu.memory_space<hbm>> -> memref<128xi32, #tpu.memory_space<hbm>>
        tpu.enqueue_dma source(%dma_start3A_216 : memref<128xi32, #tpu.memory_space<hbm>>) target(%dma_start3A_215 : memref<128xi32, #tpu.memory_space<vmem>>) target_semaphore(%arg13 : memref<!tpu.dma_semaphore, #tpu.memory_space<semaphore_mem>>)
      } else {
      }
      %dma_wait3A_169 = arith.constant 0 : i32
      %dma_wait3A_170 = arith.constant 0 : i32
      %dma_wait3A_171 = arith.constant 0 : i32
      %dma_wait3A_172 = arith.constant 0 : i32
      %dma_wait3A_173 = tpu.memref_slice %arg8[%dma_wait3A_170, %dma_wait3A_171, %dma_wait3A_172] : memref<2x128x128xf32, #tpu.memory_space<vmem>> -> memref<1x128x128xf32, #tpu.memory_space<vmem>>
      %dma_wait3A_174 = tpu.memref_squeeze %dma_wait3A_173 : memref<1x128x128xf32, #tpu.memory_space<vmem>> -> memref<128x128xf32, #tpu.memory_space<vmem>>
      %dma_wait3A_175 = arith.constant 0 : i32
      %dma_wait3A_176 = tpu.memref_slice %arg6[%dma_wait3A_169, %dma_wait3A_175] : memref<4x128xi32, #tpu.memory_space<vmem>> -> memref<1x128xi32, #tpu.memory_space<vmem>>
      %dma_wait3A_177 = tpu.memref_squeeze %dma_wait3A_176 : memref<1x128xi32, #tpu.memory_space<vmem>> -> memref<128xi32, #tpu.memory_space<vmem>>
      %dma_wait3A_178 = arith.constant 0 : i32
      %dma_wait3A_179 = arith.constant 0 : i32
      %dma_wait3A_180 = tpu.memref_slice %arg2[%dma_wait3A_178, %dma_wait3A_179] : memref<81920x128xf32, #tpu.memory_space<hbm>> -> memref<81920x128xf32, #tpu.memory_space<hbm>>
      tpu.wait_indirect_dma semaphore(%arg11 : memref<!tpu.dma_semaphore, #tpu.memory_space<semaphore_mem>>) src(%dma_wait3A_180 : memref<81920x128xf32, #tpu.memory_space<hbm>>) dst(%dma_wait3A_174 : memref<128x128xf32, #tpu.memory_space<vmem>>)
      %rem3A_181 = arith.constant 4 : i32
      %rem3A_182 = arith.remsi %scan3A_144, %rem3A_181 : i32
      %dma_start3A_183 = arith.constant 0 : i32
      %dma_start3A_184 = arith.constant 0 : i32
      %dma_start3A_185 = tpu.memref_slice %arg8[%rem3A_147, %dma_start3A_183, %dma_start3A_184] : memref<2x128x128xf32, #tpu.memory_space<vmem>> -> memref<1x128x128xf32, #tpu.memory_space<vmem>>
      %dma_start3A_186 = tpu.memref_squeeze %dma_start3A_185 : memref<1x128x128xf32, #tpu.memory_space<vmem>> -> memref<128x128xf32, #tpu.memory_space<vmem>>
      %dma_start3A_187 = arith.constant 0 : i32
      %dma_start3A_188 = tpu.memref_slice %arg7[%rem3A_182, %dma_start3A_187] : memref<4x128xi32, #tpu.memory_space<vmem>> -> memref<1x128xi32, #tpu.memory_space<vmem>>
      %dma_start3A_189 = tpu.memref_squeeze %dma_start3A_188 : memref<1x128xi32, #tpu.memory_space<vmem>> -> memref<128xi32, #tpu.memory_space<vmem>>
      %dma_start3A_190 = arith.constant 0 : i32
      %dma_start3A_191 = arith.constant 0 : i32
      %dma_start3A_192 = tpu.memref_slice %arg10[%dma_start3A_190, %dma_start3A_191] : memref<10304x128xf32, #tpu.memory_space<vmem_shared>> -> memref<10304x128xf32, #tpu.memory_space<vmem_shared>>
      tpu.enqueue_indirect_dma source(%dma_start3A_186 : memref<128x128xf32, #tpu.memory_space<vmem>>) target(%dma_start3A_192 : memref<10304x128xf32, #tpu.memory_space<vmem_shared>>) offsets(%dma_start3A_189 : memref<128xi32, #tpu.memory_space<vmem>>) semaphore(%arg12 : memref<!tpu.dma_semaphore, #tpu.memory_space<semaphore_mem>>) {add = true}
      %scan3A_193 = arith.constant 0 : i32
      scf.yield %scan3A_193 : i32
    }
    %scan3A_125 = arith.constant 80 : i32
    %dma_wait3A_126 = arith.constant 0 : i32
    %dma_wait3A_127 = arith.constant 0 : i32
    %dma_wait3A_128 = arith.constant 0 : i32
    %dma_wait3A_129 = tpu.memref_slice %arg8[%dma_wait3A_126, %dma_wait3A_127, %dma_wait3A_128] : memref<2x128x128xf32, #tpu.memory_space<vmem>> -> memref<1x128x128xf32, #tpu.memory_space<vmem>>
    %dma_wait3A_130 = tpu.memref_squeeze %dma_wait3A_129 : memref<1x128x128xf32, #tpu.memory_space<vmem>> -> memref<128x128xf32, #tpu.memory_space<vmem>>
    %dma_wait3A_131 = arith.constant 0 : i32
    %dma_wait3A_132 = arith.constant 0 : i32
    %dma_wait3A_133 = tpu.memref_slice %arg10[%dma_wait3A_131, %dma_wait3A_132] : memref<10304x128xf32, #tpu.memory_space<vmem_shared>> -> memref<128x128xf32, #tpu.memory_space<vmem_shared>>
    %dma_wait3A_134 = arith.constant 0 : i32
    %dma_wait3A_135 = arith.constant 0 : i32
    %dma_wait3A_136 = tpu.memref_slice %arg10[%dma_wait3A_134, %dma_wait3A_135] : memref<10304x128xf32, #tpu.memory_space<vmem_shared>> -> memref<128x128xf32, #tpu.memory_space<vmem_shared>>
    %dma_wait3A_137 = arith.constant 0 : i32
    %dma_wait3A_138 = arith.constant 0 : i32
    %dma_wait3A_139 = tpu.memref_slice %arg8[%dma_wait3A_126, %dma_wait3A_137, %dma_wait3A_138] : memref<2x128x128xf32, #tpu.memory_space<vmem>> -> memref<1x128x128xf32, #tpu.memory_space<vmem>>
    %dma_wait3A_140 = tpu.memref_squeeze %dma_wait3A_139 : memref<1x128x128xf32, #tpu.memory_space<vmem>> -> memref<128x128xf32, #tpu.memory_space<vmem>>
    tpu.wait_dma2 semaphore(%arg12 : memref<!tpu.dma_semaphore, #tpu.memory_space<semaphore_mem>>) src(%dma_wait3A_140 : memref<128x128xf32, #tpu.memory_space<vmem>>) dst(%dma_wait3A_136 : memref<128x128xf32, #tpu.memory_space<vmem_shared>>)
    %barrier3A_141 = arith.constant 0 : index
    tpu.barrier barrier_id(%barrier3A_141)
    %mul3A_142 = arith.constant 640 : i32
    %mul3A_143 = arith.muli %arg1, %mul3A_142 : i32
    "tpu.region"() ({
      %run_scoped3A = tpu.sem_alloc : memref<!tpu.dma_semaphore, #tpu.memory_space<semaphore_mem>>
      %dma_start3A_144 = arith.constant 0 : i32
      %dma_start3A_145 = arith.constant 0 : i32
      %dma_start3A_146 = tpu.memref_slice %arg5[%arg0, %dma_start3A_144, %dma_start3A_145] : memref<2x10240x128xf32, #tpu.memory_space<hbm>> -> memref<1x10240x128xf32, #tpu.memory_space<hbm>>
      %dma_start3A_147 = tpu.memref_squeeze %dma_start3A_146 : memref<1x10240x128xf32, #tpu.memory_space<hbm>> -> memref<10240x128xf32, #tpu.memory_space<hbm>>
      %dma_start3A_148 = arith.constant 0 : i32
      %dma_start3A_149 = tpu.memref_slice %dma_start3A_147[%mul3A_143, %dma_start3A_148] : memref<10240x128xf32, #tpu.memory_space<hbm>> -> memref<640x128xf32, #tpu.memory_space<hbm>>
      %dma_start3A_150 = arith.constant 0 : i32
      %dma_start3A_151 = tpu.memref_slice %arg10[%mul3A_143, %dma_start3A_150] : memref<10304x128xf32, #tpu.memory_space<vmem_shared>> -> memref<640x128xf32, #tpu.memory_space<vmem_shared>>
      tpu.enqueue_dma source(%dma_start3A_151 : memref<640x128xf32, #tpu.memory_space<vmem_shared>>) target(%dma_start3A_149 : memref<640x128xf32, #tpu.memory_space<hbm>>) target_semaphore(%run_scoped3A : memref<!tpu.dma_semaphore, #tpu.memory_space<semaphore_mem>>)
      %dma_wait3A_152 = arith.constant 0 : i32
      %dma_wait3A_153 = arith.constant 0 : i32
      %dma_wait3A_154 = tpu.memref_slice %arg5[%arg0, %dma_wait3A_152, %dma_wait3A_153] : memref<2x10240x128xf32, #tpu.memory_space<hbm>> -> memref<1x10240x128xf32, #tpu.memory_space<hbm>>
      %dma_wait3A_155 = tpu.memref_squeeze %dma_wait3A_154 : memref<1x10240x128xf32, #tpu.memory_space<hbm>> -> memref<10240x128xf32, #tpu.memory_space<hbm>>
      %dma_wait3A_156 = arith.constant 0 : i32
      %dma_wait3A_157 = tpu.memref_slice %dma_wait3A_155[%mul3A_143, %dma_wait3A_156] : memref<10240x128xf32, #tpu.memory_space<hbm>> -> memref<640x128xf32, #tpu.memory_space<hbm>>
      %dma_wait3A_158 = arith.constant 0 : i32
      %dma_wait3A_159 = tpu.memref_slice %arg10[%mul3A_143, %dma_wait3A_158] : memref<10304x128xf32, #tpu.memory_space<vmem_shared>> -> memref<640x128xf32, #tpu.memory_space<vmem_shared>>
      tpu.wait_dma2 semaphore(%run_scoped3A : memref<!tpu.dma_semaphore, #tpu.memory_space<semaphore_mem>>) src(%dma_wait3A_159 : memref<640x128xf32, #tpu.memory_space<vmem_shared>>) dst(%dma_wait3A_157 : memref<640x128xf32, #tpu.memory_space<hbm>>)
      tpu.yield
    }) : () -> ()
    return
  }
}

#map = affine_map<(d0, d1) -> (0, 0)>
#map1 = affine_map<(d0, d1) -> (0)>
#map2 = affine_map<(d0, d1) -> (0, 0, 0)>
module attributes {stable_mosaic.version = 14 : i64} {
  func.func @conv(%arg0: i32, %arg1: i32, %arg2: memref<81920x128xf32, #tpu.memory_space<hbm>>, %arg3: memref<327680xi32, #tpu.memory_space<hbm>>, %arg4: memref<327680xi32, #tpu.memory_space<hbm>>, %arg5: memref<2x10240x128xf32, #tpu.memory_space<hbm>>, %arg6: memref<4x128xi32, #tpu.memory_space<vmem>>, %arg7: memref<4x128xi32, #tpu.memory_space<vmem>>, %arg8: memref<2x128x128xf32, #tpu.memory_space<vmem>>, %arg9: memref<64x128xf32, #tpu.memory_space<vmem>>, %arg10: memref<10304x128xf32, #tpu.memory_space<vmem_shared>>, %arg11: memref<!tpu.dma_semaphore, #tpu.memory_space<semaphore_mem>>, %arg12: memref<!tpu.dma_semaphore, #tpu.memory_space<semaphore_mem>>, %arg13: memref<!tpu.dma_semaphore, #tpu.memory_space<semaphore_mem>>) attributes {dimension_semantics = [#tpu.dimension_semantics<core_parallel>, #tpu.dimension_semantics<subcore_parallel>], iteration_bounds = array<i64: 2, 16>, scalar_prefetch = 0 : i64, scratch_operands = 8 : i64, tpu.core_type = #tpu.core_type<sc_vector_subcore>, window_params = [{transform_indices = #map}, {transform_indices = #map1}, {transform_indices = #map1}, {transform_indices = #map2}]} {
    %mul3A = arith.constant 1280 : i32
    %mul3A_0 = arith.muli %arg0, %mul3A : i32
    %mul3A_1 = arith.constant 80 : i32
    %mul3A_2 = arith.muli %arg1, %mul3A_1 : i32
    %add3A = arith.addi %mul3A_0, %mul3A_2 : i32
    %broadcast_in_dim3A = arith.constant 0.000000e+00 : f32
    %broadcast_in_dim3A_3 = vector.broadcast %broadcast_in_dim3A : f32 to vector<16xf32>
    %scan3A = arith.constant 0 : i32
    %scan3A_4 = arith.constant 0 : i32
    %scan3A_5 = arith.constant 512 : i32
    %scan3A_6 = arith.addi %scan3A_4, %scan3A_5 : i32
    %scan3A_7 = arith.constant 1 : i32
    %scan3A_8 = scf.for %scan3A_144 = %scan3A_4 to %scan3A_6 step %scan3A_7 iter_args(%scan3A_145 = %scan3A) -> (i32)  : i32 {
      %jit3A = arith.constant 8 : i32
      %div3A = arith.divsi %scan3A_144, %jit3A : i32
      %sign3A = arith.constant 0 : i32
      %sign3A_146 = arith.cmpi sgt, %scan3A_144, %sign3A : i32
      %sign3A_147 = arith.extui %sign3A_146 : i1 to i32
      %sign3A_148 = arith.constant 0 : i32
      %sign3A_149 = arith.cmpi slt, %scan3A_144, %sign3A_148 : i32
      %sign3A_150 = arith.extui %sign3A_149 : i1 to i32
      %sign3A_151 = arith.subi %sign3A_147, %sign3A_150 : i32
      %sign3A_152 = arith.constant 0 : i32
      %sign3A_153 = arith.cmpi sgt, %jit3A, %sign3A_152 : i32
      %sign3A_154 = arith.extui %sign3A_153 : i1 to i32
      %sign3A_155 = arith.constant 0 : i32
      %sign3A_156 = arith.cmpi slt, %jit3A, %sign3A_155 : i32
      %sign3A_157 = arith.extui %sign3A_156 : i1 to i32
      %sign3A_158 = arith.subi %sign3A_154, %sign3A_157 : i32
      %ne3A = arith.cmpi ne, %sign3A_151, %sign3A_158 : i32
      %rem3A_159 = arith.remsi %scan3A_144, %jit3A : i32
      %ne3A_160 = arith.constant 0 : i32
      %ne3A_161 = arith.cmpi ne, %rem3A_159, %ne3A_160 : i32
      %and3A = arith.andi %ne3A, %ne3A_161 : i1
      %sub3A = arith.constant 1 : i32
      %sub3A_162 = arith.subi %div3A, %sub3A : i32
      %select_n3A = arith.select %and3A, %sub3A_162, %div3A : i32
      %jit3A_163 = arith.constant 8 : i32
      %eq3A_164 = arith.constant 0 : i32
      %eq3A_165 = arith.cmpi eq, %jit3A_163, %eq3A_164 : i32
      %jit3A_166 = arith.constant 1 : i32
      %select_n3A_167 = arith.select %eq3A_165, %jit3A_166, %jit3A_163 : i32
      %rem3A_168 = arith.remsi %scan3A_144, %select_n3A_167 : i32
      %ne3A_169 = arith.constant 0 : i32
      %ne3A_170 = arith.cmpi ne, %rem3A_168, %ne3A_169 : i32
      %lt3A = arith.constant 0 : i32
      %lt3A_171 = arith.cmpi slt, %rem3A_168, %lt3A : i32
      %lt3A_172 = arith.constant 0 : i32
      %lt3A_173 = arith.cmpi slt, %select_n3A_167, %lt3A_172 : i32
      %ne3A_174 = arith.xori %lt3A_171, %lt3A_173 : i1
      %and3A_175 = arith.andi %ne3A_174, %ne3A_170 : i1
      %add3A_176 = arith.addi %rem3A_168, %select_n3A_167 : i32
      %select_n3A_177 = arith.select %and3A_175, %add3A_176, %rem3A_168 : i32
      %mul3A_178 = arith.constant 16 : i32
      %mul3A_179 = arith.muli %select_n3A_177, %mul3A_178 : i32
      %swap3A = arith.index_cast %select_n3A : i32 to index
      %swap3A_180 = arith.index_cast %mul3A_179 : i32 to index
      %swap3A_181 = tpu.vector_load %arg9[%swap3A, %swap3A_180] {strides = array<i32>} : memref<64x128xf32, #tpu.memory_space<vmem>>, vector<1x16xf32>,
      %swap3A_182 = vector.shape_cast %swap3A_181 : vector<1x16xf32> to vector<16xf32>
      %swap3A_183 = vector.shape_cast %broadcast_in_dim3A_3 : vector<16xf32> to vector<1x16xf32>
      tpu.vector_store %arg9[%swap3A, %swap3A_180], %swap3A_183 {strides = array<i32>} : memref<64x128xf32, #tpu.memory_space<vmem>>, vector<1x16xf32>,
      %scan3A_184 = arith.constant 0 : i32
      scf.yield %scan3A_184 : i32
    }
    %scan3A_9 = arith.constant 512 : i32
    %scan3A_10 = arith.constant 0 : i32
    %scan3A_11 = arith.constant 0 : i32
    %scan3A_12 = arith.constant 10 : i32
    %scan3A_13 = arith.addi %scan3A_11, %scan3A_12 : i32
    %scan3A_14 = arith.constant 1 : i32
    %scan3A_15 = scf.for %scan3A_144 = %scan3A_11 to %scan3A_13 step %scan3A_14 iter_args(%scan3A_145 = %scan3A_10) -> (i32)  : i32 {
      %mul3A_146 = arith.constant 640 : i32
      %mul3A_147 = arith.muli %arg1, %mul3A_146 : i32
      %mul3A_148 = arith.constant 64 : i32
      %mul3A_149 = arith.muli %scan3A_144, %mul3A_148 : i32
      %add3A_150 = arith.addi %mul3A_147, %mul3A_149 : i32
      "tpu.region"() ({
        %run_scoped3A = tpu.sem_alloc : memref<!tpu.dma_semaphore, #tpu.memory_space<semaphore_mem>>
        %dma_start3A_152 = arith.constant 0 : i32
        %dma_start3A_153 = tpu.memref_slice %arg10[%add3A_150, %dma_start3A_152] : memref<10304x128xf32, #tpu.memory_space<vmem_shared>> -> memref<64x128xf32, #tpu.memory_space<vmem_shared>>
        %dma_start3A_154 = arith.constant 0 : i32
        %dma_start3A_155 = tpu.memref_slice %arg10[%add3A_150, %dma_start3A_154] : memref<10304x128xf32, #tpu.memory_space<vmem_shared>> -> memref<64x128xf32, #tpu.memory_space<vmem_shared>>
        tpu.enqueue_dma source(%arg9 : memref<64x128xf32, #tpu.memory_space<vmem>>) target(%dma_start3A_155 : memref<64x128xf32, #tpu.memory_space<vmem_shared>>) target_semaphore(%run_scoped3A : memref<!tpu.dma_semaphore, #tpu.memory_space<semaphore_mem>>)
        %dma_wait3A_156 = arith.constant 0 : i32
        %dma_wait3A_157 = tpu.memref_slice %arg10[%add3A_150, %dma_wait3A_156] : memref<10304x128xf32, #tpu.memory_space<vmem_shared>> -> memref<64x128xf32, #tpu.memory_space<vmem_shared>>
        %dma_wait3A_158 = arith.constant 0 : i32
        %dma_wait3A_159 = tpu.memref_slice %arg10[%add3A_150, %dma_wait3A_158] : memref<10304x128xf32, #tpu.memory_space<vmem_shared>> -> memref<64x128xf32, #tpu.memory_space<vmem_shared>>
        tpu.wait_dma2 semaphore(%run_scoped3A : memref<!tpu.dma_semaphore, #tpu.memory_space<semaphore_mem>>) src(%arg9 : memref<64x128xf32, #tpu.memory_space<vmem>>) dst(%dma_wait3A_159 : memref<64x128xf32, #tpu.memory_space<vmem_shared>>)
        tpu.yield
      }) : () -> ()
      %scan3A_151 = arith.constant 0 : i32
      scf.yield %scan3A_151 : i32
    }
    %scan3A_16 = arith.constant 10 : i32
    %eq3A = arith.constant 0 : i32
    %eq3A_17 = arith.cmpi eq, %arg1, %eq3A : i32
    %convert_element_type3A = arith.extui %eq3A_17 : i1 to i32
    %cond3A = arith.constant 0 : i32
    %cond3A_18 = arith.cmpi ne, %convert_element_type3A, %cond3A : i32
    scf.if %cond3A_18 {
      "tpu.region"() ({
        %run_scoped3A = tpu.sem_alloc : memref<!tpu.dma_semaphore, #tpu.memory_space<semaphore_mem>>
        %dma_start3A_144 = arith.constant 10240 : i32
        %dma_start3A_145 = arith.constant 0 : i32
        %dma_start3A_146 = tpu.memref_slice %arg10[%dma_start3A_144, %dma_start3A_145] : memref<10304x128xf32, #tpu.memory_space<vmem_shared>> -> memref<64x128xf32, #tpu.memory_space<vmem_shared>>
        %dma_start3A_147 = arith.constant 10240 : i32
        %dma_start3A_148 = arith.constant 0 : i32
        %dma_start3A_149 = tpu.memref_slice %arg10[%dma_start3A_147, %dma_start3A_148] : memref<10304x128xf32, #tpu.memory_space<vmem_shared>> -> memref<64x128xf32, #tpu.memory_space<vmem_shared>>
        tpu.enqueue_dma source(%arg9 : memref<64x128xf32, #tpu.memory_space<vmem>>) target(%dma_start3A_149 : memref<64x128xf32, #tpu.memory_space<vmem_shared>>) target_semaphore(%run_scoped3A : memref<!tpu.dma_semaphore, #tpu.memory_space<semaphore_mem>>)
        %dma_wait3A_150 = arith.constant 10240 : i32
        %dma_wait3A_151 = arith.constant 0 : i32
        %dma_wait3A_152 = tpu.memref_slice %arg10[%dma_wait3A_150, %dma_wait3A_151] : memref<10304x128xf32, #tpu.memory_space<vmem_shared>> -> memref<64x128xf32, #tpu.memory_space<vmem_shared>>
        %dma_wait3A_153 = arith.constant 10240 : i32
        %dma_wait3A_154 = arith.constant 0 : i32
        %dma_wait3A_155 = tpu.memref_slice %arg10[%dma_wait3A_153, %dma_wait3A_154] : memref<10304x128xf32, #tpu.memory_space<vmem_shared>> -> memref<64x128xf32, #tpu.memory_space<vmem_shared>>
        tpu.wait_dma2 semaphore(%run_scoped3A : memref<!tpu.dma_semaphore, #tpu.memory_space<semaphore_mem>>) src(%arg9 : memref<64x128xf32, #tpu.memory_space<vmem>>) dst(%dma_wait3A_155 : memref<64x128xf32, #tpu.memory_space<vmem_shared>>)
        tpu.yield
      }) : () -> ()
    } else {
    }
    %barrier3A = arith.constant 0 : index
    tpu.barrier barrier_id(%barrier3A)
    %add3A_19 = arith.constant 0 : i32
    %add3A_20 = arith.addi %add3A, %add3A_19 : i32
    %mul3A_21 = arith.constant 128 : i32
    %mul3A_22 = arith.muli %add3A_20, %mul3A_21 : i32
    %rem3A = arith.constant 0 : i32
    %rem3A_23 = arith.constant 4 : i32
    %rem3A_24 = arith.remsi %rem3A, %rem3A_23 : i32
    %dma_start3A = arith.constant 0 : i32
    %dma_start3A_25 = tpu.memref_slice %arg6[%rem3A_24, %dma_start3A] : memref<4x128xi32, #tpu.memory_space<vmem>> -> memref<1x128xi32, #tpu.memory_space<vmem>>
    %dma_start3A_26 = tpu.memref_squeeze %dma_start3A_25 : memref<1x128xi32, #tpu.memory_space<vmem>> -> memref<128xi32, #tpu.memory_space<vmem>>
    %dma_start3A_27 = tpu.memref_slice %arg3[%mul3A_22] : memref<327680xi32, #tpu.memory_space<hbm>> -> memref<128xi32, #tpu.memory_space<hbm>>
    %dma_start3A_28 = arith.constant 0 : i32
    %dma_start3A_29 = tpu.memref_slice %arg6[%rem3A_24, %dma_start3A_28] : memref<4x128xi32, #tpu.memory_space<vmem>> -> memref<1x128xi32, #tpu.memory_space<vmem>>
    %dma_start3A_30 = tpu.memref_squeeze %dma_start3A_29 : memref<1x128xi32, #tpu.memory_space<vmem>> -> memref<128xi32, #tpu.memory_space<vmem>>
    %dma_start3A_31 = tpu.memref_slice %arg3[%mul3A_22] : memref<327680xi32, #tpu.memory_space<hbm>> -> memref<128xi32, #tpu.memory_space<hbm>>
    tpu.enqueue_dma source(%dma_start3A_31 : memref<128xi32, #tpu.memory_space<hbm>>) target(%dma_start3A_30 : memref<128xi32, #tpu.memory_space<vmem>>) target_semaphore(%arg13 : memref<!tpu.dma_semaphore, #tpu.memory_space<semaphore_mem>>)
    %dma_start3A_32 = arith.constant 0 : i32
    %dma_start3A_33 = tpu.memref_slice %arg7[%rem3A_24, %dma_start3A_32] : memref<4x128xi32, #tpu.memory_space<vmem>> -> memref<1x128xi32, #tpu.memory_space<vmem>>
    %dma_start3A_34 = tpu.memref_squeeze %dma_start3A_33 : memref<1x128xi32, #tpu.memory_space<vmem>> -> memref<128xi32, #tpu.memory_space<vmem>>
    %dma_start3A_35 = tpu.memref_slice %arg4[%mul3A_22] : memref<327680xi32, #tpu.memory_space<hbm>> -> memref<128xi32, #tpu.memory_space<hbm>>
    %dma_start3A_36 = arith.constant 0 : i32
    %dma_start3A_37 = tpu.memref_slice %arg7[%rem3A_24, %dma_start3A_36] : memref<4x128xi32, #tpu.memory_space<vmem>> -> memref<1x128xi32, #tpu.memory_space<vmem>>
    %dma_start3A_38 = tpu.memref_squeeze %dma_start3A_37 : memref<1x128xi32, #tpu.memory_space<vmem>> -> memref<128xi32, #tpu.memory_space<vmem>>
    %dma_start3A_39 = tpu.memref_slice %arg4[%mul3A_22] : memref<327680xi32, #tpu.memory_space<hbm>> -> memref<128xi32, #tpu.memory_space<hbm>>
    tpu.enqueue_dma source(%dma_start3A_39 : memref<128xi32, #tpu.memory_space<hbm>>) target(%dma_start3A_38 : memref<128xi32, #tpu.memory_space<vmem>>) target_semaphore(%arg13 : memref<!tpu.dma_semaphore, #tpu.memory_space<semaphore_mem>>)
    %add3A_40 = arith.constant 1 : i32
    %add3A_41 = arith.addi %add3A, %add3A_40 : i32
    %mul3A_42 = arith.constant 128 : i32
    %mul3A_43 = arith.muli %add3A_41, %mul3A_42 : i32
    %rem3A_44 = arith.constant 1 : i32
    %rem3A_45 = arith.constant 4 : i32
    %rem3A_46 = arith.remsi %rem3A_44, %rem3A_45 : i32
    %dma_start3A_47 = arith.constant 0 : i32
    %dma_start3A_48 = tpu.memref_slice %arg6[%rem3A_46, %dma_start3A_47] : memref<4x128xi32, #tpu.memory_space<vmem>> -> memref<1x128xi32, #tpu.memory_space<vmem>>
    %dma_start3A_49 = tpu.memref_squeeze %dma_start3A_48 : memref<1x128xi32, #tpu.memory_space<vmem>> -> memref<128xi32, #tpu.memory_space<vmem>>
    %dma_start3A_50 = tpu.memref_slice %arg3[%mul3A_43] : memref<327680xi32, #tpu.memory_space<hbm>> -> memref<128xi32, #tpu.memory_space<hbm>>
    %dma_start3A_51 = arith.constant 0 : i32
    %dma_start3A_52 = tpu.memref_slice %arg6[%rem3A_46, %dma_start3A_51] : memref<4x128xi32, #tpu.memory_space<vmem>> -> memref<1x128xi32, #tpu.memory_space<vmem>>
    %dma_start3A_53 = tpu.memref_squeeze %dma_start3A_52 : memref<1x128xi32, #tpu.memory_space<vmem>> -> memref<128xi32, #tpu.memory_space<vmem>>
    %dma_start3A_54 = tpu.memref_slice %arg3[%mul3A_43] : memref<327680xi32, #tpu.memory_space<hbm>> -> memref<128xi32, #tpu.memory_space<hbm>>
    tpu.enqueue_dma source(%dma_start3A_54 : memref<128xi32, #tpu.memory_space<hbm>>) target(%dma_start3A_53 : memref<128xi32, #tpu.memory_space<vmem>>) target_semaphore(%arg13 : memref<!tpu.dma_semaphore, #tpu.memory_space<semaphore_mem>>)
    %dma_start3A_55 = arith.constant 0 : i32
    %dma_start3A_56 = tpu.memref_slice %arg7[%rem3A_46, %dma_start3A_55] : memref<4x128xi32, #tpu.memory_space<vmem>> -> memref<1x128xi32, #tpu.memory_space<vmem>>
    %dma_start3A_57 = tpu.memref_squeeze %dma_start3A_56 : memref<1x128xi32, #tpu.memory_space<vmem>> -> memref<128xi32, #tpu.memory_space<vmem>>
    %dma_start3A_58 = tpu.memref_slice %arg4[%mul3A_43] : memref<327680xi32, #tpu.memory_space<hbm>> -> memref<128xi32, #tpu.memory_space<hbm>>
    %dma_start3A_59 = arith.constant 0 : i32
    %dma_start3A_60 = tpu.memref_slice %arg7[%rem3A_46, %dma_start3A_59] : memref<4x128xi32, #tpu.memory_space<vmem>> -> memref<1x128xi32, #tpu.memory_space<vmem>>
    %dma_start3A_61 = tpu.memref_squeeze %dma_start3A_60 : memref<1x128xi32, #tpu.memory_space<vmem>> -> memref<128xi32, #tpu.memory_space<vmem>>
    %dma_start3A_62 = tpu.memref_slice %arg4[%mul3A_43] : memref<327680xi32, #tpu.memory_space<hbm>> -> memref<128xi32, #tpu.memory_space<hbm>>
    tpu.enqueue_dma source(%dma_start3A_62 : memref<128xi32, #tpu.memory_space<hbm>>) target(%dma_start3A_61 : memref<128xi32, #tpu.memory_space<vmem>>) target_semaphore(%arg13 : memref<!tpu.dma_semaphore, #tpu.memory_space<semaphore_mem>>)
    %add3A_63 = arith.constant 2 : i32
    %add3A_64 = arith.addi %add3A, %add3A_63 : i32
    %mul3A_65 = arith.constant 128 : i32
    %mul3A_66 = arith.muli %add3A_64, %mul3A_65 : i32
    %rem3A_67 = arith.constant 2 : i32
    %rem3A_68 = arith.constant 4 : i32
    %rem3A_69 = arith.remsi %rem3A_67, %rem3A_68 : i32
    %dma_start3A_70 = arith.constant 0 : i32
    %dma_start3A_71 = tpu.memref_slice %arg6[%rem3A_69, %dma_start3A_70] : memref<4x128xi32, #tpu.memory_space<vmem>> -> memref<1x128xi32, #tpu.memory_space<vmem>>
    %dma_start3A_72 = tpu.memref_squeeze %dma_start3A_71 : memref<1x128xi32, #tpu.memory_space<vmem>> -> memref<128xi32, #tpu.memory_space<vmem>>
    %dma_start3A_73 = tpu.memref_slice %arg3[%mul3A_66] : memref<327680xi32, #tpu.memory_space<hbm>> -> memref<128xi32, #tpu.memory_space<hbm>>
    %dma_start3A_74 = arith.constant 0 : i32
    %dma_start3A_75 = tpu.memref_slice %arg6[%rem3A_69, %dma_start3A_74] : memref<4x128xi32, #tpu.memory_space<vmem>> -> memref<1x128xi32, #tpu.memory_space<vmem>>
    %dma_start3A_76 = tpu.memref_squeeze %dma_start3A_75 : memref<1x128xi32, #tpu.memory_space<vmem>> -> memref<128xi32, #tpu.memory_space<vmem>>
    %dma_start3A_77 = tpu.memref_slice %arg3[%mul3A_66] : memref<327680xi32, #tpu.memory_space<hbm>> -> memref<128xi32, #tpu.memory_space<hbm>>
    tpu.enqueue_dma source(%dma_start3A_77 : memref<128xi32, #tpu.memory_space<hbm>>) target(%dma_start3A_76 : memref<128xi32, #tpu.memory_space<vmem>>) target_semaphore(%arg13 : memref<!tpu.dma_semaphore, #tpu.memory_space<semaphore_mem>>)
    %dma_start3A_78 = arith.constant 0 : i32
    %dma_start3A_79 = tpu.memref_slice %arg7[%rem3A_69, %dma_start3A_78] : memref<4x128xi32, #tpu.memory_space<vmem>> -> memref<1x128xi32, #tpu.memory_space<vmem>>
    %dma_start3A_80 = tpu.memref_squeeze %dma_start3A_79 : memref<1x128xi32, #tpu.memory_space<vmem>> -> memref<128xi32, #tpu.memory_space<vmem>>
    %dma_start3A_81 = tpu.memref_slice %arg4[%mul3A_66] : memref<327680xi32, #tpu.memory_space<hbm>> -> memref<128xi32, #tpu.memory_space<hbm>>
    %dma_start3A_82 = arith.constant 0 : i32
    %dma_start3A_83 = tpu.memref_slice %arg7[%rem3A_69, %dma_start3A_82] : memref<4x128xi32, #tpu.memory_space<vmem>> -> memref<1x128xi32, #tpu.memory_space<vmem>>
    %dma_start3A_84 = tpu.memref_squeeze %dma_start3A_83 : memref<1x128xi32, #tpu.memory_space<vmem>> -> memref<128xi32, #tpu.memory_space<vmem>>
    %dma_start3A_85 = tpu.memref_slice %arg4[%mul3A_66] : memref<327680xi32, #tpu.memory_space<hbm>> -> memref<128xi32, #tpu.memory_space<hbm>>
    tpu.enqueue_dma source(%dma_start3A_85 : memref<128xi32, #tpu.memory_space<hbm>>) target(%dma_start3A_84 : memref<128xi32, #tpu.memory_space<vmem>>) target_semaphore(%arg13 : memref<!tpu.dma_semaphore, #tpu.memory_space<semaphore_mem>>)
    %dma_wait3A = arith.constant 0 : i32
    %dma_wait3A_86 = arith.constant 0 : i32
    %dma_wait3A_87 = tpu.memref_slice %arg6[%dma_wait3A, %dma_wait3A_86] : memref<4x128xi32, #tpu.memory_space<vmem>> -> memref<1x128xi32, #tpu.memory_space<vmem>>
    %dma_wait3A_88 = tpu.memref_squeeze %dma_wait3A_87 : memref<1x128xi32, #tpu.memory_space<vmem>> -> memref<128xi32, #tpu.memory_space<vmem>>
    %dma_wait3A_89 = arith.constant 0 : i32
    %dma_wait3A_90 = tpu.memref_slice %arg3[%dma_wait3A_89] : memref<327680xi32, #tpu.memory_space<hbm>> -> memref<128xi32, #tpu.memory_space<hbm>>
    %dma_wait3A_91 = arith.constant 0 : i32
    %dma_wait3A_92 = tpu.memref_slice %arg6[%dma_wait3A, %dma_wait3A_91] : memref<4x128xi32, #tpu.memory_space<vmem>> -> memref<1x128xi32, #tpu.memory_space<vmem>>
    %dma_wait3A_93 = tpu.memref_squeeze %dma_wait3A_92 : memref<1x128xi32, #tpu.memory_space<vmem>> -> memref<128xi32, #tpu.memory_space<vmem>>
    %dma_wait3A_94 = arith.constant 0 : i32
    %dma_wait3A_95 = tpu.memref_slice %arg3[%dma_wait3A_94] : memref<327680xi32, #tpu.memory_space<hbm>> -> memref<128xi32, #tpu.memory_space<hbm>>
    tpu.wait_dma2 semaphore(%arg13 : memref<!tpu.dma_semaphore, #tpu.memory_space<semaphore_mem>>) src(%dma_wait3A_95 : memref<128xi32, #tpu.memory_space<hbm>>) dst(%dma_wait3A_93 : memref<128xi32, #tpu.memory_space<vmem>>)
    %dma_wait3A_96 = arith.constant 0 : i32
    %dma_wait3A_97 = arith.constant 0 : i32
    %dma_wait3A_98 = tpu.memref_slice %arg7[%dma_wait3A_96, %dma_wait3A_97] : memref<4x128xi32, #tpu.memory_space<vmem>> -> memref<1x128xi32, #tpu.memory_space<vmem>>
    %dma_wait3A_99 = tpu.memref_squeeze %dma_wait3A_98 : memref<1x128xi32, #tpu.memory_space<vmem>> -> memref<128xi32, #tpu.memory_space<vmem>>
    %dma_wait3A_100 = arith.constant 0 : i32
    %dma_wait3A_101 = tpu.memref_slice %arg4[%dma_wait3A_100] : memref<327680xi32, #tpu.memory_space<hbm>> -> memref<128xi32, #tpu.memory_space<hbm>>
    %dma_wait3A_102 = arith.constant 0 : i32
    %dma_wait3A_103 = tpu.memref_slice %arg7[%dma_wait3A_96, %dma_wait3A_102] : memref<4x128xi32, #tpu.memory_space<vmem>> -> memref<1x128xi32, #tpu.memory_space<vmem>>
    %dma_wait3A_104 = tpu.memref_squeeze %dma_wait3A_103 : memref<1x128xi32, #tpu.memory_space<vmem>> -> memref<128xi32, #tpu.memory_space<vmem>>
    %dma_wait3A_105 = arith.constant 0 : i32
    %dma_wait3A_106 = tpu.memref_slice %arg4[%dma_wait3A_105] : memref<327680xi32, #tpu.memory_space<hbm>> -> memref<128xi32, #tpu.memory_space<hbm>>
    tpu.wait_dma2 semaphore(%arg13 : memref<!tpu.dma_semaphore, #tpu.memory_space<semaphore_mem>>) src(%dma_wait3A_106 : memref<128xi32, #tpu.memory_space<hbm>>) dst(%dma_wait3A_104 : memref<128xi32, #tpu.memory_space<vmem>>)
    %dma_start3A_107 = arith.constant 0 : i32
    %dma_start3A_108 = arith.constant 0 : i32
    %dma_start3A_109 = arith.constant 0 : i32
    %dma_start3A_110 = arith.constant 0 : i32
    %dma_start3A_111 = tpu.memref_slice %arg8[%dma_start3A_108, %dma_start3A_109, %dma_start3A_110] : memref<2x128x128xf32, #tpu.memory_space<vmem>> -> memref<1x128x128xf32, #tpu.memory_space<vmem>>
    %dma_start3A_112 = tpu.memref_squeeze %dma_start3A_111 : memref<1x128x128xf32, #tpu.memory_space<vmem>> -> memref<128x128xf32, #tpu.memory_space<vmem>>
    %dma_start3A_113 = arith.constant 0 : i32
    %dma_start3A_114 = tpu.memref_slice %arg6[%dma_start3A_107, %dma_start3A_113] : memref<4x128xi32, #tpu.memory_space<vmem>> -> memref<1x128xi32, #tpu.memory_space<vmem>>
    %dma_start3A_115 = tpu.memref_squeeze %dma_start3A_114 : memref<1x128xi32, #tpu.memory_space<vmem>> -> memref<128xi32, #tpu.memory_space<vmem>>
    %dma_start3A_116 = arith.constant 0 : i32
    %dma_start3A_117 = arith.constant 0 : i32
    %dma_start3A_118 = tpu.memref_slice %arg2[%dma_start3A_116, %dma_start3A_117] : memref<81920x128xf32, #tpu.memory_space<hbm>> -> memref<81920x128xf32, #tpu.memory_space<hbm>>
    tpu.enqueue_indirect_dma source(%dma_start3A_118 : memref<81920x128xf32, #tpu.memory_space<hbm>>) target(%dma_start3A_112 : memref<128x128xf32, #tpu.memory_space<vmem>>) offsets(%dma_start3A_115 : memref<128xi32, #tpu.memory_space<vmem>>) semaphore(%arg11 : memref<!tpu.dma_semaphore, #tpu.memory_space<semaphore_mem>>)
    %scan3A_119 = arith.constant 0 : i32
    %scan3A_120 = arith.constant 0 : i32
    %scan3A_121 = arith.constant 80 : i32
    %scan3A_122 = arith.addi %scan3A_120, %scan3A_121 : i32
    %scan3A_123 = arith.constant 1 : i32
    %scan3A_124 = scf.for %scan3A_144 = %scan3A_120 to %scan3A_122 step %scan3A_123 iter_args(%scan3A_145 = %scan3A_119) -> (i32)  : i32 {
      %rem3A_146 = arith.constant 2 : i32
      %rem3A_147 = arith.remsi %scan3A_144, %rem3A_146 : i32
      %add3A_148 = arith.constant 1 : i32
      %add3A_149 = arith.addi %scan3A_144, %add3A_148 : i32
      %rem3A_150 = arith.constant 2 : i32
      %rem3A_151 = arith.remsi %add3A_149, %rem3A_150 : i32
      %ge3A = arith.constant 1 : i32
      %ge3A_152 = arith.cmpi sge, %scan3A_144, %ge3A : i32
      %convert_element_type3A_153 = arith.extui %ge3A_152 : i1 to i32
      %cond3A_154 = arith.constant 0 : i32
      %cond3A_155 = arith.cmpi ne, %convert_element_type3A_153, %cond3A_154 : i32
      scf.if %cond3A_155 {
        %dma_wait3A_194 = arith.constant 0 : i32
        %dma_wait3A_195 = arith.constant 0 : i32
        %dma_wait3A_196 = arith.constant 0 : i32
        %dma_wait3A_197 = tpu.memref_slice %arg8[%dma_wait3A_194, %dma_wait3A_195, %dma_wait3A_196] : memref<2x128x128xf32, #tpu.memory_space<vmem>> -> memref<1x128x128xf32, #tpu.memory_space<vmem>>
        %dma_wait3A_198 = tpu.memref_squeeze %dma_wait3A_197 : memref<1x128x128xf32, #tpu.memory_space<vmem>> -> memref<128x128xf32, #tpu.memory_space<vmem>>
        %dma_wait3A_199 = arith.constant 0 : i32
        %dma_wait3A_200 = arith.constant 0 : i32
        %dma_wait3A_201 = tpu.memref_slice %arg10[%dma_wait3A_199, %dma_wait3A_200] : memref<10304x128xf32, #tpu.memory_space<vmem_shared>> -> memref<128x128xf32, #tpu.memory_space<vmem_shared>>
        %dma_wait3A_202 = arith.constant 0 : i32
        %dma_wait3A_203 = arith.constant 0 : i32
        %dma_wait3A_204 = tpu.memref_slice %arg10[%dma_wait3A_202, %dma_wait3A_203] : memref<10304x128xf32, #tpu.memory_space<vmem_shared>> -> memref<128x128xf32, #tpu.memory_space<vmem_shared>>
        %dma_wait3A_205 = arith.constant 0 : i32
        %dma_wait3A_206 = arith.constant 0 : i32
        %dma_wait3A_207 = tpu.memref_slice %arg8[%dma_wait3A_194, %dma_wait3A_205, %dma_wait3A_206] : memref<2x128x128xf32, #tpu.memory_space<vmem>> -> memref<1x128x128xf32, #tpu.memory_space<vmem>>
        %dma_wait3A_208 = tpu.memref_squeeze %dma_wait3A_207 : memref<1x128x128xf32, #tpu.memory_space<vmem>> -> memref<128x128xf32, #tpu.memory_space<vmem>>
        tpu.wait_dma2 semaphore(%arg12 : memref<!tpu.dma_semaphore, #tpu.memory_space<semaphore_mem>>) src(%dma_wait3A_208 : memref<128x128xf32, #tpu.memory_space<vmem>>) dst(%dma_wait3A_204 : memref<128x128xf32, #tpu.memory_space<vmem_shared>>)
      } else {
      }
      %add3A_156 = arith.constant 1 : i32
      %add3A_157 = arith.addi %scan3A_144, %add3A_156 : i32
      %lt3A = arith.constant 80 : i32
      %lt3A_158 = arith.cmpi slt, %add3A_157, %lt3A : i32
      %convert_element_type3A_159 = arith.extui %lt3A_158 : i1 to i32
      %cond3A_160 = arith.constant 0 : i32
      %cond3A_161 = arith.cmpi ne, %convert_element_type3A_159, %cond3A_160 : i32
      scf.if %cond3A_161 {
        %dma_wait3A_194 = arith.constant 0 : i32
        %dma_wait3A_195 = arith.constant 0 : i32
        %dma_wait3A_196 = tpu.memref_slice %arg6[%dma_wait3A_194, %dma_wait3A_195] : memref<4x128xi32, #tpu.memory_space<vmem>> -> memref<1x128xi32, #tpu.memory_space<vmem>>
        %dma_wait3A_197 = tpu.memref_squeeze %dma_wait3A_196 : memref<1x128xi32, #tpu.memory_space<vmem>> -> memref<128xi32, #tpu.memory_space<vmem>>
        %dma_wait3A_198 = arith.constant 0 : i32
        %dma_wait3A_199 = tpu.memref_slice %arg3[%dma_wait3A_198] : memref<327680xi32, #tpu.memory_space<hbm>> -> memref<128xi32, #tpu.memory_space<hbm>>
        %dma_wait3A_200 = arith.constant 0 : i32
        %dma_wait3A_201 = tpu.memref_slice %arg6[%dma_wait3A_194, %dma_wait3A_200] : memref<4x128xi32, #tpu.memory_space<vmem>> -> memref<1x128xi32, #tpu.memory_space<vmem>>
        %dma_wait3A_202 = tpu.memref_squeeze %dma_wait3A_201 : memref<1x128xi32, #tpu.memory_space<vmem>> -> memref<128xi32, #tpu.memory_space<vmem>>
        %dma_wait3A_203 = arith.constant 0 : i32
        %dma_wait3A_204 = tpu.memref_slice %arg3[%dma_wait3A_203] : memref<327680xi32, #tpu.memory_space<hbm>> -> memref<128xi32, #tpu.memory_space<hbm>>
        tpu.wait_dma2 semaphore(%arg13 : memref<!tpu.dma_semaphore, #tpu.memory_space<semaphore_mem>>) src(%dma_wait3A_204 : memref<128xi32, #tpu.memory_space<hbm>>) dst(%dma_wait3A_202 : memref<128xi32, #tpu.memory_space<vmem>>)
        %dma_wait3A_205 = arith.constant 0 : i32
        %dma_wait3A_206 = arith.constant 0 : i32
        %dma_wait3A_207 = tpu.memref_slice %arg7[%dma_wait3A_205, %dma_wait3A_206] : memref<4x128xi32, #tpu.memory_space<vmem>> -> memref<1x128xi32, #tpu.memory_space<vmem>>
        %dma_wait3A_208 = tpu.memref_squeeze %dma_wait3A_207 : memref<1x128xi32, #tpu.memory_space<vmem>> -> memref<128xi32, #tpu.memory_space<vmem>>
        %dma_wait3A_209 = arith.constant 0 : i32
        %dma_wait3A_210 = tpu.memref_slice %arg4[%dma_wait3A_209] : memref<327680xi32, #tpu.memory_space<hbm>> -> memref<128xi32, #tpu.memory_space<hbm>>
        %dma_wait3A_211 = arith.constant 0 : i32
        %dma_wait3A_212 = tpu.memref_slice %arg7[%dma_wait3A_205, %dma_wait3A_211] : memref<4x128xi32, #tpu.memory_space<vmem>> -> memref<1x128xi32, #tpu.memory_space<vmem>>
        %dma_wait3A_213 = tpu.memref_squeeze %dma_wait3A_212 : memref<1x128xi32, #tpu.memory_space<vmem>> -> memref<128xi32, #tpu.memory_space<vmem>>
        %dma_wait3A_214 = arith.constant 0 : i32
        %dma_wait3A_215 = tpu.memref_slice %arg4[%dma_wait3A_214] : memref<327680xi32, #tpu.memory_space<hbm>> -> memref<128xi32, #tpu.memory_space<hbm>>
        tpu.wait_dma2 semaphore(%arg13 : memref<!tpu.dma_semaphore, #tpu.memory_space<semaphore_mem>>) src(%dma_wait3A_215 : memref<128xi32, #tpu.memory_space<hbm>>) dst(%dma_wait3A_213 : memref<128xi32, #tpu.memory_space<vmem>>)
        %add3A_216 = arith.constant 1 : i32
        %add3A_217 = arith.addi %scan3A_144, %add3A_216 : i32
        %rem3A_218 = arith.constant 4 : i32
        %rem3A_219 = arith.remsi %add3A_217, %rem3A_218 : i32
        %dma_start3A_220 = arith.constant 0 : i32
        %dma_start3A_221 = arith.constant 0 : i32
        %dma_start3A_222 = tpu.memref_slice %arg8[%rem3A_151, %dma_start3A_220, %dma_start3A_221] : memref<2x128x128xf32, #tpu.memory_space<vmem>> -> memref<1x128x128xf32, #tpu.memory_space<vmem>>
        %dma_start3A_223 = tpu.memref_squeeze %dma_start3A_222 : memref<1x128x128xf32, #tpu.memory_space<vmem>> -> memref<128x128xf32, #tpu.memory_space<vmem>>
        %dma_start3A_224 = arith.constant 0 : i32
        %dma_start3A_225 = tpu.memref_slice %arg6[%rem3A_219, %dma_start3A_224] : memref<4x128xi32, #tpu.memory_space<vmem>> -> memref<1x128xi32, #tpu.memory_space<vmem>>
        %dma_start3A_226 = tpu.memref_squeeze %dma_start3A_225 : memref<1x128xi32, #tpu.memory_space<vmem>> -> memref<128xi32, #tpu.memory_space<vmem>>
        %dma_start3A_227 = arith.constant 0 : i32
        %dma_start3A_228 = arith.constant 0 : i32
        %dma_start3A_229 = tpu.memref_slice %arg2[%dma_start3A_227, %dma_start3A_228] : memref<81920x128xf32, #tpu.memory_space<hbm>> -> memref<81920x128xf32, #tpu.memory_space<hbm>>
        tpu.enqueue_indirect_dma source(%dma_start3A_229 : memref<81920x128xf32, #tpu.memory_space<hbm>>) target(%dma_start3A_223 : memref<128x128xf32, #tpu.memory_space<vmem>>) offsets(%dma_start3A_226 : memref<128xi32, #tpu.memory_space<vmem>>) semaphore(%arg11 : memref<!tpu.dma_semaphore, #tpu.memory_space<semaphore_mem>>)
      } else {
      }
      %add3A_162 = arith.constant 3 : i32
      %add3A_163 = arith.addi %scan3A_144, %add3A_162 : i32
      %lt3A_164 = arith.constant 80 : i32
      %lt3A_165 = arith.cmpi slt, %add3A_163, %lt3A_164 : i32
      %convert_element_type3A_166 = arith.extui %lt3A_165 : i1 to i32
      %cond3A_167 = arith.constant 0 : i32
      %cond3A_168 = arith.cmpi ne, %convert_element_type3A_166, %cond3A_167 : i32
      scf.if %cond3A_168 {
        %add3A_194 = arith.constant 3 : i32
        %add3A_195 = arith.addi %scan3A_144, %add3A_194 : i32
        %add3A_196 = arith.addi %add3A, %add3A_195 : i32
        %mul3A_197 = arith.constant 128 : i32
        %mul3A_198 = arith.muli %add3A_196, %mul3A_197 : i32
        %rem3A_199 = arith.constant 4 : i32
        %rem3A_200 = arith.remsi %add3A_195, %rem3A_199 : i32
        %dma_start3A_201 = arith.constant 0 : i32
        %dma_start3A_202 = tpu.memref_slice %arg6[%rem3A_200, %dma_start3A_201] : memref<4x128xi32, #tpu.memory_space<vmem>> -> memref<1x128xi32, #tpu.memory_space<vmem>>
        %dma_start3A_203 = tpu.memref_squeeze %dma_start3A_202 : memref<1x128xi32, #tpu.memory_space<vmem>> -> memref<128xi32, #tpu.memory_space<vmem>>
        %dma_start3A_204 = tpu.memref_slice %arg3[%mul3A_198] : memref<327680xi32, #tpu.memory_space<hbm>> -> memref<128xi32, #tpu.memory_space<hbm>>
        %dma_start3A_205 = arith.constant 0 : i32
        %dma_start3A_206 = tpu.memref_slice %arg6[%rem3A_200, %dma_start3A_205] : memref<4x128xi32, #tpu.memory_space<vmem>> -> memref<1x128xi32, #tpu.memory_space<vmem>>
        %dma_start3A_207 = tpu.memref_squeeze %dma_start3A_206 : memref<1x128xi32, #tpu.memory_space<vmem>> -> memref<128xi32, #tpu.memory_space<vmem>>
        %dma_start3A_208 = tpu.memref_slice %arg3[%mul3A_198] : memref<327680xi32, #tpu.memory_space<hbm>> -> memref<128xi32, #tpu.memory_space<hbm>>
        tpu.enqueue_dma source(%dma_start3A_208 : memref<128xi32, #tpu.memory_space<hbm>>) target(%dma_start3A_207 : memref<128xi32, #tpu.memory_space<vmem>>) target_semaphore(%arg13 : memref<!tpu.dma_semaphore, #tpu.memory_space<semaphore_mem>>)
        %dma_start3A_209 = arith.constant 0 : i32
        %dma_start3A_210 = tpu.memref_slice %arg7[%rem3A_200, %dma_start3A_209] : memref<4x128xi32, #tpu.memory_space<vmem>> -> memref<1x128xi32, #tpu.memory_space<vmem>>
        %dma_start3A_211 = tpu.memref_squeeze %dma_start3A_210 : memref<1x128xi32, #tpu.memory_space<vmem>> -> memref<128xi32, #tpu.memory_space<vmem>>
        %dma_start3A_212 = tpu.memref_slice %arg4[%mul3A_198] : memref<327680xi32, #tpu.memory_space<hbm>> -> memref<128xi32, #tpu.memory_space<hbm>>
        %dma_start3A_213 = arith.constant 0 : i32
        %dma_start3A_214 = tpu.memref_slice %arg7[%rem3A_200, %dma_start3A_213] : memref<4x128xi32, #tpu.memory_space<vmem>> -> memref<1x128xi32, #tpu.memory_space<vmem>>
        %dma_start3A_215 = tpu.memref_squeeze %dma_start3A_214 : memref<1x128xi32, #tpu.memory_space<vmem>> -> memref<128xi32, #tpu.memory_space<vmem>>
        %dma_start3A_216 = tpu.memref_slice %arg4[%mul3A_198] : memref<327680xi32, #tpu.memory_space<hbm>> -> memref<128xi32, #tpu.memory_space<hbm>>
        tpu.enqueue_dma source(%dma_start3A_216 : memref<128xi32, #tpu.memory_space<hbm>>) target(%dma_start3A_215 : memref<128xi32, #tpu.memory_space<vmem>>) target_semaphore(%arg13 : memref<!tpu.dma_semaphore, #tpu.memory_space<semaphore_mem>>)
      } else {
      }
      %dma_wait3A_169 = arith.constant 0 : i32
      %dma_wait3A_170 = arith.constant 0 : i32
      %dma_wait3A_171 = arith.constant 0 : i32
      %dma_wait3A_172 = arith.constant 0 : i32
      %dma_wait3A_173 = tpu.memref_slice %arg8[%dma_wait3A_170, %dma_wait3A_171, %dma_wait3A_172] : memref<2x128x128xf32, #tpu.memory_space<vmem>> -> memref<1x128x128xf32, #tpu.memory_space<vmem>>
      %dma_wait3A_174 = tpu.memref_squeeze %dma_wait3A_173 : memref<1x128x128xf32, #tpu.memory_space<vmem>> -> memref<128x128xf32, #tpu.memory_space<vmem>>
      %dma_wait3A_175 = arith.constant 0 : i32
      %dma_wait3A_176 = tpu.memref_slice %arg6[%dma_wait3A_169, %dma_wait3A_175] : memref<4x128xi32, #tpu.memory_space<vmem>> -> memref<1x128xi32, #tpu.memory_space<vmem>>
      %dma_wait3A_177 = tpu.memref_squeeze %dma_wait3A_176 : memref<1x128xi32, #tpu.memory_space<vmem>> -> memref<128xi32, #tpu.memory_space<vmem>>
      %dma_wait3A_178 = arith.constant 0 : i32
      %dma_wait3A_179 = arith.constant 0 : i32
      %dma_wait3A_180 = tpu.memref_slice %arg2[%dma_wait3A_178, %dma_wait3A_179] : memref<81920x128xf32, #tpu.memory_space<hbm>> -> memref<81920x128xf32, #tpu.memory_space<hbm>>
      tpu.wait_indirect_dma semaphore(%arg11 : memref<!tpu.dma_semaphore, #tpu.memory_space<semaphore_mem>>) src(%dma_wait3A_180 : memref<81920x128xf32, #tpu.memory_space<hbm>>) dst(%dma_wait3A_174 : memref<128x128xf32, #tpu.memory_space<vmem>>)
      %rem3A_181 = arith.constant 4 : i32
      %rem3A_182 = arith.remsi %scan3A_144, %rem3A_181 : i32
      %dma_start3A_183 = arith.constant 0 : i32
      %dma_start3A_184 = arith.constant 0 : i32
      %dma_start3A_185 = tpu.memref_slice %arg8[%rem3A_147, %dma_start3A_183, %dma_start3A_184] : memref<2x128x128xf32, #tpu.memory_space<vmem>> -> memref<1x128x128xf32, #tpu.memory_space<vmem>>
      %dma_start3A_186 = tpu.memref_squeeze %dma_start3A_185 : memref<1x128x128xf32, #tpu.memory_space<vmem>> -> memref<128x128xf32, #tpu.memory_space<vmem>>
      %dma_start3A_187 = arith.constant 0 : i32
      %dma_start3A_188 = tpu.memref_slice %arg7[%rem3A_182, %dma_start3A_187] : memref<4x128xi32, #tpu.memory_space<vmem>> -> memref<1x128xi32, #tpu.memory_space<vmem>>
      %dma_start3A_189 = tpu.memref_squeeze %dma_start3A_188 : memref<1x128xi32, #tpu.memory_space<vmem>> -> memref<128xi32, #tpu.memory_space<vmem>>
      %dma_start3A_190 = arith.constant 0 : i32
      %dma_start3A_191 = arith.constant 0 : i32
      %dma_start3A_192 = tpu.memref_slice %arg10[%dma_start3A_190, %dma_start3A_191] : memref<10304x128xf32, #tpu.memory_space<vmem_shared>> -> memref<10304x128xf32, #tpu.memory_space<vmem_shared>>
      tpu.enqueue_indirect_dma source(%dma_start3A_186 : memref<128x128xf32, #tpu.memory_space<vmem>>) target(%dma_start3A_192 : memref<10304x128xf32, #tpu.memory_space<vmem_shared>>) offsets(%dma_start3A_189 : memref<128xi32, #tpu.memory_space<vmem>>) semaphore(%arg12 : memref<!tpu.dma_semaphore, #tpu.memory_space<semaphore_mem>>) {add = true}
      %scan3A_193 = arith.constant 0 : i32
      scf.yield %scan3A_193 : i32
    }
    %scan3A_125 = arith.constant 80 : i32
    %dma_wait3A_126 = arith.constant 0 : i32
    %dma_wait3A_127 = arith.constant 0 : i32
    %dma_wait3A_128 = arith.constant 0 : i32
    %dma_wait3A_129 = tpu.memref_slice %arg8[%dma_wait3A_126, %dma_wait3A_127, %dma_wait3A_128] : memref<2x128x128xf32, #tpu.memory_space<vmem>> -> memref<1x128x128xf32, #tpu.memory_space<vmem>>
    %dma_wait3A_130 = tpu.memref_squeeze %dma_wait3A_129 : memref<1x128x128xf32, #tpu.memory_space<vmem>> -> memref<128x128xf32, #tpu.memory_space<vmem>>
    %dma_wait3A_131 = arith.constant 0 : i32
    %dma_wait3A_132 = arith.constant 0 : i32
    %dma_wait3A_133 = tpu.memref_slice %arg10[%dma_wait3A_131, %dma_wait3A_132] : memref<10304x128xf32, #tpu.memory_space<vmem_shared>> -> memref<128x128xf32, #tpu.memory_space<vmem_shared>>
    %dma_wait3A_134 = arith.constant 0 : i32
    %dma_wait3A_135 = arith.constant 0 : i32
    %dma_wait3A_136 = tpu.memref_slice %arg10[%dma_wait3A_134, %dma_wait3A_135] : memref<10304x128xf32, #tpu.memory_space<vmem_shared>> -> memref<128x128xf32, #tpu.memory_space<vmem_shared>>
    %dma_wait3A_137 = arith.constant 0 : i32
    %dma_wait3A_138 = arith.constant 0 : i32
    %dma_wait3A_139 = tpu.memref_slice %arg8[%dma_wait3A_126, %dma_wait3A_137, %dma_wait3A_138] : memref<2x128x128xf32, #tpu.memory_space<vmem>> -> memref<1x128x128xf32, #tpu.memory_space<vmem>>
    %dma_wait3A_140 = tpu.memref_squeeze %dma_wait3A_139 : memref<1x128x128xf32, #tpu.memory_space<vmem>> -> memref<128x128xf32, #tpu.memory_space<vmem>>
    tpu.wait_dma2 semaphore(%arg12 : memref<!tpu.dma_semaphore, #tpu.memory_space<semaphore_mem>>) src(%dma_wait3A_140 : memref<128x128xf32, #tpu.memory_space<vmem>>) dst(%dma_wait3A_136 : memref<128x128xf32, #tpu.memory_space<vmem_shared>>)
    %barrier3A_141 = arith.constant 0 : index
    tpu.barrier barrier_id(%barrier3A_141)
    %mul3A_142 = arith.constant 640 : i32
    %mul3A_143 = arith.muli %arg1, %mul3A_142 : i32
    "tpu.region"() ({
      %run_scoped3A = tpu.sem_alloc : memref<!tpu.dma_semaphore, #tpu.memory_space<semaphore_mem>>
      %dma_start3A_144 = arith.constant 0 : i32
      %dma_start3A_145 = arith.constant 0 : i32
      %dma_start3A_146 = tpu.memref_slice %arg5[%arg0, %dma_start3A_144, %dma_start3A_145] : memref<2x10240x128xf32, #tpu.memory_space<hbm>> -> memref<1x10240x128xf32, #tpu.memory_space<hbm>>
      %dma_start3A_147 = tpu.memref_squeeze %dma_start3A_146 : memref<1x10240x128xf32, #tpu.memory_space<hbm>> -> memref<10240x128xf32, #tpu.memory_space<hbm>>
      %dma_start3A_148 = arith.constant 0 : i32
      %dma_start3A_149 = tpu.memref_slice %dma_start3A_147[%mul3A_143, %dma_start3A_148] : memref<10240x128xf32, #tpu.memory_space<hbm>> -> memref<640x128xf32, #tpu.memory_space<hbm>>
      %dma_start3A_150 = arith.constant 0 : i32
      %dma_start3A_151 = tpu.memref_slice %arg10[%mul3A_143, %dma_start3A_150] : memref<10304x128xf32, #tpu.memory_space<vmem_shared>> -> memref<640x128xf32, #tpu.memory_space<vmem_shared>>
      tpu.enqueue_dma source(%dma_start3A_151 : memref<640x128xf32, #tpu.memory_space<vmem_shared>>) target(%dma_start3A_149 : memref<640x128xf32, #tpu.memory_space<hbm>>) target_semaphore(%run_scoped3A : memref<!tpu.dma_semaphore, #tpu.memory_space<semaphore_mem>>)
      %dma_wait3A_152 = arith.constant 0 : i32
      %dma_wait3A_153 = arith.constant 0 : i32
      %dma_wait3A_154 = tpu.memref_slice %arg5[%arg0, %dma_wait3A_152, %dma_wait3A_153] : memref<2x10240x128xf32, #tpu.memory_space<hbm>> -> memref<1x10240x128xf32, #tpu.memory_space<hbm>>
      %dma_wait3A_155 = tpu.memref_squeeze %dma_wait3A_154 : memref<1x10240x128xf32, #tpu.memory_space<hbm>> -> memref<10240x128xf32, #tpu.memory_space<hbm>>
      %dma_wait3A_156 = arith.constant 0 : i32
      %dma_wait3A_157 = tpu.memref_slice %dma_wait3A_155[%mul3A_143, %dma_wait3A_156] : memref<10240x128xf32, #tpu.memory_space<hbm>> -> memref<640x128xf32, #tpu.memory_space<hbm>>
      %dma_wait3A_158 = arith.constant 0 : i32
      %dma_wait3A_159 = tpu.memref_slice %arg10[%mul3A_143, %dma_wait3A_158] : memref<10304x128xf32, #tpu.memory_space<vmem_shared>> -> memref<640x128xf32, #tpu.memory_space<vmem_shared>>
      tpu.wait_dma2 semaphore(%run_scoped3A : memref<!tpu.dma_semaphore, #tpu.memory_space<semaphore_mem>>) src(%dma_wait3A_159 : memref<640x128xf32, #tpu.memory_space<vmem_shared>>) dst(%dma_wait3A_157 : memref<640x128xf32, #tpu.memory_space<hbm>>)
      tpu.yield
    }) : () -> ()
    return
  }
}

module attributes {stable_mosaic.version = 14 : i64} {
  func.func @body(%arg0: i32, %arg1: memref<512x128xf32, #tpu.memory_space<vmem>>, %arg2: memref<128x128xf32, #tpu.memory_space<vmem>>, %arg3: memref<1x128xf32, #tpu.memory_space<vmem>>, %arg4: memref<512x128xf32, #tpu.memory_space<vmem>>) attributes {dimension_semantics = [#tpu.dimension_semantics<arbitrary>], iteration_bounds = array<i64: 20>, scalar_prefetch = 0 : i64, scratch_operands = 0 : i64, tpu.core_type = #tpu.core_type<tc>, window_params = [{transform_indices = @transform_0, window_bounds = array<i64: 512, 128>}, {pipeline_mode = #tpu.pipeline_mode<synchronous>, transform_indices = @transform_1, window_bounds = array<i64: 128, 128>}, {pipeline_mode = #tpu.pipeline_mode<synchronous>, transform_indices = @transform_2, window_bounds = array<i64: 1, 128>}, {transform_indices = @transform_3, window_bounds = array<i64: 512, 128>}]} {
    %get3A = arith.constant 0 : index
    %get3A_0 = arith.constant 0 : index
    %get3A_1 = vector.load %arg1[%get3A, %get3A_0] : memref<512x128xf32, #tpu.memory_space<vmem>>, vector<512x128xf32>
    %get3A_2 = arith.constant 0 : index
    %get3A_3 = arith.constant 0 : index
    %get3A_4 = vector.load %arg2[%get3A_2, %get3A_3] : memref<128x128xf32, #tpu.memory_space<vmem>>, vector<128x128xf32>
    %dot_general3A = arith.constant dense<0.000000e+00> : vector<512x128xf32>
    %dot_general3A_5 = tpu.matmul %get3A_1, %get3A_4, %dot_general3A {dimension_numbers = #tpu.dot_dimension_numbers<[1], [0], [0], [1], [0, 0, 1, 1], [], []>, transpose_lhs_hint = false} : vector<512x128xf32>, vector<128x128xf32>, vector<512x128xf32> -> vector<512x128xf32>
    %get3A_6 = arith.constant 0 : index
    %get3A_7 = arith.constant 0 : index
    %get3A_8 = vector.load %arg3[%get3A_6, %get3A_7] : memref<1x128xf32, #tpu.memory_space<vmem>>, vector<1x128xf32>
    %add3A = vector.broadcast %get3A_8 : vector<1x128xf32> to vector<512x128xf32>
    %add3A_9 = arith.addf %dot_general3A_5, %add3A : vector<512x128xf32>
    %swap3A = arith.constant 0 : index
    %swap3A_10 = arith.constant 0 : index
    %swap3A_11 = vector.load %arg4[%swap3A, %swap3A_10] : memref<512x128xf32, #tpu.memory_space<vmem>>, vector<512x128xf32>
    tpu.vector_store %arg4[%swap3A, %swap3A_10], %add3A_9 {strides = array<i32>} : memref<512x128xf32, #tpu.memory_space<vmem>>, vector<512x128xf32>,
    return
  }
  func.func @transform_0(%arg0: i32) -> (i32, i32) {
    %c0_i32 = arith.constant 0 : i32
    %c0_i32_0 = arith.constant 0 : i32
    return %arg0, %c0_i32 : i32, i32
  }
  func.func @transform_1(%arg0: i32) -> (i32, i32) {
    %c0_i32 = arith.constant 0 : i32
    %c0_i32_0 = arith.constant 0 : i32
    %c0_i32_1 = arith.constant 0 : i32
    return %c0_i32, %c0_i32_0 : i32, i32
  }
  func.func @transform_2(%arg0: i32) -> (i32, i32) {
    %c0_i32 = arith.constant 0 : i32
    %c0_i32_0 = arith.constant 0 : i32
    %c0_i32_1 = arith.constant 0 : i32
    return %c0_i32, %c0_i32_0 : i32, i32
  }
  func.func @transform_3(%arg0: i32) -> (i32, i32) {
    %c0_i32 = arith.constant 0 : i32
    %c0_i32_0 = arith.constant 0 : i32
    return %arg0, %c0_i32 : i32, i32
  }
}

module attributes {stable_mosaic.version = 14 : i64} {
  func.func @body(%arg0: i32, %arg1: memref<512x128xf32, #tpu.memory_space<vmem>>, %arg2: memref<2x512x128xf32, #tpu.memory_space<vmem>>, %arg3: memref<8xf32, #tpu.memory_space<smem>>, %arg4: memref<8x512x128xf32, #tpu.memory_space<vmem>>, %arg5: memref<512x128xf32, #tpu.memory_space<vmem>>, %arg6: memref<512x128xf32, #tpu.memory_space<vmem>>) attributes {dimension_semantics = [#tpu.dimension_semantics<arbitrary>], iteration_bounds = array<i64: 20>, scalar_prefetch = 0 : i64, scratch_operands = 0 : i64, tpu.core_type = #tpu.core_type<tc>, window_params = [{transform_indices = @transform_0, window_bounds = array<i64: 512, 128>}, {transform_indices = @transform_1, window_bounds = array<i64: 2, 512, 128>}, {transform_indices = @transform_2, window_bounds = array<i64: 8>}, {transform_indices = @transform_3, window_bounds = array<i64: 8, 512, 128>}, {transform_indices = @transform_4, window_bounds = array<i64: 512, 128>}, {transform_indices = @transform_5, window_bounds = array<i64: 512, 128>}]} {
    %get3A = arith.constant 0 : index
    %get3A_0 = arith.constant 0 : index
    %get3A_1 = arith.constant 0 : index
    %get3A_2 = vector.load %arg2[%get3A, %get3A_0, %get3A_1] : memref<2x512x128xf32, #tpu.memory_space<vmem>>, vector<1x512x128xf32>
    %get3A_3 = vector.shape_cast %get3A_2 : vector<1x512x128xf32> to vector<512x128xf32>
    %gt3A = arith.constant 0.000000e+00 : f32
    %gt3A_4 = vector.broadcast %gt3A : f32 to vector<512x128xf32>
    %gt3A_5 = arith.cmpf ogt, %get3A_3, %gt3A_4 : vector<512x128xf32>
    %get3A_6 = arith.constant 0 : index
    %get3A_7 = arith.constant 0 : index
    %get3A_8 = arith.constant 0 : index
    %get3A_9 = vector.load %arg2[%get3A_6, %get3A_7, %get3A_8] : memref<2x512x128xf32, #tpu.memory_space<vmem>>, vector<1x512x128xf32>
    %get3A_10 = vector.shape_cast %get3A_9 : vector<1x512x128xf32> to vector<512x128xf32>
    %jit3A = arith.constant 1.000000e+00 : f32
    %broadcast_in_dim3A = vector.broadcast %jit3A : f32 to vector<512x128xf32>
    %select_n3A = arith.select %gt3A_5, %get3A_10, %broadcast_in_dim3A : vector<512x128xi1>, vector<512x128xf32>
    %rsqrt3A = math.rsqrt %select_n3A : vector<512x128xf32>
    %get3A_11 = arith.constant 1 : index
    %get3A_12 = arith.constant 0 : index
    %get3A_13 = arith.constant 0 : index
    %get3A_14 = vector.load %arg2[%get3A_11, %get3A_12, %get3A_13] : memref<2x512x128xf32, #tpu.memory_space<vmem>>, vector<1x512x128xf32>
    %get3A_15 = vector.shape_cast %get3A_14 : vector<1x512x128xf32> to vector<512x128xf32>
    %gt3A_16 = arith.constant 0.000000e+00 : f32
    %gt3A_17 = vector.broadcast %gt3A_16 : f32 to vector<512x128xf32>
    %gt3A_18 = arith.cmpf ogt, %get3A_15, %gt3A_17 : vector<512x128xf32>
    %get3A_19 = arith.constant 1 : index
    %get3A_20 = arith.constant 0 : index
    %get3A_21 = arith.constant 0 : index
    %get3A_22 = vector.load %arg2[%get3A_19, %get3A_20, %get3A_21] : memref<2x512x128xf32, #tpu.memory_space<vmem>>, vector<1x512x128xf32>
    %get3A_23 = vector.shape_cast %get3A_22 : vector<1x512x128xf32> to vector<512x128xf32>
    %jit3A_24 = arith.constant 1.000000e+00 : f32
    %broadcast_in_dim3A_25 = vector.broadcast %jit3A_24 : f32 to vector<512x128xf32>
    %select_n3A_26 = arith.select %gt3A_18, %get3A_23, %broadcast_in_dim3A_25 : vector<512x128xi1>, vector<512x128xf32>
    %rsqrt3A_27 = math.rsqrt %select_n3A_26 : vector<512x128xf32>
    %swap3A = arith.constant 0 : index
    %swap3A_28 = arith.constant 0 : index
    %swap3A_29 = vector.load %arg5[%swap3A, %swap3A_28] : memref<512x128xf32, #tpu.memory_space<vmem>>, vector<512x128xf32>
    tpu.vector_store %arg5[%swap3A, %swap3A_28], %rsqrt3A {strides = array<i32>} : memref<512x128xf32, #tpu.memory_space<vmem>>, vector<512x128xf32>,
    %swap3A_30 = arith.constant 0 : index
    %swap3A_31 = arith.constant 0 : index
    %swap3A_32 = vector.load %arg6[%swap3A_30, %swap3A_31] : memref<512x128xf32, #tpu.memory_space<vmem>>, vector<512x128xf32>
    tpu.vector_store %arg6[%swap3A_30, %swap3A_31], %rsqrt3A_27 {strides = array<i32>} : memref<512x128xf32, #tpu.memory_space<vmem>>, vector<512x128xf32>,
    %get3A_33 = arith.constant 0 : index
    %get3A_34 = arith.constant 0 : index
    %get3A_35 = vector.load %arg1[%get3A_33, %get3A_34] : memref<512x128xf32, #tpu.memory_space<vmem>>, vector<512x128xf32>
    %mul3A = arith.mulf %get3A_35, %rsqrt3A : vector<512x128xf32>
    %get3A_36 = arith.constant 0 : index
    %get3A_37 = memref.load %arg3[%get3A_36] : memref<8xf32, #tpu.memory_space<smem>>
    %mul3A_38 = vector.broadcast %get3A_37 : f32 to vector<512x128xf32>
    %mul3A_39 = arith.mulf %mul3A, %mul3A_38 : vector<512x128xf32>
    %swap3A_40 = arith.constant 0 : index
    %swap3A_41 = arith.constant 0 : index
    %swap3A_42 = arith.constant 0 : index
    %swap3A_43 = vector.load %arg4[%swap3A_40, %swap3A_41, %swap3A_42] : memref<8x512x128xf32, #tpu.memory_space<vmem>>, vector<1x512x128xf32>
    %swap3A_44 = vector.shape_cast %swap3A_43 : vector<1x512x128xf32> to vector<512x128xf32>
    %swap3A_45 = vector.shape_cast %mul3A_39 : vector<512x128xf32> to vector<1x512x128xf32>
    tpu.vector_store %arg4[%swap3A_40, %swap3A_41, %swap3A_42], %swap3A_45 {strides = array<i32>} : memref<8x512x128xf32, #tpu.memory_space<vmem>>, vector<1x512x128xf32>,
    %get3A_46 = arith.constant 1 : index
    %get3A_47 = memref.load %arg3[%get3A_46] : memref<8xf32, #tpu.memory_space<smem>>
    %mul3A_48 = vector.broadcast %get3A_47 : f32 to vector<512x128xf32>
    %mul3A_49 = arith.mulf %mul3A, %mul3A_48 : vector<512x128xf32>
    %swap3A_50 = arith.constant 1 : index
    %swap3A_51 = arith.constant 0 : index
    %swap3A_52 = arith.constant 0 : index
    %swap3A_53 = vector.load %arg4[%swap3A_50, %swap3A_51, %swap3A_52] : memref<8x512x128xf32, #tpu.memory_space<vmem>>, vector<1x512x128xf32>
    %swap3A_54 = vector.shape_cast %swap3A_53 : vector<1x512x128xf32> to vector<512x128xf32>
    %swap3A_55 = vector.shape_cast %mul3A_49 : vector<512x128xf32> to vector<1x512x128xf32>
    tpu.vector_store %arg4[%swap3A_50, %swap3A_51, %swap3A_52], %swap3A_55 {strides = array<i32>} : memref<8x512x128xf32, #tpu.memory_space<vmem>>, vector<1x512x128xf32>,
    %get3A_56 = arith.constant 2 : index
    %get3A_57 = memref.load %arg3[%get3A_56] : memref<8xf32, #tpu.memory_space<smem>>
    %mul3A_58 = vector.broadcast %get3A_57 : f32 to vector<512x128xf32>
    %mul3A_59 = arith.mulf %mul3A, %mul3A_58 : vector<512x128xf32>
    %swap3A_60 = arith.constant 2 : index
    %swap3A_61 = arith.constant 0 : index
    %swap3A_62 = arith.constant 0 : index
    %swap3A_63 = vector.load %arg4[%swap3A_60, %swap3A_61, %swap3A_62] : memref<8x512x128xf32, #tpu.memory_space<vmem>>, vector<1x512x128xf32>
    %swap3A_64 = vector.shape_cast %swap3A_63 : vector<1x512x128xf32> to vector<512x128xf32>
    %swap3A_65 = vector.shape_cast %mul3A_59 : vector<512x128xf32> to vector<1x512x128xf32>
    tpu.vector_store %arg4[%swap3A_60, %swap3A_61, %swap3A_62], %swap3A_65 {strides = array<i32>} : memref<8x512x128xf32, #tpu.memory_space<vmem>>, vector<1x512x128xf32>,
    %get3A_66 = arith.constant 3 : index
    %get3A_67 = memref.load %arg3[%get3A_66] : memref<8xf32, #tpu.memory_space<smem>>
    %mul3A_68 = vector.broadcast %get3A_67 : f32 to vector<512x128xf32>
    %mul3A_69 = arith.mulf %mul3A, %mul3A_68 : vector<512x128xf32>
    %swap3A_70 = arith.constant 3 : index
    %swap3A_71 = arith.constant 0 : index
    %swap3A_72 = arith.constant 0 : index
    %swap3A_73 = vector.load %arg4[%swap3A_70, %swap3A_71, %swap3A_72] : memref<8x512x128xf32, #tpu.memory_space<vmem>>, vector<1x512x128xf32>
    %swap3A_74 = vector.shape_cast %swap3A_73 : vector<1x512x128xf32> to vector<512x128xf32>
    %swap3A_75 = vector.shape_cast %mul3A_69 : vector<512x128xf32> to vector<1x512x128xf32>
    tpu.vector_store %arg4[%swap3A_70, %swap3A_71, %swap3A_72], %swap3A_75 {strides = array<i32>} : memref<8x512x128xf32, #tpu.memory_space<vmem>>, vector<1x512x128xf32>,
    %get3A_76 = arith.constant 4 : index
    %get3A_77 = memref.load %arg3[%get3A_76] : memref<8xf32, #tpu.memory_space<smem>>
    %mul3A_78 = vector.broadcast %get3A_77 : f32 to vector<512x128xf32>
    %mul3A_79 = arith.mulf %mul3A, %mul3A_78 : vector<512x128xf32>
    %swap3A_80 = arith.constant 4 : index
    %swap3A_81 = arith.constant 0 : index
    %swap3A_82 = arith.constant 0 : index
    %swap3A_83 = vector.load %arg4[%swap3A_80, %swap3A_81, %swap3A_82] : memref<8x512x128xf32, #tpu.memory_space<vmem>>, vector<1x512x128xf32>
    %swap3A_84 = vector.shape_cast %swap3A_83 : vector<1x512x128xf32> to vector<512x128xf32>
    %swap3A_85 = vector.shape_cast %mul3A_79 : vector<512x128xf32> to vector<1x512x128xf32>
    tpu.vector_store %arg4[%swap3A_80, %swap3A_81, %swap3A_82], %swap3A_85 {strides = array<i32>} : memref<8x512x128xf32, #tpu.memory_space<vmem>>, vector<1x512x128xf32>,
    %get3A_86 = arith.constant 5 : index
    %get3A_87 = memref.load %arg3[%get3A_86] : memref<8xf32, #tpu.memory_space<smem>>
    %mul3A_88 = vector.broadcast %get3A_87 : f32 to vector<512x128xf32>
    %mul3A_89 = arith.mulf %mul3A, %mul3A_88 : vector<512x128xf32>
    %swap3A_90 = arith.constant 5 : index
    %swap3A_91 = arith.constant 0 : index
    %swap3A_92 = arith.constant 0 : index
    %swap3A_93 = vector.load %arg4[%swap3A_90, %swap3A_91, %swap3A_92] : memref<8x512x128xf32, #tpu.memory_space<vmem>>, vector<1x512x128xf32>
    %swap3A_94 = vector.shape_cast %swap3A_93 : vector<1x512x128xf32> to vector<512x128xf32>
    %swap3A_95 = vector.shape_cast %mul3A_89 : vector<512x128xf32> to vector<1x512x128xf32>
    tpu.vector_store %arg4[%swap3A_90, %swap3A_91, %swap3A_92], %swap3A_95 {strides = array<i32>} : memref<8x512x128xf32, #tpu.memory_space<vmem>>, vector<1x512x128xf32>,
    %get3A_96 = arith.constant 6 : index
    %get3A_97 = memref.load %arg3[%get3A_96] : memref<8xf32, #tpu.memory_space<smem>>
    %mul3A_98 = vector.broadcast %get3A_97 : f32 to vector<512x128xf32>
    %mul3A_99 = arith.mulf %mul3A, %mul3A_98 : vector<512x128xf32>
    %swap3A_100 = arith.constant 6 : index
    %swap3A_101 = arith.constant 0 : index
    %swap3A_102 = arith.constant 0 : index
    %swap3A_103 = vector.load %arg4[%swap3A_100, %swap3A_101, %swap3A_102] : memref<8x512x128xf32, #tpu.memory_space<vmem>>, vector<1x512x128xf32>
    %swap3A_104 = vector.shape_cast %swap3A_103 : vector<1x512x128xf32> to vector<512x128xf32>
    %swap3A_105 = vector.shape_cast %mul3A_99 : vector<512x128xf32> to vector<1x512x128xf32>
    tpu.vector_store %arg4[%swap3A_100, %swap3A_101, %swap3A_102], %swap3A_105 {strides = array<i32>} : memref<8x512x128xf32, #tpu.memory_space<vmem>>, vector<1x512x128xf32>,
    %get3A_106 = arith.constant 7 : index
    %get3A_107 = memref.load %arg3[%get3A_106] : memref<8xf32, #tpu.memory_space<smem>>
    %mul3A_108 = vector.broadcast %get3A_107 : f32 to vector<512x128xf32>
    %mul3A_109 = arith.mulf %mul3A, %mul3A_108 : vector<512x128xf32>
    %swap3A_110 = arith.constant 7 : index
    %swap3A_111 = arith.constant 0 : index
    %swap3A_112 = arith.constant 0 : index
    %swap3A_113 = vector.load %arg4[%swap3A_110, %swap3A_111, %swap3A_112] : memref<8x512x128xf32, #tpu.memory_space<vmem>>, vector<1x512x128xf32>
    %swap3A_114 = vector.shape_cast %swap3A_113 : vector<1x512x128xf32> to vector<512x128xf32>
    %swap3A_115 = vector.shape_cast %mul3A_109 : vector<512x128xf32> to vector<1x512x128xf32>
    tpu.vector_store %arg4[%swap3A_110, %swap3A_111, %swap3A_112], %swap3A_115 {strides = array<i32>} : memref<8x512x128xf32, #tpu.memory_space<vmem>>, vector<1x512x128xf32>,
    return
  }
  func.func @transform_0(%arg0: i32) -> (i32, i32) {
    %c0_i32 = arith.constant 0 : i32
    %c0_i32_0 = arith.constant 0 : i32
    return %arg0, %c0_i32 : i32, i32
  }
  func.func @transform_1(%arg0: i32) -> (i32, i32, i32) {
    %c0_i32 = arith.constant 0 : i32
    %c0_i32_0 = arith.constant 0 : i32
    %c0_i32_1 = arith.constant 0 : i32
    return %c0_i32, %arg0, %c0_i32_0 : i32, i32, i32
  }
  func.func @transform_2(%arg0: i32) -> i32 {
    %c0_i32 = arith.constant 0 : i32
    %c0_i32_0 = arith.constant 0 : i32
    return %c0_i32 : i32
  }
  func.func @transform_3(%arg0: i32) -> (i32, i32, i32) {
    %c0_i32 = arith.constant 0 : i32
    %c0_i32_0 = arith.constant 0 : i32
    %c0_i32_1 = arith.constant 0 : i32
    return %c0_i32, %arg0, %c0_i32_0 : i32, i32, i32
  }
  func.func @transform_4(%arg0: i32) -> (i32, i32) {
    %c0_i32 = arith.constant 0 : i32
    %c0_i32_0 = arith.constant 0 : i32
    return %arg0, %c0_i32 : i32, i32
  }
  func.func @transform_5(%arg0: i32) -> (i32, i32) {
    %c0_i32 = arith.constant 0 : i32
    %c0_i32_0 = arith.constant 0 : i32
    return %arg0, %c0_i32 : i32, i32
  }
}

module attributes {stable_mosaic.version = 14 : i64} {
  func.func @body(%arg0: i32, %arg1: memref<2x512x128xf32, #tpu.memory_space<vmem>>, %arg2: memref<512x128xf32, #tpu.memory_space<vmem>>, %arg3: memref<512x128xf32, #tpu.memory_space<vmem>>, %arg4: memref<8xf32, #tpu.memory_space<smem>>, %arg5: memref<8x512x128xf32, #tpu.memory_space<vmem>>) attributes {dimension_semantics = [#tpu.dimension_semantics<arbitrary>], iteration_bounds = array<i64: 20>, scalar_prefetch = 0 : i64, scratch_operands = 0 : i64, tpu.core_type = #tpu.core_type<tc>, window_params = [{transform_indices = @transform_0, window_bounds = array<i64: 2, 512, 128>}, {transform_indices = @transform_1, window_bounds = array<i64: 512, 128>}, {transform_indices = @transform_2, window_bounds = array<i64: 512, 128>}, {transform_indices = @transform_3, window_bounds = array<i64: 8>}, {transform_indices = @transform_4, window_bounds = array<i64: 8, 512, 128>}]} {
    %get3A = arith.constant 0 : index
    %get3A_0 = arith.constant 0 : index
    %get3A_1 = arith.constant 0 : index
    %get3A_2 = vector.load %arg1[%get3A, %get3A_0, %get3A_1] : memref<2x512x128xf32, #tpu.memory_space<vmem>>, vector<1x512x128xf32>
    %get3A_3 = vector.shape_cast %get3A_2 : vector<1x512x128xf32> to vector<512x128xf32>
    %get3A_4 = arith.constant 1 : index
    %get3A_5 = arith.constant 0 : index
    %get3A_6 = arith.constant 0 : index
    %get3A_7 = vector.load %arg1[%get3A_4, %get3A_5, %get3A_6] : memref<2x512x128xf32, #tpu.memory_space<vmem>>, vector<1x512x128xf32>
    %get3A_8 = vector.shape_cast %get3A_7 : vector<1x512x128xf32> to vector<512x128xf32>
    %add3A = arith.addf %get3A_3, %get3A_8 : vector<512x128xf32>
    %get3A_9 = arith.constant 0 : index
    %get3A_10 = arith.constant 0 : index
    %get3A_11 = vector.load %arg2[%get3A_9, %get3A_10] : memref<512x128xf32, #tpu.memory_space<vmem>>, vector<512x128xf32>
    %mul3A = arith.mulf %add3A, %get3A_11 : vector<512x128xf32>
    %get3A_12 = arith.constant 0 : index
    %get3A_13 = arith.constant 0 : index
    %get3A_14 = vector.load %arg3[%get3A_12, %get3A_13] : memref<512x128xf32, #tpu.memory_space<vmem>>, vector<512x128xf32>
    %mul3A_15 = arith.mulf %mul3A, %get3A_14 : vector<512x128xf32>
    %get3A_16 = arith.constant 0 : index
    %get3A_17 = memref.load %arg4[%get3A_16] : memref<8xf32, #tpu.memory_space<smem>>
    %mul3A_18 = vector.broadcast %get3A_17 : f32 to vector<512x128xf32>
    %mul3A_19 = arith.mulf %mul3A_15, %mul3A_18 : vector<512x128xf32>
    %swap3A = arith.constant 0 : index
    %swap3A_20 = arith.constant 0 : index
    %swap3A_21 = arith.constant 0 : index
    %swap3A_22 = vector.load %arg5[%swap3A, %swap3A_20, %swap3A_21] : memref<8x512x128xf32, #tpu.memory_space<vmem>>, vector<1x512x128xf32>
    %swap3A_23 = vector.shape_cast %swap3A_22 : vector<1x512x128xf32> to vector<512x128xf32>
    %swap3A_24 = vector.shape_cast %mul3A_19 : vector<512x128xf32> to vector<1x512x128xf32>
    tpu.vector_store %arg5[%swap3A, %swap3A_20, %swap3A_21], %swap3A_24 {strides = array<i32>} : memref<8x512x128xf32, #tpu.memory_space<vmem>>, vector<1x512x128xf32>,
    %get3A_25 = arith.constant 1 : index
    %get3A_26 = memref.load %arg4[%get3A_25] : memref<8xf32, #tpu.memory_space<smem>>
    %mul3A_27 = vector.broadcast %get3A_26 : f32 to vector<512x128xf32>
    %mul3A_28 = arith.mulf %mul3A_15, %mul3A_27 : vector<512x128xf32>
    %swap3A_29 = arith.constant 1 : index
    %swap3A_30 = arith.constant 0 : index
    %swap3A_31 = arith.constant 0 : index
    %swap3A_32 = vector.load %arg5[%swap3A_29, %swap3A_30, %swap3A_31] : memref<8x512x128xf32, #tpu.memory_space<vmem>>, vector<1x512x128xf32>
    %swap3A_33 = vector.shape_cast %swap3A_32 : vector<1x512x128xf32> to vector<512x128xf32>
    %swap3A_34 = vector.shape_cast %mul3A_28 : vector<512x128xf32> to vector<1x512x128xf32>
    tpu.vector_store %arg5[%swap3A_29, %swap3A_30, %swap3A_31], %swap3A_34 {strides = array<i32>} : memref<8x512x128xf32, #tpu.memory_space<vmem>>, vector<1x512x128xf32>,
    %get3A_35 = arith.constant 2 : index
    %get3A_36 = memref.load %arg4[%get3A_35] : memref<8xf32, #tpu.memory_space<smem>>
    %mul3A_37 = vector.broadcast %get3A_36 : f32 to vector<512x128xf32>
    %mul3A_38 = arith.mulf %mul3A_15, %mul3A_37 : vector<512x128xf32>
    %swap3A_39 = arith.constant 2 : index
    %swap3A_40 = arith.constant 0 : index
    %swap3A_41 = arith.constant 0 : index
    %swap3A_42 = vector.load %arg5[%swap3A_39, %swap3A_40, %swap3A_41] : memref<8x512x128xf32, #tpu.memory_space<vmem>>, vector<1x512x128xf32>
    %swap3A_43 = vector.shape_cast %swap3A_42 : vector<1x512x128xf32> to vector<512x128xf32>
    %swap3A_44 = vector.shape_cast %mul3A_38 : vector<512x128xf32> to vector<1x512x128xf32>
    tpu.vector_store %arg5[%swap3A_39, %swap3A_40, %swap3A_41], %swap3A_44 {strides = array<i32>} : memref<8x512x128xf32, #tpu.memory_space<vmem>>, vector<1x512x128xf32>,
    %get3A_45 = arith.constant 3 : index
    %get3A_46 = memref.load %arg4[%get3A_45] : memref<8xf32, #tpu.memory_space<smem>>
    %mul3A_47 = vector.broadcast %get3A_46 : f32 to vector<512x128xf32>
    %mul3A_48 = arith.mulf %mul3A_15, %mul3A_47 : vector<512x128xf32>
    %swap3A_49 = arith.constant 3 : index
    %swap3A_50 = arith.constant 0 : index
    %swap3A_51 = arith.constant 0 : index
    %swap3A_52 = vector.load %arg5[%swap3A_49, %swap3A_50, %swap3A_51] : memref<8x512x128xf32, #tpu.memory_space<vmem>>, vector<1x512x128xf32>
    %swap3A_53 = vector.shape_cast %swap3A_52 : vector<1x512x128xf32> to vector<512x128xf32>
    %swap3A_54 = vector.shape_cast %mul3A_48 : vector<512x128xf32> to vector<1x512x128xf32>
    tpu.vector_store %arg5[%swap3A_49, %swap3A_50, %swap3A_51], %swap3A_54 {strides = array<i32>} : memref<8x512x128xf32, #tpu.memory_space<vmem>>, vector<1x512x128xf32>,
    %get3A_55 = arith.constant 4 : index
    %get3A_56 = memref.load %arg4[%get3A_55] : memref<8xf32, #tpu.memory_space<smem>>
    %mul3A_57 = vector.broadcast %get3A_56 : f32 to vector<512x128xf32>
    %mul3A_58 = arith.mulf %mul3A_15, %mul3A_57 : vector<512x128xf32>
    %swap3A_59 = arith.constant 4 : index
    %swap3A_60 = arith.constant 0 : index
    %swap3A_61 = arith.constant 0 : index
    %swap3A_62 = vector.load %arg5[%swap3A_59, %swap3A_60, %swap3A_61] : memref<8x512x128xf32, #tpu.memory_space<vmem>>, vector<1x512x128xf32>
    %swap3A_63 = vector.shape_cast %swap3A_62 : vector<1x512x128xf32> to vector<512x128xf32>
    %swap3A_64 = vector.shape_cast %mul3A_58 : vector<512x128xf32> to vector<1x512x128xf32>
    tpu.vector_store %arg5[%swap3A_59, %swap3A_60, %swap3A_61], %swap3A_64 {strides = array<i32>} : memref<8x512x128xf32, #tpu.memory_space<vmem>>, vector<1x512x128xf32>,
    %get3A_65 = arith.constant 5 : index
    %get3A_66 = memref.load %arg4[%get3A_65] : memref<8xf32, #tpu.memory_space<smem>>
    %mul3A_67 = vector.broadcast %get3A_66 : f32 to vector<512x128xf32>
    %mul3A_68 = arith.mulf %mul3A_15, %mul3A_67 : vector<512x128xf32>
    %swap3A_69 = arith.constant 5 : index
    %swap3A_70 = arith.constant 0 : index
    %swap3A_71 = arith.constant 0 : index
    %swap3A_72 = vector.load %arg5[%swap3A_69, %swap3A_70, %swap3A_71] : memref<8x512x128xf32, #tpu.memory_space<vmem>>, vector<1x512x128xf32>
    %swap3A_73 = vector.shape_cast %swap3A_72 : vector<1x512x128xf32> to vector<512x128xf32>
    %swap3A_74 = vector.shape_cast %mul3A_68 : vector<512x128xf32> to vector<1x512x128xf32>
    tpu.vector_store %arg5[%swap3A_69, %swap3A_70, %swap3A_71], %swap3A_74 {strides = array<i32>} : memref<8x512x128xf32, #tpu.memory_space<vmem>>, vector<1x512x128xf32>,
    %get3A_75 = arith.constant 6 : index
    %get3A_76 = memref.load %arg4[%get3A_75] : memref<8xf32, #tpu.memory_space<smem>>
    %mul3A_77 = vector.broadcast %get3A_76 : f32 to vector<512x128xf32>
    %mul3A_78 = arith.mulf %mul3A_15, %mul3A_77 : vector<512x128xf32>
    %swap3A_79 = arith.constant 6 : index
    %swap3A_80 = arith.constant 0 : index
    %swap3A_81 = arith.constant 0 : index
    %swap3A_82 = vector.load %arg5[%swap3A_79, %swap3A_80, %swap3A_81] : memref<8x512x128xf32, #tpu.memory_space<vmem>>, vector<1x512x128xf32>
    %swap3A_83 = vector.shape_cast %swap3A_82 : vector<1x512x128xf32> to vector<512x128xf32>
    %swap3A_84 = vector.shape_cast %mul3A_78 : vector<512x128xf32> to vector<1x512x128xf32>
    tpu.vector_store %arg5[%swap3A_79, %swap3A_80, %swap3A_81], %swap3A_84 {strides = array<i32>} : memref<8x512x128xf32, #tpu.memory_space<vmem>>, vector<1x512x128xf32>,
    %get3A_85 = arith.constant 7 : index
    %get3A_86 = memref.load %arg4[%get3A_85] : memref<8xf32, #tpu.memory_space<smem>>
    %mul3A_87 = vector.broadcast %get3A_86 : f32 to vector<512x128xf32>
    %mul3A_88 = arith.mulf %mul3A_15, %mul3A_87 : vector<512x128xf32>
    %swap3A_89 = arith.constant 7 : index
    %swap3A_90 = arith.constant 0 : index
    %swap3A_91 = arith.constant 0 : index
    %swap3A_92 = vector.load %arg5[%swap3A_89, %swap3A_90, %swap3A_91] : memref<8x512x128xf32, #tpu.memory_space<vmem>>, vector<1x512x128xf32>
    %swap3A_93 = vector.shape_cast %swap3A_92 : vector<1x512x128xf32> to vector<512x128xf32>
    %swap3A_94 = vector.shape_cast %mul3A_88 : vector<512x128xf32> to vector<1x512x128xf32>
    tpu.vector_store %arg5[%swap3A_89, %swap3A_90, %swap3A_91], %swap3A_94 {strides = array<i32>} : memref<8x512x128xf32, #tpu.memory_space<vmem>>, vector<1x512x128xf32>,
    return
  }
  func.func @transform_0(%arg0: i32) -> (i32, i32, i32) {
    %c0_i32 = arith.constant 0 : i32
    %c0_i32_0 = arith.constant 0 : i32
    %c0_i32_1 = arith.constant 0 : i32
    return %c0_i32, %arg0, %c0_i32_0 : i32, i32, i32
  }
  func.func @transform_1(%arg0: i32) -> (i32, i32) {
    %c0_i32 = arith.constant 0 : i32
    %c0_i32_0 = arith.constant 0 : i32
    return %arg0, %c0_i32 : i32, i32
  }
  func.func @transform_2(%arg0: i32) -> (i32, i32) {
    %c0_i32 = arith.constant 0 : i32
    %c0_i32_0 = arith.constant 0 : i32
    return %arg0, %c0_i32 : i32, i32
  }
  func.func @transform_3(%arg0: i32) -> i32 {
    %c0_i32 = arith.constant 0 : i32
    %c0_i32_0 = arith.constant 0 : i32
    return %c0_i32 : i32
  }
  func.func @transform_4(%arg0: i32) -> (i32, i32, i32) {
    %c0_i32 = arith.constant 0 : i32
    %c0_i32_0 = arith.constant 0 : i32
    %c0_i32_1 = arith.constant 0 : i32
    return %c0_i32, %arg0, %c0_i32_0 : i32, i32, i32
  }
}

module attributes {stable_mosaic.version = 14 : i64} {
  func.func @body(%arg0: i32, %arg1: memref<2x512x128xf32, #tpu.memory_space<vmem>>, %arg2: memref<512x128xf32, #tpu.memory_space<vmem>>, %arg3: memref<128x128xf32, #tpu.memory_space<vmem>>, %arg4: memref<1x128xf32, #tpu.memory_space<vmem>>, %arg5: memref<512x128xf32, #tpu.memory_space<vmem>>, %arg6: memref<8xf32, #tpu.memory_space<smem>>, %arg7: memref<8x512x128xf32, #tpu.memory_space<vmem>>) attributes {dimension_semantics = [#tpu.dimension_semantics<arbitrary>], iteration_bounds = array<i64: 20>, scalar_prefetch = 0 : i64, scratch_operands = 0 : i64, tpu.core_type = #tpu.core_type<tc>, window_params = [{transform_indices = @transform_0, window_bounds = array<i64: 2, 512, 128>}, {transform_indices = @transform_1, window_bounds = array<i64: 512, 128>}, {pipeline_mode = #tpu.pipeline_mode<synchronous>, transform_indices = @transform_2, window_bounds = array<i64: 128, 128>}, {pipeline_mode = #tpu.pipeline_mode<synchronous>, transform_indices = @transform_3, window_bounds = array<i64: 1, 128>}, {transform_indices = @transform_4, window_bounds = array<i64: 512, 128>}, {transform_indices = @transform_5, window_bounds = array<i64: 8>}, {transform_indices = @transform_6, window_bounds = array<i64: 8, 512, 128>}]} {
    %get3A = arith.constant 0 : index
    %get3A_0 = arith.constant 0 : index
    %get3A_1 = arith.constant 0 : index
    %get3A_2 = vector.load %arg1[%get3A, %get3A_0, %get3A_1] : memref<2x512x128xf32, #tpu.memory_space<vmem>>, vector<1x512x128xf32>
    %get3A_3 = vector.shape_cast %get3A_2 : vector<1x512x128xf32> to vector<512x128xf32>
    %get3A_4 = arith.constant 1 : index
    %get3A_5 = arith.constant 0 : index
    %get3A_6 = arith.constant 0 : index
    %get3A_7 = vector.load %arg1[%get3A_4, %get3A_5, %get3A_6] : memref<2x512x128xf32, #tpu.memory_space<vmem>>, vector<1x512x128xf32>
    %get3A_8 = vector.shape_cast %get3A_7 : vector<1x512x128xf32> to vector<512x128xf32>
    %add3A = arith.addf %get3A_3, %get3A_8 : vector<512x128xf32>
    %get3A_9 = arith.constant 0 : index
    %get3A_10 = arith.constant 0 : index
    %get3A_11 = vector.load %arg2[%get3A_9, %get3A_10] : memref<512x128xf32, #tpu.memory_space<vmem>>, vector<512x128xf32>
    %mul3A = arith.mulf %add3A, %get3A_11 : vector<512x128xf32>
    %get3A_12 = arith.constant 0 : index
    %get3A_13 = arith.constant 0 : index
    %get3A_14 = vector.load %arg3[%get3A_12, %get3A_13] : memref<128x128xf32, #tpu.memory_space<vmem>>, vector<128x128xf32>
    %dot_general3A = arith.constant dense<0.000000e+00> : vector<512x128xf32>
    %dot_general3A_15 = tpu.matmul %mul3A, %get3A_14, %dot_general3A {dimension_numbers = #tpu.dot_dimension_numbers<[1], [0], [0], [1], [0, 0, 1, 1], [], []>, transpose_lhs_hint = false} : vector<512x128xf32>, vector<128x128xf32>, vector<512x128xf32> -> vector<512x128xf32>
    %get3A_16 = arith.constant 0 : index
    %get3A_17 = arith.constant 0 : index
    %get3A_18 = vector.load %arg4[%get3A_16, %get3A_17] : memref<1x128xf32, #tpu.memory_space<vmem>>, vector<1x128xf32>
    %add3A_19 = vector.broadcast %get3A_18 : vector<1x128xf32> to vector<512x128xf32>
    %add3A_20 = arith.addf %dot_general3A_15, %add3A_19 : vector<512x128xf32>
    %max3A = arith.constant 0.000000e+00 : f32
    %max3A_21 = vector.broadcast %max3A : f32 to vector<512x128xf32>
    %max3A_22 = arith.maximumf %add3A_20, %max3A_21 : vector<512x128xf32>
    %get3A_23 = arith.constant 0 : index
    %get3A_24 = arith.constant 0 : index
    %get3A_25 = vector.load %arg5[%get3A_23, %get3A_24] : memref<512x128xf32, #tpu.memory_space<vmem>>, vector<512x128xf32>
    %mul3A_26 = arith.mulf %max3A_22, %get3A_25 : vector<512x128xf32>
    %get3A_27 = arith.constant 0 : index
    %get3A_28 = memref.load %arg6[%get3A_27] : memref<8xf32, #tpu.memory_space<smem>>
    %mul3A_29 = vector.broadcast %get3A_28 : f32 to vector<512x128xf32>
    %mul3A_30 = arith.mulf %mul3A_26, %mul3A_29 : vector<512x128xf32>
    %swap3A = arith.constant 0 : index
    %swap3A_31 = arith.constant 0 : index
    %swap3A_32 = arith.constant 0 : index
    %swap3A_33 = vector.load %arg7[%swap3A, %swap3A_31, %swap3A_32] : memref<8x512x128xf32, #tpu.memory_space<vmem>>, vector<1x512x128xf32>
    %swap3A_34 = vector.shape_cast %swap3A_33 : vector<1x512x128xf32> to vector<512x128xf32>
    %swap3A_35 = vector.shape_cast %mul3A_30 : vector<512x128xf32> to vector<1x512x128xf32>
    tpu.vector_store %arg7[%swap3A, %swap3A_31, %swap3A_32], %swap3A_35 {strides = array<i32>} : memref<8x512x128xf32, #tpu.memory_space<vmem>>, vector<1x512x128xf32>,
    %get3A_36 = arith.constant 1 : index
    %get3A_37 = memref.load %arg6[%get3A_36] : memref<8xf32, #tpu.memory_space<smem>>
    %mul3A_38 = vector.broadcast %get3A_37 : f32 to vector<512x128xf32>
    %mul3A_39 = arith.mulf %mul3A_26, %mul3A_38 : vector<512x128xf32>
    %swap3A_40 = arith.constant 1 : index
    %swap3A_41 = arith.constant 0 : index
    %swap3A_42 = arith.constant 0 : index
    %swap3A_43 = vector.load %arg7[%swap3A_40, %swap3A_41, %swap3A_42] : memref<8x512x128xf32, #tpu.memory_space<vmem>>, vector<1x512x128xf32>
    %swap3A_44 = vector.shape_cast %swap3A_43 : vector<1x512x128xf32> to vector<512x128xf32>
    %swap3A_45 = vector.shape_cast %mul3A_39 : vector<512x128xf32> to vector<1x512x128xf32>
    tpu.vector_store %arg7[%swap3A_40, %swap3A_41, %swap3A_42], %swap3A_45 {strides = array<i32>} : memref<8x512x128xf32, #tpu.memory_space<vmem>>, vector<1x512x128xf32>,
    %get3A_46 = arith.constant 2 : index
    %get3A_47 = memref.load %arg6[%get3A_46] : memref<8xf32, #tpu.memory_space<smem>>
    %mul3A_48 = vector.broadcast %get3A_47 : f32 to vector<512x128xf32>
    %mul3A_49 = arith.mulf %mul3A_26, %mul3A_48 : vector<512x128xf32>
    %swap3A_50 = arith.constant 2 : index
    %swap3A_51 = arith.constant 0 : index
    %swap3A_52 = arith.constant 0 : index
    %swap3A_53 = vector.load %arg7[%swap3A_50, %swap3A_51, %swap3A_52] : memref<8x512x128xf32, #tpu.memory_space<vmem>>, vector<1x512x128xf32>
    %swap3A_54 = vector.shape_cast %swap3A_53 : vector<1x512x128xf32> to vector<512x128xf32>
    %swap3A_55 = vector.shape_cast %mul3A_49 : vector<512x128xf32> to vector<1x512x128xf32>
    tpu.vector_store %arg7[%swap3A_50, %swap3A_51, %swap3A_52], %swap3A_55 {strides = array<i32>} : memref<8x512x128xf32, #tpu.memory_space<vmem>>, vector<1x512x128xf32>,
    %get3A_56 = arith.constant 3 : index
    %get3A_57 = memref.load %arg6[%get3A_56] : memref<8xf32, #tpu.memory_space<smem>>
    %mul3A_58 = vector.broadcast %get3A_57 : f32 to vector<512x128xf32>
    %mul3A_59 = arith.mulf %mul3A_26, %mul3A_58 : vector<512x128xf32>
    %swap3A_60 = arith.constant 3 : index
    %swap3A_61 = arith.constant 0 : index
    %swap3A_62 = arith.constant 0 : index
    %swap3A_63 = vector.load %arg7[%swap3A_60, %swap3A_61, %swap3A_62] : memref<8x512x128xf32, #tpu.memory_space<vmem>>, vector<1x512x128xf32>
    %swap3A_64 = vector.shape_cast %swap3A_63 : vector<1x512x128xf32> to vector<512x128xf32>
    %swap3A_65 = vector.shape_cast %mul3A_59 : vector<512x128xf32> to vector<1x512x128xf32>
    tpu.vector_store %arg7[%swap3A_60, %swap3A_61, %swap3A_62], %swap3A_65 {strides = array<i32>} : memref<8x512x128xf32, #tpu.memory_space<vmem>>, vector<1x512x128xf32>,
    %get3A_66 = arith.constant 4 : index
    %get3A_67 = memref.load %arg6[%get3A_66] : memref<8xf32, #tpu.memory_space<smem>>
    %mul3A_68 = vector.broadcast %get3A_67 : f32 to vector<512x128xf32>
    %mul3A_69 = arith.mulf %mul3A_26, %mul3A_68 : vector<512x128xf32>
    %swap3A_70 = arith.constant 4 : index
    %swap3A_71 = arith.constant 0 : index
    %swap3A_72 = arith.constant 0 : index
    %swap3A_73 = vector.load %arg7[%swap3A_70, %swap3A_71, %swap3A_72] : memref<8x512x128xf32, #tpu.memory_space<vmem>>, vector<1x512x128xf32>
    %swap3A_74 = vector.shape_cast %swap3A_73 : vector<1x512x128xf32> to vector<512x128xf32>
    %swap3A_75 = vector.shape_cast %mul3A_69 : vector<512x128xf32> to vector<1x512x128xf32>
    tpu.vector_store %arg7[%swap3A_70, %swap3A_71, %swap3A_72], %swap3A_75 {strides = array<i32>} : memref<8x512x128xf32, #tpu.memory_space<vmem>>, vector<1x512x128xf32>,
    %get3A_76 = arith.constant 5 : index
    %get3A_77 = memref.load %arg6[%get3A_76] : memref<8xf32, #tpu.memory_space<smem>>
    %mul3A_78 = vector.broadcast %get3A_77 : f32 to vector<512x128xf32>
    %mul3A_79 = arith.mulf %mul3A_26, %mul3A_78 : vector<512x128xf32>
    %swap3A_80 = arith.constant 5 : index
    %swap3A_81 = arith.constant 0 : index
    %swap3A_82 = arith.constant 0 : index
    %swap3A_83 = vector.load %arg7[%swap3A_80, %swap3A_81, %swap3A_82] : memref<8x512x128xf32, #tpu.memory_space<vmem>>, vector<1x512x128xf32>
    %swap3A_84 = vector.shape_cast %swap3A_83 : vector<1x512x128xf32> to vector<512x128xf32>
    %swap3A_85 = vector.shape_cast %mul3A_79 : vector<512x128xf32> to vector<1x512x128xf32>
    tpu.vector_store %arg7[%swap3A_80, %swap3A_81, %swap3A_82], %swap3A_85 {strides = array<i32>} : memref<8x512x128xf32, #tpu.memory_space<vmem>>, vector<1x512x128xf32>,
    %get3A_86 = arith.constant 6 : index
    %get3A_87 = memref.load %arg6[%get3A_86] : memref<8xf32, #tpu.memory_space<smem>>
    %mul3A_88 = vector.broadcast %get3A_87 : f32 to vector<512x128xf32>
    %mul3A_89 = arith.mulf %mul3A_26, %mul3A_88 : vector<512x128xf32>
    %swap3A_90 = arith.constant 6 : index
    %swap3A_91 = arith.constant 0 : index
    %swap3A_92 = arith.constant 0 : index
    %swap3A_93 = vector.load %arg7[%swap3A_90, %swap3A_91, %swap3A_92] : memref<8x512x128xf32, #tpu.memory_space<vmem>>, vector<1x512x128xf32>
    %swap3A_94 = vector.shape_cast %swap3A_93 : vector<1x512x128xf32> to vector<512x128xf32>
    %swap3A_95 = vector.shape_cast %mul3A_89 : vector<512x128xf32> to vector<1x512x128xf32>
    tpu.vector_store %arg7[%swap3A_90, %swap3A_91, %swap3A_92], %swap3A_95 {strides = array<i32>} : memref<8x512x128xf32, #tpu.memory_space<vmem>>, vector<1x512x128xf32>,
    %get3A_96 = arith.constant 7 : index
    %get3A_97 = memref.load %arg6[%get3A_96] : memref<8xf32, #tpu.memory_space<smem>>
    %mul3A_98 = vector.broadcast %get3A_97 : f32 to vector<512x128xf32>
    %mul3A_99 = arith.mulf %mul3A_26, %mul3A_98 : vector<512x128xf32>
    %swap3A_100 = arith.constant 7 : index
    %swap3A_101 = arith.constant 0 : index
    %swap3A_102 = arith.constant 0 : index
    %swap3A_103 = vector.load %arg7[%swap3A_100, %swap3A_101, %swap3A_102] : memref<8x512x128xf32, #tpu.memory_space<vmem>>, vector<1x512x128xf32>
    %swap3A_104 = vector.shape_cast %swap3A_103 : vector<1x512x128xf32> to vector<512x128xf32>
    %swap3A_105 = vector.shape_cast %mul3A_99 : vector<512x128xf32> to vector<1x512x128xf32>
    tpu.vector_store %arg7[%swap3A_100, %swap3A_101, %swap3A_102], %swap3A_105 {strides = array<i32>} : memref<8x512x128xf32, #tpu.memory_space<vmem>>, vector<1x512x128xf32>,
    return
  }
  func.func @transform_0(%arg0: i32) -> (i32, i32, i32) {
    %c0_i32 = arith.constant 0 : i32
    %c0_i32_0 = arith.constant 0 : i32
    %c0_i32_1 = arith.constant 0 : i32
    return %c0_i32, %arg0, %c0_i32_0 : i32, i32, i32
  }
  func.func @transform_1(%arg0: i32) -> (i32, i32) {
    %c0_i32 = arith.constant 0 : i32
    %c0_i32_0 = arith.constant 0 : i32
    return %arg0, %c0_i32 : i32, i32
  }
  func.func @transform_2(%arg0: i32) -> (i32, i32) {
    %c0_i32 = arith.constant 0 : i32
    %c0_i32_0 = arith.constant 0 : i32
    %c0_i32_1 = arith.constant 0 : i32
    return %c0_i32, %c0_i32_0 : i32, i32
  }
  func.func @transform_3(%arg0: i32) -> (i32, i32) {
    %c0_i32 = arith.constant 0 : i32
    %c0_i32_0 = arith.constant 0 : i32
    %c0_i32_1 = arith.constant 0 : i32
    return %c0_i32, %c0_i32_0 : i32, i32
  }
  func.func @transform_4(%arg0: i32) -> (i32, i32) {
    %c0_i32 = arith.constant 0 : i32
    %c0_i32_0 = arith.constant 0 : i32
    return %arg0, %c0_i32 : i32, i32
  }
  func.func @transform_5(%arg0: i32) -> i32 {
    %c0_i32 = arith.constant 0 : i32
    %c0_i32_0 = arith.constant 0 : i32
    return %c0_i32 : i32
  }
  func.func @transform_6(%arg0: i32) -> (i32, i32, i32) {
    %c0_i32 = arith.constant 0 : i32
    %c0_i32_0 = arith.constant 0 : i32
    %c0_i32_1 = arith.constant 0 : i32
    return %c0_i32, %arg0, %c0_i32_0 : i32, i32, i32
  }
}

module attributes {stable_mosaic.version = 14 : i64} {
  func.func @body(%arg0: i32, %arg1: memref<2x512x128xf32, #tpu.memory_space<vmem>>, %arg2: memref<512x128xf32, #tpu.memory_space<vmem>>, %arg3: memref<128x128xf32, #tpu.memory_space<vmem>>, %arg4: memref<1x128xf32, #tpu.memory_space<vmem>>, %arg5: memref<512x128xf32, #tpu.memory_space<vmem>>) attributes {dimension_semantics = [#tpu.dimension_semantics<arbitrary>], iteration_bounds = array<i64: 20>, scalar_prefetch = 0 : i64, scratch_operands = 0 : i64, tpu.core_type = #tpu.core_type<tc>, window_params = [{transform_indices = @transform_0, window_bounds = array<i64: 2, 512, 128>}, {transform_indices = @transform_1, window_bounds = array<i64: 512, 128>}, {pipeline_mode = #tpu.pipeline_mode<synchronous>, transform_indices = @transform_2, window_bounds = array<i64: 128, 128>}, {pipeline_mode = #tpu.pipeline_mode<synchronous>, transform_indices = @transform_3, window_bounds = array<i64: 1, 128>}, {transform_indices = @transform_4, window_bounds = array<i64: 512, 128>}]} {
    %get3A = arith.constant 0 : index
    %get3A_0 = arith.constant 0 : index
    %get3A_1 = arith.constant 0 : index
    %get3A_2 = vector.load %arg1[%get3A, %get3A_0, %get3A_1] : memref<2x512x128xf32, #tpu.memory_space<vmem>>, vector<1x512x128xf32>
    %get3A_3 = vector.shape_cast %get3A_2 : vector<1x512x128xf32> to vector<512x128xf32>
    %get3A_4 = arith.constant 1 : index
    %get3A_5 = arith.constant 0 : index
    %get3A_6 = arith.constant 0 : index
    %get3A_7 = vector.load %arg1[%get3A_4, %get3A_5, %get3A_6] : memref<2x512x128xf32, #tpu.memory_space<vmem>>, vector<1x512x128xf32>
    %get3A_8 = vector.shape_cast %get3A_7 : vector<1x512x128xf32> to vector<512x128xf32>
    %add3A = arith.addf %get3A_3, %get3A_8 : vector<512x128xf32>
    %get3A_9 = arith.constant 0 : index
    %get3A_10 = arith.constant 0 : index
    %get3A_11 = vector.load %arg2[%get3A_9, %get3A_10] : memref<512x128xf32, #tpu.memory_space<vmem>>, vector<512x128xf32>
    %mul3A = arith.mulf %add3A, %get3A_11 : vector<512x128xf32>
    %get3A_12 = arith.constant 0 : index
    %get3A_13 = arith.constant 0 : index
    %get3A_14 = vector.load %arg3[%get3A_12, %get3A_13] : memref<128x128xf32, #tpu.memory_space<vmem>>, vector<128x128xf32>
    %dot_general3A = arith.constant dense<0.000000e+00> : vector<512x128xf32>
    %dot_general3A_15 = tpu.matmul %mul3A, %get3A_14, %dot_general3A {dimension_numbers = #tpu.dot_dimension_numbers<[1], [0], [0], [1], [0, 0, 1, 1], [], []>, transpose_lhs_hint = false} : vector<512x128xf32>, vector<128x128xf32>, vector<512x128xf32> -> vector<512x128xf32>
    %get3A_16 = arith.constant 0 : index
    %get3A_17 = arith.constant 0 : index
    %get3A_18 = vector.load %arg4[%get3A_16, %get3A_17] : memref<1x128xf32, #tpu.memory_space<vmem>>, vector<1x128xf32>
    %add3A_19 = vector.broadcast %get3A_18 : vector<1x128xf32> to vector<512x128xf32>
    %add3A_20 = arith.addf %dot_general3A_15, %add3A_19 : vector<512x128xf32>
    %swap3A = arith.constant 0 : index
    %swap3A_21 = arith.constant 0 : index
    %swap3A_22 = vector.load %arg5[%swap3A, %swap3A_21] : memref<512x128xf32, #tpu.memory_space<vmem>>, vector<512x128xf32>
    tpu.vector_store %arg5[%swap3A, %swap3A_21], %add3A_20 {strides = array<i32>} : memref<512x128xf32, #tpu.memory_space<vmem>>, vector<512x128xf32>,
    return
  }
  func.func @transform_0(%arg0: i32) -> (i32, i32, i32) {
    %c0_i32 = arith.constant 0 : i32
    %c0_i32_0 = arith.constant 0 : i32
    %c0_i32_1 = arith.constant 0 : i32
    return %c0_i32, %arg0, %c0_i32_0 : i32, i32, i32
  }
  func.func @transform_1(%arg0: i32) -> (i32, i32) {
    %c0_i32 = arith.constant 0 : i32
    %c0_i32_0 = arith.constant 0 : i32
    return %arg0, %c0_i32 : i32, i32
  }
  func.func @transform_2(%arg0: i32) -> (i32, i32) {
    %c0_i32 = arith.constant 0 : i32
    %c0_i32_0 = arith.constant 0 : i32
    %c0_i32_1 = arith.constant 0 : i32
    return %c0_i32, %c0_i32_0 : i32, i32
  }
  func.func @transform_3(%arg0: i32) -> (i32, i32) {
    %c0_i32 = arith.constant 0 : i32
    %c0_i32_0 = arith.constant 0 : i32
    %c0_i32_1 = arith.constant 0 : i32
    return %c0_i32, %c0_i32_0 : i32, i32
  }
  func.func @transform_4(%arg0: i32) -> (i32, i32) {
    %c0_i32 = arith.constant 0 : i32
    %c0_i32_0 = arith.constant 0 : i32
    return %arg0, %c0_i32 : i32, i32
  }
}

</mosaic_0001>

<sc_bundles>
// kernel: kernel.11.cloned.1.call-start
scs
__scs_entry_jumppad:
0x0: {  	(pc) =	sbr.rel $0x88, $3  }
0x1: {  	(tag) =	ssettag $0x0;
	lr =	simm.s32 $0x1  }
0x2: {  	[smem:$0x3F95] =	sst lr;
	_ =	strace $0xD0000000  }
0x3: {  	_ = 	snop  }
0x4: {  	_ = 	snop  }
0x5: {  	_ = 	snop  }
0x6: {  	_ = 	snop  }
0x7: {  	_ = 	snop  }
__scs_overlays_trampoline_lowered:
0x8: {  	[smem:$0x3FA4] =	sst s0  }
0x9: {  	[smem:$0x3FA5] =	sst s1  }
0xa: {  	[smem:$0x3FA6] =	sst s2  }
0xb: {  	[smem:$0x3FA7] =	sst s3  }
0xc: {  	[smem:$0x3FA8] =	sst s4  }
0xd: {  	[smem:$0x3FA9] =	sst s5  }
0xe: {  	[smem:$0x3FAA] =	sst s6  }
0xf: {  	[smem:$0x3FAB] =	sst s7  }
0x10: {  	[smem:$0x3FAC] =	sst s8  }
0x11: {  	[smem:$0x3FAD] =	sst s9;
	s0 =	simm.s32 @!p0 $0x0  }
0x12: {  	s1 =	sld [smem:$0x3F93];
	s0 =	simm.s32 @p0 $0x1  }
0x13: {  	[smem:$0x3FAE] =	sst s0;
	s0 =	simm.s32 @!p1 $0x0  }
0x14: {  	s2 =	sld [smem:$0x3F92];
	s0 =	simm.s32 @p1 $0x1  }
0x15: {  	[smem:$0x3FAF] =	sst s0;
	s0 =	simm.s32 @!p2 $0x0  }
0x16: {  	s3 =	sld [smem:$0x3FDB];
	s0 =	simm.s32 @p2 $0x1  }
0x17: {  	s4 =	simm.s32 $0x1BF5;
	[smem:$0x3FB1] =	sst s0  }
0x18: {  	s0 =	sld [smem:$0x3F94];
	_ =	swait.ge [sflag:s4], $0x0  }
0x19: {  	s7 =	sld [smem:$0x3F95]  }
0x1a: {  	s8 =	sadd.s32 $0xFFFFE003, lr  }
0x1b: {  	s9 =	sadd.s32 $0xFFFFFEF7, lr;
	s5 =	simm.s32 $0xFFFFFFFF;
	p2 =	slt.u32 s8, $0xFFFFF086  }
0x1c: {  	p1 =	slt.u32 s9, $0xF7A;
	s5 =	simm.s32 @!p2 $0x0  }
0x1d: {  	s5 =	simm.s32 @p1 $0x1;
	p0 =	seq.s32 s7, s2  }
0x1e: {  	s7 =	smul.u32 @!p0 $0xF7A, s2;
	p2 =	seq.s32 @!p0 s5, $0x0  }
0x1f: {  	s9 =	smul.u32 $0xF7A, s1;
	s8 =	simm.s32 @!p0 $0x1BF5;
	p2 =	por !p2, p0  }
0x20: {  	[sflag:s8] =	ssyncset.s32 @!p0 $0xFFFFF086;
	s6 =	sadd.s32 @!p0 s3, s7;
	s7 =	simm.s32 @!p0 $0x108  }
0x21: {  	s3 =	sadd.s32 s3, s9;
	s6 =	sadd.s32 @!p0 $0x88, s6;
	s7 =	simm.s32 @p2 $0x1082  }
0x22: {  	[simem:s7], [sflag:s8] =	dma.local @!p0 [hbm:s6], $0xF7A  }
0x23: {  	s9 =	sor.u32 $0xD0000000, s2;
	s6 =	simm.s32 $0x108;
	_ =	swait.ge @!p0 [sflag:s8], $0x0  }
0x24: {  	s3 =	sadd.s32 $0x88, s3;
	s6 =	simm.s32 @!p1 $0x1082;
	[sflag:s4] =	ssyncset.s32 $0xFFFFF086  }
0x25: {  	[simem:s6], [sflag:s4] =	dma.local [hbm:s3], $0xF7A  }
0x26: {  	[smem:$0x3F95] =	sst s1;
	(tag) =	ssettag s2;
	_ =	strace s9  }
0x27: {  	s1 =	sld [smem:$0x3FA5]  }
0x28: {  	s2 =	sld [smem:$0x3FA6]  }
0x29: {  	s4 =	sld [smem:$0x3FA8]  }
0x2a: {  	p0 =	seq.s32 s5, $0x0;
	s5 =	sld [smem:$0x3FA9]  }
0x2b: {  	s6 =	sld [smem:$0x3FAA]  }
0x2c: {  	s7 =	sld [smem:$0x3FAB]  }
0x2d: {  	s3 =	simm.s32 $0x108;
	s8 =	sld [smem:$0x3FAC]  }
0x2e: {  	s3 =	simm.s32 @!p0 $0x1082;
	s9 =	sld [smem:$0x3FAD]  }
0x2f: {  	lr =	sadd.s32 s0, s3;
	s0 =	sld [smem:$0x3FA4]  }
0x30: {  	s3 =	sld [smem:$0x3FA7]  }
0x31: {  	[smem:$0x3FB0] =	sst s10  }
0x32: {  	s10 =	sld [smem:$0x3FAE];
	_ =	sdelay $0x3  }
0x33: {  	p0 =	seq.s32 s10, $0x1;
	s10 =	sld [smem:$0x3FB0];
	_ =	sdelay $0x3  }
0x34: {  	[smem:$0x3FB0] =	sst s10  }
0x35: {  	s10 =	sld [smem:$0x3FAF];
	_ =	sdelay $0x3  }
0x36: {  	p1 =	seq.s32 s10, $0x1;
	s10 =	sld [smem:$0x3FB0];
	_ =	sdelay $0x3  }
0x37: {  	[smem:$0x3FB0] =	sst s10  }
0x38: {  	s10 =	sld [smem:$0x3FB1]  }
0x39: {  	_ = 	snop;
	(pc) =	sbr.ind lr, $3  }
0x3a: {  	_ = 	snop  }
0x3b: {  	_ = 	snop  }
0x3c: {  	p2 =	seq.s32 s10, $0x1;
	s10 =	sld [smem:$0x3FB0]  }
0x3d: {  	_ =	shalt  }
0x3e: {  	_ =	shalt  }
0x3f: {  	_ =	shalt  }
0x40: {  	_ =	shalt  }
0x41: {  	_ =	shalt  }
0x42: {  	_ =	shalt  }
0x43: {  	_ =	shalt  }
0x44: {  	_ =	shalt  }
0x45: {  	_ =	shalt  }
0x46: {  	_ =	shalt  }
0x47: {  	_ =	shalt  }
0x48: {  	_ =	shalt  }
0x49: {  	_ =	shalt  }
0x4a: {  	_ =	shalt  }
0x4b: {  	_ =	shalt  }
0x4c: {  	_ =	shalt  }
0x4d: {  	_ =	shalt  }
0x4e: {  	_ =	shalt  }
0x4f: {  	_ =	shalt  }
0x50: {  	_ =	shalt  }
0x51: {  	_ =	shalt  }
0x52: {  	_ =	shalt  }
0x53: {  	_ =	shalt  }
0x54: {  	_ =	shalt  }
0x55: {  	_ =	shalt  }
0x56: {  	_ =	shalt  }
0x57: {  	_ =	shalt  }
0x58: {  	_ =	shalt  }
0x59: {  	_ =	shalt  }
0x5a: {  	_ =	shalt  }
0x5b: {  	_ =	shalt  }
0x5c: {  	_ =	shalt  }
0x5d: {  	_ =	shalt  }
0x5e: {  	_ =	shalt  }
0x5f: {  	_ =	shalt  }
0x60: {  	_ =	shalt  }
0x61: {  	_ =	shalt  }
0x62: {  	_ =	shalt  }
0x63: {  	_ =	shalt  }
0x64: {  	_ =	shalt  }
0x65: {  	_ =	shalt  }
0x66: {  	_ =	shalt  }
0x67: {  	_ =	shalt  }
0x68: {  	_ =	shalt  }
0x69: {  	_ =	shalt  }
0x6a: {  	_ =	shalt  }
0x6b: {  	_ =	shalt  }
0x6c: {  	_ =	shalt  }
0x6d: {  	_ =	shalt  }
0x6e: {  	_ =	shalt  }
0x6f: {  	_ =	shalt  }
0x70: {  	_ =	shalt  }
0x71: {  	_ =	shalt  }
0x72: {  	_ =	shalt  }
0x73: {  	_ =	shalt  }
0x74: {  	_ =	shalt  }
0x75: {  	_ =	shalt  }
0x76: {  	_ =	shalt  }
0x77: {  	_ =	shalt  }
0x78: {  	_ =	shalt  }
0x79: {  	_ =	shalt  }
0x7a: {  	_ =	shalt  }
0x7b: {  	_ =	shalt  }
0x7c: {  	_ =	shalt  }
0x7d: {  	_ =	shalt  }
0x7e: {  	_ =	shalt  }
0x7f: {  	_ =	shalt  }
0x80: {  	_ =	shalt  }
0x81: {  	_ =	shalt  }
0x82: {  	_ =	shalt  }
0x83: {  	_ =	shalt  }
0x84: {  	_ =	shalt  }
0x85: {  	_ =	shalt  }
0x86: {  	_ =	shalt  }
0x87: {  	_ =	shalt  }
.Lfunc_end0:
.L_simem_size_0:
called_computation_lowered:
.L_overlay_start_0:
0x88: {  	s2 =	sld [smem:$0x3FD9]  }
0x89: {  	s3 =	sld [smem:$0x3FFE];
	_ =	sdelay $0x1  }
0x8a: {  	s1 =	srdreg.scid  }
0x8b: {  	s0 =	sand.u32 $0x1, s1  }
0x8c: {  	s17 =	sshll.u32 s0, $0xA;
	s2 =	sadd.s32 s3, s2  }
0x8d: {  	s2 =	sadd.s32 s2, s17  }
0x8e: {  	[smem:$0x3FBC] =	sst s2  }
0x8f: {  	_ = 	snop  }
0x90: {  	s2 =	sld [smem:$0x3FD0];
	(tm) =	ssettm $0x1  }
0x91: {  	s18 =	sld [smem:$0x3FFB];
	_ =	sdelay $0x3  }
0x92: {  	_ =	strace s18  }
0x93: {  	s3 =	sld [smem:$0x3FFC];
	_ =	sdelay $0x3  }
0x94: {  	_ =	strace s3  }
0x95: {  	s3 =	sld [smem:$0x3FFD];
	_ =	sdelay $0x3  }
0x96: {  	_ =	strace s3  }
0x97: {  	_ =	strace $0x8FFFFFFF  }
0x98: {  	s19 =	sld [smem:$0x3FDB];
	_ =	sdelay $0x1  }
0x99: {  	s4 =	simm.s32 $_scs_section_size  }
0x9a: {  	s5 =	simm.s32 $_size__tile_overlayer_lowered;
	s6 =	simm.s32 $_tile_overlayer_lowered  }
0x9b: {  	s22 =	simm.s32 $0x1BFF;
	s21 =	sshll.u32 s6, $0x1;
	s3 =	sadd.s32 s4, s19  }
0x9c: {  	s7 =	simm.s32 $0x0;
	s20 =	sshll.u32 s5, $0x1;
	s5 =	sadd.s32 s21, s3  }
0x9d: {  	[timem:s7], [sflag:s22] =	dma.local [hbm:s5], s20  }
0x9e: {  	_ =	swait.ge [sflag:s22], s20  }
0x9f: {  	s4 =	ssub.s32 $0x0, s20;
	[sflag:s22] =	ssyncset.done $0x0  }
0xa0: {  	[sflag:s22] =	ssyncadd.s32 s4;
	_ =	sdelay $0x1  }
0xa1: {  	s23 =	simm.s32 $0x1B8B  }
0xa2: {  	_ =	swait.ge [sflag:s23], $0x1  }
0xa3: {  	[sflag:s23] =	ssyncset.done $0x0  }
0xa4: {  	s25 =	simm.s32 $0x1B8E;
	s24 =	sld [smem:$0x3FFE];
	[sflag:s23] =	ssyncadd.s32 $0xFFFFFFFF  }
0xa5: {  	s26 =	simm.s32 $execute0_lowered;
	[smem:$0x3FD2] =	sst s25  }
0xa6: {  	s5 =	sshll.u32 s26, $0x1;
	_ =	strace $0x80000046;
	[dreg:$0x1] =	wrdreg $0xFFFFFFFF  }
0xa7: {  	s28 =	simm.s32 $_size_execute0_lowered;
	s3 =	sadd.s32 s3, s5;
	[dreg:$0x0] =	wrdreg $0x0  }
0xa8: {  	s5 =	sshll.u32 s28, $0x1;
	[dreg:$0x2] =	wrdreg s3  }
0xa9: {  	[dreg:$0x3] =	wrdreg s5  }
0xaa: {  	[dreg:$0x4] =	wrdreg $0xC0  }
0xab: {  	_ =	task [dreg:s7], $0x5FFFF  }
0xac: {  	[dreg:$0x1] =	wrdreg $0xFFFFFFFF  }
0xad: {  	[dreg:$0x0] =	wrdreg $0x60  }
0xae: {  	[dreg:$0x2] =	wrdreg s24  }
0xaf: {  	[dreg:$0x3] =	wrdreg s2  }
0xb0: {  	[dreg:$0x4] =	wrdreg $0x69000  }
0xb1: {  	[dreg:$0x5] =	wrdreg $0x9  }
0xb2: {  	_ =	task.clear_ibuf [dreg:s7], $0x6FFFF;
	_ =	strace $0x90000046  }
0xb3: {  	s29 =	simm.s32 $0x9;
	_ =	strace $0x80000048  }
0xb4: {  	_ =	swait.ge [sflag:s29], $0x1  }
0xb5: {  	[sflag:s29] =	ssyncadd.s32 $0xFFFFFFFF  }
0xb6: {  	_ =	strace $0x90000048  }
0xb7: {  	_ =	sfence  }
0xb8: {  	s30 =	sld [smem:$0x0];
	_ =	sdelay $0x2  }
0xb9: {  	s31 =	sshll.u32 s1, $0xD;
	s1 =	sshrl.u32 s1, $0x2  }
0xba: {  	s3 =	sand.u32 $0x4000, s31;
	s1 =	sadd.s32 s1, s30  }
0xbb: {  	s0 =	sor.u32 s3, s0;
	s1 =	sshll.u32 s1, $0x11  }
0xbc: {  	s0 =	sor.u32 s1, s0  }
0xbd: {  	s0 =	sadd.s32 $0x8F2B, s0  }
0xbe: {  	[sflag:s0] =	ssyncadd.remote.s32 $0x1  }
0xbf: {  	_ =	sfence.sel $0xFFFF  }
0xc0: {  	[dreg:$0x0] =	wrdreg $0xFFFFFFFF;
	(pc) =	sbr.abs _section_cstart, $3  }
0xc1: {  	[dreg:$0x1] =	wrdreg $0xFFFFFFFF  }
0xc2: {  	_ =	task.clear_ibuf [dreg:s7], $0x2FFFF;
	_ =	strace $0x9FFFFFFF  }
0xc3: {  	(tm) =	ssettm $0x7FFFFFFF  }
tec
execute0_lowered:
.L_overlay_start_1:
0x0: {  	(tag) =	ssettag $0x1  }
0x1: {  	s0 =	rddreg [dreg:$0x0]  }
0x2: {  	s2 =	rddreg [dreg:$0x2];
	s3 =	simm.s32 $0x0;
	s1 =	srdreg.scid  }
0x3: {  	s11 =	stileid.u32;
	[smem:$0x7FF] =	sst s3  }
0x4: {  	s1 =	sand.u32 $0x1, s1;
	s5 =	smul.u32 $0xA00, s11;
	s7 =	sadd.s32 $0xD200, s0  }
0x5: {  	s8 =	sadd.s32 $0x3200, s0;
	s6 =	smul.u32 $0x50000, s11;
	s9 =	sadd.s32 $0x21200, s0  }
0x6: {  	s16 =	sadd.s32 $0x140000, s2;
	s21 =	smul.u32 $0x2800, s11;
	p0 =	sne.s32 s11, $0x0  }
0x7: {  	s4 =	smul.u32 $0x28000, s1;
	_ =	strace $0x80000047;
	[dreg:$0x4] =	wrdreg s9  }
0x8: {  	s15 =	ssub.s32 $0x2, s1;
	[dreg:$0x5] =	wrdreg s16;
	p1 =	sne.s32 s1, $0x0  }
0x9: {  	s1 =	simm.s32 $0x900;
	s10 =	sshrl.u32 s15, $0x1;
	s6 =	sshrl.u32 s6, $0x2  }
0xa: {  	s12 =	sadd.s32 s7, s5;
	s13 =	sadd.s32 s8, s5;
	s20 =	sor.u32 $0x10, s5  }
0xb: {  	s4 =	sadd.s32 s4, s0;
	s0 =	sadd.s32 s5, s0;
	s9 =	ssub.s32 s15, s10  }
0xc: {  	s6 =	sadd.s32 s6, s2;
	s14 =	sadd.s32 s7, s20;
	s10 =	sadd.s32 s8, s20  }
0xd: {  	s5 =	sor.u32 $0x20, s5;
	s31 =	sadd.s32 $0x30, s13;
	[dreg:$0x9] =	wrdreg s14  }
0xe: {  	s20 =	smov.u32 s12;
	s17 =	sadd.s32 $0x17200, s0;
	[dreg:$0xa] =	wrdreg s10  }
0xf: {  	s18 =	sadd.s32 $0x17210, s0;
	s19 =	sadd.s32 $0x17220, s0;
	[dreg:$0x6] =	wrdreg s17  }
0x10: {  	s7 =	sadd.s32 s7, s5;
	s5 =	sadd.s32 s8, s5;
	[dreg:$0x7] =	wrdreg s18  }
0x11: {  	s4 =	sadd.s32 $0x21600, s4;
	s22 =	smax.u32 s9, $0x1;
	[dreg:$0x8] =	wrdreg s19  }
0x12: {  	s23 =	sadd.s32 $0x2000, s6;
	s24 =	sadd.s32 $0x4000, s6;
	[dreg:$0xb] =	wrdreg s7  }
0x13: {  	s25 =	sadd.s32 $0x6000, s6;
	s26 =	sadd.s32 $0x8000, s6;
	[dreg:$0xc] =	wrdreg s5  }
0x14: {  	s28 =	sadd.s32 $0xE000, s6;
	s29 =	sadd.s32 $0x10000, s6;
	[dreg:$0xd] =	wrdreg s22  }
0x15: {  	s30 =	sadd.s32 $0x12000, s6;
	s8 =	simm.s32 $0x3;
	[dreg:$0xe] =	wrdreg s23  }
0x16: {  	s9 =	simm.s32 $0x80;
	s10 =	simm.s32 $0x4;
	[dreg:$0xf] =	wrdreg s24  }
.Ltmp0:
0x17: {  	s14 =	simm.s32 $0x0;
	[dreg:$0x10] =	wrdreg s25;
	(pc) =	sbr.rel .LBB2_1-.Ltmp0, $4  }
0x18: {  	[dreg:$0x11] =	wrdreg s26;
	s22 =	sadd.s32 $0xA000, s6;
	s23 =	sadd.s32 s21, s4  }
0x19: {  	s24 =	sadd.s32 $0x17230, s0;
	s25 =	sadd.s32 $0x71600, s0;
	s26 =	sadd.s32 $0xC000, s6  }
0x1a: {  	s21 =	smov.u32 s13;
	s0 =	sadd.s32 $0x30, s12;
	s4 =	simm.s32 $0x5  }
0x1b: {  	s5 =	simm.s32 $0x4900;
	s7 =	simm.s32 $0x2;
	s13 =	simm.s32 $0x1  }
.LBB2_9:
0x1c: {  	_ =	swait.ge [sflag:s13], $0x4000  }
0x1d: {  	[sflag:s13] =	ssyncset.done $0x0  }
0x1e: {  	[sflag:s13] =	ssyncadd.s32 $0xFFFFC000  }
0x1f: {  	_ =	swait.ge [sflag:s13], $0x4000  }
0x20: {  	[sflag:s13] =	ssyncset.done $0x0  }
0x21: {  	[sflag:s13] =	ssyncadd.s32 $0xFFFFC000  }
0x22: {  	_ =	swait.ge [sflag:s13], $0x4000  }
0x23: {  	[sflag:s13] =	ssyncset.done $0x0  }
0x24: {  	s11 =	simm.s32 @!p1 $0x4;
	[sflag:s13] =	ssyncadd.s32 $0xFFFFC000  }
0x25: {  	_ =	swait.ge @!p1 [sflag:s11], $0x80  }
0x26: {  	[sflag:s11] =	ssyncset.done @!p1 $0x0  }
0x27: {  	[sflag:s11] =	ssyncadd.s32 @!p1 $0xFFFFFF80  }
0x28: {  	_ =	swait.ge @!p1 [sflag:s11], $0x80  }
0x29: {  	s18 =	stileid.u32;
	[sflag:s11] =	ssyncset.done @!p1 $0x0  }
0x2a: {  	[sflag:s11] =	ssyncadd.s32 @!p1 $0xFFFFFF80;
	s11 =	sshll.u32 s18, $0x6  }
0x2b: {  	s12 =	sshrl.u32 s6, $0x3;
	[bflag:$0x0] =	sbarrier.arrive $0xFFFF;
	s11 =	sor.u32 $0x1C05, s11  }
0x2c: {  	[hbm:s23], [sflag:s11] =	dma.local [spmem:s12], $0x2800  }
0x2d: {  	_ =	swait.ge [sflag:s4], $0x2800  }
0x2e: {  	s14 =	sadd.s32 $0x1, s14;
	s19 =	rddreg [dreg:$0xd]  }
0x2f: {  	p2 =	sne.s32 s14, s19  }
.Ltmp1:
0x30: {  	_ = 	snop;
	(pc) =	sbr.rel @!p2 .LBB2_10-.Ltmp1, $3  }
0x31: {  	_ =	sdelay $0x1  }
0x32: {  	[sflag:s4] =	ssyncset.done $0x0  }
0x33: {  	[sflag:s4] =	ssyncadd.s32 $0xFFFFD800  }
.LBB2_1:
0x34: {  	s11 =	rddreg [dreg:$0x1]  }
0x35: {  	[tilespmem:s1], [sflag:$0x5] =	stream.linear.gather [hbm4b:s11+s3], $0x4000, $0x38;
	[tilespmem:$0x1AB00] =	vst v63  }
0x36: {  	_ =	swait.ge [sflag:s4], $0x4000  }
0x37: {  	[sflag:s4] =	ssyncset.done $0x0  }
0x38: {  	s15 =	rddreg [dreg:$0x4];
	[sflag:s4] =	ssyncadd.s32 $0xFFFFC000  }
0x39: {  	[tilespmem:s5], [sflag:$0x5] =	stream.linear.gather [hbm4b:s15+s3], $0x2000, $0x38;
	[tilespmem:$0x1AB00] =	vst v63  }
0x3a: {  	_ =	swait.ge [sflag:s4], $0x2000  }
0x3b: {  	[sflag:s4] =	ssyncset.done $0x0  }
0x3c: {  	[sflag:s4] =	ssyncadd.s32 $0xFFFFE000  }
0x3d: {  	[spmem:s6] =	stream.linear.scatter [tilespmem:s5], [sflag:$0x5], $0x2000, $0x38;
	[tilespmem:$0x1AB00] =	vst v63  }
0x3e: {  	_ =	swait.ge [sflag:s4], $0x2000  }
0x3f: {  	[sflag:s4] =	ssyncset.done $0x0  }
0x40: {  	s16 =	rddreg [dreg:$0xe];
	[sflag:s4] =	ssyncadd.s32 $0xFFFFE000  }
0x41: {  	[spmem:s16] =	stream.linear.scatter [tilespmem:s5], [sflag:$0x5], $0x2000, $0x38;
	[tilespmem:$0x1AB00] =	vst v63  }
0x42: {  	_ =	swait.ge [sflag:s4], $0x2000  }
0x43: {  	[sflag:s4] =	ssyncset.done $0x0  }
0x44: {  	s17 =	rddreg [dreg:$0xf];
	[sflag:s4] =	ssyncadd.s32 $0xFFFFE000  }
0x45: {  	[spmem:s17] =	stream.linear.scatter [tilespmem:s5], [sflag:$0x5], $0x2000, $0x38;
	[tilespmem:$0x1AB00] =	vst v63  }
0x46: {  	_ =	swait.ge [sflag:s4], $0x2000  }
0x47: {  	[sflag:s4] =	ssyncset.done $0x0  }
0x48: {  	s18 =	rddreg [dreg:$0x10];
	[sflag:s4] =	ssyncadd.s32 $0xFFFFE000  }
0x49: {  	[spmem:s18] =	stream.linear.scatter [tilespmem:s5], [sflag:$0x5], $0x2000, $0x38;
	[tilespmem:$0x1AB00] =	vst v63  }
0x4a: {  	_ =	swait.ge [sflag:s4], $0x2000  }
0x4b: {  	[sflag:s4] =	ssyncset.done $0x0  }
0x4c: {  	s19 =	rddreg [dreg:$0x11];
	[sflag:s4] =	ssyncadd.s32 $0xFFFFE000  }
0x4d: {  	[spmem:s19] =	stream.linear.scatter [tilespmem:s5], [sflag:$0x5], $0x2000, $0x38;
	[tilespmem:$0x1AB00] =	vst v63  }
0x4e: {  	_ =	swait.ge [sflag:s4], $0x2000  }
0x4f: {  	[sflag:s4] =	ssyncset.done $0x0  }
0x50: {  	[sflag:s4] =	ssyncadd.s32 $0xFFFFE000  }
0x51: {  	[spmem:s22] =	stream.linear.scatter [tilespmem:s5], [sflag:$0x5], $0x2000, $0x38;
	[tilespmem:$0x1AB00] =	vst v63  }
0x52: {  	_ =	swait.ge [sflag:s4], $0x2000  }
0x53: {  	[sflag:s4] =	ssyncset.done $0x0  }
0x54: {  	[sflag:s4] =	ssyncadd.s32 $0xFFFFE000  }
0x55: {  	[spmem:s26] =	stream.linear.scatter [tilespmem:s5], [sflag:$0x5], $0x2000, $0x38;
	[tilespmem:$0x1AB00] =	vst v63  }
0x56: {  	_ =	swait.ge [sflag:s4], $0x2000  }
0x57: {  	[sflag:s4] =	ssyncset.done $0x0  }
0x58: {  	[sflag:s4] =	ssyncadd.s32 $0xFFFFE000  }
0x59: {  	[spmem:s28] =	stream.linear.scatter [tilespmem:s5], [sflag:$0x5], $0x2000, $0x38;
	[tilespmem:$0x1AB00] =	vst v63  }
0x5a: {  	_ =	swait.ge [sflag:s4], $0x2000  }
0x5b: {  	[sflag:s4] =	ssyncset.done $0x0  }
0x5c: {  	[sflag:s4] =	ssyncadd.s32 $0xFFFFE000  }
0x5d: {  	[spmem:s29] =	stream.linear.scatter [tilespmem:s5], [sflag:$0x5], $0x2000, $0x38;
	[tilespmem:$0x1AB00] =	vst v63  }
0x5e: {  	_ =	swait.ge [sflag:s4], $0x2000  }
0x5f: {  	[sflag:s4] =	ssyncset.done $0x0  }
0x60: {  	[sflag:s4] =	ssyncadd.s32 $0xFFFFE000  }
0x61: {  	[spmem:s30] =	stream.linear.scatter [tilespmem:s5], [sflag:$0x5], $0x2000, $0x38;
	[tilespmem:$0x1AB00] =	vst v63  }
0x62: {  	_ =	swait.ge [sflag:s4], $0x2000  }
0x63: {  	[sflag:s4] =	ssyncset.done $0x0  }
0x64: {  	s11 =	simm.s32 @!p0 $0x4900;
	s12 =	rddreg [dreg:$0x5];
	[sflag:s4] =	ssyncadd.s32 $0xFFFFE000  }
0x65: {  	[spmem:s12] =	stream.linear.scatter @!p0 [tilespmem:s11], [sflag:$0x5], $0x2000, $0x38;
	[tilespmem:$0x1AB00] =	vst v63  }
0x66: {  	s11 =	simm.s32 @!p0 $0x5  }
0x67: {  	_ =	swait.ge @!p0 [sflag:s11], $0x2000  }
0x68: {  	[sflag:s11] =	ssyncset.done @!p0 $0x0  }
0x69: {  	[sflag:s11] =	ssyncadd.s32 @!p0 $0xFFFFE000  }
0x6a: {  	[bflag:$0x0] =	sbarrier.arrive $0xFFFF  }
0x6b: {  	s11 =	simm.s32 @p1 $0x0;
	s12 =	rddreg [dreg:$0x6]  }
0x6c: {  	[tilespmem:s11], [sflag:$0x2] =	stream.linear.gather @p1 [hbm4b:s12+s11], $0x80, $0x38;
	[tilespmem:$0x1AB00] =	vst v63  }
0x6d: {  	s15 =	rddreg [dreg:$0x7];
	s12 =	simm.s32 @p1 $0x80  }
0x6e: {  	[tilespmem:s12], [sflag:$0x2] =	stream.linear.gather @p1 [hbm4b:s15+s11], $0x80, $0x38;
	[tilespmem:$0x1AB00] =	vst v63  }
0x6f: {  	s12 =	simm.s32 @p1 $0x100;
	s15 =	rddreg [dreg:$0x8]  }
0x70: {  	[tilespmem:s12], [sflag:$0x2] =	stream.linear.gather @p1 [hbm4b:s15+s11], $0x80, $0x38;
	[tilespmem:$0x1AB00] =	vst v63  }
0x71: {  	s11 =	simm.s32 @!p1 $0x0  }
0x72: {  	[tilespmem:s11], [sflag:$0x2] =	stream.linear.gather @!p1 [hbm4b:s20+s11], $0x80, $0x38;
	[tilespmem:$0x1AB00] =	vst v63  }
0x73: {  	s12 =	simm.s32 @!p1 $0x400  }
0x74: {  	[tilespmem:s12], [sflag:$0x3] =	stream.linear.gather @!p1 [hbm4b:s21+s11], $0x80, $0x38;
	[tilespmem:$0x1AB00] =	vst v63  }
0x75: {  	s15 =	rddreg [dreg:$0x9];
	s12 =	simm.s32 @!p1 $0x80  }
0x76: {  	[tilespmem:s12], [sflag:$0x2] =	stream.linear.gather @!p1 [hbm4b:s15+s11], $0x80, $0x38;
	[tilespmem:$0x1AB00] =	vst v63  }
0x77: {  	s12 =	simm.s32 @!p1 $0x480;
	s15 =	rddreg [dreg:$0xa]  }
0x78: {  	[tilespmem:s12], [sflag:$0x3] =	stream.linear.gather @!p1 [hbm4b:s15+s11], $0x80, $0x38;
	[tilespmem:$0x1AB00] =	vst v63  }
.Ltmp2:
0x79: {  	s12 =	simm.s32 @!p1 $0x100;
	s15 =	rddreg [dreg:$0xb];
	(pc) =	sbr.rel .LBB2_2-.Ltmp2, $4  }
0x7a: {  	[tilespmem:s12], [sflag:$0x2] =	stream.linear.gather @!p1 [hbm4b:s15+s11], $0x80, $0x38;
	[tilespmem:$0x1AB00] =	vst v63  }
0x7b: {  	s16 =	simm.s32 $0x180;
	s12 =	simm.s32 @!p1 $0x500;
	s15 =	rddreg [dreg:$0xc]  }
0x7c: {  	[tilespmem:s12], [sflag:$0x3] =	stream.linear.gather @!p1 [hbm4b:s15+s11], $0x80, $0x38;
	[tilespmem:$0x1AB00] =	vst v63  }
0x7d: {  	s15 =	simm.s32 $0x600;
	s11 =	simm.s32 $0x0;
	s12 =	simm.s32 $0x0  }
.LBB2_11:
0x7e: {  	[spmem:s2] =	stream.indirect.scatter.add.f32 [tilespmem:s1], [sflag:$0x1], $0x80, s17, s9, $0xb8;
	[tilespmem:$0x1AB00] =	vst v63  }
0x7f: {  	p2 =	sgt.u32 s12, $0x9C  }
0x80: {  	s17 =	sand.u32 @!p2 $0xE00, s15  }
0x81: {  	s18 =	sadd.s32 @!p2 s11, s24;
	s19 =	simm.s32 @!p2 $0x0;
	s17 =	sshrl.u32 @!p2 s17, $0x2  }
0x82: {  	[tilespmem:s17], [sflag:$0x2] =	stream.linear.gather @!p2 [hbm4b:s18+s19], $0x80, $0x38;
	[tilespmem:$0x1AB00] =	vst v63  }
.LBB2_8:
0x83: {  	s11 =	sadd.s32 $0x10, s11  }
0x84: {  	p2 =	sne.s32 s11, $0xA00  }
.Ltmp3:
0x85: {  	_ = 	snop;
	(pc) =	sbr.rel @!p2 .LBB2_9-.Ltmp3, $2  }
0x86: {  	_ =	sdelay $0x2  }
0x87: {  	s12 =	sadd.s32 $0x1, s12;
	s15 =	sadd.s32 $0x200, s15;
	s16 =	sadd.s32 $0x80, s16  }
.LBB2_2:
0x88: {  	p2 =	slt.u32 s12, $0x3  }
0x89: {  	s17 =	simm.s32 @!p2 $0x1  }
0x8a: {  	_ =	swait.ge @!p2 [sflag:s17], $0x4000  }
.Ltmp4:
0x8b: {  	[sflag:s17] =	ssyncset.done @!p2 $0x0;
	(pc) =	sbr.rel @p1 .LBB2_11-.Ltmp4, $4  }
0x8c: {  	[sflag:s17] =	ssyncadd.s32 @!p2 $0xFFFFC000  }
0x8d: {  	_ =	swait.ge [sflag:s7], $0x80  }
0x8e: {  	s19 =	sadd.s32 $0xFFFFFE80, s16;
	[sflag:s7] =	ssyncset.done $0x0  }
0x8f: {  	s17 =	sand.u32 $0x380, s19;
	[sflag:s7] =	ssyncadd.s32 $0xFFFFFF80  }
0x90: {  	p2 =	slt.u32 s12, $0x9D  }
.Ltmp5:
0x91: {  	_ = 	snop;
	(pc) =	sbr.rel @!p2 .LBB2_4-.Ltmp5, $4  }
0x92: {  	_ =	swait.ge [sflag:s8], $0x80  }
0x93: {  	[sflag:s8] =	ssyncset.done $0x0  }
0x94: {  	[sflag:s8] =	ssyncadd.s32 $0xFFFFFF80  }
0x95: {  	[spmem:s2] =	stream.indirect.scatter.add.f32 [tilespmem:s1], [sflag:$0x1], $0x80, s17, s9, $0xb8;
	[tilespmem:$0x1AB00] =	vst v63  }
0x96: {  	s18 =	sand.u32 $0x380, s16;
	s19 =	sadd.s32 s11, s0;
	p2 =	slt.u32 s12, $0x2  }
0x97: {  	[tilespmem:s18], [sflag:$0x2] =	stream.linear.gather [hbm4b:s19+s3], $0x80, $0x38;
	[tilespmem:$0x1AB00] =	vst v63  }
.Ltmp6:
0x98: {  	_ = 	snop;
	(pc) =	sbr.rel @p2 .LBB2_7-.Ltmp6, $4  }
.Ltmp7:
0x99: {  	_ = 	snop;
	(pc) =	sbr.rel @!p2 .LBB2_6-.Ltmp7, $4  }
0x9a: {  	s18 =	sor.u32 $0x400, s18;
	s19 =	sadd.s32 s11, s31  }
0x9b: {  	[tilespmem:s18], [sflag:$0x3] =	stream.linear.gather [hbm4b:s19+s3], $0x80, $0x38;
	[tilespmem:$0x1AB00] =	vst v63  }
0x9c: {  	s18 =	sand.u32 $0x1, s12  }
0x9d: {  	_ = 	snop  }
.LBB2_4:
0x9e: {  	s18 =	sand.u32 $0x1, s12  }
.LBB2_6:
0x9f: {  	_ =	swait.ge [sflag:s10], $0x80  }
0xa0: {  	[sflag:s10] =	ssyncset.done $0x0  }
0xa1: {  	[sflag:s10] =	ssyncadd.s32 $0xFFFFFF80  }
.LBB2_7:
0xa2: {  	v0 =	vld [tilespmem:s17+$0x400];
	_ =	sdelay $0x1  }
0xa3: {  	v1 =	vld [tilespmem:s17+$0x0];
	_ =	sdelay $0x2  }
0xa4: {  	v0 =	vmul.u32 $0x2800, v0;
	_ =	sdelay $0x1  }
0xa5: {  	s18 =	sshll.u32 s18, $0x7;
	v0 =	vadd.s32 v1, v0  }
0xa6: {  	s19 =	sor.u32 $0x410, s17;
	[tilespmem:s18+$0x800] =	vst v0  }
0xa7: {  	v0 =	vld [tilespmem:s19+$0x0]  }
0xa8: {  	s19 =	sor.u32 $0x10, s17  }
0xa9: {  	v57 =	vld [tilespmem:s19+$0x0];
	_ =	sdelay $0x2  }
0xaa: {  	v0 =	vmul.u32 $0x2800, v0;
	_ =	sdelay $0x1  }
0xab: {  	v0 =	vadd.s32 v57, v0  }
0xac: {  	s19 =	sor.u32 $0x420, s17;
	[tilespmem:s18+$0x810] =	vst v0  }
0xad: {  	v0 =	vld [tilespmem:s19+$0x0]  }
0xae: {  	s19 =	sor.u32 $0x20, s17  }
0xaf: {  	v58 =	vld [tilespmem:s19+$0x0];
	_ =	sdelay $0x2  }
0xb0: {  	v0 =	vmul.u32 $0x2800, v0;
	_ =	sdelay $0x1  }
0xb1: {  	v0 =	vadd.s32 v58, v0  }
0xb2: {  	s19 =	sor.u32 $0x430, s17;
	[tilespmem:s18+$0x820] =	vst v0  }
0xb3: {  	v0 =	vld [tilespmem:s19+$0x0]  }
0xb4: {  	s19 =	sor.u32 $0x30, s17  }
0xb5: {  	v59 =	vld [tilespmem:s19+$0x0];
	_ =	sdelay $0x2  }
0xb6: {  	v0 =	vmul.u32 $0x2800, v0;
	_ =	sdelay $0x1  }
0xb7: {  	v0 =	vadd.s32 v59, v0  }
0xb8: {  	s19 =	sor.u32 $0x440, s17;
	[tilespmem:s18+$0x830] =	vst v0  }
0xb9: {  	v0 =	vld [tilespmem:s19+$0x0]  }
0xba: {  	s19 =	sor.u32 $0x40, s17  }
0xbb: {  	v60 =	vld [tilespmem:s19+$0x0];
	_ =	sdelay $0x2  }
0xbc: {  	v0 =	vmul.u32 $0x2800, v0;
	_ =	sdelay $0x1  }
0xbd: {  	v0 =	vadd.s32 v60, v0  }
0xbe: {  	s19 =	sor.u32 $0x450, s17;
	[tilespmem:s18+$0x840] =	vst v0  }
0xbf: {  	v0 =	vld [tilespmem:s19+$0x0]  }
0xc0: {  	s19 =	sor.u32 $0x50, s17  }
0xc1: {  	v61 =	vld [tilespmem:s19+$0x0];
	_ =	sdelay $0x2  }
0xc2: {  	v0 =	vmul.u32 $0x2800, v0;
	_ =	sdelay $0x1  }
0xc3: {  	v0 =	vadd.s32 v61, v0  }
0xc4: {  	s19 =	sor.u32 $0x460, s17;
	[tilespmem:s18+$0x850] =	vst v0  }
0xc5: {  	v0 =	vld [tilespmem:s19+$0x0]  }
0xc6: {  	s19 =	sor.u32 $0x60, s17  }
0xc7: {  	v62 =	vld [tilespmem:s19+$0x0];
	_ =	sdelay $0x2  }
0xc8: {  	v0 =	vmul.u32 $0x2800, v0;
	_ =	sdelay $0x1  }
0xc9: {  	v0 =	vadd.s32 v62, v0  }
0xca: {  	s19 =	sor.u32 $0x470, s17;
	[tilespmem:s18+$0x860] =	vst v0  }
0xcb: {  	v0 =	vld [tilespmem:s19+$0x0]  }
0xcc: {  	s19 =	sor.u32 $0x70, s17  }
0xcd: {  	v63 =	vld [tilespmem:s19+$0x0];
	_ =	sdelay $0x2  }
.Ltmp8:
0xce: {  	v0 =	vmul.u32 $0x2800, v0;
	(pc) =	sbr.rel .LBB2_8-.Ltmp8, $4  }
0xcf: {  	_ = 	snop  }
0xd0: {  	v0 =	vadd.s32 v63, v0  }
0xd1: {  	s17 =	sor.u32 $0x800, s18;
	s19 =	sadd.s32 s11, s25;
	[tilespmem:s18+$0x870] =	vst v0  }
0xd2: {  	[hbm4b:s19+s3] =	stream.linear.scatter [tilespmem:s17], [sflag:$0x4], $0x80, $0x38;
	[tilespmem:$0x1AB00] =	vst v63  }
.LBB2_10:
0xd3: {  	_ =	sfence.sel $0x180000  }
0xd4: {  	[bflag:$0x0] =	sbarrier.arrive $0xFFFF  }
0xd5: {  	_ =	strace $0x90000047  }
0xd6: {  	[bflag:$0x2] =	sbarrier.arrive $0xFFFF  }
0xd7: {  	s0 =	rddreg [dreg:$0x3]  }
0xd8: {  	s0 =	sadd.s32 @!p0 $0x100000, s0  }
0xd9: {  	[sflag:s0] =	ssyncadd.tile.s32 @!p0 $0x1;
	_ =	shalt  }
.Lfunc_end2:
_tile_overlayer_lowered:
.L_overlay_start_2:
0xda: {  	(tag) =	ssettag $0x2  }
0xdb: {  	s0 =	rddreg [dreg:$0x0];
	s2 =	stileid.u32  }
0xdc: {  	s1 =	rddreg [dreg:$0x1];
	p0 =	sne.s32 s2, $0x0  }
0xdd: {  	s3 =	rddreg [dreg:$0x2];
	[bflag:$0x3] =	sbarrier.arrive $0xFFFF;
	s2 =	simm.s32 @!p0 $0x1C05  }
0xde: {  	[timem:s3], [sflag:s2] =	dma.local @!p0 [hbm:s0], s1  }
0xdf: {  	s0 =	simm.s32 @!p0 $0x5  }
0xe0: {  	_ =	swait.ge @!p0 [sflag:s0], s1  }
0xe1: {  	s1 =	ssub.s32 @!p0 $0x0, s1;
	[sflag:s0] =	ssyncset.done @!p0 $0x0  }
0xe2: {  	[sflag:s0] =	ssyncadd.s32 @!p0 s1  }
0xe3: {  	[bflag:$0x3] =	sbarrier.arrive $0xFFFF  }
0xe4: {  	_ =	shalt  }

// kernel: kernel.14.cloned.1.call-start
scs
__scs_entry_jumppad:
0x0: {  	(pc) =	sbr.rel $0x88, $3  }
0x1: {  	(tag) =	ssettag $0x0;
	lr =	simm.s32 $0x1  }
0x2: {  	[smem:$0x3F95] =	sst lr;
	_ =	strace $0xD0000000  }
0x3: {  	_ = 	snop  }
0x4: {  	_ = 	snop  }
0x5: {  	_ = 	snop  }
0x6: {  	_ = 	snop  }
0x7: {  	_ = 	snop  }
__scs_overlays_trampoline_lowered:
0x8: {  	[smem:$0x3FA4] =	sst s0  }
0x9: {  	[smem:$0x3FA5] =	sst s1  }
0xa: {  	[smem:$0x3FA6] =	sst s2  }
0xb: {  	[smem:$0x3FA7] =	sst s3  }
0xc: {  	[smem:$0x3FA8] =	sst s4  }
0xd: {  	[smem:$0x3FA9] =	sst s5  }
0xe: {  	[smem:$0x3FAA] =	sst s6  }
0xf: {  	[smem:$0x3FAB] =	sst s7  }
0x10: {  	[smem:$0x3FAC] =	sst s8  }
0x11: {  	[smem:$0x3FAD] =	sst s9;
	s0 =	simm.s32 @!p0 $0x0  }
0x12: {  	s1 =	sld [smem:$0x3F93];
	s0 =	simm.s32 @p0 $0x1  }
0x13: {  	[smem:$0x3FAE] =	sst s0;
	s0 =	simm.s32 @!p1 $0x0  }
0x14: {  	s2 =	sld [smem:$0x3F92];
	s0 =	simm.s32 @p1 $0x1  }
0x15: {  	[smem:$0x3FAF] =	sst s0;
	s0 =	simm.s32 @!p2 $0x0  }
0x16: {  	s3 =	sld [smem:$0x3FDB];
	s0 =	simm.s32 @p2 $0x1  }
0x17: {  	s4 =	simm.s32 $0x1BF5;
	[smem:$0x3FB1] =	sst s0  }
0x18: {  	s0 =	sld [smem:$0x3F94];
	_ =	swait.ge [sflag:s4], $0x0  }
0x19: {  	s7 =	sld [smem:$0x3F95]  }
0x1a: {  	s8 =	sadd.s32 $0xFFFFE003, lr  }
0x1b: {  	s9 =	sadd.s32 $0xFFFFFEF7, lr;
	s5 =	simm.s32 $0xFFFFFFFF;
	p2 =	slt.u32 s8, $0xFFFFF086  }
0x1c: {  	p1 =	slt.u32 s9, $0xF7A;
	s5 =	simm.s32 @!p2 $0x0  }
0x1d: {  	s5 =	simm.s32 @p1 $0x1;
	p0 =	seq.s32 s7, s2  }
0x1e: {  	s7 =	smul.u32 @!p0 $0xF7A, s2;
	p2 =	seq.s32 @!p0 s5, $0x0  }
0x1f: {  	s9 =	smul.u32 $0xF7A, s1;
	s8 =	simm.s32 @!p0 $0x1BF5;
	p2 =	por !p2, p0  }
0x20: {  	[sflag:s8] =	ssyncset.s32 @!p0 $0xFFFFF086;
	s6 =	sadd.s32 @!p0 s3, s7;
	s7 =	simm.s32 @!p0 $0x108  }
0x21: {  	s3 =	sadd.s32 s3, s9;
	s6 =	sadd.s32 @!p0 $0x88, s6;
	s7 =	simm.s32 @p2 $0x1082  }
0x22: {  	[simem:s7], [sflag:s8] =	dma.local @!p0 [hbm:s6], $0xF7A  }
0x23: {  	s9 =	sor.u32 $0xD0000000, s2;
	s6 =	simm.s32 $0x108;
	_ =	swait.ge @!p0 [sflag:s8], $0x0  }
0x24: {  	s3 =	sadd.s32 $0x88, s3;
	s6 =	simm.s32 @!p1 $0x1082;
	[sflag:s4] =	ssyncset.s32 $0xFFFFF086  }
0x25: {  	[simem:s6], [sflag:s4] =	dma.local [hbm:s3], $0xF7A  }
0x26: {  	[smem:$0x3F95] =	sst s1;
	(tag) =	ssettag s2;
	_ =	strace s9  }
0x27: {  	s1 =	sld [smem:$0x3FA5]  }
0x28: {  	s2 =	sld [smem:$0x3FA6]  }
0x29: {  	s4 =	sld [smem:$0x3FA8]  }
0x2a: {  	p0 =	seq.s32 s5, $0x0;
	s5 =	sld [smem:$0x3FA9]  }
0x2b: {  	s6 =	sld [smem:$0x3FAA]  }
0x2c: {  	s7 =	sld [smem:$0x3FAB]  }
0x2d: {  	s3 =	simm.s32 $0x108;
	s8 =	sld [smem:$0x3FAC]  }
0x2e: {  	s3 =	simm.s32 @!p0 $0x1082;
	s9 =	sld [smem:$0x3FAD]  }
0x2f: {  	lr =	sadd.s32 s0, s3;
	s0 =	sld [smem:$0x3FA4]  }
0x30: {  	s3 =	sld [smem:$0x3FA7]  }
0x31: {  	[smem:$0x3FB0] =	sst s10  }
0x32: {  	s10 =	sld [smem:$0x3FAE];
	_ =	sdelay $0x3  }
0x33: {  	p0 =	seq.s32 s10, $0x1;
	s10 =	sld [smem:$0x3FB0];
	_ =	sdelay $0x3  }
0x34: {  	[smem:$0x3FB0] =	sst s10  }
0x35: {  	s10 =	sld [smem:$0x3FAF];
	_ =	sdelay $0x3  }
0x36: {  	p1 =	seq.s32 s10, $0x1;
	s10 =	sld [smem:$0x3FB0];
	_ =	sdelay $0x3  }
0x37: {  	[smem:$0x3FB0] =	sst s10  }
0x38: {  	s10 =	sld [smem:$0x3FB1]  }
0x39: {  	_ = 	snop;
	(pc) =	sbr.ind lr, $3  }
0x3a: {  	_ = 	snop  }
0x3b: {  	_ = 	snop  }
0x3c: {  	p2 =	seq.s32 s10, $0x1;
	s10 =	sld [smem:$0x3FB0]  }
0x3d: {  	_ =	shalt  }
0x3e: {  	_ =	shalt  }
0x3f: {  	_ =	shalt  }
0x40: {  	_ =	shalt  }
0x41: {  	_ =	shalt  }
0x42: {  	_ =	shalt  }
0x43: {  	_ =	shalt  }
0x44: {  	_ =	shalt  }
0x45: {  	_ =	shalt  }
0x46: {  	_ =	shalt  }
0x47: {  	_ =	shalt  }
0x48: {  	_ =	shalt  }
0x49: {  	_ =	shalt  }
0x4a: {  	_ =	shalt  }
0x4b: {  	_ =	shalt  }
0x4c: {  	_ =	shalt  }
0x4d: {  	_ =	shalt  }
0x4e: {  	_ =	shalt  }
0x4f: {  	_ =	shalt  }
0x50: {  	_ =	shalt  }
0x51: {  	_ =	shalt  }
0x52: {  	_ =	shalt  }
0x53: {  	_ =	shalt  }
0x54: {  	_ =	shalt  }
0x55: {  	_ =	shalt  }
0x56: {  	_ =	shalt  }
0x57: {  	_ =	shalt  }
0x58: {  	_ =	shalt  }
0x59: {  	_ =	shalt  }
0x5a: {  	_ =	shalt  }
0x5b: {  	_ =	shalt  }
0x5c: {  	_ =	shalt  }
0x5d: {  	_ =	shalt  }
0x5e: {  	_ =	shalt  }
0x5f: {  	_ =	shalt  }
0x60: {  	_ =	shalt  }
0x61: {  	_ =	shalt  }
0x62: {  	_ =	shalt  }
0x63: {  	_ =	shalt  }
0x64: {  	_ =	shalt  }
0x65: {  	_ =	shalt  }
0x66: {  	_ =	shalt  }
0x67: {  	_ =	shalt  }
0x68: {  	_ =	shalt  }
0x69: {  	_ =	shalt  }
0x6a: {  	_ =	shalt  }
0x6b: {  	_ =	shalt  }
0x6c: {  	_ =	shalt  }
0x6d: {  	_ =	shalt  }
0x6e: {  	_ =	shalt  }
0x6f: {  	_ =	shalt  }
0x70: {  	_ =	shalt  }
0x71: {  	_ =	shalt  }
0x72: {  	_ =	shalt  }
0x73: {  	_ =	shalt  }
0x74: {  	_ =	shalt  }
0x75: {  	_ =	shalt  }
0x76: {  	_ =	shalt  }
0x77: {  	_ =	shalt  }
0x78: {  	_ =	shalt  }
0x79: {  	_ =	shalt  }
0x7a: {  	_ =	shalt  }
0x7b: {  	_ =	shalt  }
0x7c: {  	_ =	shalt  }
0x7d: {  	_ =	shalt  }
0x7e: {  	_ =	shalt  }
0x7f: {  	_ =	shalt  }
0x80: {  	_ =	shalt  }
0x81: {  	_ =	shalt  }
0x82: {  	_ =	shalt  }
0x83: {  	_ =	shalt  }
0x84: {  	_ =	shalt  }
0x85: {  	_ =	shalt  }
0x86: {  	_ =	shalt  }
0x87: {  	_ =	shalt  }
.Lfunc_end0:
.L_simem_size_0:
called_computation.1_lowered:
.L_overlay_start_0:
0x88: {  	s2 =	sld [smem:$0x3FD9]  }
0x89: {  	s3 =	sld [smem:$0x3FFE];
	_ =	sdelay $0x1  }
0x8a: {  	s1 =	srdreg.scid  }
0x8b: {  	s0 =	sand.u32 $0x1, s1  }
0x8c: {  	s16 =	sshll.u32 s0, $0xA;
	s2 =	sadd.s32 s3, s2  }
0x8d: {  	s2 =	sadd.s32 s2, s16  }
0x8e: {  	[smem:$0x3FBC] =	sst s2  }
0x8f: {  	_ = 	snop  }
0x90: {  	(tm) =	ssettm $0x1  }
0x91: {  	s17 =	sld [smem:$0x3FFB];
	_ =	sdelay $0x3  }
0x92: {  	_ =	strace s17  }
0x93: {  	s2 =	sld [smem:$0x3FFC];
	_ =	sdelay $0x3  }
0x94: {  	_ =	strace s2  }
0x95: {  	s2 =	sld [smem:$0x3FFD];
	_ =	sdelay $0x3  }
0x96: {  	_ =	strace s2  }
0x97: {  	_ =	strace $0x8FFFFFFF  }
0x98: {  	s18 =	sld [smem:$0x3FDB];
	_ =	sdelay $0x1  }
0x99: {  	s19 =	simm.s32 $_scs_section_size  }
0x9a: {  	s4 =	simm.s32 $_size__tile_overlayer_lowered;
	s5 =	simm.s32 $_tile_overlayer_lowered  }
0x9b: {  	s22 =	simm.s32 $0x1BFF;
	s21 =	sshll.u32 s5, $0x1;
	s2 =	sadd.s32 s19, s18  }
0x9c: {  	s6 =	simm.s32 $0x0;
	s20 =	sshll.u32 s4, $0x1;
	s4 =	sadd.s32 s21, s2  }
0x9d: {  	[timem:s6], [sflag:s22] =	dma.local [hbm:s4], s20  }
0x9e: {  	_ =	swait.ge [sflag:s22], s20  }
0x9f: {  	s3 =	ssub.s32 $0x0, s20;
	[sflag:s22] =	ssyncset.done $0x0  }
0xa0: {  	[sflag:s22] =	ssyncadd.s32 s3;
	_ =	sdelay $0x1  }
0xa1: {  	s23 =	simm.s32 $0x1B8B  }
0xa2: {  	_ =	swait.ge [sflag:s23], $0x1  }
0xa3: {  	[sflag:s23] =	ssyncset.done $0x0  }
0xa4: {  	s25 =	simm.s32 $0x1B8E;
	s24 =	sld [smem:$0x3FFE];
	[sflag:s23] =	ssyncadd.s32 $0xFFFFFFFF  }
0xa5: {  	s26 =	simm.s32 $execute0_lowered;
	[smem:$0x3FD2] =	sst s25  }
0xa6: {  	s4 =	sshll.u32 s26, $0x1;
	_ =	strace $0x80000049;
	[dreg:$0x1] =	wrdreg $0xFFFFFFFF  }
0xa7: {  	s28 =	simm.s32 $_size_execute0_lowered;
	s2 =	sadd.s32 s2, s4;
	[dreg:$0x0] =	wrdreg $0x0  }
0xa8: {  	s4 =	sshll.u32 s28, $0x1;
	[dreg:$0x2] =	wrdreg s2  }
0xa9: {  	[dreg:$0x3] =	wrdreg s4  }
0xaa: {  	[dreg:$0x4] =	wrdreg $0xC0  }
0xab: {  	_ =	task [dreg:s6], $0x5FFFF  }
0xac: {  	[dreg:$0x1] =	wrdreg $0xFFFFFFFF  }
0xad: {  	[dreg:$0x0] =	wrdreg $0x60  }
0xae: {  	[dreg:$0x2] =	wrdreg s24  }
0xaf: {  	[dreg:$0x3] =	wrdreg $0xA4000  }
0xb0: {  	[dreg:$0x4] =	wrdreg $0x9  }
0xb1: {  	_ =	task.clear_ibuf [dreg:s6], $0x5FFFF;
	_ =	strace $0x90000049  }
0xb2: {  	s29 =	simm.s32 $0x9;
	_ =	strace $0x8000004B  }
0xb3: {  	_ =	swait.ge [sflag:s29], $0x1  }
0xb4: {  	[sflag:s29] =	ssyncadd.s32 $0xFFFFFFFF  }
0xb5: {  	_ =	strace $0x9000004B  }
0xb6: {  	_ =	sfence  }
0xb7: {  	s30 =	sld [smem:$0x0];
	_ =	sdelay $0x2  }
0xb8: {  	s31 =	sshll.u32 s1, $0xD;
	s1 =	sshrl.u32 s1, $0x2  }
0xb9: {  	s3 =	sand.u32 $0x4000, s31;
	s1 =	sadd.s32 s1, s30  }
0xba: {  	s0 =	sor.u32 s3, s0;
	s1 =	sshll.u32 s1, $0x11  }
0xbb: {  	s0 =	sor.u32 s1, s0  }
0xbc: {  	s0 =	sadd.s32 $0x8F2B, s0  }
0xbd: {  	[sflag:s0] =	ssyncadd.remote.s32 $0x1  }
0xbe: {  	_ =	sfence.sel $0xFFFF  }
0xbf: {  	[dreg:$0x0] =	wrdreg $0xFFFFFFFF;
	(pc) =	sbr.abs _section_cstart, $3  }
0xc0: {  	[dreg:$0x1] =	wrdreg $0xFFFFFFFF  }
0xc1: {  	_ =	task.clear_ibuf [dreg:s6], $0x2FFFF;
	_ =	strace $0x9FFFFFFF  }
0xc2: {  	(tm) =	ssettm $0x7FFFFFFF  }
0xc3: {  	_ =	shalt  }
tec
execute0_lowered:
.L_overlay_start_1:
0x0: {  	(tag) =	ssettag $0x1  }
0x1: {  	s0 =	rddreg [dreg:$0x0]  }
0x2: {  	s1 =	rddreg [dreg:$0x1];
	s3 =	srdreg.scid;
	s2 =	simm.s32 $0x0  }
0x3: {  	s12 =	stileid.u32;
	s29 =	simm.s32 $0x8400;
	s30 =	simm.s32 $0x4  }
0x4: {  	s31 =	simm.s32 $0x80;
	s3 =	sand.u32 $0x1, s3;
	s8 =	smul.u32 $0x50, s12  }
0x5: {  	[smem:$0x7FF] =	sst s2;
	s4 =	sadd.s32 $0x7B600, s0;
	s11 =	smul.u32 $0x50000, s12  }
0x6: {  	s7 =	sadd.s32 $0x71600, s0;
	s9 =	sadd.s32 $0x17200, s0;
	s17 =	smul.u32 $0x2800, s12  }
0x7: {  	s24 =	sadd.s32 $0x140000, s1;
	p0 =	sne.s32 s12, $0x0;
	s5 =	smul.u32 $0x28000, s3  }
0x8: {  	_ =	strace $0x8000004A;
	s6 =	smul.u32 $0x500, s3;
	s10 =	ssub.s32 $0x2, s3  }
0x9: {  	[dreg:$0x3] =	wrdreg s24;
	s3 =	smul.u32 $0x5000, s3;
	s21 =	sshrl.u32 s10, $0x1  }
0xa: {  	s23 =	sshrl.u32 s11, $0x2;
	s0 =	sadd.s32 s5, s0;
	s22 =	ssub.s32 s10, s21  }
0xb: {  	s6 =	sadd.s32 s8, s6;
	s5 =	sadd.s32 s23, s1;
	s8 =	smax.u32 s22, $0x1  }
0xc: {  	s23 =	smul.u32 $0x500, s12;
	s18 =	sadd.s32 $0x2000, s5;
	[dreg:$0xa] =	wrdreg s8  }
0xd: {  	s24 =	sadd.s32 s3, s9;
	s19 =	sadd.s32 $0x4000, s5;
	[dreg:$0xb] =	wrdreg s18  }
0xe: {  	s3 =	sadd.s32 s3, s7;
	s20 =	sadd.s32 $0x6000, s5;
	[dreg:$0xc] =	wrdreg s19  }
0xf: {  	s6 =	sshll.u32 s6, $0x4;
	s21 =	sadd.s32 $0x8000, s5;
	[dreg:$0xd] =	wrdreg s20  }
0x10: {  	s0 =	sadd.s32 $0x21200, s0;
	s25 =	sadd.s32 s7, s6;
	[dreg:$0xe] =	wrdreg s21  }
0x11: {  	s26 =	sadd.s32 s9, s6;
	s11 =	sor.u32 $0x10, s6;
	[dreg:$0x4] =	wrdreg s25  }
0x12: {  	s28 =	sadd.s32 $0x12000, s5;
	[dreg:$0x5] =	wrdreg s26;
	s13 =	sadd.s32 s7, s11  }
0x13: {  	s14 =	sor.u32 $0x20, s6;
	s10 =	sadd.s32 s9, s11;
	[dreg:$0x6] =	wrdreg s13  }
0x14: {  	s6 =	sor.u32 $0x30, s6;
	s15 =	sadd.s32 s7, s14;
	[dreg:$0x7] =	wrdreg s10  }
0x15: {  	s3 =	sadd.s32 s23, s3;
	s16 =	sadd.s32 s9, s14;
	[dreg:$0x8] =	wrdreg s15  }
0x16: {  	s8 =	simm.s32 $0x1;
	s22 =	sadd.s32 s7, s6;
	[dreg:$0x9] =	wrdreg s16  }
0x17: {  	s6 =	sadd.s32 s9, s6;
	s25 =	sadd.s32 $0xA000, s5;
	[dreg:$0xf] =	wrdreg s22  }
0x18: {  	s26 =	sadd.s32 $0xC000, s5;
	s7 =	simm.s32 $0x2;
	[dreg:$0x10] =	wrdreg s6  }
0x19: {  	s9 =	simm.s32 $0x0;
	[dreg:$0x11] =	wrdreg s25;
	s6 =	sadd.s32 s23, s24  }
0x1a: {  	[dreg:$0x12] =	wrdreg s26;
	s22 =	sadd.s32 s17, s0;
	s23 =	sadd.s32 $0xE000, s5  }
0x1b: {  	s25 =	sadd.s32 $0x40, s3;
	s26 =	sadd.s32 $0x10000, s5;
	s3 =	simm.s32 $0x3  }
0x1c: {  	v0 =	vimm.f32 $0.0e+00;
	s0 =	simm.s32 $0x4400;
	s24 =	sadd.s32 $0x40, s6;
	s6 =	simm.s32 $0x380  }
.LBB2_1:
0x1d: {  	s10 =	sand.u32 $0x7E00, s2  }
0x1e: {  	s11 =	sand.u32 $0x70, s2;
	s12 =	sshrl.u32 s10, $0x2  }
0x1f: {  	s10 =	simm.s32 $0x40;
	s12 =	sor.u32 s11, s12;
	s11 =	simm.s32 $0x0  }
.LBB2_2:
0x20: {  	p1 =	sne.s32 s10, $0x7FC0  }
0x21: {  	[tilespmem:s12+$0x8400] =	vst v0;
	s11 =	sadd.s32 $0x10, s11;
	s12 =	smov.u32 s10;
	s10 =	sadd.s32 $0x40, s10  }
.Ltmp0:
0x22: {  	(pc) =	sbr.rel @p1 .LBB2_2-.Ltmp0, $4  }
0x23: {  	_ = 	snop  }
0x24: {  	s12 =	sand.u32 $0x7E00, s12  }
0x25: {  	s13 =	sand.u32 $0x70, s11;
	s12 =	sshrl.u32 s12, $0x2  }
0x26: {  	s12 =	sor.u32 s13, s12  }
0x27: {  	[tilespmem:s12+$0x8400] =	vst v0  }
0x28: {  	[spmem:s5] =	stream.linear.scatter [tilespmem:s29], [sflag:$0x4], $0x2000, $0x38;
	[tilespmem:$0x1E600] =	vst v63  }
0x29: {  	_ =	swait.ge [sflag:s30], $0x2000  }
0x2a: {  	[sflag:s30] =	ssyncset.done $0x0  }
0x2b: {  	s10 =	rddreg [dreg:$0xb];
	[sflag:s30] =	ssyncadd.s32 $0xFFFFE000  }
0x2c: {  	[spmem:s10] =	stream.linear.scatter [tilespmem:s29], [sflag:$0x4], $0x2000, $0x38;
	[tilespmem:$0x1E600] =	vst v63  }
0x2d: {  	_ =	swait.ge [sflag:s30], $0x2000  }
0x2e: {  	[sflag:s30] =	ssyncset.done $0x0  }
0x2f: {  	s12 =	rddreg [dreg:$0xc];
	[sflag:s30] =	ssyncadd.s32 $0xFFFFE000  }
0x30: {  	[spmem:s12] =	stream.linear.scatter [tilespmem:s29], [sflag:$0x4], $0x2000, $0x38;
	[tilespmem:$0x1E600] =	vst v63  }
0x31: {  	_ =	swait.ge [sflag:s30], $0x2000  }
0x32: {  	[sflag:s30] =	ssyncset.done $0x0  }
0x33: {  	s13 =	rddreg [dreg:$0xd];
	[sflag:s30] =	ssyncadd.s32 $0xFFFFE000  }
0x34: {  	[spmem:s13] =	stream.linear.scatter [tilespmem:s29], [sflag:$0x4], $0x2000, $0x38;
	[tilespmem:$0x1E600] =	vst v63  }
0x35: {  	_ =	swait.ge [sflag:s30], $0x2000  }
0x36: {  	[sflag:s30] =	ssyncset.done $0x0  }
0x37: {  	s14 =	rddreg [dreg:$0xe];
	[sflag:s30] =	ssyncadd.s32 $0xFFFFE000  }
0x38: {  	[spmem:s14] =	stream.linear.scatter [tilespmem:s29], [sflag:$0x4], $0x2000, $0x38;
	[tilespmem:$0x1E600] =	vst v63  }
0x39: {  	_ =	swait.ge [sflag:s30], $0x2000  }
0x3a: {  	[sflag:s30] =	ssyncset.done $0x0  }
0x3b: {  	s15 =	rddreg [dreg:$0x11];
	[sflag:s30] =	ssyncadd.s32 $0xFFFFE000  }
0x3c: {  	[spmem:s15] =	stream.linear.scatter [tilespmem:s29], [sflag:$0x4], $0x2000, $0x38;
	[tilespmem:$0x1E600] =	vst v63  }
0x3d: {  	_ =	swait.ge [sflag:s30], $0x2000  }
0x3e: {  	[sflag:s30] =	ssyncset.done $0x0  }
0x3f: {  	s16 =	rddreg [dreg:$0x12];
	[sflag:s30] =	ssyncadd.s32 $0xFFFFE000  }
0x40: {  	[spmem:s16] =	stream.linear.scatter [tilespmem:s29], [sflag:$0x4], $0x2000, $0x38;
	[tilespmem:$0x1E600] =	vst v63  }
0x41: {  	_ =	swait.ge [sflag:s30], $0x2000  }
0x42: {  	[sflag:s30] =	ssyncset.done $0x0  }
0x43: {  	[sflag:s30] =	ssyncadd.s32 $0xFFFFE000  }
0x44: {  	[spmem:s23] =	stream.linear.scatter [tilespmem:s29], [sflag:$0x4], $0x2000, $0x38;
	[tilespmem:$0x1E600] =	vst v63  }
0x45: {  	_ =	swait.ge [sflag:s30], $0x2000  }
0x46: {  	[sflag:s30] =	ssyncset.done $0x0  }
0x47: {  	[sflag:s30] =	ssyncadd.s32 $0xFFFFE000  }
0x48: {  	[spmem:s26] =	stream.linear.scatter [tilespmem:s29], [sflag:$0x4], $0x2000, $0x38;
	[tilespmem:$0x1E600] =	vst v63  }
0x49: {  	_ =	swait.ge [sflag:s30], $0x2000  }
0x4a: {  	[sflag:s30] =	ssyncset.done $0x0  }
0x4b: {  	[sflag:s30] =	ssyncadd.s32 $0xFFFFE000  }
0x4c: {  	[spmem:s28] =	stream.linear.scatter [tilespmem:s29], [sflag:$0x4], $0x2000, $0x38;
	[tilespmem:$0x1E600] =	vst v63  }
0x4d: {  	_ =	swait.ge [sflag:s30], $0x2000  }
0x4e: {  	[sflag:s30] =	ssyncset.done $0x0  }
0x4f: {  	s10 =	simm.s32 @!p0 $0x8400;
	s11 =	rddreg [dreg:$0x3];
	[sflag:s30] =	ssyncadd.s32 $0xFFFFE000  }
0x50: {  	[spmem:s11] =	stream.linear.scatter @!p0 [tilespmem:s10], [sflag:$0x4], $0x2000, $0x38;
	[tilespmem:$0x1E600] =	vst v63  }
0x51: {  	s10 =	simm.s32 @!p0 $0x4  }
0x52: {  	_ =	swait.ge @!p0 [sflag:s10], $0x2000  }
0x53: {  	[sflag:s10] =	ssyncset.done @!p0 $0x0  }
0x54: {  	[sflag:s10] =	ssyncadd.s32 @!p0 $0xFFFFE000  }
0x55: {  	[bflag:$0x0] =	sbarrier.arrive $0xFFFF  }
0x56: {  	s17 =	rddreg [dreg:$0x4]  }
0x57: {  	[tilespmem:s2], [sflag:$0x3] =	stream.linear.gather [hbm4b:s17+s2], $0x80, $0x38;
	[tilespmem:$0x1E600] =	vst v63  }
0x58: {  	s13 =	simm.s32 $0x200;
	s18 =	rddreg [dreg:$0x5]  }
0x59: {  	[tilespmem:s13], [sflag:$0x3] =	stream.linear.gather [hbm4b:s18+s2], $0x80, $0x38;
	[tilespmem:$0x1E600] =	vst v63  }
0x5a: {  	s19 =	rddreg [dreg:$0x6]  }
0x5b: {  	[tilespmem:s31], [sflag:$0x3] =	stream.linear.gather [hbm4b:s19+s2], $0x80, $0x38;
	[tilespmem:$0x1E600] =	vst v63  }
0x5c: {  	s21 =	simm.s32 $0x280;
	s20 =	rddreg [dreg:$0x7]  }
0x5d: {  	[tilespmem:s21], [sflag:$0x3] =	stream.linear.gather [hbm4b:s20+s2], $0x80, $0x38;
	[tilespmem:$0x1E600] =	vst v63  }
0x5e: {  	s12 =	simm.s32 $0x100;
	s11 =	rddreg [dreg:$0x8]  }
0x5f: {  	[tilespmem:s12], [sflag:$0x3] =	stream.linear.gather [hbm4b:s11+s2], $0x80, $0x38;
	[tilespmem:$0x1E600] =	vst v63  }
0x60: {  	s15 =	simm.s32 $0x300;
	s14 =	rddreg [dreg:$0x9]  }
0x61: {  	[tilespmem:s15], [sflag:$0x3] =	stream.linear.gather [hbm4b:s14+s2], $0x80, $0x38;
	[tilespmem:$0x1E600] =	vst v63  }
0x62: {  	_ =	swait.ge [sflag:s3], $0x80  }
0x63: {  	[sflag:s3] =	ssyncset.done $0x0  }
0x64: {  	[sflag:s3] =	ssyncadd.s32 $0xFFFFFF80  }
0x65: {  	_ =	swait.ge [sflag:s3], $0x80  }
0x66: {  	[sflag:s3] =	ssyncset.done $0x0  }
0x67: {  	s16 =	simm.s32 $0x400;
	[sflag:s3] =	ssyncadd.s32 $0xFFFFFF80  }
0x68: {  	[tilespmem:s16], [sflag:$0x1] =	stream.indirect.gather [hbm4b:s4+s31], $0x80, s2, s31, $0xb8;
	[tilespmem:$0x1E600] =	vst v63  }
0x69: {  	_ =	swait.ge [sflag:s3], $0x80  }
0x6a: {  	[sflag:s3] =	ssyncset.done $0x0  }
0x6b: {  	[sflag:s3] =	ssyncadd.s32 $0xFFFFFF80  }
0x6c: {  	_ =	swait.ge [sflag:s3], $0x80  }
0x6d: {  	[sflag:s3] =	ssyncset.done $0x0  }
0x6e: {  	[sflag:s3] =	ssyncadd.s32 $0xFFFFFF80  }
0x6f: {  	[tilespmem:s0], [sflag:$0x1] =	stream.indirect.gather [hbm4b:s4+s31], $0x80, s31, s31, $0xb8;
	[tilespmem:$0x1E600] =	vst v63  }
0x70: {  	s18 =	simm.s32 $0x180;
	s17 =	rddreg [dreg:$0xf]  }
0x71: {  	[tilespmem:s18], [sflag:$0x3] =	stream.linear.gather [hbm4b:s17+s2], $0x80, $0x38;
	[tilespmem:$0x1E600] =	vst v63  }
0x72: {  	s20 =	simm.s32 $0x1;
	s19 =	rddreg [dreg:$0x10]  }
0x73: {  	[tilespmem:s6], [sflag:$0x3] =	stream.linear.gather [hbm4b:s19+s2], $0x80, $0x38;
	[tilespmem:$0x1E600] =	vst v63  }
0x74: {  	_ =	swait.ge [sflag:s20], $0x4000  }
0x75: {  	[sflag:s20] =	ssyncset.done $0x0  }
0x76: {  	[sflag:s20] =	ssyncadd.s32 $0xFFFFC000  }
0x77: {  	[spmem:s1] =	stream.indirect.scatter.add.f32 [tilespmem:s16], [sflag:$0x2], $0x80, s13, s31, $0xb8;
	[tilespmem:$0x1E600] =	vst v63  }
0x78: {  	_ =	swait.ge [sflag:s7], $0x4000  }
0x79: {  	[sflag:s7] =	ssyncset.done $0x0  }
0x7a: {  	[sflag:s7] =	ssyncadd.s32 $0xFFFFC000  }
0x7b: {  	p1 =	por $0x0, $0x0;
	s10 =	simm.s32 $0x600;
	_ =	swait.ge [sflag:s3], $0x80  }
0x7c: {  	s21 =	simm.s32 $0x10000;
	s11 =	simm.s32 $0x30000;
	[sflag:s3] =	ssyncset.done $0x0  }
0x7d: {  	s12 =	sand.u32 $0x600, s16;
	s14 =	simm.s32 $0x20000;
	[sflag:s3] =	ssyncadd.s32 $0xFFFFFF80  }
0x7e: {  	s12 =	sshrl.u32 s12, $0x2;
	s14 =	sand.u32 $0x10000, s14;
	_ =	swait.ge [sflag:s3], $0x80  }
0x7f: {  	s14 =	sshrl.u32 s14, $0x2;
	s17 =	simm.s32 $0x200;
	[sflag:s3] =	ssyncset.done $0x0  }
0x80: {  	s14 =	sor.u32 $0x400, s14;
	s17 =	sand.u32 $0x600, s17;
	[sflag:s3] =	ssyncadd.s32 $0xFFFFFF80  }
0x81: {  	[tilespmem:s14], [sflag:$0x1] =	stream.indirect.gather [hbm4b:s4+s31], $0x80, s12, s31, $0xb8;
	[tilespmem:$0x1E600] =	vst v63  }
0x82: {  	s15 =	sand.u32 @!p1 $0x180, s13;
	s17 =	sshrl.u32 s17, $0x2;
	s16 =	simm.s32 @!p1 $0x0  }
0x83: {  	[tilespmem:s15], [sflag:$0x3] =	stream.linear.gather @!p1 [hbm4b:s25+s16], $0x80, $0x38;
	[tilespmem:$0x1E600] =	vst v63  }
0x84: {  	s17 =	sor.u32 $0x200, s17;
	s13 =	sadd.s32 $0x10, s24;
	s15 =	sor.u32 @!p1 $0x200, s15  }
0x85: {  	[tilespmem:s15], [sflag:$0x3] =	stream.linear.gather @!p1 [hbm4b:s24+s16], $0x80, $0x38;
	[tilespmem:$0x1E600] =	vst v63  }
0x86: {  	s12 =	simm.s32 $0x2;
	s16 =	sand.u32 $0x10000, s21;
	_ =	swait.ge [sflag:s8], $0x4000  }
0x87: {  	s14 =	sadd.s32 $0x10, s25;
	s16 =	sshrl.u32 s16, $0x2;
	[sflag:s8] =	ssyncset.done $0x0  }
0x88: {  	s15 =	simm.s32 $0x280;
	s16 =	sor.u32 $0x400, s16;
	[sflag:s8] =	ssyncadd.s32 $0xFFFFC000  }
.LBB2_4:
0x89: {  	[spmem:s1] =	stream.indirect.scatter.add.f32 [tilespmem:s16], [sflag:$0x2], $0x80, s17, s31, $0xb8;
	[tilespmem:$0x1E600] =	vst v63  }
0x8a: {  	s16 =	smov.u32 s10;
	s10 =	sadd.s32 $0x200, s10;
	s17 =	smov.u32 s11  }
0x8b: {  	s18 =	smov.u32 s12;
	p1 =	sne.s32 s10, $0xA000;
	_ =	swait.ge [sflag:s7], $0x4000  }
0x8c: {  	s19 =	smov.u32 s13;
	s20 =	smov.u32 s14;
	[sflag:s7] =	ssyncset.done $0x0  }
0x8d: {  	[sflag:s7] =	ssyncadd.s32 $0xFFFFC000  }
0x8e: {  	s11 =	sadd.s32 $0x10000, s11;
	_ =	swait.ge [sflag:s3], $0x80  }
0x8f: {  	s12 =	sadd.s32 $0x1, s12;
	s13 =	sadd.s32 $0x10, s13;
	[sflag:s3] =	ssyncset.done $0x0  }
0x90: {  	s14 =	sadd.s32 $0x10, s14;
	s21 =	sand.u32 $0x10000, s17;
	[sflag:s3] =	ssyncadd.s32 $0xFFFFFF80  }
0x91: {  	p2 =	sgt.u32 s18, $0x4C;
	s17 =	sadd.s32 $0xFFFF0000, s17;
	_ =	swait.ge [sflag:s3], $0x80  }
0x92: {  	s18 =	sshrl.u32 s21, $0x2;
	s21 =	sand.u32 $0x600, s16;
	[sflag:s3] =	ssyncset.done $0x0  }
0x93: {  	s18 =	sor.u32 $0x400, s18;
	s21 =	sshrl.u32 s21, $0x2;
	[sflag:s3] =	ssyncadd.s32 $0xFFFFFF80  }
0x94: {  	[tilespmem:s18], [sflag:$0x1] =	stream.indirect.gather [hbm4b:s4+s31], $0x80, s21, s31, $0xb8;
	[tilespmem:$0x1E600] =	vst v63  }
0x95: {  	s18 =	sand.u32 @!p2 $0x180, s15;
	s21 =	simm.s32 @!p2 $0x0;
	s15 =	sadd.s32 $0x80, s15  }
0x96: {  	[tilespmem:s18], [sflag:$0x3] =	stream.linear.gather @!p2 [hbm4b:s20+s21], $0x80, $0x38;
	[tilespmem:$0x1E600] =	vst v63  }
.Ltmp1:
0x97: {  	s16 =	sadd.s32 $0xFFFFFE00, s16;
	s18 =	sor.u32 @!p2 $0x200, s18;
	(pc) =	sbr.rel @p1 .LBB2_4-.Ltmp1, $4  }
0x98: {  	[tilespmem:s18], [sflag:$0x3] =	stream.linear.gather @!p2 [hbm4b:s19+s21], $0x80, $0x38;
	[tilespmem:$0x1E600] =	vst v63  }
0x99: {  	s17 =	sand.u32 $0x10000, s17;
	s16 =	sand.u32 $0x600, s16;
	_ =	swait.ge [sflag:s8], $0x4000  }
0x9a: {  	s17 =	sshrl.u32 s17, $0x2;
	s18 =	sshrl.u32 s16, $0x2;
	[sflag:s8] =	ssyncset.done $0x0  }
0x9b: {  	s16 =	sor.u32 $0x400, s17;
	s17 =	sor.u32 $0x200, s18;
	[sflag:s8] =	ssyncadd.s32 $0xFFFFC000  }
0x9c: {  	[spmem:s1] =	stream.indirect.scatter.add.f32 [tilespmem:s16], [sflag:$0x2], $0x80, s17, s31, $0xb8;
	[tilespmem:$0x1E600] =	vst v63  }
0x9d: {  	_ =	swait.ge [sflag:s7], $0x4000  }
0x9e: {  	[sflag:s7] =	ssyncset.done $0x0  }
0x9f: {  	[sflag:s7] =	ssyncadd.s32 $0xFFFFC000  }
0xa0: {  	_ =	swait.ge [sflag:s8], $0x4000  }
0xa1: {  	[sflag:s8] =	ssyncset.done $0x0  }
0xa2: {  	[sflag:s8] =	ssyncadd.s32 $0xFFFFC000  }
0xa3: {  	[spmem:s1] =	stream.indirect.scatter.add.f32 [tilespmem:s0], [sflag:$0x2], $0x80, s6, s31, $0xb8;
	[tilespmem:$0x1E600] =	vst v63  }
0xa4: {  	_ =	swait.ge [sflag:s7], $0x4000  }
0xa5: {  	s10 =	stileid.u32;
	[sflag:s7] =	ssyncset.done $0x0  }
0xa6: {  	s10 =	sshll.u32 s10, $0x6;
	[sflag:s7] =	ssyncadd.s32 $0xFFFFC000  }
0xa7: {  	s11 =	sshrl.u32 s5, $0x3;
	s10 =	sor.u32 $0x1C04, s10;
	[bflag:$0x0] =	sbarrier.arrive $0xFFFF  }
0xa8: {  	[hbm:s22], [sflag:s10] =	dma.local [spmem:s11], $0x2800  }
0xa9: {  	_ =	swait.ge [sflag:s30], $0x2800  }
0xaa: {  	s9 =	sadd.s32 $0x1, s9;
	s21 =	rddreg [dreg:$0xa]  }
0xab: {  	p1 =	sne.s32 s9, s21  }
.Ltmp2:
0xac: {  	_ = 	snop;
	(pc) =	sbr.rel @p1 .LBB2_1-.Ltmp2, $3  }
0xad: {  	_ =	sdelay $0x1  }
0xae: {  	[sflag:s30] =	ssyncset.done $0x0  }
0xaf: {  	[sflag:s30] =	ssyncadd.s32 $0xFFFFD800  }
0xb0: {  	_ =	sfence.sel $0x180000  }
0xb1: {  	[bflag:$0x0] =	sbarrier.arrive $0xFFFF  }
0xb2: {  	_ =	strace $0x9000004A  }
0xb3: {  	[bflag:$0x2] =	sbarrier.arrive $0xFFFF  }
0xb4: {  	s0 =	rddreg [dreg:$0x2]  }
0xb5: {  	s0 =	sadd.s32 @!p0 $0x100000, s0  }
0xb6: {  	[sflag:s0] =	ssyncadd.tile.s32 @!p0 $0x1;
	_ =	shalt  }
.Lfunc_end2:
_tile_overlayer_lowered:
.L_overlay_start_2:
0xb7: {  	(tag) =	ssettag $0x2  }
0xb8: {  	s0 =	rddreg [dreg:$0x0];
	s2 =	stileid.u32  }
0xb9: {  	s1 =	rddreg [dreg:$0x1];
	p0 =	sne.s32 s2, $0x0  }
0xba: {  	s3 =	rddreg [dreg:$0x2];
	[bflag:$0x3] =	sbarrier.arrive $0xFFFF;
	s2 =	simm.s32 @!p0 $0x1C04  }
0xbb: {  	[timem:s3], [sflag:s2] =	dma.local @!p0 [hbm:s0], s1  }
0xbc: {  	s0 =	simm.s32 @!p0 $0x4  }
0xbd: {  	_ =	swait.ge @!p0 [sflag:s0], s1  }
0xbe: {  	s1 =	ssub.s32 @!p0 $0x0, s1;
	[sflag:s0] =	ssyncset.done @!p0 $0x0  }
0xbf: {  	[sflag:s0] =	ssyncadd.s32 @!p0 s1  }
0xc0: {  	[bflag:$0x3] =	sbarrier.arrive $0xFFFF  }
0xc1: {  	_ =	shalt  }

// kernel: kernel.17.cloned.1.call-start
scs
__scs_entry_jumppad:
0x0: {  	(pc) =	sbr.rel $0x88, $3  }
0x1: {  	(tag) =	ssettag $0x0;
	lr =	simm.s32 $0x1  }
0x2: {  	[smem:$0x3F95] =	sst lr;
	_ =	strace $0xD0000000  }
0x3: {  	_ = 	snop  }
0x4: {  	_ = 	snop  }
0x5: {  	_ = 	snop  }
0x6: {  	_ = 	snop  }
0x7: {  	_ = 	snop  }
__scs_overlays_trampoline_lowered:
0x8: {  	[smem:$0x3FA4] =	sst s0  }
0x9: {  	[smem:$0x3FA5] =	sst s1  }
0xa: {  	[smem:$0x3FA6] =	sst s2  }
0xb: {  	[smem:$0x3FA7] =	sst s3  }
0xc: {  	[smem:$0x3FA8] =	sst s4  }
0xd: {  	[smem:$0x3FA9] =	sst s5  }
0xe: {  	[smem:$0x3FAA] =	sst s6  }
0xf: {  	[smem:$0x3FAB] =	sst s7  }
0x10: {  	[smem:$0x3FAC] =	sst s8  }
0x11: {  	[smem:$0x3FAD] =	sst s9;
	s0 =	simm.s32 @!p0 $0x0  }
0x12: {  	s1 =	sld [smem:$0x3F93];
	s0 =	simm.s32 @p0 $0x1  }
0x13: {  	[smem:$0x3FAE] =	sst s0;
	s0 =	simm.s32 @!p1 $0x0  }
0x14: {  	s2 =	sld [smem:$0x3F92];
	s0 =	simm.s32 @p1 $0x1  }
0x15: {  	[smem:$0x3FAF] =	sst s0;
	s0 =	simm.s32 @!p2 $0x0  }
0x16: {  	s3 =	sld [smem:$0x3FDB];
	s0 =	simm.s32 @p2 $0x1  }
0x17: {  	s4 =	simm.s32 $0x1BF5;
	[smem:$0x3FB1] =	sst s0  }
0x18: {  	s0 =	sld [smem:$0x3F94];
	_ =	swait.ge [sflag:s4], $0x0  }
0x19: {  	s7 =	sld [smem:$0x3F95]  }
0x1a: {  	s8 =	sadd.s32 $0xFFFFE003, lr  }
0x1b: {  	s9 =	sadd.s32 $0xFFFFFEF7, lr;
	s5 =	simm.s32 $0xFFFFFFFF;
	p2 =	slt.u32 s8, $0xFFFFF086  }
0x1c: {  	p1 =	slt.u32 s9, $0xF7A;
	s5 =	simm.s32 @!p2 $0x0  }
0x1d: {  	s5 =	simm.s32 @p1 $0x1;
	p0 =	seq.s32 s7, s2  }
0x1e: {  	s7 =	smul.u32 @!p0 $0xF7A, s2;
	p2 =	seq.s32 @!p0 s5, $0x0  }
0x1f: {  	s9 =	smul.u32 $0xF7A, s1;
	s8 =	simm.s32 @!p0 $0x1BF5;
	p2 =	por !p2, p0  }
0x20: {  	[sflag:s8] =	ssyncset.s32 @!p0 $0xFFFFF086;
	s6 =	sadd.s32 @!p0 s3, s7;
	s7 =	simm.s32 @!p0 $0x108  }
0x21: {  	s3 =	sadd.s32 s3, s9;
	s6 =	sadd.s32 @!p0 $0x88, s6;
	s7 =	simm.s32 @p2 $0x1082  }
0x22: {  	[simem:s7], [sflag:s8] =	dma.local @!p0 [hbm:s6], $0xF7A  }
0x23: {  	s9 =	sor.u32 $0xD0000000, s2;
	s6 =	simm.s32 $0x108;
	_ =	swait.ge @!p0 [sflag:s8], $0x0  }
0x24: {  	s3 =	sadd.s32 $0x88, s3;
	s6 =	simm.s32 @!p1 $0x1082;
	[sflag:s4] =	ssyncset.s32 $0xFFFFF086  }
0x25: {  	[simem:s6], [sflag:s4] =	dma.local [hbm:s3], $0xF7A  }
0x26: {  	[smem:$0x3F95] =	sst s1;
	(tag) =	ssettag s2;
	_ =	strace s9  }
0x27: {  	s1 =	sld [smem:$0x3FA5]  }
0x28: {  	s2 =	sld [smem:$0x3FA6]  }
0x29: {  	s4 =	sld [smem:$0x3FA8]  }
0x2a: {  	p0 =	seq.s32 s5, $0x0;
	s5 =	sld [smem:$0x3FA9]  }
0x2b: {  	s6 =	sld [smem:$0x3FAA]  }
0x2c: {  	s7 =	sld [smem:$0x3FAB]  }
0x2d: {  	s3 =	simm.s32 $0x108;
	s8 =	sld [smem:$0x3FAC]  }
0x2e: {  	s3 =	simm.s32 @!p0 $0x1082;
	s9 =	sld [smem:$0x3FAD]  }
0x2f: {  	lr =	sadd.s32 s0, s3;
	s0 =	sld [smem:$0x3FA4]  }
0x30: {  	s3 =	sld [smem:$0x3FA7]  }
0x31: {  	[smem:$0x3FB0] =	sst s10  }
0x32: {  	s10 =	sld [smem:$0x3FAE];
	_ =	sdelay $0x3  }
0x33: {  	p0 =	seq.s32 s10, $0x1;
	s10 =	sld [smem:$0x3FB0];
	_ =	sdelay $0x3  }
0x34: {  	[smem:$0x3FB0] =	sst s10  }
0x35: {  	s10 =	sld [smem:$0x3FAF];
	_ =	sdelay $0x3  }
0x36: {  	p1 =	seq.s32 s10, $0x1;
	s10 =	sld [smem:$0x3FB0];
	_ =	sdelay $0x3  }
0x37: {  	[smem:$0x3FB0] =	sst s10  }
0x38: {  	s10 =	sld [smem:$0x3FB1]  }
0x39: {  	_ = 	snop;
	(pc) =	sbr.ind lr, $3  }
0x3a: {  	_ = 	snop  }
0x3b: {  	_ = 	snop  }
0x3c: {  	p2 =	seq.s32 s10, $0x1;
	s10 =	sld [smem:$0x3FB0]  }
0x3d: {  	_ =	shalt  }
0x3e: {  	_ =	shalt  }
0x3f: {  	_ =	shalt  }
0x40: {  	_ =	shalt  }
0x41: {  	_ =	shalt  }
0x42: {  	_ =	shalt  }
0x43: {  	_ =	shalt  }
0x44: {  	_ =	shalt  }
0x45: {  	_ =	shalt  }
0x46: {  	_ =	shalt  }
0x47: {  	_ =	shalt  }
0x48: {  	_ =	shalt  }
0x49: {  	_ =	shalt  }
0x4a: {  	_ =	shalt  }
0x4b: {  	_ =	shalt  }
0x4c: {  	_ =	shalt  }
0x4d: {  	_ =	shalt  }
0x4e: {  	_ =	shalt  }
0x4f: {  	_ =	shalt  }
0x50: {  	_ =	shalt  }
0x51: {  	_ =	shalt  }
0x52: {  	_ =	shalt  }
0x53: {  	_ =	shalt  }
0x54: {  	_ =	shalt  }
0x55: {  	_ =	shalt  }
0x56: {  	_ =	shalt  }
0x57: {  	_ =	shalt  }
0x58: {  	_ =	shalt  }
0x59: {  	_ =	shalt  }
0x5a: {  	_ =	shalt  }
0x5b: {  	_ =	shalt  }
0x5c: {  	_ =	shalt  }
0x5d: {  	_ =	shalt  }
0x5e: {  	_ =	shalt  }
0x5f: {  	_ =	shalt  }
0x60: {  	_ =	shalt  }
0x61: {  	_ =	shalt  }
0x62: {  	_ =	shalt  }
0x63: {  	_ =	shalt  }
0x64: {  	_ =	shalt  }
0x65: {  	_ =	shalt  }
0x66: {  	_ =	shalt  }
0x67: {  	_ =	shalt  }
0x68: {  	_ =	shalt  }
0x69: {  	_ =	shalt  }
0x6a: {  	_ =	shalt  }
0x6b: {  	_ =	shalt  }
0x6c: {  	_ =	shalt  }
0x6d: {  	_ =	shalt  }
0x6e: {  	_ =	shalt  }
0x6f: {  	_ =	shalt  }
0x70: {  	_ =	shalt  }
0x71: {  	_ =	shalt  }
0x72: {  	_ =	shalt  }
0x73: {  	_ =	shalt  }
0x74: {  	_ =	shalt  }
0x75: {  	_ =	shalt  }
0x76: {  	_ =	shalt  }
0x77: {  	_ =	shalt  }
0x78: {  	_ =	shalt  }
0x79: {  	_ =	shalt  }
0x7a: {  	_ =	shalt  }
0x7b: {  	_ =	shalt  }
0x7c: {  	_ =	shalt  }
0x7d: {  	_ =	shalt  }
0x7e: {  	_ =	shalt  }
0x7f: {  	_ =	shalt  }
0x80: {  	_ =	shalt  }
0x81: {  	_ =	shalt  }
0x82: {  	_ =	shalt  }
0x83: {  	_ =	shalt  }
0x84: {  	_ =	shalt  }
0x85: {  	_ =	shalt  }
0x86: {  	_ =	shalt  }
0x87: {  	_ =	shalt  }
.Lfunc_end0:
.L_simem_size_0:
called_computation.2_lowered:
.L_overlay_start_0:
0x88: {  	s2 =	sld [smem:$0x3FD9]  }
0x89: {  	s3 =	sld [smem:$0x3FFE];
	_ =	sdelay $0x1  }
0x8a: {  	s1 =	srdreg.scid  }
0x8b: {  	s0 =	sand.u32 $0x1, s1  }
0x8c: {  	s16 =	sshll.u32 s0, $0xA;
	s2 =	sadd.s32 s3, s2  }
0x8d: {  	s2 =	sadd.s32 s2, s16  }
0x8e: {  	[smem:$0x3FBC] =	sst s2  }
0x8f: {  	_ = 	snop  }
0x90: {  	(tm) =	ssettm $0x1  }
0x91: {  	s17 =	sld [smem:$0x3FFB];
	_ =	sdelay $0x3  }
0x92: {  	_ =	strace s17  }
0x93: {  	s2 =	sld [smem:$0x3FFC];
	_ =	sdelay $0x3  }
0x94: {  	_ =	strace s2  }
0x95: {  	s2 =	sld [smem:$0x3FFD];
	_ =	sdelay $0x3  }
0x96: {  	_ =	strace s2  }
0x97: {  	_ =	strace $0x8FFFFFFF  }
0x98: {  	s18 =	sld [smem:$0x3FDB];
	_ =	sdelay $0x1  }
0x99: {  	s19 =	simm.s32 $_scs_section_size  }
0x9a: {  	s4 =	simm.s32 $_size__tile_overlayer_lowered;
	s5 =	simm.s32 $_tile_overlayer_lowered  }
0x9b: {  	s22 =	simm.s32 $0x1BFF;
	s21 =	sshll.u32 s5, $0x1;
	s2 =	sadd.s32 s19, s18  }
0x9c: {  	s6 =	simm.s32 $0x0;
	s20 =	sshll.u32 s4, $0x1;
	s4 =	sadd.s32 s21, s2  }
0x9d: {  	[timem:s6], [sflag:s22] =	dma.local [hbm:s4], s20  }
0x9e: {  	_ =	swait.ge [sflag:s22], s20  }
0x9f: {  	s3 =	ssub.s32 $0x0, s20;
	[sflag:s22] =	ssyncset.done $0x0  }
0xa0: {  	[sflag:s22] =	ssyncadd.s32 s3;
	_ =	sdelay $0x1  }
0xa1: {  	s23 =	simm.s32 $0x1B8B  }
0xa2: {  	_ =	swait.ge [sflag:s23], $0x1  }
0xa3: {  	[sflag:s23] =	ssyncset.done $0x0  }
0xa4: {  	s25 =	simm.s32 $0x1B8E;
	s24 =	sld [smem:$0x3FFE];
	[sflag:s23] =	ssyncadd.s32 $0xFFFFFFFF  }
0xa5: {  	s26 =	simm.s32 $execute0_lowered;
	[smem:$0x3FD2] =	sst s25  }
0xa6: {  	s4 =	sshll.u32 s26, $0x1;
	_ =	strace $0x8000004C;
	[dreg:$0x1] =	wrdreg $0xFFFFFFFF  }
0xa7: {  	s28 =	simm.s32 $_size_execute0_lowered;
	s2 =	sadd.s32 s2, s4;
	[dreg:$0x0] =	wrdreg $0x0  }
0xa8: {  	s4 =	sshll.u32 s28, $0x1;
	[dreg:$0x2] =	wrdreg s2  }
0xa9: {  	[dreg:$0x3] =	wrdreg s4  }
0xaa: {  	[dreg:$0x4] =	wrdreg $0xC0  }
0xab: {  	_ =	task [dreg:s6], $0x5FFFF  }
0xac: {  	[dreg:$0x1] =	wrdreg $0xFFFFFFFF  }
0xad: {  	[dreg:$0x0] =	wrdreg $0x60  }
0xae: {  	[dreg:$0x2] =	wrdreg s24  }
0xaf: {  	[dreg:$0x3] =	wrdreg $0xA4000  }
0xb0: {  	[dreg:$0x4] =	wrdreg $0x9  }
0xb1: {  	_ =	task.clear_ibuf [dreg:s6], $0x5FFFF;
	_ =	strace $0x9000004C  }
0xb2: {  	s29 =	simm.s32 $0x9;
	_ =	strace $0x8000004E  }
0xb3: {  	_ =	swait.ge [sflag:s29], $0x1  }
0xb4: {  	[sflag:s29] =	ssyncadd.s32 $0xFFFFFFFF  }
0xb5: {  	_ =	strace $0x9000004E  }
0xb6: {  	_ =	sfence  }
0xb7: {  	s30 =	sld [smem:$0x0];
	_ =	sdelay $0x2  }
0xb8: {  	s31 =	sshll.u32 s1, $0xD;
	s1 =	sshrl.u32 s1, $0x2  }
0xb9: {  	s3 =	sand.u32 $0x4000, s31;
	s1 =	sadd.s32 s1, s30  }
0xba: {  	s0 =	sor.u32 s3, s0;
	s1 =	sshll.u32 s1, $0x11  }
0xbb: {  	s0 =	sor.u32 s1, s0  }
0xbc: {  	s0 =	sadd.s32 $0x8F2B, s0  }
0xbd: {  	[sflag:s0] =	ssyncadd.remote.s32 $0x1  }
0xbe: {  	_ =	sfence.sel $0xFFFF  }
0xbf: {  	[dreg:$0x0] =	wrdreg $0xFFFFFFFF;
	(pc) =	sbr.abs _section_cstart, $3  }
0xc0: {  	[dreg:$0x1] =	wrdreg $0xFFFFFFFF  }
0xc1: {  	_ =	task.clear_ibuf [dreg:s6], $0x2FFFF;
	_ =	strace $0x9FFFFFFF  }
0xc2: {  	(tm) =	ssettm $0x7FFFFFFF  }
0xc3: {  	_ =	shalt  }
tec
execute0_lowered:
.L_overlay_start_1:
0x0: {  	(tag) =	ssettag $0x1  }
0x1: {  	s0 =	rddreg [dreg:$0x0]  }
0x2: {  	s1 =	rddreg [dreg:$0x1];
	s3 =	srdreg.scid;
	s2 =	simm.s32 $0x0  }
0x3: {  	s12 =	stileid.u32;
	s29 =	simm.s32 $0x8400;
	s30 =	simm.s32 $0x4  }
0x4: {  	s31 =	simm.s32 $0x80;
	s3 =	sand.u32 $0x1, s3;
	s8 =	smul.u32 $0x50, s12  }
0x5: {  	[smem:$0x7FF] =	sst s2;
	s4 =	sadd.s32 $0x7B600, s0;
	s11 =	smul.u32 $0x50000, s12  }
0x6: {  	s7 =	sadd.s32 $0x71600, s0;
	s9 =	sadd.s32 $0x17200, s0;
	s17 =	smul.u32 $0x2800, s12  }
0x7: {  	s24 =	sadd.s32 $0x140000, s1;
	p0 =	sne.s32 s12, $0x0;
	s5 =	smul.u32 $0x28000, s3  }
0x8: {  	_ =	strace $0x8000004D;
	s6 =	smul.u32 $0x500, s3;
	s10 =	ssub.s32 $0x2, s3  }
0x9: {  	[dreg:$0x3] =	wrdreg s24;
	s3 =	smul.u32 $0x5000, s3;
	s21 =	sshrl.u32 s10, $0x1  }
0xa: {  	s23 =	sshrl.u32 s11, $0x2;
	s0 =	sadd.s32 s5, s0;
	s22 =	ssub.s32 s10, s21  }
0xb: {  	s6 =	sadd.s32 s8, s6;
	s5 =	sadd.s32 s23, s1;
	s8 =	smax.u32 s22, $0x1  }
0xc: {  	s23 =	smul.u32 $0x500, s12;
	s18 =	sadd.s32 $0x2000, s5;
	[dreg:$0xa] =	wrdreg s8  }
0xd: {  	s24 =	sadd.s32 s3, s9;
	s19 =	sadd.s32 $0x4000, s5;
	[dreg:$0xb] =	wrdreg s18  }
0xe: {  	s3 =	sadd.s32 s3, s7;
	s20 =	sadd.s32 $0x6000, s5;
	[dreg:$0xc] =	wrdreg s19  }
0xf: {  	s6 =	sshll.u32 s6, $0x4;
	s21 =	sadd.s32 $0x8000, s5;
	[dreg:$0xd] =	wrdreg s20  }
0x10: {  	s0 =	sadd.s32 $0x21200, s0;
	s25 =	sadd.s32 s7, s6;
	[dreg:$0xe] =	wrdreg s21  }
0x11: {  	s26 =	sadd.s32 s9, s6;
	s11 =	sor.u32 $0x10, s6;
	[dreg:$0x4] =	wrdreg s25  }
0x12: {  	s28 =	sadd.s32 $0x12000, s5;
	[dreg:$0x5] =	wrdreg s26;
	s13 =	sadd.s32 s7, s11  }
0x13: {  	s14 =	sor.u32 $0x20, s6;
	s10 =	sadd.s32 s9, s11;
	[dreg:$0x6] =	wrdreg s13  }
0x14: {  	s6 =	sor.u32 $0x30, s6;
	s15 =	sadd.s32 s7, s14;
	[dreg:$0x7] =	wrdreg s10  }
0x15: {  	s3 =	sadd.s32 s23, s3;
	s16 =	sadd.s32 s9, s14;
	[dreg:$0x8] =	wrdreg s15  }
0x16: {  	s8 =	simm.s32 $0x1;
	s22 =	sadd.s32 s7, s6;
	[dreg:$0x9] =	wrdreg s16  }
0x17: {  	s6 =	sadd.s32 s9, s6;
	s25 =	sadd.s32 $0xA000, s5;
	[dreg:$0xf] =	wrdreg s22  }
0x18: {  	s26 =	sadd.s32 $0xC000, s5;
	s7 =	simm.s32 $0x2;
	[dreg:$0x10] =	wrdreg s6  }
0x19: {  	s9 =	simm.s32 $0x0;
	[dreg:$0x11] =	wrdreg s25;
	s6 =	sadd.s32 s23, s24  }
0x1a: {  	[dreg:$0x12] =	wrdreg s26;
	s22 =	sadd.s32 s17, s0;
	s23 =	sadd.s32 $0xE000, s5  }
0x1b: {  	s25 =	sadd.s32 $0x40, s3;
	s26 =	sadd.s32 $0x10000, s5;
	s3 =	simm.s32 $0x3  }
0x1c: {  	v0 =	vimm.f32 $0.0e+00;
	s0 =	simm.s32 $0x4400;
	s24 =	sadd.s32 $0x40, s6;
	s6 =	simm.s32 $0x380  }
.LBB2_1:
0x1d: {  	s10 =	sand.u32 $0x7E00, s2  }
0x1e: {  	s11 =	sand.u32 $0x70, s2;
	s12 =	sshrl.u32 s10, $0x2  }
0x1f: {  	s10 =	simm.s32 $0x40;
	s12 =	sor.u32 s11, s12;
	s11 =	simm.s32 $0x0  }
.LBB2_2:
0x20: {  	p1 =	sne.s32 s10, $0x7FC0  }
0x21: {  	[tilespmem:s12+$0x8400] =	vst v0;
	s11 =	sadd.s32 $0x10, s11;
	s12 =	smov.u32 s10;
	s10 =	sadd.s32 $0x40, s10  }
.Ltmp0:
0x22: {  	(pc) =	sbr.rel @p1 .LBB2_2-.Ltmp0, $4  }
0x23: {  	_ = 	snop  }
0x24: {  	s12 =	sand.u32 $0x7E00, s12  }
0x25: {  	s13 =	sand.u32 $0x70, s11;
	s12 =	sshrl.u32 s12, $0x2  }
0x26: {  	s12 =	sor.u32 s13, s12  }
0x27: {  	[tilespmem:s12+$0x8400] =	vst v0  }
0x28: {  	[spmem:s5] =	stream.linear.scatter [tilespmem:s29], [sflag:$0x4], $0x2000, $0x38;
	[tilespmem:$0x1E600] =	vst v63  }
0x29: {  	_ =	swait.ge [sflag:s30], $0x2000  }
0x2a: {  	[sflag:s30] =	ssyncset.done $0x0  }
0x2b: {  	s10 =	rddreg [dreg:$0xb];
	[sflag:s30] =	ssyncadd.s32 $0xFFFFE000  }
0x2c: {  	[spmem:s10] =	stream.linear.scatter [tilespmem:s29], [sflag:$0x4], $0x2000, $0x38;
	[tilespmem:$0x1E600] =	vst v63  }
0x2d: {  	_ =	swait.ge [sflag:s30], $0x2000  }
0x2e: {  	[sflag:s30] =	ssyncset.done $0x0  }
0x2f: {  	s12 =	rddreg [dreg:$0xc];
	[sflag:s30] =	ssyncadd.s32 $0xFFFFE000  }
0x30: {  	[spmem:s12] =	stream.linear.scatter [tilespmem:s29], [sflag:$0x4], $0x2000, $0x38;
	[tilespmem:$0x1E600] =	vst v63  }
0x31: {  	_ =	swait.ge [sflag:s30], $0x2000  }
0x32: {  	[sflag:s30] =	ssyncset.done $0x0  }
0x33: {  	s13 =	rddreg [dreg:$0xd];
	[sflag:s30] =	ssyncadd.s32 $0xFFFFE000  }
0x34: {  	[spmem:s13] =	stream.linear.scatter [tilespmem:s29], [sflag:$0x4], $0x2000, $0x38;
	[tilespmem:$0x1E600] =	vst v63  }
0x35: {  	_ =	swait.ge [sflag:s30], $0x2000  }
0x36: {  	[sflag:s30] =	ssyncset.done $0x0  }
0x37: {  	s14 =	rddreg [dreg:$0xe];
	[sflag:s30] =	ssyncadd.s32 $0xFFFFE000  }
0x38: {  	[spmem:s14] =	stream.linear.scatter [tilespmem:s29], [sflag:$0x4], $0x2000, $0x38;
	[tilespmem:$0x1E600] =	vst v63  }
0x39: {  	_ =	swait.ge [sflag:s30], $0x2000  }
0x3a: {  	[sflag:s30] =	ssyncset.done $0x0  }
0x3b: {  	s15 =	rddreg [dreg:$0x11];
	[sflag:s30] =	ssyncadd.s32 $0xFFFFE000  }
0x3c: {  	[spmem:s15] =	stream.linear.scatter [tilespmem:s29], [sflag:$0x4], $0x2000, $0x38;
	[tilespmem:$0x1E600] =	vst v63  }
0x3d: {  	_ =	swait.ge [sflag:s30], $0x2000  }
0x3e: {  	[sflag:s30] =	ssyncset.done $0x0  }
0x3f: {  	s16 =	rddreg [dreg:$0x12];
	[sflag:s30] =	ssyncadd.s32 $0xFFFFE000  }
0x40: {  	[spmem:s16] =	stream.linear.scatter [tilespmem:s29], [sflag:$0x4], $0x2000, $0x38;
	[tilespmem:$0x1E600] =	vst v63  }
0x41: {  	_ =	swait.ge [sflag:s30], $0x2000  }
0x42: {  	[sflag:s30] =	ssyncset.done $0x0  }
0x43: {  	[sflag:s30] =	ssyncadd.s32 $0xFFFFE000  }
0x44: {  	[spmem:s23] =	stream.linear.scatter [tilespmem:s29], [sflag:$0x4], $0x2000, $0x38;
	[tilespmem:$0x1E600] =	vst v63  }
0x45: {  	_ =	swait.ge [sflag:s30], $0x2000  }
0x46: {  	[sflag:s30] =	ssyncset.done $0x0  }
0x47: {  	[sflag:s30] =	ssyncadd.s32 $0xFFFFE000  }
0x48: {  	[spmem:s26] =	stream.linear.scatter [tilespmem:s29], [sflag:$0x4], $0x2000, $0x38;
	[tilespmem:$0x1E600] =	vst v63  }
0x49: {  	_ =	swait.ge [sflag:s30], $0x2000  }
0x4a: {  	[sflag:s30] =	ssyncset.done $0x0  }
0x4b: {  	[sflag:s30] =	ssyncadd.s32 $0xFFFFE000  }
0x4c: {  	[spmem:s28] =	stream.linear.scatter [tilespmem:s29], [sflag:$0x4], $0x2000, $0x38;
	[tilespmem:$0x1E600] =	vst v63  }
0x4d: {  	_ =	swait.ge [sflag:s30], $0x2000  }
0x4e: {  	[sflag:s30] =	ssyncset.done $0x0  }
0x4f: {  	s10 =	simm.s32 @!p0 $0x8400;
	s11 =	rddreg [dreg:$0x3];
	[sflag:s30] =	ssyncadd.s32 $0xFFFFE000  }
0x50: {  	[spmem:s11] =	stream.linear.scatter @!p0 [tilespmem:s10], [sflag:$0x4], $0x2000, $0x38;
	[tilespmem:$0x1E600] =	vst v63  }
0x51: {  	s10 =	simm.s32 @!p0 $0x4  }
0x52: {  	_ =	swait.ge @!p0 [sflag:s10], $0x2000  }
0x53: {  	[sflag:s10] =	ssyncset.done @!p0 $0x0  }
0x54: {  	[sflag:s10] =	ssyncadd.s32 @!p0 $0xFFFFE000  }
0x55: {  	[bflag:$0x0] =	sbarrier.arrive $0xFFFF  }
0x56: {  	s17 =	rddreg [dreg:$0x4]  }
0x57: {  	[tilespmem:s2], [sflag:$0x3] =	stream.linear.gather [hbm4b:s17+s2], $0x80, $0x38;
	[tilespmem:$0x1E600] =	vst v63  }
0x58: {  	s13 =	simm.s32 $0x200;
	s18 =	rddreg [dreg:$0x5]  }
0x59: {  	[tilespmem:s13], [sflag:$0x3] =	stream.linear.gather [hbm4b:s18+s2], $0x80, $0x38;
	[tilespmem:$0x1E600] =	vst v63  }
0x5a: {  	s19 =	rddreg [dreg:$0x6]  }
0x5b: {  	[tilespmem:s31], [sflag:$0x3] =	stream.linear.gather [hbm4b:s19+s2], $0x80, $0x38;
	[tilespmem:$0x1E600] =	vst v63  }
0x5c: {  	s21 =	simm.s32 $0x280;
	s20 =	rddreg [dreg:$0x7]  }
0x5d: {  	[tilespmem:s21], [sflag:$0x3] =	stream.linear.gather [hbm4b:s20+s2], $0x80, $0x38;
	[tilespmem:$0x1E600] =	vst v63  }
0x5e: {  	s12 =	simm.s32 $0x100;
	s11 =	rddreg [dreg:$0x8]  }
0x5f: {  	[tilespmem:s12], [sflag:$0x3] =	stream.linear.gather [hbm4b:s11+s2], $0x80, $0x38;
	[tilespmem:$0x1E600] =	vst v63  }
0x60: {  	s15 =	simm.s32 $0x300;
	s14 =	rddreg [dreg:$0x9]  }
0x61: {  	[tilespmem:s15], [sflag:$0x3] =	stream.linear.gather [hbm4b:s14+s2], $0x80, $0x38;
	[tilespmem:$0x1E600] =	vst v63  }
0x62: {  	_ =	swait.ge [sflag:s3], $0x80  }
0x63: {  	[sflag:s3] =	ssyncset.done $0x0  }
0x64: {  	[sflag:s3] =	ssyncadd.s32 $0xFFFFFF80  }
0x65: {  	_ =	swait.ge [sflag:s3], $0x80  }
0x66: {  	[sflag:s3] =	ssyncset.done $0x0  }
0x67: {  	s16 =	simm.s32 $0x400;
	[sflag:s3] =	ssyncadd.s32 $0xFFFFFF80  }
0x68: {  	[tilespmem:s16], [sflag:$0x1] =	stream.indirect.gather [hbm4b:s4+s31], $0x80, s2, s31, $0xb8;
	[tilespmem:$0x1E600] =	vst v63  }
0x69: {  	_ =	swait.ge [sflag:s3], $0x80  }
0x6a: {  	[sflag:s3] =	ssyncset.done $0x0  }
0x6b: {  	[sflag:s3] =	ssyncadd.s32 $0xFFFFFF80  }
0x6c: {  	_ =	swait.ge [sflag:s3], $0x80  }
0x6d: {  	[sflag:s3] =	ssyncset.done $0x0  }
0x6e: {  	[sflag:s3] =	ssyncadd.s32 $0xFFFFFF80  }
0x6f: {  	[tilespmem:s0], [sflag:$0x1] =	stream.indirect.gather [hbm4b:s4+s31], $0x80, s31, s31, $0xb8;
	[tilespmem:$0x1E600] =	vst v63  }
0x70: {  	s18 =	simm.s32 $0x180;
	s17 =	rddreg [dreg:$0xf]  }
0x71: {  	[tilespmem:s18], [sflag:$0x3] =	stream.linear.gather [hbm4b:s17+s2], $0x80, $0x38;
	[tilespmem:$0x1E600] =	vst v63  }
0x72: {  	s20 =	simm.s32 $0x1;
	s19 =	rddreg [dreg:$0x10]  }
0x73: {  	[tilespmem:s6], [sflag:$0x3] =	stream.linear.gather [hbm4b:s19+s2], $0x80, $0x38;
	[tilespmem:$0x1E600] =	vst v63  }
0x74: {  	_ =	swait.ge [sflag:s20], $0x4000  }
0x75: {  	[sflag:s20] =	ssyncset.done $0x0  }
0x76: {  	[sflag:s20] =	ssyncadd.s32 $0xFFFFC000  }
0x77: {  	[spmem:s1] =	stream.indirect.scatter.add.f32 [tilespmem:s16], [sflag:$0x2], $0x80, s13, s31, $0xb8;
	[tilespmem:$0x1E600] =	vst v63  }
0x78: {  	_ =	swait.ge [sflag:s7], $0x4000  }
0x79: {  	[sflag:s7] =	ssyncset.done $0x0  }
0x7a: {  	[sflag:s7] =	ssyncadd.s32 $0xFFFFC000  }
0x7b: {  	p1 =	por $0x0, $0x0;
	s10 =	simm.s32 $0x600;
	_ =	swait.ge [sflag:s3], $0x80  }
0x7c: {  	s21 =	simm.s32 $0x10000;
	s11 =	simm.s32 $0x30000;
	[sflag:s3] =	ssyncset.done $0x0  }
0x7d: {  	s12 =	sand.u32 $0x600, s16;
	s14 =	simm.s32 $0x20000;
	[sflag:s3] =	ssyncadd.s32 $0xFFFFFF80  }
0x7e: {  	s12 =	sshrl.u32 s12, $0x2;
	s14 =	sand.u32 $0x10000, s14;
	_ =	swait.ge [sflag:s3], $0x80  }
0x7f: {  	s14 =	sshrl.u32 s14, $0x2;
	s17 =	simm.s32 $0x200;
	[sflag:s3] =	ssyncset.done $0x0  }
0x80: {  	s14 =	sor.u32 $0x400, s14;
	s17 =	sand.u32 $0x600, s17;
	[sflag:s3] =	ssyncadd.s32 $0xFFFFFF80  }
0x81: {  	[tilespmem:s14], [sflag:$0x1] =	stream.indirect.gather [hbm4b:s4+s31], $0x80, s12, s31, $0xb8;
	[tilespmem:$0x1E600] =	vst v63  }
0x82: {  	s15 =	sand.u32 @!p1 $0x180, s13;
	s17 =	sshrl.u32 s17, $0x2;
	s16 =	simm.s32 @!p1 $0x0  }
0x83: {  	[tilespmem:s15], [sflag:$0x3] =	stream.linear.gather @!p1 [hbm4b:s25+s16], $0x80, $0x38;
	[tilespmem:$0x1E600] =	vst v63  }
0x84: {  	s17 =	sor.u32 $0x200, s17;
	s13 =	sadd.s32 $0x10, s24;
	s15 =	sor.u32 @!p1 $0x200, s15  }
0x85: {  	[tilespmem:s15], [sflag:$0x3] =	stream.linear.gather @!p1 [hbm4b:s24+s16], $0x80, $0x38;
	[tilespmem:$0x1E600] =	vst v63  }
0x86: {  	s12 =	simm.s32 $0x2;
	s16 =	sand.u32 $0x10000, s21;
	_ =	swait.ge [sflag:s8], $0x4000  }
0x87: {  	s14 =	sadd.s32 $0x10, s25;
	s16 =	sshrl.u32 s16, $0x2;
	[sflag:s8] =	ssyncset.done $0x0  }
0x88: {  	s15 =	simm.s32 $0x280;
	s16 =	sor.u32 $0x400, s16;
	[sflag:s8] =	ssyncadd.s32 $0xFFFFC000  }
.LBB2_4:
0x89: {  	[spmem:s1] =	stream.indirect.scatter.add.f32 [tilespmem:s16], [sflag:$0x2], $0x80, s17, s31, $0xb8;
	[tilespmem:$0x1E600] =	vst v63  }
0x8a: {  	s16 =	smov.u32 s10;
	s10 =	sadd.s32 $0x200, s10;
	s17 =	smov.u32 s11  }
0x8b: {  	s18 =	smov.u32 s12;
	p1 =	sne.s32 s10, $0xA000;
	_ =	swait.ge [sflag:s7], $0x4000  }
0x8c: {  	s19 =	smov.u32 s13;
	s20 =	smov.u32 s14;
	[sflag:s7] =	ssyncset.done $0x0  }
0x8d: {  	[sflag:s7] =	ssyncadd.s32 $0xFFFFC000  }
0x8e: {  	s11 =	sadd.s32 $0x10000, s11;
	_ =	swait.ge [sflag:s3], $0x80  }
0x8f: {  	s12 =	sadd.s32 $0x1, s12;
	s13 =	sadd.s32 $0x10, s13;
	[sflag:s3] =	ssyncset.done $0x0  }
0x90: {  	s14 =	sadd.s32 $0x10, s14;
	s21 =	sand.u32 $0x10000, s17;
	[sflag:s3] =	ssyncadd.s32 $0xFFFFFF80  }
0x91: {  	p2 =	sgt.u32 s18, $0x4C;
	s17 =	sadd.s32 $0xFFFF0000, s17;
	_ =	swait.ge [sflag:s3], $0x80  }
0x92: {  	s18 =	sshrl.u32 s21, $0x2;
	s21 =	sand.u32 $0x600, s16;
	[sflag:s3] =	ssyncset.done $0x0  }
0x93: {  	s18 =	sor.u32 $0x400, s18;
	s21 =	sshrl.u32 s21, $0x2;
	[sflag:s3] =	ssyncadd.s32 $0xFFFFFF80  }
0x94: {  	[tilespmem:s18], [sflag:$0x1] =	stream.indirect.gather [hbm4b:s4+s31], $0x80, s21, s31, $0xb8;
	[tilespmem:$0x1E600] =	vst v63  }
0x95: {  	s18 =	sand.u32 @!p2 $0x180, s15;
	s21 =	simm.s32 @!p2 $0x0;
	s15 =	sadd.s32 $0x80, s15  }
0x96: {  	[tilespmem:s18], [sflag:$0x3] =	stream.linear.gather @!p2 [hbm4b:s20+s21], $0x80, $0x38;
	[tilespmem:$0x1E600] =	vst v63  }
.Ltmp1:
0x97: {  	s16 =	sadd.s32 $0xFFFFFE00, s16;
	s18 =	sor.u32 @!p2 $0x200, s18;
	(pc) =	sbr.rel @p1 .LBB2_4-.Ltmp1, $4  }
0x98: {  	[tilespmem:s18], [sflag:$0x3] =	stream.linear.gather @!p2 [hbm4b:s19+s21], $0x80, $0x38;
	[tilespmem:$0x1E600] =	vst v63  }
0x99: {  	s17 =	sand.u32 $0x10000, s17;
	s16 =	sand.u32 $0x600, s16;
	_ =	swait.ge [sflag:s8], $0x4000  }
0x9a: {  	s17 =	sshrl.u32 s17, $0x2;
	s18 =	sshrl.u32 s16, $0x2;
	[sflag:s8] =	ssyncset.done $0x0  }
0x9b: {  	s16 =	sor.u32 $0x400, s17;
	s17 =	sor.u32 $0x200, s18;
	[sflag:s8] =	ssyncadd.s32 $0xFFFFC000  }
0x9c: {  	[spmem:s1] =	stream.indirect.scatter.add.f32 [tilespmem:s16], [sflag:$0x2], $0x80, s17, s31, $0xb8;
	[tilespmem:$0x1E600] =	vst v63  }
0x9d: {  	_ =	swait.ge [sflag:s7], $0x4000  }
0x9e: {  	[sflag:s7] =	ssyncset.done $0x0  }
0x9f: {  	[sflag:s7] =	ssyncadd.s32 $0xFFFFC000  }
0xa0: {  	_ =	swait.ge [sflag:s8], $0x4000  }
0xa1: {  	[sflag:s8] =	ssyncset.done $0x0  }
0xa2: {  	[sflag:s8] =	ssyncadd.s32 $0xFFFFC000  }
0xa3: {  	[spmem:s1] =	stream.indirect.scatter.add.f32 [tilespmem:s0], [sflag:$0x2], $0x80, s6, s31, $0xb8;
	[tilespmem:$0x1E600] =	vst v63  }
0xa4: {  	_ =	swait.ge [sflag:s7], $0x4000  }
0xa5: {  	s10 =	stileid.u32;
	[sflag:s7] =	ssyncset.done $0x0  }
0xa6: {  	s10 =	sshll.u32 s10, $0x6;
	[sflag:s7] =	ssyncadd.s32 $0xFFFFC000  }
0xa7: {  	s11 =	sshrl.u32 s5, $0x3;
	s10 =	sor.u32 $0x1C04, s10;
	[bflag:$0x0] =	sbarrier.arrive $0xFFFF  }
0xa8: {  	[hbm:s22], [sflag:s10] =	dma.local [spmem:s11], $0x2800  }
0xa9: {  	_ =	swait.ge [sflag:s30], $0x2800  }
0xaa: {  	s9 =	sadd.s32 $0x1, s9;
	s21 =	rddreg [dreg:$0xa]  }
0xab: {  	p1 =	sne.s32 s9, s21  }
.Ltmp2:
0xac: {  	_ = 	snop;
	(pc) =	sbr.rel @p1 .LBB2_1-.Ltmp2, $3  }
0xad: {  	_ =	sdelay $0x1  }
0xae: {  	[sflag:s30] =	ssyncset.done $0x0  }
0xaf: {  	[sflag:s30] =	ssyncadd.s32 $0xFFFFD800  }
0xb0: {  	_ =	sfence.sel $0x180000  }
0xb1: {  	[bflag:$0x0] =	sbarrier.arrive $0xFFFF  }
0xb2: {  	_ =	strace $0x9000004D  }
0xb3: {  	[bflag:$0x2] =	sbarrier.arrive $0xFFFF  }
0xb4: {  	s0 =	rddreg [dreg:$0x2]  }
0xb5: {  	s0 =	sadd.s32 @!p0 $0x100000, s0  }
0xb6: {  	[sflag:s0] =	ssyncadd.tile.s32 @!p0 $0x1;
	_ =	shalt  }
.Lfunc_end2:
_tile_overlayer_lowered:
.L_overlay_start_2:
0xb7: {  	(tag) =	ssettag $0x2  }
0xb8: {  	s0 =	rddreg [dreg:$0x0];
	s2 =	stileid.u32  }
0xb9: {  	s1 =	rddreg [dreg:$0x1];
	p0 =	sne.s32 s2, $0x0  }
0xba: {  	s3 =	rddreg [dreg:$0x2];
	[bflag:$0x3] =	sbarrier.arrive $0xFFFF;
	s2 =	simm.s32 @!p0 $0x1C04  }
0xbb: {  	[timem:s3], [sflag:s2] =	dma.local @!p0 [hbm:s0], s1  }
0xbc: {  	s0 =	simm.s32 @!p0 $0x4  }
0xbd: {  	_ =	swait.ge @!p0 [sflag:s0], s1  }
0xbe: {  	s1 =	ssub.s32 @!p0 $0x0, s1;
	[sflag:s0] =	ssyncset.done @!p0 $0x0  }
0xbf: {  	[sflag:s0] =	ssyncadd.s32 @!p0 s1  }
0xc0: {  	[bflag:$0x3] =	sbarrier.arrive $0xFFFF  }
0xc1: {  	_ =	shalt  }

// kernel: kernel.20.cloned.1.call-start
scs
__scs_entry_jumppad:
0x0: {  	(pc) =	sbr.rel $0x88, $3  }
0x1: {  	(tag) =	ssettag $0x0;
	lr =	simm.s32 $0x1  }
0x2: {  	[smem:$0x3F95] =	sst lr;
	_ =	strace $0xD0000000  }
0x3: {  	_ = 	snop  }
0x4: {  	_ = 	snop  }
0x5: {  	_ = 	snop  }
0x6: {  	_ = 	snop  }
0x7: {  	_ = 	snop  }
__scs_overlays_trampoline_lowered:
0x8: {  	[smem:$0x3FA4] =	sst s0  }
0x9: {  	[smem:$0x3FA5] =	sst s1  }
0xa: {  	[smem:$0x3FA6] =	sst s2  }
0xb: {  	[smem:$0x3FA7] =	sst s3  }
0xc: {  	[smem:$0x3FA8] =	sst s4  }
0xd: {  	[smem:$0x3FA9] =	sst s5  }
0xe: {  	[smem:$0x3FAA] =	sst s6  }
0xf: {  	[smem:$0x3FAB] =	sst s7  }
0x10: {  	[smem:$0x3FAC] =	sst s8  }
0x11: {  	[smem:$0x3FAD] =	sst s9;
	s0 =	simm.s32 @!p0 $0x0  }
0x12: {  	s1 =	sld [smem:$0x3F93];
	s0 =	simm.s32 @p0 $0x1  }
0x13: {  	[smem:$0x3FAE] =	sst s0;
	s0 =	simm.s32 @!p1 $0x0  }
0x14: {  	s2 =	sld [smem:$0x3F92];
	s0 =	simm.s32 @p1 $0x1  }
0x15: {  	[smem:$0x3FAF] =	sst s0;
	s0 =	simm.s32 @!p2 $0x0  }
0x16: {  	s3 =	sld [smem:$0x3FDB];
	s0 =	simm.s32 @p2 $0x1  }
0x17: {  	s4 =	simm.s32 $0x1BF5;
	[smem:$0x3FB1] =	sst s0  }
0x18: {  	s0 =	sld [smem:$0x3F94];
	_ =	swait.ge [sflag:s4], $0x0  }
0x19: {  	s7 =	sld [smem:$0x3F95]  }
0x1a: {  	s8 =	sadd.s32 $0xFFFFE003, lr  }
0x1b: {  	s9 =	sadd.s32 $0xFFFFFEF7, lr;
	s5 =	simm.s32 $0xFFFFFFFF;
	p2 =	slt.u32 s8, $0xFFFFF086  }
0x1c: {  	p1 =	slt.u32 s9, $0xF7A;
	s5 =	simm.s32 @!p2 $0x0  }
0x1d: {  	s5 =	simm.s32 @p1 $0x1;
	p0 =	seq.s32 s7, s2  }
0x1e: {  	s7 =	smul.u32 @!p0 $0xF7A, s2;
	p2 =	seq.s32 @!p0 s5, $0x0  }
0x1f: {  	s9 =	smul.u32 $0xF7A, s1;
	s8 =	simm.s32 @!p0 $0x1BF5;
	p2 =	por !p2, p0  }
0x20: {  	[sflag:s8] =	ssyncset.s32 @!p0 $0xFFFFF086;
	s6 =	sadd.s32 @!p0 s3, s7;
	s7 =	simm.s32 @!p0 $0x108  }
0x21: {  	s3 =	sadd.s32 s3, s9;
	s6 =	sadd.s32 @!p0 $0x88, s6;
	s7 =	simm.s32 @p2 $0x1082  }
0x22: {  	[simem:s7], [sflag:s8] =	dma.local @!p0 [hbm:s6], $0xF7A  }
0x23: {  	s9 =	sor.u32 $0xD0000000, s2;
	s6 =	simm.s32 $0x108;
	_ =	swait.ge @!p0 [sflag:s8], $0x0  }
0x24: {  	s3 =	sadd.s32 $0x88, s3;
	s6 =	simm.s32 @!p1 $0x1082;
	[sflag:s4] =	ssyncset.s32 $0xFFFFF086  }
0x25: {  	[simem:s6], [sflag:s4] =	dma.local [hbm:s3], $0xF7A  }
0x26: {  	[smem:$0x3F95] =	sst s1;
	(tag) =	ssettag s2;
	_ =	strace s9  }
0x27: {  	s1 =	sld [smem:$0x3FA5]  }
0x28: {  	s2 =	sld [smem:$0x3FA6]  }
0x29: {  	s4 =	sld [smem:$0x3FA8]  }
0x2a: {  	p0 =	seq.s32 s5, $0x0;
	s5 =	sld [smem:$0x3FA9]  }
0x2b: {  	s6 =	sld [smem:$0x3FAA]  }
0x2c: {  	s7 =	sld [smem:$0x3FAB]  }
0x2d: {  	s3 =	simm.s32 $0x108;
	s8 =	sld [smem:$0x3FAC]  }
0x2e: {  	s3 =	simm.s32 @!p0 $0x1082;
	s9 =	sld [smem:$0x3FAD]  }
0x2f: {  	lr =	sadd.s32 s0, s3;
	s0 =	sld [smem:$0x3FA4]  }
0x30: {  	s3 =	sld [smem:$0x3FA7]  }
0x31: {  	[smem:$0x3FB0] =	sst s10  }
0x32: {  	s10 =	sld [smem:$0x3FAE];
	_ =	sdelay $0x3  }
0x33: {  	p0 =	seq.s32 s10, $0x1;
	s10 =	sld [smem:$0x3FB0];
	_ =	sdelay $0x3  }
0x34: {  	[smem:$0x3FB0] =	sst s10  }
0x35: {  	s10 =	sld [smem:$0x3FAF];
	_ =	sdelay $0x3  }
0x36: {  	p1 =	seq.s32 s10, $0x1;
	s10 =	sld [smem:$0x3FB0];
	_ =	sdelay $0x3  }
0x37: {  	[smem:$0x3FB0] =	sst s10  }
0x38: {  	s10 =	sld [smem:$0x3FB1]  }
0x39: {  	_ = 	snop;
	(pc) =	sbr.ind lr, $3  }
0x3a: {  	_ = 	snop  }
0x3b: {  	_ = 	snop  }
0x3c: {  	p2 =	seq.s32 s10, $0x1;
	s10 =	sld [smem:$0x3FB0]  }
0x3d: {  	_ =	shalt  }
0x3e: {  	_ =	shalt  }
0x3f: {  	_ =	shalt  }
0x40: {  	_ =	shalt  }
0x41: {  	_ =	shalt  }
0x42: {  	_ =	shalt  }
0x43: {  	_ =	shalt  }
0x44: {  	_ =	shalt  }
0x45: {  	_ =	shalt  }
0x46: {  	_ =	shalt  }
0x47: {  	_ =	shalt  }
0x48: {  	_ =	shalt  }
0x49: {  	_ =	shalt  }
0x4a: {  	_ =	shalt  }
0x4b: {  	_ =	shalt  }
0x4c: {  	_ =	shalt  }
0x4d: {  	_ =	shalt  }
0x4e: {  	_ =	shalt  }
0x4f: {  	_ =	shalt  }
0x50: {  	_ =	shalt  }
0x51: {  	_ =	shalt  }
0x52: {  	_ =	shalt  }
0x53: {  	_ =	shalt  }
0x54: {  	_ =	shalt  }
0x55: {  	_ =	shalt  }
0x56: {  	_ =	shalt  }
0x57: {  	_ =	shalt  }
0x58: {  	_ =	shalt  }
0x59: {  	_ =	shalt  }
0x5a: {  	_ =	shalt  }
0x5b: {  	_ =	shalt  }
0x5c: {  	_ =	shalt  }
0x5d: {  	_ =	shalt  }
0x5e: {  	_ =	shalt  }
0x5f: {  	_ =	shalt  }
0x60: {  	_ =	shalt  }
0x61: {  	_ =	shalt  }
0x62: {  	_ =	shalt  }
0x63: {  	_ =	shalt  }
0x64: {  	_ =	shalt  }
0x65: {  	_ =	shalt  }
0x66: {  	_ =	shalt  }
0x67: {  	_ =	shalt  }
0x68: {  	_ =	shalt  }
0x69: {  	_ =	shalt  }
0x6a: {  	_ =	shalt  }
0x6b: {  	_ =	shalt  }
0x6c: {  	_ =	shalt  }
0x6d: {  	_ =	shalt  }
0x6e: {  	_ =	shalt  }
0x6f: {  	_ =	shalt  }
0x70: {  	_ =	shalt  }
0x71: {  	_ =	shalt  }
0x72: {  	_ =	shalt  }
0x73: {  	_ =	shalt  }
0x74: {  	_ =	shalt  }
0x75: {  	_ =	shalt  }
0x76: {  	_ =	shalt  }
0x77: {  	_ =	shalt  }
0x78: {  	_ =	shalt  }
0x79: {  	_ =	shalt  }
0x7a: {  	_ =	shalt  }
0x7b: {  	_ =	shalt  }
0x7c: {  	_ =	shalt  }
0x7d: {  	_ =	shalt  }
0x7e: {  	_ =	shalt  }
0x7f: {  	_ =	shalt  }
0x80: {  	_ =	shalt  }
0x81: {  	_ =	shalt  }
0x82: {  	_ =	shalt  }
0x83: {  	_ =	shalt  }
0x84: {  	_ =	shalt  }
0x85: {  	_ =	shalt  }
0x86: {  	_ =	shalt  }
0x87: {  	_ =	shalt  }
.Lfunc_end0:
.L_simem_size_0:
called_computation.3_lowered:
.L_overlay_start_0:
0x88: {  	s2 =	sld [smem:$0x3FD9]  }
0x89: {  	s3 =	sld [smem:$0x3FFE];
	_ =	sdelay $0x1  }
0x8a: {  	s1 =	srdreg.scid  }
0x8b: {  	s0 =	sand.u32 $0x1, s1  }
0x8c: {  	s16 =	sshll.u32 s0, $0xA;
	s2 =	sadd.s32 s3, s2  }
0x8d: {  	s2 =	sadd.s32 s2, s16  }
0x8e: {  	[smem:$0x3FBC] =	sst s2  }
0x8f: {  	_ = 	snop  }
0x90: {  	(tm) =	ssettm $0x1  }
0x91: {  	s17 =	sld [smem:$0x3FFB];
	_ =	sdelay $0x3  }
0x92: {  	_ =	strace s17  }
0x93: {  	s2 =	sld [smem:$0x3FFC];
	_ =	sdelay $0x3  }
0x94: {  	_ =	strace s2  }
0x95: {  	s2 =	sld [smem:$0x3FFD];
	_ =	sdelay $0x3  }
0x96: {  	_ =	strace s2  }
0x97: {  	_ =	strace $0x8FFFFFFF  }
0x98: {  	s18 =	sld [smem:$0x3FDB];
	_ =	sdelay $0x1  }
0x99: {  	s19 =	simm.s32 $_scs_section_size  }
0x9a: {  	s4 =	simm.s32 $_size__tile_overlayer_lowered;
	s5 =	simm.s32 $_tile_overlayer_lowered  }
0x9b: {  	s22 =	simm.s32 $0x1BFF;
	s21 =	sshll.u32 s5, $0x1;
	s2 =	sadd.s32 s19, s18  }
0x9c: {  	s6 =	simm.s32 $0x0;
	s20 =	sshll.u32 s4, $0x1;
	s4 =	sadd.s32 s21, s2  }
0x9d: {  	[timem:s6], [sflag:s22] =	dma.local [hbm:s4], s20  }
0x9e: {  	_ =	swait.ge [sflag:s22], s20  }
0x9f: {  	s3 =	ssub.s32 $0x0, s20;
	[sflag:s22] =	ssyncset.done $0x0  }
0xa0: {  	[sflag:s22] =	ssyncadd.s32 s3;
	_ =	sdelay $0x1  }
0xa1: {  	s23 =	simm.s32 $0x1B8B  }
0xa2: {  	_ =	swait.ge [sflag:s23], $0x1  }
0xa3: {  	[sflag:s23] =	ssyncset.done $0x0  }
0xa4: {  	s25 =	simm.s32 $0x1B8E;
	s24 =	sld [smem:$0x3FFE];
	[sflag:s23] =	ssyncadd.s32 $0xFFFFFFFF  }
0xa5: {  	s26 =	simm.s32 $execute0_lowered;
	[smem:$0x3FD2] =	sst s25  }
0xa6: {  	s4 =	sshll.u32 s26, $0x1;
	_ =	strace $0x8000004F;
	[dreg:$0x1] =	wrdreg $0xFFFFFFFF  }
0xa7: {  	s28 =	simm.s32 $_size_execute0_lowered;
	s2 =	sadd.s32 s2, s4;
	[dreg:$0x0] =	wrdreg $0x0  }
0xa8: {  	s4 =	sshll.u32 s28, $0x1;
	[dreg:$0x2] =	wrdreg s2  }
0xa9: {  	[dreg:$0x3] =	wrdreg s4  }
0xaa: {  	[dreg:$0x4] =	wrdreg $0xC0  }
0xab: {  	_ =	task [dreg:s6], $0x5FFFF  }
0xac: {  	[dreg:$0x1] =	wrdreg $0xFFFFFFFF  }
0xad: {  	[dreg:$0x0] =	wrdreg $0x60  }
0xae: {  	[dreg:$0x2] =	wrdreg s24  }
0xaf: {  	[dreg:$0x3] =	wrdreg $0xA4000  }
0xb0: {  	[dreg:$0x4] =	wrdreg $0x9  }
0xb1: {  	_ =	task.clear_ibuf [dreg:s6], $0x5FFFF;
	_ =	strace $0x9000004F  }
0xb2: {  	s29 =	simm.s32 $0x9;
	_ =	strace $0x80000051  }
0xb3: {  	_ =	swait.ge [sflag:s29], $0x1  }
0xb4: {  	[sflag:s29] =	ssyncadd.s32 $0xFFFFFFFF  }
0xb5: {  	_ =	strace $0x90000051  }
0xb6: {  	_ =	sfence  }
0xb7: {  	s30 =	sld [smem:$0x0];
	_ =	sdelay $0x2  }
0xb8: {  	s31 =	sshll.u32 s1, $0xD;
	s1 =	sshrl.u32 s1, $0x2  }
0xb9: {  	s3 =	sand.u32 $0x4000, s31;
	s1 =	sadd.s32 s1, s30  }
0xba: {  	s0 =	sor.u32 s3, s0;
	s1 =	sshll.u32 s1, $0x11  }
0xbb: {  	s0 =	sor.u32 s1, s0  }
0xbc: {  	s0 =	sadd.s32 $0x8F2B, s0  }
0xbd: {  	[sflag:s0] =	ssyncadd.remote.s32 $0x1  }
0xbe: {  	_ =	sfence.sel $0xFFFF  }
0xbf: {  	[dreg:$0x0] =	wrdreg $0xFFFFFFFF;
	(pc) =	sbr.abs _section_cstart, $3  }
0xc0: {  	[dreg:$0x1] =	wrdreg $0xFFFFFFFF  }
0xc1: {  	_ =	task.clear_ibuf [dreg:s6], $0x2FFFF;
	_ =	strace $0x9FFFFFFF  }
0xc2: {  	(tm) =	ssettm $0x7FFFFFFF  }
0xc3: {  	_ =	shalt  }
tec
execute0_lowered:
.L_overlay_start_1:
0x0: {  	(tag) =	ssettag $0x1  }
0x1: {  	s0 =	rddreg [dreg:$0x0]  }
0x2: {  	s1 =	rddreg [dreg:$0x1];
	s3 =	srdreg.scid;
	s2 =	simm.s32 $0x0  }
0x3: {  	s12 =	stileid.u32;
	s29 =	simm.s32 $0x8400;
	s30 =	simm.s32 $0x4  }
0x4: {  	s31 =	simm.s32 $0x80;
	s3 =	sand.u32 $0x1, s3;
	s8 =	smul.u32 $0x50, s12  }
0x5: {  	[smem:$0x7FF] =	sst s2;
	s4 =	sadd.s32 $0x7B600, s0;
	s11 =	smul.u32 $0x50000, s12  }
0x6: {  	s7 =	sadd.s32 $0x71600, s0;
	s9 =	sadd.s32 $0x17200, s0;
	s17 =	smul.u32 $0x2800, s12  }
0x7: {  	s24 =	sadd.s32 $0x140000, s1;
	p0 =	sne.s32 s12, $0x0;
	s5 =	smul.u32 $0x28000, s3  }
0x8: {  	_ =	strace $0x80000050;
	s6 =	smul.u32 $0x500, s3;
	s10 =	ssub.s32 $0x2, s3  }
0x9: {  	[dreg:$0x3] =	wrdreg s24;
	s3 =	smul.u32 $0x5000, s3;
	s21 =	sshrl.u32 s10, $0x1  }
0xa: {  	s23 =	sshrl.u32 s11, $0x2;
	s0 =	sadd.s32 s5, s0;
	s22 =	ssub.s32 s10, s21  }
0xb: {  	s6 =	sadd.s32 s8, s6;
	s5 =	sadd.s32 s23, s1;
	s8 =	smax.u32 s22, $0x1  }
0xc: {  	s23 =	smul.u32 $0x500, s12;
	s18 =	sadd.s32 $0x2000, s5;
	[dreg:$0xa] =	wrdreg s8  }
0xd: {  	s24 =	sadd.s32 s3, s9;
	s19 =	sadd.s32 $0x4000, s5;
	[dreg:$0xb] =	wrdreg s18  }
0xe: {  	s3 =	sadd.s32 s3, s7;
	s20 =	sadd.s32 $0x6000, s5;
	[dreg:$0xc] =	wrdreg s19  }
0xf: {  	s6 =	sshll.u32 s6, $0x4;
	s21 =	sadd.s32 $0x8000, s5;
	[dreg:$0xd] =	wrdreg s20  }
0x10: {  	s0 =	sadd.s32 $0x21200, s0;
	s25 =	sadd.s32 s7, s6;
	[dreg:$0xe] =	wrdreg s21  }
0x11: {  	s26 =	sadd.s32 s9, s6;
	s11 =	sor.u32 $0x10, s6;
	[dreg:$0x4] =	wrdreg s25  }
0x12: {  	s28 =	sadd.s32 $0x12000, s5;
	[dreg:$0x5] =	wrdreg s26;
	s13 =	sadd.s32 s7, s11  }
0x13: {  	s14 =	sor.u32 $0x20, s6;
	s10 =	sadd.s32 s9, s11;
	[dreg:$0x6] =	wrdreg s13  }
0x14: {  	s6 =	sor.u32 $0x30, s6;
	s15 =	sadd.s32 s7, s14;
	[dreg:$0x7] =	wrdreg s10  }
0x15: {  	s3 =	sadd.s32 s23, s3;
	s16 =	sadd.s32 s9, s14;
	[dreg:$0x8] =	wrdreg s15  }
0x16: {  	s8 =	simm.s32 $0x1;
	s22 =	sadd.s32 s7, s6;
	[dreg:$0x9] =	wrdreg s16  }
0x17: {  	s6 =	sadd.s32 s9, s6;
	s25 =	sadd.s32 $0xA000, s5;
	[dreg:$0xf] =	wrdreg s22  }
0x18: {  	s26 =	sadd.s32 $0xC000, s5;
	s7 =	simm.s32 $0x2;
	[dreg:$0x10] =	wrdreg s6  }
0x19: {  	s9 =	simm.s32 $0x0;
	[dreg:$0x11] =	wrdreg s25;
	s6 =	sadd.s32 s23, s24  }
0x1a: {  	[dreg:$0x12] =	wrdreg s26;
	s22 =	sadd.s32 s17, s0;
	s23 =	sadd.s32 $0xE000, s5  }
0x1b: {  	s25 =	sadd.s32 $0x40, s3;
	s26 =	sadd.s32 $0x10000, s5;
	s3 =	simm.s32 $0x3  }
0x1c: {  	v0 =	vimm.f32 $0.0e+00;
	s0 =	simm.s32 $0x4400;
	s24 =	sadd.s32 $0x40, s6;
	s6 =	simm.s32 $0x380  }
.LBB2_1:
0x1d: {  	s10 =	sand.u32 $0x7E00, s2  }
0x1e: {  	s11 =	sand.u32 $0x70, s2;
	s12 =	sshrl.u32 s10, $0x2  }
0x1f: {  	s10 =	simm.s32 $0x40;
	s12 =	sor.u32 s11, s12;
	s11 =	simm.s32 $0x0  }
.LBB2_2:
0x20: {  	p1 =	sne.s32 s10, $0x7FC0  }
0x21: {  	[tilespmem:s12+$0x8400] =	vst v0;
	s11 =	sadd.s32 $0x10, s11;
	s12 =	smov.u32 s10;
	s10 =	sadd.s32 $0x40, s10  }
.Ltmp0:
0x22: {  	(pc) =	sbr.rel @p1 .LBB2_2-.Ltmp0, $4  }
0x23: {  	_ = 	snop  }
0x24: {  	s12 =	sand.u32 $0x7E00, s12  }
0x25: {  	s13 =	sand.u32 $0x70, s11;
	s12 =	sshrl.u32 s12, $0x2  }
0x26: {  	s12 =	sor.u32 s13, s12  }
0x27: {  	[tilespmem:s12+$0x8400] =	vst v0  }
0x28: {  	[spmem:s5] =	stream.linear.scatter [tilespmem:s29], [sflag:$0x4], $0x2000, $0x38;
	[tilespmem:$0x1E600] =	vst v63  }
0x29: {  	_ =	swait.ge [sflag:s30], $0x2000  }
0x2a: {  	[sflag:s30] =	ssyncset.done $0x0  }
0x2b: {  	s10 =	rddreg [dreg:$0xb];
	[sflag:s30] =	ssyncadd.s32 $0xFFFFE000  }
0x2c: {  	[spmem:s10] =	stream.linear.scatter [tilespmem:s29], [sflag:$0x4], $0x2000, $0x38;
	[tilespmem:$0x1E600] =	vst v63  }
0x2d: {  	_ =	swait.ge [sflag:s30], $0x2000  }
0x2e: {  	[sflag:s30] =	ssyncset.done $0x0  }
0x2f: {  	s12 =	rddreg [dreg:$0xc];
	[sflag:s30] =	ssyncadd.s32 $0xFFFFE000  }
0x30: {  	[spmem:s12] =	stream.linear.scatter [tilespmem:s29], [sflag:$0x4], $0x2000, $0x38;
	[tilespmem:$0x1E600] =	vst v63  }
0x31: {  	_ =	swait.ge [sflag:s30], $0x2000  }
0x32: {  	[sflag:s30] =	ssyncset.done $0x0  }
0x33: {  	s13 =	rddreg [dreg:$0xd];
	[sflag:s30] =	ssyncadd.s32 $0xFFFFE000  }
0x34: {  	[spmem:s13] =	stream.linear.scatter [tilespmem:s29], [sflag:$0x4], $0x2000, $0x38;
	[tilespmem:$0x1E600] =	vst v63  }
0x35: {  	_ =	swait.ge [sflag:s30], $0x2000  }
0x36: {  	[sflag:s30] =	ssyncset.done $0x0  }
0x37: {  	s14 =	rddreg [dreg:$0xe];
	[sflag:s30] =	ssyncadd.s32 $0xFFFFE000  }
0x38: {  	[spmem:s14] =	stream.linear.scatter [tilespmem:s29], [sflag:$0x4], $0x2000, $0x38;
	[tilespmem:$0x1E600] =	vst v63  }
0x39: {  	_ =	swait.ge [sflag:s30], $0x2000  }
0x3a: {  	[sflag:s30] =	ssyncset.done $0x0  }
0x3b: {  	s15 =	rddreg [dreg:$0x11];
	[sflag:s30] =	ssyncadd.s32 $0xFFFFE000  }
0x3c: {  	[spmem:s15] =	stream.linear.scatter [tilespmem:s29], [sflag:$0x4], $0x2000, $0x38;
	[tilespmem:$0x1E600] =	vst v63  }
0x3d: {  	_ =	swait.ge [sflag:s30], $0x2000  }
0x3e: {  	[sflag:s30] =	ssyncset.done $0x0  }
0x3f: {  	s16 =	rddreg [dreg:$0x12];
	[sflag:s30] =	ssyncadd.s32 $0xFFFFE000  }
0x40: {  	[spmem:s16] =	stream.linear.scatter [tilespmem:s29], [sflag:$0x4], $0x2000, $0x38;
	[tilespmem:$0x1E600] =	vst v63  }
0x41: {  	_ =	swait.ge [sflag:s30], $0x2000  }
0x42: {  	[sflag:s30] =	ssyncset.done $0x0  }
0x43: {  	[sflag:s30] =	ssyncadd.s32 $0xFFFFE000  }
0x44: {  	[spmem:s23] =	stream.linear.scatter [tilespmem:s29], [sflag:$0x4], $0x2000, $0x38;
	[tilespmem:$0x1E600] =	vst v63  }
0x45: {  	_ =	swait.ge [sflag:s30], $0x2000  }
0x46: {  	[sflag:s30] =	ssyncset.done $0x0  }
0x47: {  	[sflag:s30] =	ssyncadd.s32 $0xFFFFE000  }
0x48: {  	[spmem:s26] =	stream.linear.scatter [tilespmem:s29], [sflag:$0x4], $0x2000, $0x38;
	[tilespmem:$0x1E600] =	vst v63  }
0x49: {  	_ =	swait.ge [sflag:s30], $0x2000  }
0x4a: {  	[sflag:s30] =	ssyncset.done $0x0  }
0x4b: {  	[sflag:s30] =	ssyncadd.s32 $0xFFFFE000  }
0x4c: {  	[spmem:s28] =	stream.linear.scatter [tilespmem:s29], [sflag:$0x4], $0x2000, $0x38;
	[tilespmem:$0x1E600] =	vst v63  }
0x4d: {  	_ =	swait.ge [sflag:s30], $0x2000  }
0x4e: {  	[sflag:s30] =	ssyncset.done $0x0  }
0x4f: {  	s10 =	simm.s32 @!p0 $0x8400;
	s11 =	rddreg [dreg:$0x3];
	[sflag:s30] =	ssyncadd.s32 $0xFFFFE000  }
0x50: {  	[spmem:s11] =	stream.linear.scatter @!p0 [tilespmem:s10], [sflag:$0x4], $0x2000, $0x38;
	[tilespmem:$0x1E600] =	vst v63  }
0x51: {  	s10 =	simm.s32 @!p0 $0x4  }
0x52: {  	_ =	swait.ge @!p0 [sflag:s10], $0x2000  }
0x53: {  	[sflag:s10] =	ssyncset.done @!p0 $0x0  }
0x54: {  	[sflag:s10] =	ssyncadd.s32 @!p0 $0xFFFFE000  }
0x55: {  	[bflag:$0x0] =	sbarrier.arrive $0xFFFF  }
0x56: {  	s17 =	rddreg [dreg:$0x4]  }
0x57: {  	[tilespmem:s2], [sflag:$0x3] =	stream.linear.gather [hbm4b:s17+s2], $0x80, $0x38;
	[tilespmem:$0x1E600] =	vst v63  }
0x58: {  	s13 =	simm.s32 $0x200;
	s18 =	rddreg [dreg:$0x5]  }
0x59: {  	[tilespmem:s13], [sflag:$0x3] =	stream.linear.gather [hbm4b:s18+s2], $0x80, $0x38;
	[tilespmem:$0x1E600] =	vst v63  }
0x5a: {  	s19 =	rddreg [dreg:$0x6]  }
0x5b: {  	[tilespmem:s31], [sflag:$0x3] =	stream.linear.gather [hbm4b:s19+s2], $0x80, $0x38;
	[tilespmem:$0x1E600] =	vst v63  }
0x5c: {  	s21 =	simm.s32 $0x280;
	s20 =	rddreg [dreg:$0x7]  }
0x5d: {  	[tilespmem:s21], [sflag:$0x3] =	stream.linear.gather [hbm4b:s20+s2], $0x80, $0x38;
	[tilespmem:$0x1E600] =	vst v63  }
0x5e: {  	s12 =	simm.s32 $0x100;
	s11 =	rddreg [dreg:$0x8]  }
0x5f: {  	[tilespmem:s12], [sflag:$0x3] =	stream.linear.gather [hbm4b:s11+s2], $0x80, $0x38;
	[tilespmem:$0x1E600] =	vst v63  }
0x60: {  	s15 =	simm.s32 $0x300;
	s14 =	rddreg [dreg:$0x9]  }
0x61: {  	[tilespmem:s15], [sflag:$0x3] =	stream.linear.gather [hbm4b:s14+s2], $0x80, $0x38;
	[tilespmem:$0x1E600] =	vst v63  }
0x62: {  	_ =	swait.ge [sflag:s3], $0x80  }
0x63: {  	[sflag:s3] =	ssyncset.done $0x0  }
0x64: {  	[sflag:s3] =	ssyncadd.s32 $0xFFFFFF80  }
0x65: {  	_ =	swait.ge [sflag:s3], $0x80  }
0x66: {  	[sflag:s3] =	ssyncset.done $0x0  }
0x67: {  	s16 =	simm.s32 $0x400;
	[sflag:s3] =	ssyncadd.s32 $0xFFFFFF80  }
0x68: {  	[tilespmem:s16], [sflag:$0x1] =	stream.indirect.gather [hbm4b:s4+s31], $0x80, s2, s31, $0xb8;
	[tilespmem:$0x1E600] =	vst v63  }
0x69: {  	_ =	swait.ge [sflag:s3], $0x80  }
0x6a: {  	[sflag:s3] =	ssyncset.done $0x0  }
0x6b: {  	[sflag:s3] =	ssyncadd.s32 $0xFFFFFF80  }
0x6c: {  	_ =	swait.ge [sflag:s3], $0x80  }
0x6d: {  	[sflag:s3] =	ssyncset.done $0x0  }
0x6e: {  	[sflag:s3] =	ssyncadd.s32 $0xFFFFFF80  }
0x6f: {  	[tilespmem:s0], [sflag:$0x1] =	stream.indirect.gather [hbm4b:s4+s31], $0x80, s31, s31, $0xb8;
	[tilespmem:$0x1E600] =	vst v63  }
0x70: {  	s18 =	simm.s32 $0x180;
	s17 =	rddreg [dreg:$0xf]  }
0x71: {  	[tilespmem:s18], [sflag:$0x3] =	stream.linear.gather [hbm4b:s17+s2], $0x80, $0x38;
	[tilespmem:$0x1E600] =	vst v63  }
0x72: {  	s20 =	simm.s32 $0x1;
	s19 =	rddreg [dreg:$0x10]  }
0x73: {  	[tilespmem:s6], [sflag:$0x3] =	stream.linear.gather [hbm4b:s19+s2], $0x80, $0x38;
	[tilespmem:$0x1E600] =	vst v63  }
0x74: {  	_ =	swait.ge [sflag:s20], $0x4000  }
0x75: {  	[sflag:s20] =	ssyncset.done $0x0  }
0x76: {  	[sflag:s20] =	ssyncadd.s32 $0xFFFFC000  }
0x77: {  	[spmem:s1] =	stream.indirect.scatter.add.f32 [tilespmem:s16], [sflag:$0x2], $0x80, s13, s31, $0xb8;
	[tilespmem:$0x1E600] =	vst v63  }
0x78: {  	_ =	swait.ge [sflag:s7], $0x4000  }
0x79: {  	[sflag:s7] =	ssyncset.done $0x0  }
0x7a: {  	[sflag:s7] =	ssyncadd.s32 $0xFFFFC000  }
0x7b: {  	p1 =	por $0x0, $0x0;
	s10 =	simm.s32 $0x600;
	_ =	swait.ge [sflag:s3], $0x80  }
0x7c: {  	s21 =	simm.s32 $0x10000;
	s11 =	simm.s32 $0x30000;
	[sflag:s3] =	ssyncset.done $0x0  }
0x7d: {  	s12 =	sand.u32 $0x600, s16;
	s14 =	simm.s32 $0x20000;
	[sflag:s3] =	ssyncadd.s32 $0xFFFFFF80  }
0x7e: {  	s12 =	sshrl.u32 s12, $0x2;
	s14 =	sand.u32 $0x10000, s14;
	_ =	swait.ge [sflag:s3], $0x80  }
0x7f: {  	s14 =	sshrl.u32 s14, $0x2;
	s17 =	simm.s32 $0x200;
	[sflag:s3] =	ssyncset.done $0x0  }
0x80: {  	s14 =	sor.u32 $0x400, s14;
	s17 =	sand.u32 $0x600, s17;
	[sflag:s3] =	ssyncadd.s32 $0xFFFFFF80  }
0x81: {  	[tilespmem:s14], [sflag:$0x1] =	stream.indirect.gather [hbm4b:s4+s31], $0x80, s12, s31, $0xb8;
	[tilespmem:$0x1E600] =	vst v63  }
0x82: {  	s15 =	sand.u32 @!p1 $0x180, s13;
	s17 =	sshrl.u32 s17, $0x2;
	s16 =	simm.s32 @!p1 $0x0  }
0x83: {  	[tilespmem:s15], [sflag:$0x3] =	stream.linear.gather @!p1 [hbm4b:s25+s16], $0x80, $0x38;
	[tilespmem:$0x1E600] =	vst v63  }
0x84: {  	s17 =	sor.u32 $0x200, s17;
	s13 =	sadd.s32 $0x10, s24;
	s15 =	sor.u32 @!p1 $0x200, s15  }
0x85: {  	[tilespmem:s15], [sflag:$0x3] =	stream.linear.gather @!p1 [hbm4b:s24+s16], $0x80, $0x38;
	[tilespmem:$0x1E600] =	vst v63  }
0x86: {  	s12 =	simm.s32 $0x2;
	s16 =	sand.u32 $0x10000, s21;
	_ =	swait.ge [sflag:s8], $0x4000  }
0x87: {  	s14 =	sadd.s32 $0x10, s25;
	s16 =	sshrl.u32 s16, $0x2;
	[sflag:s8] =	ssyncset.done $0x0  }
0x88: {  	s15 =	simm.s32 $0x280;
	s16 =	sor.u32 $0x400, s16;
	[sflag:s8] =	ssyncadd.s32 $0xFFFFC000  }
.LBB2_4:
0x89: {  	[spmem:s1] =	stream.indirect.scatter.add.f32 [tilespmem:s16], [sflag:$0x2], $0x80, s17, s31, $0xb8;
	[tilespmem:$0x1E600] =	vst v63  }
0x8a: {  	s16 =	smov.u32 s10;
	s10 =	sadd.s32 $0x200, s10;
	s17 =	smov.u32 s11  }
0x8b: {  	s18 =	smov.u32 s12;
	p1 =	sne.s32 s10, $0xA000;
	_ =	swait.ge [sflag:s7], $0x4000  }
0x8c: {  	s19 =	smov.u32 s13;
	s20 =	smov.u32 s14;
	[sflag:s7] =	ssyncset.done $0x0  }
0x8d: {  	[sflag:s7] =	ssyncadd.s32 $0xFFFFC000  }
0x8e: {  	s11 =	sadd.s32 $0x10000, s11;
	_ =	swait.ge [sflag:s3], $0x80  }
0x8f: {  	s12 =	sadd.s32 $0x1, s12;
	s13 =	sadd.s32 $0x10, s13;
	[sflag:s3] =	ssyncset.done $0x0  }
0x90: {  	s14 =	sadd.s32 $0x10, s14;
	s21 =	sand.u32 $0x10000, s17;
	[sflag:s3] =	ssyncadd.s32 $0xFFFFFF80  }
0x91: {  	p2 =	sgt.u32 s18, $0x4C;
	s17 =	sadd.s32 $0xFFFF0000, s17;
	_ =	swait.ge [sflag:s3], $0x80  }
0x92: {  	s18 =	sshrl.u32 s21, $0x2;
	s21 =	sand.u32 $0x600, s16;
	[sflag:s3] =	ssyncset.done $0x0  }
0x93: {  	s18 =	sor.u32 $0x400, s18;
	s21 =	sshrl.u32 s21, $0x2;
	[sflag:s3] =	ssyncadd.s32 $0xFFFFFF80  }
0x94: {  	[tilespmem:s18], [sflag:$0x1] =	stream.indirect.gather [hbm4b:s4+s31], $0x80, s21, s31, $0xb8;
	[tilespmem:$0x1E600] =	vst v63  }
0x95: {  	s18 =	sand.u32 @!p2 $0x180, s15;
	s21 =	simm.s32 @!p2 $0x0;
	s15 =	sadd.s32 $0x80, s15  }
0x96: {  	[tilespmem:s18], [sflag:$0x3] =	stream.linear.gather @!p2 [hbm4b:s20+s21], $0x80, $0x38;
	[tilespmem:$0x1E600] =	vst v63  }
.Ltmp1:
0x97: {  	s16 =	sadd.s32 $0xFFFFFE00, s16;
	s18 =	sor.u32 @!p2 $0x200, s18;
	(pc) =	sbr.rel @p1 .LBB2_4-.Ltmp1, $4  }
0x98: {  	[tilespmem:s18], [sflag:$0x3] =	stream.linear.gather @!p2 [hbm4b:s19+s21], $0x80, $0x38;
	[tilespmem:$0x1E600] =	vst v63  }
0x99: {  	s17 =	sand.u32 $0x10000, s17;
	s16 =	sand.u32 $0x600, s16;
	_ =	swait.ge [sflag:s8], $0x4000  }
0x9a: {  	s17 =	sshrl.u32 s17, $0x2;
	s18 =	sshrl.u32 s16, $0x2;
	[sflag:s8] =	ssyncset.done $0x0  }
0x9b: {  	s16 =	sor.u32 $0x400, s17;
	s17 =	sor.u32 $0x200, s18;
	[sflag:s8] =	ssyncadd.s32 $0xFFFFC000  }
0x9c: {  	[spmem:s1] =	stream.indirect.scatter.add.f32 [tilespmem:s16], [sflag:$0x2], $0x80, s17, s31, $0xb8;
	[tilespmem:$0x1E600] =	vst v63  }
0x9d: {  	_ =	swait.ge [sflag:s7], $0x4000  }
0x9e: {  	[sflag:s7] =	ssyncset.done $0x0  }
0x9f: {  	[sflag:s7] =	ssyncadd.s32 $0xFFFFC000  }
0xa0: {  	_ =	swait.ge [sflag:s8], $0x4000  }
0xa1: {  	[sflag:s8] =	ssyncset.done $0x0  }
0xa2: {  	[sflag:s8] =	ssyncadd.s32 $0xFFFFC000  }
0xa3: {  	[spmem:s1] =	stream.indirect.scatter.add.f32 [tilespmem:s0], [sflag:$0x2], $0x80, s6, s31, $0xb8;
	[tilespmem:$0x1E600] =	vst v63  }
0xa4: {  	_ =	swait.ge [sflag:s7], $0x4000  }
0xa5: {  	s10 =	stileid.u32;
	[sflag:s7] =	ssyncset.done $0x0  }
0xa6: {  	s10 =	sshll.u32 s10, $0x6;
	[sflag:s7] =	ssyncadd.s32 $0xFFFFC000  }
0xa7: {  	s11 =	sshrl.u32 s5, $0x3;
	s10 =	sor.u32 $0x1C04, s10;
	[bflag:$0x0] =	sbarrier.arrive $0xFFFF  }
0xa8: {  	[hbm:s22], [sflag:s10] =	dma.local [spmem:s11], $0x2800  }
0xa9: {  	_ =	swait.ge [sflag:s30], $0x2800  }
0xaa: {  	s9 =	sadd.s32 $0x1, s9;
	s21 =	rddreg [dreg:$0xa]  }
0xab: {  	p1 =	sne.s32 s9, s21  }
.Ltmp2:
0xac: {  	_ = 	snop;
	(pc) =	sbr.rel @p1 .LBB2_1-.Ltmp2, $3  }
0xad: {  	_ =	sdelay $0x1  }
0xae: {  	[sflag:s30] =	ssyncset.done $0x0  }
0xaf: {  	[sflag:s30] =	ssyncadd.s32 $0xFFFFD800  }
0xb0: {  	_ =	sfence.sel $0x180000  }
0xb1: {  	[bflag:$0x0] =	sbarrier.arrive $0xFFFF  }
0xb2: {  	_ =	strace $0x90000050  }
0xb3: {  	[bflag:$0x2] =	sbarrier.arrive $0xFFFF  }
0xb4: {  	s0 =	rddreg [dreg:$0x2]  }
0xb5: {  	s0 =	sadd.s32 @!p0 $0x100000, s0  }
0xb6: {  	[sflag:s0] =	ssyncadd.tile.s32 @!p0 $0x1;
	_ =	shalt  }
.Lfunc_end2:
_tile_overlayer_lowered:
.L_overlay_start_2:
0xb7: {  	(tag) =	ssettag $0x2  }
0xb8: {  	s0 =	rddreg [dreg:$0x0];
	s2 =	stileid.u32  }
0xb9: {  	s1 =	rddreg [dreg:$0x1];
	p0 =	sne.s32 s2, $0x0  }
0xba: {  	s3 =	rddreg [dreg:$0x2];
	[bflag:$0x3] =	sbarrier.arrive $0xFFFF;
	s2 =	simm.s32 @!p0 $0x1C04  }
0xbb: {  	[timem:s3], [sflag:s2] =	dma.local @!p0 [hbm:s0], s1  }
0xbc: {  	s0 =	simm.s32 @!p0 $0x4  }
0xbd: {  	_ =	swait.ge @!p0 [sflag:s0], s1  }
0xbe: {  	s1 =	ssub.s32 @!p0 $0x0, s1;
	[sflag:s0] =	ssyncset.done @!p0 $0x0  }
0xbf: {  	[sflag:s0] =	ssyncadd.s32 @!p0 s1  }
0xc0: {  	[bflag:$0x3] =	sbarrier.arrive $0xFFFF  }
0xc1: {  	_ =	shalt  }

</sc_bundles>
